<compile_context>
chip_gen: v7x
topology: tpu7x:2x2x1
jax: 0.10.2.dev20260603
libtpu: 0.0.44.dev20260713+nightly
codegen_flags: <defaults>
</compile_context>

<pallas_src>
import jax
import jax.numpy as jnp
from jax import lax
from jax.experimental import pallas as pl
from jax.experimental.pallas import tpu as pltpu
from jax.experimental.pallas import tpu_sc as plsc

_N = 10000
_E = 320000
_D = 128
_DE = 16
_G = 256
_C = 128

NC = 2
NS = 16
NW = NC * NS

ECH = 128
NECH = _E // ECH
EITER = (NECH + NW - 1) // NW
EC2 = 80
NEC2 = _E // EC2
EITER2 = (NEC2 + NW - 1) // NW
PCH = 80
NPCH = _N // PCH
PITER = (NPCH + NW - 1) // NW
ST = 624
ST_TAIL_OFF = ST * NS
ST_TAIL = _N - ST_TAIL_OFF
GROWS_PT = _G // NS


def _striped(s, fn):
    fn(s * ST, ST)

    @pl.when(s == 0)
    def _():
        fn(ST_TAIL_OFF, ST_TAIL)

_BE = 3200
_BN = 400



def _edges_body(ea, we0, we1, we2, emb, w0, b0, m0o, e1o, e2o):
    r0 = jnp.dot(emb[...], w0[...], preferred_element_type=jnp.float32) + b0[...]
    a = ea[...]
    m0o[...] = jnp.maximum(
        jnp.dot(a, we0[...], preferred_element_type=jnp.float32) + r0, 0.0)
    e1o[...] = jnp.dot(a, we1[...], preferred_element_type=jnp.float32)
    e2o[...] = jnp.dot(a, we2[...], preferred_element_type=jnp.float32)


def _tc_edges(edge_attr, we0, we1, we2, emb, w0, b0):
    wspec = pl.BlockSpec((_DE, _D), lambda i: (0, 0))
    espec = pl.BlockSpec((_BE, _D), lambda i: (i, 0))
    return pl.pallas_call(
        _edges_body,
        grid=(_E // _BE,),
        in_specs=[
            pl.BlockSpec((_BE, _DE), lambda i: (i, 0)),
            wspec, wspec, wspec,
            pl.BlockSpec((1, _D), lambda i: (0, 0)),
            pl.BlockSpec((_D, _D), lambda i: (0, 0)),
            pl.BlockSpec((1, _D), lambda i: (0, 0)),
        ],
        out_specs=(espec, espec, espec),
        out_shape=(
            jax.ShapeDtypeStruct((_E, _D), jnp.float32),
            jax.ShapeDtypeStruct((_E, _D), jnp.float32),
            jax.ShapeDtypeStruct((_E, _D), jnp.float32),
        ),
    )(edge_attr, we0, we1, we2, emb, w0, b0)


def _upd_body(aggp, degp, w, bb, o):
    a = aggp[0] + aggp[1]
    deg = degp[0, :, :1] + degp[1, :, :1]
    h = jnp.maximum(a / jnp.maximum(deg, 1.0), 0.0)
    o[...] = jnp.dot(h, w[...], preferred_element_type=jnp.float32) + bb[...]


def _tc_update(aggp, degp, wl, bl):
    return pl.pallas_call(
        _upd_body,
        grid=(_N // _BN,),
        in_specs=[
            pl.BlockSpec((NC, _BN, _D), lambda i: (0, i, 0)),
            pl.BlockSpec((NC, _BN, _D), lambda i: (0, i, 0)),
            pl.BlockSpec((_D, _D), lambda i: (0, 0)),
            pl.BlockSpec((1, _D), lambda i: (0, 0)),
        ],
        out_specs=pl.BlockSpec((_BN, _D), lambda i: (i, 0)),
        out_shape=jax.ShapeDtypeStruct((_N, _D), jnp.float32),
    )(aggp, degp, wl, bl)


def _final_body(g, c, pw, pbb, o):
    gm = (g[0] + g[1]) / jnp.maximum(c[0, :, :1] + c[1, :, :1], 1.0)
    o[...] = jnp.dot(gm, pw[...], preferred_element_type=jnp.float32) + pbb[...]


def _tc_final(gsum, cnt, pw, pbb):
    return pl.pallas_call(
        _final_body,
        grid=(1,),
        in_specs=[
            pl.BlockSpec((NC, _G, _D), lambda i: (0, 0, 0)),
            pl.BlockSpec((NC, _G, _D), lambda i: (0, 0, 0)),
            pl.BlockSpec((_D, _C), lambda i: (0, 0)),
            pl.BlockSpec((1, _C), lambda i: (0, 0)),
        ],
        out_specs=pl.BlockSpec((_G, _C), lambda i: (0, 0)),
        out_shape=jax.ShapeDtypeStruct((_G, _C), jnp.float32),
    )(gsum, cnt, pw, pbb)



def _sc_l0_body(m0_hbm, dst_hbm, zn_hbm, agg_out,
                idx0, idx1, buf0, buf1, semb0, semb1, sh_agg):
    c = lax.axis_index("c")
    s = lax.axis_index("s")
    w = s * NC + c
    idx = (idx0, idx1)
    buf = (buf0, buf1)
    semb = (semb0, semb1)
    _striped(s, lambda off, sz: pltpu.sync_copy(
        zn_hbm.at[pl.ds(off, sz)], sh_agg.at[pl.ds(off, sz)]))

    def prefetch(cid, p):
        base = cid * ECH
        pltpu.sync_copy(dst_hbm.at[pl.ds(base, ECH)], idx[p])
        pltpu.async_copy(m0_hbm.at[pl.ds(base, ECH)], buf[p], semb[p])

    prefetch(w, 0)
    plsc.subcore_barrier()

    def pair(kk, carry):
        for r in range(2):
            cid = w + NW * (kk * 2 + r)

            @pl.when(cid + NW < NECH)
            def _():
                prefetch(cid + NW, 1 - r)

            @pl.when(cid < NECH)
            def _():
                base = cid * ECH
                pltpu.make_async_copy(
                    m0_hbm.at[pl.ds(base, ECH)], buf[r], semb[r]).wait()
                pltpu.sync_copy(buf[r], sh_agg.at[idx[r]], add=True)

        return carry

    lax.fori_loop(0, (EITER + 1) // 2, pair, 0)
    plsc.subcore_barrier()
    _striped(s, lambda off, sz: pltpu.sync_copy(
        sh_agg.at[pl.ds(off, sz)], agg_out.at[c, pl.ds(off, sz)]))


def _sc_l0(m0, dst, zn):
    mesh = plsc.VectorSubcoreMesh(core_axis_name="c", subcore_axis_name="s", num_cores=NC, num_subcores=NS)
    f = pl.kernel(
        _sc_l0_body,
        out_type=jax.ShapeDtypeStruct((NC, _N, _D), jnp.float32),
        mesh=mesh,
        scratch_types=[
            pltpu.VMEM((ECH,), jnp.int32),
            pltpu.VMEM((ECH,), jnp.int32),
            pltpu.VMEM((ECH, _D), jnp.float32),
            pltpu.VMEM((ECH, _D), jnp.float32),
            pltpu.SemaphoreType.DMA,
            pltpu.SemaphoreType.DMA,
            pltpu.VMEM_SHARED((_N, _D), jnp.float32),
        ],
    )
    return f(m0, dst, zn)


def _sc_deg_body(dst_hbm, zn_hbm, ones_hbm, deg_out,
                 idx0, idx1, ones_v, semc0, semc1, sh_deg):
    c = lax.axis_index("c")
    s = lax.axis_index("s")
    w = s * NC + c
    idx = (idx0, idx1)
    _striped(s, lambda off, sz: pltpu.sync_copy(
        zn_hbm.at[pl.ds(off, sz)], sh_deg.at[pl.ds(off, sz)]))
    pltpu.sync_copy(ones_hbm, ones_v)
    pltpu.sync_copy(dst_hbm.at[pl.ds(w * ECH, ECH)], idx0)
    plsc.subcore_barrier()

    def pair(kk, carry):
        for r in range(2):
            cid = w + NW * (kk * 2 + r)

            @pl.when(cid + NW < NECH)
            def _():
                pltpu.sync_copy(
                    dst_hbm.at[pl.ds((cid + NW) * ECH, ECH)], idx[1 - r])

            @pl.when(cid < NECH)
            def _():
                pltpu.sync_copy(ones_v, sh_deg.at[idx[r]], add=True)

        return carry

    lax.fori_loop(0, (EITER + 1) // 2, pair, 0)
    plsc.subcore_barrier()
    _striped(s, lambda off, sz: pltpu.sync_copy(
        sh_deg.at[pl.ds(off, sz)], deg_out.at[c, pl.ds(off, sz)]))


def _sc_deg(dst, zn, ones):
    mesh = plsc.VectorSubcoreMesh(core_axis_name="c", subcore_axis_name="s", num_cores=NC, num_subcores=NS)
    f = pl.kernel(
        _sc_deg_body,
        out_type=jax.ShapeDtypeStruct((NC, _N, _D), jnp.float32),
        mesh=mesh,
        scratch_types=[
            pltpu.VMEM((ECH,), jnp.int32),
            pltpu.VMEM((ECH,), jnp.int32),
            pltpu.VMEM((ECH, _D), jnp.float32),
            pltpu.SemaphoreType.DMA,
            pltpu.SemaphoreType.DMA,
            pltpu.VMEM_SHARED((_N, _D), jnp.float32),
        ],
    )
    return f(dst, zn, ones)


def _sc_edge_body(hl_hbm, e_hbm, src_hbm, dst_hbm, zn_hbm, agg_out,
                  sidx0, sidx1, didx0, didx1, gbuf0, gbuf1, ebuf0, ebuf1,
                  semg0, semg1, seme0, seme1, sh_agg):
    c = lax.axis_index("c")
    s = lax.axis_index("s")
    w = s * NC + c
    sidx = (sidx0, sidx1)
    didx = (didx0, didx1)
    gbuf = (gbuf0, gbuf1)
    ebuf = (ebuf0, ebuf1)
    semg = (semg0, semg1)
    seme = (seme0, seme1)
    _striped(s, lambda off, sz: pltpu.sync_copy(
        zn_hbm.at[pl.ds(off, sz)], sh_agg.at[pl.ds(off, sz)]))

    def prefetch(cid, p):
        base = cid * EC2
        pltpu.sync_copy(src_hbm.at[pl.ds(base, EC2)], sidx[p])
        pltpu.sync_copy(dst_hbm.at[pl.ds(base, EC2)], didx[p])
        pltpu.async_copy(hl_hbm.at[sidx[p]], gbuf[p], semg[p])
        pltpu.async_copy(e_hbm.at[pl.ds(base, EC2)], ebuf[p], seme[p])

    prefetch(w, 0)
    plsc.subcore_barrier()

    def pair(kk, carry):
        for r in range(2):
            cid = w + NW * (kk * 2 + r)

            @pl.when(cid + NW < NEC2)
            def _():
                prefetch(cid + NW, 1 - r)

            @pl.when(cid < NEC2)
            def _():
                base = cid * EC2
                pltpu.make_async_copy(hl_hbm.at[sidx[r]], gbuf[r], semg[r]).wait()
                pltpu.make_async_copy(
                    e_hbm.at[pl.ds(base, EC2)], ebuf[r], seme[r]).wait()

                def row(rr, cc):
                    for j in range(_D // 16):
                        sl = pl.ds(j * 16, 16)
                        ebuf[r][rr, sl] = jnp.maximum(
                            ebuf[r][rr, sl] + gbuf[r][rr, sl], 0.0)
                    return cc

                lax.fori_loop(0, EC2, row, 0)
                pltpu.sync_copy(ebuf[r], sh_agg.at[didx[r]], add=True)

        return carry

    lax.fori_loop(0, (EITER2 + 1) // 2, pair, 0)
    plsc.subcore_barrier()
    _striped(s, lambda off, sz: pltpu.sync_copy(
        sh_agg.at[pl.ds(off, sz)], agg_out.at[c, pl.ds(off, sz)]))


def _sc_edge(hl, e, src, dst, zn):
    mesh = plsc.VectorSubcoreMesh(core_axis_name="c", subcore_axis_name="s", num_cores=NC, num_subcores=NS)
    f = pl.kernel(
        _sc_edge_body,
        out_type=jax.ShapeDtypeStruct((NC, _N, _D), jnp.float32),
        mesh=mesh,
        scratch_types=[
            pltpu.VMEM((EC2,), jnp.int32),
            pltpu.VMEM((EC2,), jnp.int32),
            pltpu.VMEM((EC2,), jnp.int32),
            pltpu.VMEM((EC2,), jnp.int32),
            pltpu.VMEM((EC2, _D), jnp.float32),
            pltpu.VMEM((EC2, _D), jnp.float32),
            pltpu.VMEM((EC2, _D), jnp.float32),
            pltpu.VMEM((EC2, _D), jnp.float32),
            pltpu.SemaphoreType.DMA,
            pltpu.SemaphoreType.DMA,
            pltpu.SemaphoreType.DMA,
            pltpu.SemaphoreType.DMA,
            pltpu.VMEM_SHARED((_N, _D), jnp.float32),
        ],
    )
    return f(hl, e, src, dst, zn)


def _sc_pool_body(agg_hbm, deg_hbm, batch_hbm, zg_hbm, ones_hbm,
                  gsum_out, cnt_out,
                  bidx, a0buf, a1buf, dbuf, d1buf, ones_v, sh_g, sh_c):
    c = lax.axis_index("c")
    s = lax.axis_index("s")
    w = s * NC + c
    pltpu.sync_copy(zg_hbm.at[pl.ds(s * GROWS_PT, GROWS_PT)],
                    sh_g.at[pl.ds(s * GROWS_PT, GROWS_PT)])
    pltpu.sync_copy(zg_hbm.at[pl.ds(s * GROWS_PT, GROWS_PT)],
                    sh_c.at[pl.ds(s * GROWS_PT, GROWS_PT)])
    pltpu.sync_copy(ones_hbm, ones_v)
    plsc.subcore_barrier()

    def chunk(i, carry):
        cid = w + NW * i

        @pl.when(cid < NPCH)
        def _():
            base = cid * PCH
            pltpu.sync_copy(batch_hbm.at[pl.ds(base, PCH)], bidx)
            pltpu.sync_copy(agg_hbm.at[0, pl.ds(base, PCH)], a0buf)
            pltpu.sync_copy(agg_hbm.at[1, pl.ds(base, PCH)], a1buf)
            pltpu.sync_copy(deg_hbm.at[0, pl.ds(base, PCH)], dbuf)
            pltpu.sync_copy(deg_hbm.at[1, pl.ds(base, PCH)], d1buf)

            def row(rr, cc):
                dslice = jnp.maximum(
                    dbuf[rr, pl.ds(0, 16)] + d1buf[rr, pl.ds(0, 16)], 1.0)
                for j in range(_D // 16):
                    sl = pl.ds(j * 16, 16)
                    a0buf[rr, sl] = (a0buf[rr, sl] + a1buf[rr, sl]) / dslice
                return cc

            lax.fori_loop(0, PCH, row, 0)
            pltpu.sync_copy(a0buf, sh_g.at[bidx], add=True)
            pltpu.sync_copy(ones_v, sh_c.at[bidx], add=True)

        return carry

    lax.fori_loop(0, PITER, chunk, 0)
    plsc.subcore_barrier()
    pltpu.sync_copy(sh_g.at[pl.ds(s * GROWS_PT, GROWS_PT)],
                    gsum_out.at[c, pl.ds(s * GROWS_PT, GROWS_PT)])
    pltpu.sync_copy(sh_c.at[pl.ds(s * GROWS_PT, GROWS_PT)],
                    cnt_out.at[c, pl.ds(s * GROWS_PT, GROWS_PT)])


def _sc_pool(aggp, degp, batch, zg, ones):
    mesh = plsc.VectorSubcoreMesh(core_axis_name="c", subcore_axis_name="s", num_cores=NC, num_subcores=NS)
    f = pl.kernel(
        _sc_pool_body,
        out_type=(
            jax.ShapeDtypeStruct((NC, _G, _D), jnp.float32),
            jax.ShapeDtypeStruct((NC, _G, _D), jnp.float32),
        ),
        mesh=mesh,
        scratch_types=[
            pltpu.VMEM((PCH,), jnp.int32),
            pltpu.VMEM((PCH, _D), jnp.float32),
            pltpu.VMEM((PCH, _D), jnp.float32),
            pltpu.VMEM((PCH, _D), jnp.float32),
            pltpu.VMEM((PCH, _D), jnp.float32),
            pltpu.VMEM((PCH, _D), jnp.float32),
            pltpu.VMEM_SHARED((_G, _D), jnp.float32),
            pltpu.VMEM_SHARED((_G, _D), jnp.float32),
        ],
    )
    return f(aggp, degp, batch, zg, ones)



def kernel(x, edge_index, edge_attr, batch, node_emb, W, We, b, pW, pb):
    src = edge_index[0]
    dst = edge_index[1]
    zn = jnp.zeros((_N, _D), jnp.float32)
    onese = jnp.ones((ECH, _D), jnp.float32)
    onesp = jnp.ones((PCH, _D), jnp.float32)

    degp = _sc_deg(dst, zn, onese)
    m0, e1, e2 = _tc_edges(edge_attr, We[0], We[1], We[2], node_emb, W[0],
                           b[0].reshape(1, _D))
    aggp = _sc_l0(m0, dst, zn)

    hl = _tc_update(aggp, degp, W[1], b[1].reshape(1, _D))
    aggp = _sc_edge(hl, e1, src, dst, zn)

    hl = _tc_update(aggp, degp, W[2], b[2].reshape(1, _D))
    aggp = _sc_edge(hl, e2, src, dst, zn)

    gsum, cnt = _sc_pool(aggp, degp, batch, zn[:_G], onesp)
    out = _tc_final(gsum, cnt, pW, pb.reshape(1, _C))
    return out

# --- scband reference (transcript-rebuilt; emitter-appended) ---
"""Pipeline reference for scband-gcn-30142080483450 (READ-ONLY COPY).

The authoritative reference and input builder live on the scoring server;
editing this copy changes nothing except your own understanding.
"""

import jax, jax.numpy as jnp
import numpy as np

N = 10000
E = 320000
D = 128
DE = 16
L = 3
G = 256
C = 128


def setup_inputs(seed: int = 0) -> dict:
    key = jax.random.key(seed)
    ks = jax.random.split(key, 8)
    # node indices for Embedding(1, D): all zeros
    x = jnp.zeros((N,), dtype=jnp.int32)
    edge_index = jax.random.randint(ks[0], (2, E), 0, N, dtype=jnp.int32)
    edge_attr = jax.random.normal(ks[1], (E, DE), dtype=jnp.float32)
    batch = jnp.sort(jax.random.randint(ks[2], (N,), 0, G, dtype=jnp.int32))
    node_emb = jax.random.normal(ks[3], (1, D), dtype=jnp.float32) * 0.02
    W = jax.random.normal(ks[4], (L, D, D), dtype=jnp.float32) * (1.0 / np.sqrt(D))
    We = jax.random.normal(ks[5], (L, DE, D), dtype=jnp.float32) * (1.0 / np.sqrt(DE))
    b = jnp.zeros((L, D), dtype=jnp.float32)
    pW = jax.random.normal(ks[6], (D, C), dtype=jnp.float32) * (1.0 / np.sqrt(D))
    pb = jnp.zeros((C,), dtype=jnp.float32)
    return {"x": x, "edge_index": edge_index, "edge_attr": edge_attr, "batch": batch,
            "node_emb": node_emb, "W": W, "We": We, "b": b, "pW": pW, "pb": pb}


def reference(x, edge_index, edge_attr, batch, node_emb, W, We, b, pW, pb):
    # node encoder: embedding lookup (gather)
    h = node_emb[x]  # [N, D]
    src = edge_index[0]
    dst = edge_index[1]
    ones_e = jnp.ones((E,), dtype=jnp.float32)
    for l in range(L):
        hl = h @ W[l] + b[l]
        e = edge_attr @ We[l]
        m = jax.nn.relu(hl[src] + e)  # gather + message
        agg = jax.ops.segment_sum(m, dst, num_segments=N)  # scatter-add
        deg = jax.ops.segment_sum(ones_e, dst, num_segments=N)
        h = agg / jnp.clip(deg, 1.0)[:, None]  # metodo_agregacion = mean
        if l < L - 1:
            h = jax.nn.relu(h)  # dropout is identity in eval mode
    # global mean pool over batch ids
    ones_n = jnp.ones((N,), dtype=jnp.float32)
    gsum = jax.ops.segment_sum(h, batch, num_segments=G)
    cnt = jax.ops.segment_sum(ones_n, batch, num_segments=G)
    g = gsum / jnp.clip(cnt, 1.0)[:, None]
    out = g @ pW + pb
    return out

if __name__ == "__main__":
    import jax
    _d = setup_inputs()
    print(jax.jit(kernel)(*tuple(_d.values())))

</pallas_src>

<mosaic_0001>
#map = affine_map<(d0, d1) -> (0, 0)>
#map1 = affine_map<(d0, d1) -> (0)>
#map2 = affine_map<(d0, d1) -> (0, 0, 0)>
module attributes {stable_mosaic.version = 14 : i64} {
  func.func @_sc_edge_body(%arg0: i32, %arg1: i32, %arg2: memref<10000x128xf32, #tpu.memory_space<hbm>>, %arg3: memref<320000x128xf32, #tpu.memory_space<hbm>>, %arg4: memref<320000xi32, #tpu.memory_space<hbm>>, %arg5: memref<320000xi32, #tpu.memory_space<hbm>>, %arg6: memref<10000x128xf32, #tpu.memory_space<hbm>>, %arg7: memref<2x10000x128xf32, #tpu.memory_space<hbm>>, %arg8: memref<80xi32, #tpu.memory_space<vmem>>, %arg9: memref<80xi32, #tpu.memory_space<vmem>>, %arg10: memref<80xi32, #tpu.memory_space<vmem>>, %arg11: memref<80xi32, #tpu.memory_space<vmem>>, %arg12: memref<80x128xf32, #tpu.memory_space<vmem>>, %arg13: memref<80x128xf32, #tpu.memory_space<vmem>>, %arg14: memref<80x128xf32, #tpu.memory_space<vmem>>, %arg15: memref<80x128xf32, #tpu.memory_space<vmem>>, %arg16: memref<!tpu.dma_semaphore, #tpu.memory_space<semaphore_mem>>, %arg17: memref<!tpu.dma_semaphore, #tpu.memory_space<semaphore_mem>>, %arg18: memref<!tpu.dma_semaphore, #tpu.memory_space<semaphore_mem>>, %arg19: memref<!tpu.dma_semaphore, #tpu.memory_space<semaphore_mem>>, %arg20: memref<10000x128xf32, #tpu.memory_space<vmem_shared>>) attributes {dimension_semantics = [#tpu.dimension_semantics<core_parallel>, #tpu.dimension_semantics<subcore_parallel>], iteration_bounds = array<i64: 2, 16>, scalar_prefetch = 0 : i64, scratch_operands = 13 : i64, tpu.core_type = #tpu.core_type<sc_vector_subcore>, window_params = [{transform_indices = #map}, {transform_indices = #map}, {transform_indices = #map1}, {transform_indices = #map1}, {transform_indices = #map}, {transform_indices = #map2}]} {
    %mul3A = arith.constant 2 : i32
    %mul3A_0 = arith.muli %arg1, %mul3A : i32
    %add3A = arith.addi %mul3A_0, %arg0 : i32
    %mul3A_1 = arith.constant 624 : i32
    %mul3A_2 = arith.muli %arg1, %mul3A_1 : i32
    "tpu.region"() ({
      %run_scoped3A = tpu.sem_alloc : memref<!tpu.dma_semaphore, #tpu.memory_space<semaphore_mem>>
      %dma_start3A_26 = arith.constant 0 : i32
      %dma_start3A_27 = tpu.memref_slice %arg20[%mul3A_2, %dma_start3A_26] : memref<10000x128xf32, #tpu.memory_space<vmem_shared>> -> memref<624x128xf32, #tpu.memory_space<vmem_shared>>
      %dma_start3A_28 = arith.constant 0 : i32
      %dma_start3A_29 = tpu.memref_slice %arg6[%mul3A_2, %dma_start3A_28] : memref<10000x128xf32, #tpu.memory_space<hbm>> -> memref<624x128xf32, #tpu.memory_space<hbm>>
      tpu.enqueue_dma source(%dma_start3A_29 : memref<624x128xf32, #tpu.memory_space<hbm>>) target(%dma_start3A_27 : memref<624x128xf32, #tpu.memory_space<vmem_shared>>) target_semaphore(%run_scoped3A : memref<!tpu.dma_semaphore, #tpu.memory_space<semaphore_mem>>)
      %dma_wait3A = arith.constant 0 : i32
      %dma_wait3A_30 = tpu.memref_slice %arg20[%mul3A_2, %dma_wait3A] : memref<10000x128xf32, #tpu.memory_space<vmem_shared>> -> memref<624x128xf32, #tpu.memory_space<vmem_shared>>
      %dma_wait3A_31 = arith.constant 0 : i32
      %dma_wait3A_32 = tpu.memref_slice %arg6[%mul3A_2, %dma_wait3A_31] : memref<10000x128xf32, #tpu.memory_space<hbm>> -> memref<624x128xf32, #tpu.memory_space<hbm>>
      tpu.wait_dma2 semaphore(%run_scoped3A : memref<!tpu.dma_semaphore, #tpu.memory_space<semaphore_mem>>) src(%dma_wait3A_32 : memref<624x128xf32, #tpu.memory_space<hbm>>) dst(%dma_wait3A_30 : memref<624x128xf32, #tpu.memory_space<vmem_shared>>)
      tpu.yield
    }) : () -> ()
    %eq3A = arith.constant 0 : i32
    %eq3A_3 = arith.cmpi eq, %arg1, %eq3A : i32
    %convert_element_type3A = arith.extui %eq3A_3 : i1 to i32
    %cond3A = arith.constant 0 : i32
    %cond3A_4 = arith.cmpi ne, %convert_element_type3A, %cond3A : i32
    scf.if %cond3A_4 {
      "tpu.region"() ({
        %run_scoped3A = tpu.sem_alloc : memref<!tpu.dma_semaphore, #tpu.memory_space<semaphore_mem>>
        %dma_start3A_26 = arith.constant 9984 : i32
        %dma_start3A_27 = arith.constant 0 : i32
        %dma_start3A_28 = tpu.memref_slice %arg20[%dma_start3A_26, %dma_start3A_27] : memref<10000x128xf32, #tpu.memory_space<vmem_shared>> -> memref<16x128xf32, #tpu.memory_space<vmem_shared>>
        %dma_start3A_29 = arith.constant 9984 : i32
        %dma_start3A_30 = arith.constant 0 : i32
        %dma_start3A_31 = tpu.memref_slice %arg6[%dma_start3A_29, %dma_start3A_30] : memref<10000x128xf32, #tpu.memory_space<hbm>> -> memref<16x128xf32, #tpu.memory_space<hbm>>
        tpu.enqueue_dma source(%dma_start3A_31 : memref<16x128xf32, #tpu.memory_space<hbm>>) target(%dma_start3A_28 : memref<16x128xf32, #tpu.memory_space<vmem_shared>>) target_semaphore(%run_scoped3A : memref<!tpu.dma_semaphore, #tpu.memory_space<semaphore_mem>>)
        %dma_wait3A = arith.constant 9984 : i32
        %dma_wait3A_32 = arith.constant 0 : i32
        %dma_wait3A_33 = tpu.memref_slice %arg20[%dma_wait3A, %dma_wait3A_32] : memref<10000x128xf32, #tpu.memory_space<vmem_shared>> -> memref<16x128xf32, #tpu.memory_space<vmem_shared>>
        %dma_wait3A_34 = arith.constant 9984 : i32
        %dma_wait3A_35 = arith.constant 0 : i32
        %dma_wait3A_36 = tpu.memref_slice %arg6[%dma_wait3A_34, %dma_wait3A_35] : memref<10000x128xf32, #tpu.memory_space<hbm>> -> memref<16x128xf32, #tpu.memory_space<hbm>>
        tpu.wait_dma2 semaphore(%run_scoped3A : memref<!tpu.dma_semaphore, #tpu.memory_space<semaphore_mem>>) src(%dma_wait3A_36 : memref<16x128xf32, #tpu.memory_space<hbm>>) dst(%dma_wait3A_33 : memref<16x128xf32, #tpu.memory_space<vmem_shared>>)
        tpu.yield
      }) : () -> ()
    } else {
    }
    %mul3A_5 = arith.constant 80 : i32
    %mul3A_6 = arith.muli %add3A, %mul3A_5 : i32
    "tpu.region"() ({
      %run_scoped3A = tpu.sem_alloc : memref<!tpu.dma_semaphore, #tpu.memory_space<semaphore_mem>>
      %dma_start3A_26 = tpu.memref_slice %arg4[%mul3A_6] : memref<320000xi32, #tpu.memory_space<hbm>> -> memref<80xi32, #tpu.memory_space<hbm>>
      %dma_start3A_27 = tpu.memref_slice %arg4[%mul3A_6] : memref<320000xi32, #tpu.memory_space<hbm>> -> memref<80xi32, #tpu.memory_space<hbm>>
      tpu.enqueue_dma source(%dma_start3A_27 : memref<80xi32, #tpu.memory_space<hbm>>) target(%arg8 : memref<80xi32, #tpu.memory_space<vmem>>) target_semaphore(%run_scoped3A : memref<!tpu.dma_semaphore, #tpu.memory_space<semaphore_mem>>)
      %dma_wait3A = tpu.memref_slice %arg4[%mul3A_6] : memref<320000xi32, #tpu.memory_space<hbm>> -> memref<80xi32, #tpu.memory_space<hbm>>
      %dma_wait3A_28 = tpu.memref_slice %arg4[%mul3A_6] : memref<320000xi32, #tpu.memory_space<hbm>> -> memref<80xi32, #tpu.memory_space<hbm>>
      tpu.wait_dma2 semaphore(%run_scoped3A : memref<!tpu.dma_semaphore, #tpu.memory_space<semaphore_mem>>) src(%dma_wait3A_28 : memref<80xi32, #tpu.memory_space<hbm>>) dst(%arg8 : memref<80xi32, #tpu.memory_space<vmem>>)
      tpu.yield
    }) : () -> ()
    "tpu.region"() ({
      %run_scoped3A = tpu.sem_alloc : memref<!tpu.dma_semaphore, #tpu.memory_space<semaphore_mem>>
      %dma_start3A_26 = tpu.memref_slice %arg5[%mul3A_6] : memref<320000xi32, #tpu.memory_space<hbm>> -> memref<80xi32, #tpu.memory_space<hbm>>
      %dma_start3A_27 = tpu.memref_slice %arg5[%mul3A_6] : memref<320000xi32, #tpu.memory_space<hbm>> -> memref<80xi32, #tpu.memory_space<hbm>>
      tpu.enqueue_dma source(%dma_start3A_27 : memref<80xi32, #tpu.memory_space<hbm>>) target(%arg10 : memref<80xi32, #tpu.memory_space<vmem>>) target_semaphore(%run_scoped3A : memref<!tpu.dma_semaphore, #tpu.memory_space<semaphore_mem>>)
      %dma_wait3A = tpu.memref_slice %arg5[%mul3A_6] : memref<320000xi32, #tpu.memory_space<hbm>> -> memref<80xi32, #tpu.memory_space<hbm>>
      %dma_wait3A_28 = tpu.memref_slice %arg5[%mul3A_6] : memref<320000xi32, #tpu.memory_space<hbm>> -> memref<80xi32, #tpu.memory_space<hbm>>
      tpu.wait_dma2 semaphore(%run_scoped3A : memref<!tpu.dma_semaphore, #tpu.memory_space<semaphore_mem>>) src(%dma_wait3A_28 : memref<80xi32, #tpu.memory_space<hbm>>) dst(%arg10 : memref<80xi32, #tpu.memory_space<vmem>>)
      tpu.yield
    }) : () -> ()
    %dma_start3A = arith.constant 0 : i32
    %dma_start3A_7 = arith.constant 0 : i32
    %dma_start3A_8 = tpu.memref_slice %arg2[%dma_start3A, %dma_start3A_7] : memref<10000x128xf32, #tpu.memory_space<hbm>> -> memref<10000x128xf32, #tpu.memory_space<hbm>>
    tpu.enqueue_indirect_dma source(%dma_start3A_8 : memref<10000x128xf32, #tpu.memory_space<hbm>>) target(%arg12 : memref<80x128xf32, #tpu.memory_space<vmem>>) offsets(%arg8 : memref<80xi32, #tpu.memory_space<vmem>>) semaphore(%arg16 : memref<!tpu.dma_semaphore, #tpu.memory_space<semaphore_mem>>)
    %dma_start3A_9 = arith.constant 0 : i32
    %dma_start3A_10 = tpu.memref_slice %arg3[%mul3A_6, %dma_start3A_9] : memref<320000x128xf32, #tpu.memory_space<hbm>> -> memref<80x128xf32, #tpu.memory_space<hbm>>
    %dma_start3A_11 = arith.constant 0 : i32
    %dma_start3A_12 = tpu.memref_slice %arg3[%mul3A_6, %dma_start3A_11] : memref<320000x128xf32, #tpu.memory_space<hbm>> -> memref<80x128xf32, #tpu.memory_space<hbm>>
    tpu.enqueue_dma source(%dma_start3A_12 : memref<80x128xf32, #tpu.memory_space<hbm>>) target(%arg14 : memref<80x128xf32, #tpu.memory_space<vmem>>) target_semaphore(%arg18 : memref<!tpu.dma_semaphore, #tpu.memory_space<semaphore_mem>>)
    %barrier3A = arith.constant 0 : index
    tpu.barrier barrier_id(%barrier3A)
    %scan3A = arith.constant 0 : i32
    %scan3A_13 = arith.constant 0 : i32
    %scan3A_14 = arith.constant 63 : i32
    %scan3A_15 = arith.addi %scan3A_13, %scan3A_14 : i32
    %scan3A_16 = arith.constant 1 : i32
    scf.for %scan3A_26 = %scan3A_13 to %scan3A_15 step %scan3A_16  : i32 {
      %mul3A_27 = arith.constant 2 : i32
      %mul3A_28 = arith.muli %scan3A_26, %mul3A_27 : i32
      %add3A_29 = arith.constant 0 : i32
      %add3A_30 = arith.addi %mul3A_28, %add3A_29 : i32
      %mul3A_31 = arith.constant 32 : i32
      %mul3A_32 = arith.muli %mul3A_31, %add3A_30 : i32
      %add3A_33 = arith.addi %add3A, %mul3A_32 : i32
      %add3A_34 = arith.constant 32 : i32
      %add3A_35 = arith.addi %add3A_33, %add3A_34 : i32
      %lt3A = arith.constant 4000 : i32
      %lt3A_36 = arith.cmpi slt, %add3A_35, %lt3A : i32
      %convert_element_type3A_37 = arith.extui %lt3A_36 : i1 to i32
      %cond3A_38 = arith.constant 0 : i32
      %cond3A_39 = arith.cmpi ne, %convert_element_type3A_37, %cond3A_38 : i32
      scf.if %cond3A_39 {
        %add3A_64 = arith.constant 32 : i32
        %add3A_65 = arith.addi %add3A_33, %add3A_64 : i32
        %mul3A_66 = arith.constant 80 : i32
        %mul3A_67 = arith.muli %add3A_65, %mul3A_66 : i32
        "tpu.region"() ({
          %run_scoped3A = tpu.sem_alloc : memref<!tpu.dma_semaphore, #tpu.memory_space<semaphore_mem>>
          %dma_start3A_75 = tpu.memref_slice %arg4[%mul3A_67] : memref<320000xi32, #tpu.memory_space<hbm>> -> memref<80xi32, #tpu.memory_space<hbm>>
          %dma_start3A_76 = tpu.memref_slice %arg4[%mul3A_67] : memref<320000xi32, #tpu.memory_space<hbm>> -> memref<80xi32, #tpu.memory_space<hbm>>
          tpu.enqueue_dma source(%dma_start3A_76 : memref<80xi32, #tpu.memory_space<hbm>>) target(%arg9 : memref<80xi32, #tpu.memory_space<vmem>>) target_semaphore(%run_scoped3A : memref<!tpu.dma_semaphore, #tpu.memory_space<semaphore_mem>>)
          %dma_wait3A = tpu.memref_slice %arg4[%mul3A_67] : memref<320000xi32, #tpu.memory_space<hbm>> -> memref<80xi32, #tpu.memory_space<hbm>>
          %dma_wait3A_77 = tpu.memref_slice %arg4[%mul3A_67] : memref<320000xi32, #tpu.memory_space<hbm>> -> memref<80xi32, #tpu.memory_space<hbm>>
          tpu.wait_dma2 semaphore(%run_scoped3A : memref<!tpu.dma_semaphore, #tpu.memory_space<semaphore_mem>>) src(%dma_wait3A_77 : memref<80xi32, #tpu.memory_space<hbm>>) dst(%arg9 : memref<80xi32, #tpu.memory_space<vmem>>)
          tpu.yield
        }) : () -> ()
        "tpu.region"() ({
          %run_scoped3A = tpu.sem_alloc : memref<!tpu.dma_semaphore, #tpu.memory_space<semaphore_mem>>
          %dma_start3A_75 = tpu.memref_slice %arg5[%mul3A_67] : memref<320000xi32, #tpu.memory_space<hbm>> -> memref<80xi32, #tpu.memory_space<hbm>>
          %dma_start3A_76 = tpu.memref_slice %arg5[%mul3A_67] : memref<320000xi32, #tpu.memory_space<hbm>> -> memref<80xi32, #tpu.memory_space<hbm>>
          tpu.enqueue_dma source(%dma_start3A_76 : memref<80xi32, #tpu.memory_space<hbm>>) target(%arg11 : memref<80xi32, #tpu.memory_space<vmem>>) target_semaphore(%run_scoped3A : memref<!tpu.dma_semaphore, #tpu.memory_space<semaphore_mem>>)
          %dma_wait3A = tpu.memref_slice %arg5[%mul3A_67] : memref<320000xi32, #tpu.memory_space<hbm>> -> memref<80xi32, #tpu.memory_space<hbm>>
          %dma_wait3A_77 = tpu.memref_slice %arg5[%mul3A_67] : memref<320000xi32, #tpu.memory_space<hbm>> -> memref<80xi32, #tpu.memory_space<hbm>>
          tpu.wait_dma2 semaphore(%run_scoped3A : memref<!tpu.dma_semaphore, #tpu.memory_space<semaphore_mem>>) src(%dma_wait3A_77 : memref<80xi32, #tpu.memory_space<hbm>>) dst(%arg11 : memref<80xi32, #tpu.memory_space<vmem>>)
          tpu.yield
        }) : () -> ()
        %dma_start3A_68 = arith.constant 0 : i32
        %dma_start3A_69 = arith.constant 0 : i32
        %dma_start3A_70 = tpu.memref_slice %arg2[%dma_start3A_68, %dma_start3A_69] : memref<10000x128xf32, #tpu.memory_space<hbm>> -> memref<10000x128xf32, #tpu.memory_space<hbm>>
        tpu.enqueue_indirect_dma source(%dma_start3A_70 : memref<10000x128xf32, #tpu.memory_space<hbm>>) target(%arg13 : memref<80x128xf32, #tpu.memory_space<vmem>>) offsets(%arg9 : memref<80xi32, #tpu.memory_space<vmem>>) semaphore(%arg17 : memref<!tpu.dma_semaphore, #tpu.memory_space<semaphore_mem>>)
        %dma_start3A_71 = arith.constant 0 : i32
        %dma_start3A_72 = tpu.memref_slice %arg3[%mul3A_67, %dma_start3A_71] : memref<320000x128xf32, #tpu.memory_space<hbm>> -> memref<80x128xf32, #tpu.memory_space<hbm>>
        %dma_start3A_73 = arith.constant 0 : i32
        %dma_start3A_74 = tpu.memref_slice %arg3[%mul3A_67, %dma_start3A_73] : memref<320000x128xf32, #tpu.memory_space<hbm>> -> memref<80x128xf32, #tpu.memory_space<hbm>>
        tpu.enqueue_dma source(%dma_start3A_74 : memref<80x128xf32, #tpu.memory_space<hbm>>) target(%arg15 : memref<80x128xf32, #tpu.memory_space<vmem>>) target_semaphore(%arg19 : memref<!tpu.dma_semaphore, #tpu.memory_space<semaphore_mem>>)
      } else {
      }
      %lt3A_40 = arith.constant 4000 : i32
      %lt3A_41 = arith.cmpi slt, %add3A_33, %lt3A_40 : i32
      %convert_element_type3A_42 = arith.extui %lt3A_41 : i1 to i32
      %cond3A_43 = arith.constant 0 : i32
      %cond3A_44 = arith.cmpi ne, %convert_element_type3A_42, %cond3A_43 : i32
      scf.if %cond3A_44 {
        %mul3A_64 = arith.constant 80 : i32
        %mul3A_65 = arith.muli %add3A_33, %mul3A_64 : i32
        %dma_wait3A = arith.constant 0 : i32
        %dma_wait3A_66 = arith.constant 0 : i32
        %dma_wait3A_67 = tpu.memref_slice %arg2[%dma_wait3A, %dma_wait3A_66] : memref<10000x128xf32, #tpu.memory_space<hbm>> -> memref<10000x128xf32, #tpu.memory_space<hbm>>
        tpu.wait_indirect_dma semaphore(%arg16 : memref<!tpu.dma_semaphore, #tpu.memory_space<semaphore_mem>>) src(%dma_wait3A_67 : memref<10000x128xf32, #tpu.memory_space<hbm>>) dst(%arg12 : memref<80x128xf32, #tpu.memory_space<vmem>>)
        %dma_wait3A_68 = arith.constant 0 : i32
        %dma_wait3A_69 = tpu.memref_slice %arg3[%mul3A_65, %dma_wait3A_68] : memref<320000x128xf32, #tpu.memory_space<hbm>> -> memref<80x128xf32, #tpu.memory_space<hbm>>
        %dma_wait3A_70 = arith.constant 0 : i32
        %dma_wait3A_71 = tpu.memref_slice %arg3[%mul3A_65, %dma_wait3A_70] : memref<320000x128xf32, #tpu.memory_space<hbm>> -> memref<80x128xf32, #tpu.memory_space<hbm>>
        tpu.wait_dma2 semaphore(%arg18 : memref<!tpu.dma_semaphore, #tpu.memory_space<semaphore_mem>>) src(%dma_wait3A_71 : memref<80x128xf32, #tpu.memory_space<hbm>>) dst(%arg14 : memref<80x128xf32, #tpu.memory_space<vmem>>)
        %scan3A_72 = arith.constant 0 : i32
        %scan3A_73 = arith.constant 0 : i32
        %scan3A_74 = arith.constant 80 : i32
        %scan3A_75 = arith.addi %scan3A_73, %scan3A_74 : i32
        %scan3A_76 = arith.constant 1 : i32
        scf.for %scan3A_78 = %scan3A_73 to %scan3A_75 step %scan3A_76  : i32 {
          %get3A = arith.index_cast %scan3A_78 : i32 to index
          %get3A_79 = arith.constant 0 : index
          %get3A_80 = tpu.vector_load %arg14[%get3A, %get3A_79] {strides = array<i32>} : memref<80x128xf32, #tpu.memory_space<vmem>>, vector<1x16xf32>,
          %get3A_81 = vector.shape_cast %get3A_80 : vector<1x16xf32> to vector<16xf32>
          %get3A_82 = arith.index_cast %scan3A_78 : i32 to index
          %get3A_83 = arith.constant 0 : index
          %get3A_84 = tpu.vector_load %arg12[%get3A_82, %get3A_83] {strides = array<i32>} : memref<80x128xf32, #tpu.memory_space<vmem>>, vector<1x16xf32>,
          %get3A_85 = vector.shape_cast %get3A_84 : vector<1x16xf32> to vector<16xf32>
          %add3A_86 = arith.addf %get3A_81, %get3A_85 : vector<16xf32>
          %max3A = arith.constant 0.000000e+00 : f32
          %max3A_87 = vector.broadcast %max3A : f32 to vector<16xf32>
          %max3A_88 = arith.maximumf %add3A_86, %max3A_87 : vector<16xf32>
          %swap3A = arith.index_cast %scan3A_78 : i32 to index
          %swap3A_89 = arith.constant 0 : index
          %swap3A_90 = tpu.vector_load %arg14[%swap3A, %swap3A_89] {strides = array<i32>} : memref<80x128xf32, #tpu.memory_space<vmem>>, vector<1x16xf32>,
          %swap3A_91 = vector.shape_cast %swap3A_90 : vector<1x16xf32> to vector<16xf32>
          %swap3A_92 = vector.shape_cast %max3A_88 : vector<16xf32> to vector<1x16xf32>
          tpu.vector_store %arg14[%swap3A, %swap3A_89], %swap3A_92 {strides = array<i32>} : memref<80x128xf32, #tpu.memory_space<vmem>>, vector<1x16xf32>,
          %get3A_93 = arith.index_cast %scan3A_78 : i32 to index
          %get3A_94 = arith.constant 16 : index
          %get3A_95 = tpu.vector_load %arg14[%get3A_93, %get3A_94] {strides = array<i32>} : memref<80x128xf32, #tpu.memory_space<vmem>>, vector<1x16xf32>,
          %get3A_96 = vector.shape_cast %get3A_95 : vector<1x16xf32> to vector<16xf32>
          %get3A_97 = arith.index_cast %scan3A_78 : i32 to index
          %get3A_98 = arith.constant 16 : index
          %get3A_99 = tpu.vector_load %arg12[%get3A_97, %get3A_98] {strides = array<i32>} : memref<80x128xf32, #tpu.memory_space<vmem>>, vector<1x16xf32>,
          %get3A_100 = vector.shape_cast %get3A_99 : vector<1x16xf32> to vector<16xf32>
          %add3A_101 = arith.addf %get3A_96, %get3A_100 : vector<16xf32>
          %max3A_102 = arith.constant 0.000000e+00 : f32
          %max3A_103 = vector.broadcast %max3A_102 : f32 to vector<16xf32>
          %max3A_104 = arith.maximumf %add3A_101, %max3A_103 : vector<16xf32>
          %swap3A_105 = arith.index_cast %scan3A_78 : i32 to index
          %swap3A_106 = arith.constant 16 : index
          %swap3A_107 = tpu.vector_load %arg14[%swap3A_105, %swap3A_106] {strides = array<i32>} : memref<80x128xf32, #tpu.memory_space<vmem>>, vector<1x16xf32>,
          %swap3A_108 = vector.shape_cast %swap3A_107 : vector<1x16xf32> to vector<16xf32>
          %swap3A_109 = vector.shape_cast %max3A_104 : vector<16xf32> to vector<1x16xf32>
          tpu.vector_store %arg14[%swap3A_105, %swap3A_106], %swap3A_109 {strides = array<i32>} : memref<80x128xf32, #tpu.memory_space<vmem>>, vector<1x16xf32>,
          %get3A_110 = arith.index_cast %scan3A_78 : i32 to index
          %get3A_111 = arith.constant 32 : index
          %get3A_112 = tpu.vector_load %arg14[%get3A_110, %get3A_111] {strides = array<i32>} : memref<80x128xf32, #tpu.memory_space<vmem>>, vector<1x16xf32>,
          %get3A_113 = vector.shape_cast %get3A_112 : vector<1x16xf32> to vector<16xf32>
          %get3A_114 = arith.index_cast %scan3A_78 : i32 to index
          %get3A_115 = arith.constant 32 : index
          %get3A_116 = tpu.vector_load %arg12[%get3A_114, %get3A_115] {strides = array<i32>} : memref<80x128xf32, #tpu.memory_space<vmem>>, vector<1x16xf32>,
          %get3A_117 = vector.shape_cast %get3A_116 : vector<1x16xf32> to vector<16xf32>
          %add3A_118 = arith.addf %get3A_113, %get3A_117 : vector<16xf32>
          %max3A_119 = arith.constant 0.000000e+00 : f32
          %max3A_120 = vector.broadcast %max3A_119 : f32 to vector<16xf32>
          %max3A_121 = arith.maximumf %add3A_118, %max3A_120 : vector<16xf32>
          %swap3A_122 = arith.index_cast %scan3A_78 : i32 to index
          %swap3A_123 = arith.constant 32 : index
          %swap3A_124 = tpu.vector_load %arg14[%swap3A_122, %swap3A_123] {strides = array<i32>} : memref<80x128xf32, #tpu.memory_space<vmem>>, vector<1x16xf32>,
          %swap3A_125 = vector.shape_cast %swap3A_124 : vector<1x16xf32> to vector<16xf32>
          %swap3A_126 = vector.shape_cast %max3A_121 : vector<16xf32> to vector<1x16xf32>
          tpu.vector_store %arg14[%swap3A_122, %swap3A_123], %swap3A_126 {strides = array<i32>} : memref<80x128xf32, #tpu.memory_space<vmem>>, vector<1x16xf32>,
          %get3A_127 = arith.index_cast %scan3A_78 : i32 to index
          %get3A_128 = arith.constant 48 : index
          %get3A_129 = tpu.vector_load %arg14[%get3A_127, %get3A_128] {strides = array<i32>} : memref<80x128xf32, #tpu.memory_space<vmem>>, vector<1x16xf32>,
          %get3A_130 = vector.shape_cast %get3A_129 : vector<1x16xf32> to vector<16xf32>
          %get3A_131 = arith.index_cast %scan3A_78 : i32 to index
          %get3A_132 = arith.constant 48 : index
          %get3A_133 = tpu.vector_load %arg12[%get3A_131, %get3A_132] {strides = array<i32>} : memref<80x128xf32, #tpu.memory_space<vmem>>, vector<1x16xf32>,
          %get3A_134 = vector.shape_cast %get3A_133 : vector<1x16xf32> to vector<16xf32>
          %add3A_135 = arith.addf %get3A_130, %get3A_134 : vector<16xf32>
          %max3A_136 = arith.constant 0.000000e+00 : f32
          %max3A_137 = vector.broadcast %max3A_136 : f32 to vector<16xf32>
          %max3A_138 = arith.maximumf %add3A_135, %max3A_137 : vector<16xf32>
          %swap3A_139 = arith.index_cast %scan3A_78 : i32 to index
          %swap3A_140 = arith.constant 48 : index
          %swap3A_141 = tpu.vector_load %arg14[%swap3A_139, %swap3A_140] {strides = array<i32>} : memref<80x128xf32, #tpu.memory_space<vmem>>, vector<1x16xf32>,
          %swap3A_142 = vector.shape_cast %swap3A_141 : vector<1x16xf32> to vector<16xf32>
          %swap3A_143 = vector.shape_cast %max3A_138 : vector<16xf32> to vector<1x16xf32>
          tpu.vector_store %arg14[%swap3A_139, %swap3A_140], %swap3A_143 {strides = array<i32>} : memref<80x128xf32, #tpu.memory_space<vmem>>, vector<1x16xf32>,
          %get3A_144 = arith.index_cast %scan3A_78 : i32 to index
          %get3A_145 = arith.constant 64 : index
          %get3A_146 = tpu.vector_load %arg14[%get3A_144, %get3A_145] {strides = array<i32>} : memref<80x128xf32, #tpu.memory_space<vmem>>, vector<1x16xf32>,
          %get3A_147 = vector.shape_cast %get3A_146 : vector<1x16xf32> to vector<16xf32>
          %get3A_148 = arith.index_cast %scan3A_78 : i32 to index
          %get3A_149 = arith.constant 64 : index
          %get3A_150 = tpu.vector_load %arg12[%get3A_148, %get3A_149] {strides = array<i32>} : memref<80x128xf32, #tpu.memory_space<vmem>>, vector<1x16xf32>,
          %get3A_151 = vector.shape_cast %get3A_150 : vector<1x16xf32> to vector<16xf32>
          %add3A_152 = arith.addf %get3A_147, %get3A_151 : vector<16xf32>
          %max3A_153 = arith.constant 0.000000e+00 : f32
          %max3A_154 = vector.broadcast %max3A_153 : f32 to vector<16xf32>
          %max3A_155 = arith.maximumf %add3A_152, %max3A_154 : vector<16xf32>
          %swap3A_156 = arith.index_cast %scan3A_78 : i32 to index
          %swap3A_157 = arith.constant 64 : index
          %swap3A_158 = tpu.vector_load %arg14[%swap3A_156, %swap3A_157] {strides = array<i32>} : memref<80x128xf32, #tpu.memory_space<vmem>>, vector<1x16xf32>,
          %swap3A_159 = vector.shape_cast %swap3A_158 : vector<1x16xf32> to vector<16xf32>
          %swap3A_160 = vector.shape_cast %max3A_155 : vector<16xf32> to vector<1x16xf32>
          tpu.vector_store %arg14[%swap3A_156, %swap3A_157], %swap3A_160 {strides = array<i32>} : memref<80x128xf32, #tpu.memory_space<vmem>>, vector<1x16xf32>,
          %get3A_161 = arith.index_cast %scan3A_78 : i32 to index
          %get3A_162 = arith.constant 80 : index
          %get3A_163 = tpu.vector_load %arg14[%get3A_161, %get3A_162] {strides = array<i32>} : memref<80x128xf32, #tpu.memory_space<vmem>>, vector<1x16xf32>,
          %get3A_164 = vector.shape_cast %get3A_163 : vector<1x16xf32> to vector<16xf32>
          %get3A_165 = arith.index_cast %scan3A_78 : i32 to index
          %get3A_166 = arith.constant 80 : index
          %get3A_167 = tpu.vector_load %arg12[%get3A_165, %get3A_166] {strides = array<i32>} : memref<80x128xf32, #tpu.memory_space<vmem>>, vector<1x16xf32>,
          %get3A_168 = vector.shape_cast %get3A_167 : vector<1x16xf32> to vector<16xf32>
          %add3A_169 = arith.addf %get3A_164, %get3A_168 : vector<16xf32>
          %max3A_170 = arith.constant 0.000000e+00 : f32
          %max3A_171 = vector.broadcast %max3A_170 : f32 to vector<16xf32>
          %max3A_172 = arith.maximumf %add3A_169, %max3A_171 : vector<16xf32>
          %swap3A_173 = arith.index_cast %scan3A_78 : i32 to index
          %swap3A_174 = arith.constant 80 : index
          %swap3A_175 = tpu.vector_load %arg14[%swap3A_173, %swap3A_174] {strides = array<i32>} : memref<80x128xf32, #tpu.memory_space<vmem>>, vector<1x16xf32>,
          %swap3A_176 = vector.shape_cast %swap3A_175 : vector<1x16xf32> to vector<16xf32>
          %swap3A_177 = vector.shape_cast %max3A_172 : vector<16xf32> to vector<1x16xf32>
          tpu.vector_store %arg14[%swap3A_173, %swap3A_174], %swap3A_177 {strides = array<i32>} : memref<80x128xf32, #tpu.memory_space<vmem>>, vector<1x16xf32>,
          %get3A_178 = arith.index_cast %scan3A_78 : i32 to index
          %get3A_179 = arith.constant 96 : index
          %get3A_180 = tpu.vector_load %arg14[%get3A_178, %get3A_179] {strides = array<i32>} : memref<80x128xf32, #tpu.memory_space<vmem>>, vector<1x16xf32>,
          %get3A_181 = vector.shape_cast %get3A_180 : vector<1x16xf32> to vector<16xf32>
          %get3A_182 = arith.index_cast %scan3A_78 : i32 to index
          %get3A_183 = arith.constant 96 : index
          %get3A_184 = tpu.vector_load %arg12[%get3A_182, %get3A_183] {strides = array<i32>} : memref<80x128xf32, #tpu.memory_space<vmem>>, vector<1x16xf32>,
          %get3A_185 = vector.shape_cast %get3A_184 : vector<1x16xf32> to vector<16xf32>
          %add3A_186 = arith.addf %get3A_181, %get3A_185 : vector<16xf32>
          %max3A_187 = arith.constant 0.000000e+00 : f32
          %max3A_188 = vector.broadcast %max3A_187 : f32 to vector<16xf32>
          %max3A_189 = arith.maximumf %add3A_186, %max3A_188 : vector<16xf32>
          %swap3A_190 = arith.index_cast %scan3A_78 : i32 to index
          %swap3A_191 = arith.constant 96 : index
          %swap3A_192 = tpu.vector_load %arg14[%swap3A_190, %swap3A_191] {strides = array<i32>} : memref<80x128xf32, #tpu.memory_space<vmem>>, vector<1x16xf32>,
          %swap3A_193 = vector.shape_cast %swap3A_192 : vector<1x16xf32> to vector<16xf32>
          %swap3A_194 = vector.shape_cast %max3A_189 : vector<16xf32> to vector<1x16xf32>
          tpu.vector_store %arg14[%swap3A_190, %swap3A_191], %swap3A_194 {strides = array<i32>} : memref<80x128xf32, #tpu.memory_space<vmem>>, vector<1x16xf32>,
          %get3A_195 = arith.index_cast %scan3A_78 : i32 to index
          %get3A_196 = arith.constant 112 : index
          %get3A_197 = tpu.vector_load %arg14[%get3A_195, %get3A_196] {strides = array<i32>} : memref<80x128xf32, #tpu.memory_space<vmem>>, vector<1x16xf32>,
          %get3A_198 = vector.shape_cast %get3A_197 : vector<1x16xf32> to vector<16xf32>
          %get3A_199 = arith.index_cast %scan3A_78 : i32 to index
          %get3A_200 = arith.constant 112 : index
          %get3A_201 = tpu.vector_load %arg12[%get3A_199, %get3A_200] {strides = array<i32>} : memref<80x128xf32, #tpu.memory_space<vmem>>, vector<1x16xf32>,
          %get3A_202 = vector.shape_cast %get3A_201 : vector<1x16xf32> to vector<16xf32>
          %add3A_203 = arith.addf %get3A_198, %get3A_202 : vector<16xf32>
          %max3A_204 = arith.constant 0.000000e+00 : f32
          %max3A_205 = vector.broadcast %max3A_204 : f32 to vector<16xf32>
          %max3A_206 = arith.maximumf %add3A_203, %max3A_205 : vector<16xf32>
          %swap3A_207 = arith.index_cast %scan3A_78 : i32 to index
          %swap3A_208 = arith.constant 112 : index
          %swap3A_209 = tpu.vector_load %arg14[%swap3A_207, %swap3A_208] {strides = array<i32>} : memref<80x128xf32, #tpu.memory_space<vmem>>, vector<1x16xf32>,
          %swap3A_210 = vector.shape_cast %swap3A_209 : vector<1x16xf32> to vector<16xf32>
          %swap3A_211 = vector.shape_cast %max3A_206 : vector<16xf32> to vector<1x16xf32>
          tpu.vector_store %arg14[%swap3A_207, %swap3A_208], %swap3A_211 {strides = array<i32>} : memref<80x128xf32, #tpu.memory_space<vmem>>, vector<1x16xf32>,
        }
        %scan3A_77 = arith.constant 80 : i32
        "tpu.region"() ({
          %run_scoped3A = tpu.sem_alloc : memref<!tpu.dma_semaphore, #tpu.memory_space<semaphore_mem>>
          %dma_start3A_78 = arith.constant 0 : i32
          %dma_start3A_79 = arith.constant 0 : i32
          %dma_start3A_80 = tpu.memref_slice %arg20[%dma_start3A_78, %dma_start3A_79] : memref<10000x128xf32, #tpu.memory_space<vmem_shared>> -> memref<10000x128xf32, #tpu.memory_space<vmem_shared>>
          tpu.enqueue_indirect_dma source(%arg14 : memref<80x128xf32, #tpu.memory_space<vmem>>) target(%dma_start3A_80 : memref<10000x128xf32, #tpu.memory_space<vmem_shared>>) offsets(%arg10 : memref<80xi32, #tpu.memory_space<vmem>>) semaphore(%run_scoped3A : memref<!tpu.dma_semaphore, #tpu.memory_space<semaphore_mem>>) {add = true}
          %dma_wait3A_81 = arith.constant 0 : i32
          %dma_wait3A_82 = arith.constant 0 : i32
          %dma_wait3A_83 = tpu.memref_slice %arg20[%dma_wait3A_81, %dma_wait3A_82] : memref<10000x128xf32, #tpu.memory_space<vmem_shared>> -> memref<10000x128xf32, #tpu.memory_space<vmem_shared>>
          tpu.wait_indirect_dma semaphore(%run_scoped3A : memref<!tpu.dma_semaphore, #tpu.memory_space<semaphore_mem>>) src(%arg14 : memref<80x128xf32, #tpu.memory_space<vmem>>) dst(%dma_wait3A_83 : memref<10000x128xf32, #tpu.memory_space<vmem_shared>>)
          tpu.yield
        }) : () -> ()
      } else {
      }
      %mul3A_45 = arith.constant 2 : i32
      %mul3A_46 = arith.muli %scan3A_26, %mul3A_45 : i32
      %add3A_47 = arith.constant 1 : i32
      %add3A_48 = arith.addi %mul3A_46, %add3A_47 : i32
      %mul3A_49 = arith.constant 32 : i32
      %mul3A_50 = arith.muli %mul3A_49, %add3A_48 : i32
      %add3A_51 = arith.addi %add3A, %mul3A_50 : i32
      %add3A_52 = arith.constant 32 : i32
      %add3A_53 = arith.addi %add3A_51, %add3A_52 : i32
      %lt3A_54 = arith.constant 4000 : i32
      %lt3A_55 = arith.cmpi slt, %add3A_53, %lt3A_54 : i32
      %convert_element_type3A_56 = arith.extui %lt3A_55 : i1 to i32
      %cond3A_57 = arith.constant 0 : i32
      %cond3A_58 = arith.cmpi ne, %convert_element_type3A_56, %cond3A_57 : i32
      scf.if %cond3A_58 {
        %add3A_64 = arith.constant 32 : i32
        %add3A_65 = arith.addi %add3A_51, %add3A_64 : i32
        %mul3A_66 = arith.constant 80 : i32
        %mul3A_67 = arith.muli %add3A_65, %mul3A_66 : i32
        "tpu.region"() ({
          %run_scoped3A = tpu.sem_alloc : memref<!tpu.dma_semaphore, #tpu.memory_space<semaphore_mem>>
          %dma_start3A_75 = tpu.memref_slice %arg4[%mul3A_67] : memref<320000xi32, #tpu.memory_space<hbm>> -> memref<80xi32, #tpu.memory_space<hbm>>
          %dma_start3A_76 = tpu.memref_slice %arg4[%mul3A_67] : memref<320000xi32, #tpu.memory_space<hbm>> -> memref<80xi32, #tpu.memory_space<hbm>>
          tpu.enqueue_dma source(%dma_start3A_76 : memref<80xi32, #tpu.memory_space<hbm>>) target(%arg8 : memref<80xi32, #tpu.memory_space<vmem>>) target_semaphore(%run_scoped3A : memref<!tpu.dma_semaphore, #tpu.memory_space<semaphore_mem>>)
          %dma_wait3A = tpu.memref_slice %arg4[%mul3A_67] : memref<320000xi32, #tpu.memory_space<hbm>> -> memref<80xi32, #tpu.memory_space<hbm>>
          %dma_wait3A_77 = tpu.memref_slice %arg4[%mul3A_67] : memref<320000xi32, #tpu.memory_space<hbm>> -> memref<80xi32, #tpu.memory_space<hbm>>
          tpu.wait_dma2 semaphore(%run_scoped3A : memref<!tpu.dma_semaphore, #tpu.memory_space<semaphore_mem>>) src(%dma_wait3A_77 : memref<80xi32, #tpu.memory_space<hbm>>) dst(%arg8 : memref<80xi32, #tpu.memory_space<vmem>>)
          tpu.yield
        }) : () -> ()
        "tpu.region"() ({
          %run_scoped3A = tpu.sem_alloc : memref<!tpu.dma_semaphore, #tpu.memory_space<semaphore_mem>>
          %dma_start3A_75 = tpu.memref_slice %arg5[%mul3A_67] : memref<320000xi32, #tpu.memory_space<hbm>> -> memref<80xi32, #tpu.memory_space<hbm>>
          %dma_start3A_76 = tpu.memref_slice %arg5[%mul3A_67] : memref<320000xi32, #tpu.memory_space<hbm>> -> memref<80xi32, #tpu.memory_space<hbm>>
          tpu.enqueue_dma source(%dma_start3A_76 : memref<80xi32, #tpu.memory_space<hbm>>) target(%arg10 : memref<80xi32, #tpu.memory_space<vmem>>) target_semaphore(%run_scoped3A : memref<!tpu.dma_semaphore, #tpu.memory_space<semaphore_mem>>)
          %dma_wait3A = tpu.memref_slice %arg5[%mul3A_67] : memref<320000xi32, #tpu.memory_space<hbm>> -> memref<80xi32, #tpu.memory_space<hbm>>
          %dma_wait3A_77 = tpu.memref_slice %arg5[%mul3A_67] : memref<320000xi32, #tpu.memory_space<hbm>> -> memref<80xi32, #tpu.memory_space<hbm>>
          tpu.wait_dma2 semaphore(%run_scoped3A : memref<!tpu.dma_semaphore, #tpu.memory_space<semaphore_mem>>) src(%dma_wait3A_77 : memref<80xi32, #tpu.memory_space<hbm>>) dst(%arg10 : memref<80xi32, #tpu.memory_space<vmem>>)
          tpu.yield
        }) : () -> ()
        %dma_start3A_68 = arith.constant 0 : i32
        %dma_start3A_69 = arith.constant 0 : i32
        %dma_start3A_70 = tpu.memref_slice %arg2[%dma_start3A_68, %dma_start3A_69] : memref<10000x128xf32, #tpu.memory_space<hbm>> -> memref<10000x128xf32, #tpu.memory_space<hbm>>
        tpu.enqueue_indirect_dma source(%dma_start3A_70 : memref<10000x128xf32, #tpu.memory_space<hbm>>) target(%arg12 : memref<80x128xf32, #tpu.memory_space<vmem>>) offsets(%arg8 : memref<80xi32, #tpu.memory_space<vmem>>) semaphore(%arg16 : memref<!tpu.dma_semaphore, #tpu.memory_space<semaphore_mem>>)
        %dma_start3A_71 = arith.constant 0 : i32
        %dma_start3A_72 = tpu.memref_slice %arg3[%mul3A_67, %dma_start3A_71] : memref<320000x128xf32, #tpu.memory_space<hbm>> -> memref<80x128xf32, #tpu.memory_space<hbm>>
        %dma_start3A_73 = arith.constant 0 : i32
        %dma_start3A_74 = tpu.memref_slice %arg3[%mul3A_67, %dma_start3A_73] : memref<320000x128xf32, #tpu.memory_space<hbm>> -> memref<80x128xf32, #tpu.memory_space<hbm>>
        tpu.enqueue_dma source(%dma_start3A_74 : memref<80x128xf32, #tpu.memory_space<hbm>>) target(%arg14 : memref<80x128xf32, #tpu.memory_space<vmem>>) target_semaphore(%arg18 : memref<!tpu.dma_semaphore, #tpu.memory_space<semaphore_mem>>)
      } else {
      }
      %lt3A_59 = arith.constant 4000 : i32
      %lt3A_60 = arith.cmpi slt, %add3A_51, %lt3A_59 : i32
      %convert_element_type3A_61 = arith.extui %lt3A_60 : i1 to i32
      %cond3A_62 = arith.constant 0 : i32
      %cond3A_63 = arith.cmpi ne, %convert_element_type3A_61, %cond3A_62 : i32
      scf.if %cond3A_63 {
        %mul3A_64 = arith.constant 80 : i32
        %mul3A_65 = arith.muli %add3A_51, %mul3A_64 : i32
        %dma_wait3A = arith.constant 0 : i32
        %dma_wait3A_66 = arith.constant 0 : i32
        %dma_wait3A_67 = tpu.memref_slice %arg2[%dma_wait3A, %dma_wait3A_66] : memref<10000x128xf32, #tpu.memory_space<hbm>> -> memref<10000x128xf32, #tpu.memory_space<hbm>>
        tpu.wait_indirect_dma semaphore(%arg17 : memref<!tpu.dma_semaphore, #tpu.memory_space<semaphore_mem>>) src(%dma_wait3A_67 : memref<10000x128xf32, #tpu.memory_space<hbm>>) dst(%arg13 : memref<80x128xf32, #tpu.memory_space<vmem>>)
        %dma_wait3A_68 = arith.constant 0 : i32
        %dma_wait3A_69 = tpu.memref_slice %arg3[%mul3A_65, %dma_wait3A_68] : memref<320000x128xf32, #tpu.memory_space<hbm>> -> memref<80x128xf32, #tpu.memory_space<hbm>>
        %dma_wait3A_70 = arith.constant 0 : i32
        %dma_wait3A_71 = tpu.memref_slice %arg3[%mul3A_65, %dma_wait3A_70] : memref<320000x128xf32, #tpu.memory_space<hbm>> -> memref<80x128xf32, #tpu.memory_space<hbm>>
        tpu.wait_dma2 semaphore(%arg19 : memref<!tpu.dma_semaphore, #tpu.memory_space<semaphore_mem>>) src(%dma_wait3A_71 : memref<80x128xf32, #tpu.memory_space<hbm>>) dst(%arg15 : memref<80x128xf32, #tpu.memory_space<vmem>>)
        %scan3A_72 = arith.constant 0 : i32
        %scan3A_73 = arith.constant 0 : i32
        %scan3A_74 = arith.constant 80 : i32
        %scan3A_75 = arith.addi %scan3A_73, %scan3A_74 : i32
        %scan3A_76 = arith.constant 1 : i32
        scf.for %scan3A_78 = %scan3A_73 to %scan3A_75 step %scan3A_76  : i32 {
          %get3A = arith.index_cast %scan3A_78 : i32 to index
          %get3A_79 = arith.constant 0 : index
          %get3A_80 = tpu.vector_load %arg15[%get3A, %get3A_79] {strides = array<i32>} : memref<80x128xf32, #tpu.memory_space<vmem>>, vector<1x16xf32>,
          %get3A_81 = vector.shape_cast %get3A_80 : vector<1x16xf32> to vector<16xf32>
          %get3A_82 = arith.index_cast %scan3A_78 : i32 to index
          %get3A_83 = arith.constant 0 : index
          %get3A_84 = tpu.vector_load %arg13[%get3A_82, %get3A_83] {strides = array<i32>} : memref<80x128xf32, #tpu.memory_space<vmem>>, vector<1x16xf32>,
          %get3A_85 = vector.shape_cast %get3A_84 : vector<1x16xf32> to vector<16xf32>
          %add3A_86 = arith.addf %get3A_81, %get3A_85 : vector<16xf32>
          %max3A = arith.constant 0.000000e+00 : f32
          %max3A_87 = vector.broadcast %max3A : f32 to vector<16xf32>
          %max3A_88 = arith.maximumf %add3A_86, %max3A_87 : vector<16xf32>
          %swap3A = arith.index_cast %scan3A_78 : i32 to index
          %swap3A_89 = arith.constant 0 : index
          %swap3A_90 = tpu.vector_load %arg15[%swap3A, %swap3A_89] {strides = array<i32>} : memref<80x128xf32, #tpu.memory_space<vmem>>, vector<1x16xf32>,
          %swap3A_91 = vector.shape_cast %swap3A_90 : vector<1x16xf32> to vector<16xf32>
          %swap3A_92 = vector.shape_cast %max3A_88 : vector<16xf32> to vector<1x16xf32>
          tpu.vector_store %arg15[%swap3A, %swap3A_89], %swap3A_92 {strides = array<i32>} : memref<80x128xf32, #tpu.memory_space<vmem>>, vector<1x16xf32>,
          %get3A_93 = arith.index_cast %scan3A_78 : i32 to index
          %get3A_94 = arith.constant 16 : index
          %get3A_95 = tpu.vector_load %arg15[%get3A_93, %get3A_94] {strides = array<i32>} : memref<80x128xf32, #tpu.memory_space<vmem>>, vector<1x16xf32>,
          %get3A_96 = vector.shape_cast %get3A_95 : vector<1x16xf32> to vector<16xf32>
          %get3A_97 = arith.index_cast %scan3A_78 : i32 to index
          %get3A_98 = arith.constant 16 : index
          %get3A_99 = tpu.vector_load %arg13[%get3A_97, %get3A_98] {strides = array<i32>} : memref<80x128xf32, #tpu.memory_space<vmem>>, vector<1x16xf32>,
          %get3A_100 = vector.shape_cast %get3A_99 : vector<1x16xf32> to vector<16xf32>
          %add3A_101 = arith.addf %get3A_96, %get3A_100 : vector<16xf32>
          %max3A_102 = arith.constant 0.000000e+00 : f32
          %max3A_103 = vector.broadcast %max3A_102 : f32 to vector<16xf32>
          %max3A_104 = arith.maximumf %add3A_101, %max3A_103 : vector<16xf32>
          %swap3A_105 = arith.index_cast %scan3A_78 : i32 to index
          %swap3A_106 = arith.constant 16 : index
          %swap3A_107 = tpu.vector_load %arg15[%swap3A_105, %swap3A_106] {strides = array<i32>} : memref<80x128xf32, #tpu.memory_space<vmem>>, vector<1x16xf32>,
          %swap3A_108 = vector.shape_cast %swap3A_107 : vector<1x16xf32> to vector<16xf32>
          %swap3A_109 = vector.shape_cast %max3A_104 : vector<16xf32> to vector<1x16xf32>
          tpu.vector_store %arg15[%swap3A_105, %swap3A_106], %swap3A_109 {strides = array<i32>} : memref<80x128xf32, #tpu.memory_space<vmem>>, vector<1x16xf32>,
          %get3A_110 = arith.index_cast %scan3A_78 : i32 to index
          %get3A_111 = arith.constant 32 : index
          %get3A_112 = tpu.vector_load %arg15[%get3A_110, %get3A_111] {strides = array<i32>} : memref<80x128xf32, #tpu.memory_space<vmem>>, vector<1x16xf32>,
          %get3A_113 = vector.shape_cast %get3A_112 : vector<1x16xf32> to vector<16xf32>
          %get3A_114 = arith.index_cast %scan3A_78 : i32 to index
          %get3A_115 = arith.constant 32 : index
          %get3A_116 = tpu.vector_load %arg13[%get3A_114, %get3A_115] {strides = array<i32>} : memref<80x128xf32, #tpu.memory_space<vmem>>, vector<1x16xf32>,
          %get3A_117 = vector.shape_cast %get3A_116 : vector<1x16xf32> to vector<16xf32>
          %add3A_118 = arith.addf %get3A_113, %get3A_117 : vector<16xf32>
          %max3A_119 = arith.constant 0.000000e+00 : f32
          %max3A_120 = vector.broadcast %max3A_119 : f32 to vector<16xf32>
          %max3A_121 = arith.maximumf %add3A_118, %max3A_120 : vector<16xf32>
          %swap3A_122 = arith.index_cast %scan3A_78 : i32 to index
          %swap3A_123 = arith.constant 32 : index
          %swap3A_124 = tpu.vector_load %arg15[%swap3A_122, %swap3A_123] {strides = array<i32>} : memref<80x128xf32, #tpu.memory_space<vmem>>, vector<1x16xf32>,
          %swap3A_125 = vector.shape_cast %swap3A_124 : vector<1x16xf32> to vector<16xf32>
          %swap3A_126 = vector.shape_cast %max3A_121 : vector<16xf32> to vector<1x16xf32>
          tpu.vector_store %arg15[%swap3A_122, %swap3A_123], %swap3A_126 {strides = array<i32>} : memref<80x128xf32, #tpu.memory_space<vmem>>, vector<1x16xf32>,
          %get3A_127 = arith.index_cast %scan3A_78 : i32 to index
          %get3A_128 = arith.constant 48 : index
          %get3A_129 = tpu.vector_load %arg15[%get3A_127, %get3A_128] {strides = array<i32>} : memref<80x128xf32, #tpu.memory_space<vmem>>, vector<1x16xf32>,
          %get3A_130 = vector.shape_cast %get3A_129 : vector<1x16xf32> to vector<16xf32>
          %get3A_131 = arith.index_cast %scan3A_78 : i32 to index
          %get3A_132 = arith.constant 48 : index
          %get3A_133 = tpu.vector_load %arg13[%get3A_131, %get3A_132] {strides = array<i32>} : memref<80x128xf32, #tpu.memory_space<vmem>>, vector<1x16xf32>,
          %get3A_134 = vector.shape_cast %get3A_133 : vector<1x16xf32> to vector<16xf32>
          %add3A_135 = arith.addf %get3A_130, %get3A_134 : vector<16xf32>
          %max3A_136 = arith.constant 0.000000e+00 : f32
          %max3A_137 = vector.broadcast %max3A_136 : f32 to vector<16xf32>
          %max3A_138 = arith.maximumf %add3A_135, %max3A_137 : vector<16xf32>
          %swap3A_139 = arith.index_cast %scan3A_78 : i32 to index
          %swap3A_140 = arith.constant 48 : index
          %swap3A_141 = tpu.vector_load %arg15[%swap3A_139, %swap3A_140] {strides = array<i32>} : memref<80x128xf32, #tpu.memory_space<vmem>>, vector<1x16xf32>,
          %swap3A_142 = vector.shape_cast %swap3A_141 : vector<1x16xf32> to vector<16xf32>
          %swap3A_143 = vector.shape_cast %max3A_138 : vector<16xf32> to vector<1x16xf32>
          tpu.vector_store %arg15[%swap3A_139, %swap3A_140], %swap3A_143 {strides = array<i32>} : memref<80x128xf32, #tpu.memory_space<vmem>>, vector<1x16xf32>,
          %get3A_144 = arith.index_cast %scan3A_78 : i32 to index
          %get3A_145 = arith.constant 64 : index
          %get3A_146 = tpu.vector_load %arg15[%get3A_144, %get3A_145] {strides = array<i32>} : memref<80x128xf32, #tpu.memory_space<vmem>>, vector<1x16xf32>,
          %get3A_147 = vector.shape_cast %get3A_146 : vector<1x16xf32> to vector<16xf32>
          %get3A_148 = arith.index_cast %scan3A_78 : i32 to index
          %get3A_149 = arith.constant 64 : index
          %get3A_150 = tpu.vector_load %arg13[%get3A_148, %get3A_149] {strides = array<i32>} : memref<80x128xf32, #tpu.memory_space<vmem>>, vector<1x16xf32>,
          %get3A_151 = vector.shape_cast %get3A_150 : vector<1x16xf32> to vector<16xf32>
          %add3A_152 = arith.addf %get3A_147, %get3A_151 : vector<16xf32>
          %max3A_153 = arith.constant 0.000000e+00 : f32
          %max3A_154 = vector.broadcast %max3A_153 : f32 to vector<16xf32>
          %max3A_155 = arith.maximumf %add3A_152, %max3A_154 : vector<16xf32>
          %swap3A_156 = arith.index_cast %scan3A_78 : i32 to index
          %swap3A_157 = arith.constant 64 : index
          %swap3A_158 = tpu.vector_load %arg15[%swap3A_156, %swap3A_157] {strides = array<i32>} : memref<80x128xf32, #tpu.memory_space<vmem>>, vector<1x16xf32>,
          %swap3A_159 = vector.shape_cast %swap3A_158 : vector<1x16xf32> to vector<16xf32>
          %swap3A_160 = vector.shape_cast %max3A_155 : vector<16xf32> to vector<1x16xf32>
          tpu.vector_store %arg15[%swap3A_156, %swap3A_157], %swap3A_160 {strides = array<i32>} : memref<80x128xf32, #tpu.memory_space<vmem>>, vector<1x16xf32>,
          %get3A_161 = arith.index_cast %scan3A_78 : i32 to index
          %get3A_162 = arith.constant 80 : index
          %get3A_163 = tpu.vector_load %arg15[%get3A_161, %get3A_162] {strides = array<i32>} : memref<80x128xf32, #tpu.memory_space<vmem>>, vector<1x16xf32>,
          %get3A_164 = vector.shape_cast %get3A_163 : vector<1x16xf32> to vector<16xf32>
          %get3A_165 = arith.index_cast %scan3A_78 : i32 to index
          %get3A_166 = arith.constant 80 : index
          %get3A_167 = tpu.vector_load %arg13[%get3A_165, %get3A_166] {strides = array<i32>} : memref<80x128xf32, #tpu.memory_space<vmem>>, vector<1x16xf32>,
          %get3A_168 = vector.shape_cast %get3A_167 : vector<1x16xf32> to vector<16xf32>
          %add3A_169 = arith.addf %get3A_164, %get3A_168 : vector<16xf32>
          %max3A_170 = arith.constant 0.000000e+00 : f32
          %max3A_171 = vector.broadcast %max3A_170 : f32 to vector<16xf32>
          %max3A_172 = arith.maximumf %add3A_169, %max3A_171 : vector<16xf32>
          %swap3A_173 = arith.index_cast %scan3A_78 : i32 to index
          %swap3A_174 = arith.constant 80 : index
          %swap3A_175 = tpu.vector_load %arg15[%swap3A_173, %swap3A_174] {strides = array<i32>} : memref<80x128xf32, #tpu.memory_space<vmem>>, vector<1x16xf32>,
          %swap3A_176 = vector.shape_cast %swap3A_175 : vector<1x16xf32> to vector<16xf32>
          %swap3A_177 = vector.shape_cast %max3A_172 : vector<16xf32> to vector<1x16xf32>
          tpu.vector_store %arg15[%swap3A_173, %swap3A_174], %swap3A_177 {strides = array<i32>} : memref<80x128xf32, #tpu.memory_space<vmem>>, vector<1x16xf32>,
          %get3A_178 = arith.index_cast %scan3A_78 : i32 to index
          %get3A_179 = arith.constant 96 : index
          %get3A_180 = tpu.vector_load %arg15[%get3A_178, %get3A_179] {strides = array<i32>} : memref<80x128xf32, #tpu.memory_space<vmem>>, vector<1x16xf32>,
          %get3A_181 = vector.shape_cast %get3A_180 : vector<1x16xf32> to vector<16xf32>
          %get3A_182 = arith.index_cast %scan3A_78 : i32 to index
          %get3A_183 = arith.constant 96 : index
          %get3A_184 = tpu.vector_load %arg13[%get3A_182, %get3A_183] {strides = array<i32>} : memref<80x128xf32, #tpu.memory_space<vmem>>, vector<1x16xf32>,
          %get3A_185 = vector.shape_cast %get3A_184 : vector<1x16xf32> to vector<16xf32>
          %add3A_186 = arith.addf %get3A_181, %get3A_185 : vector<16xf32>
          %max3A_187 = arith.constant 0.000000e+00 : f32
          %max3A_188 = vector.broadcast %max3A_187 : f32 to vector<16xf32>
          %max3A_189 = arith.maximumf %add3A_186, %max3A_188 : vector<16xf32>
          %swap3A_190 = arith.index_cast %scan3A_78 : i32 to index
          %swap3A_191 = arith.constant 96 : index
          %swap3A_192 = tpu.vector_load %arg15[%swap3A_190, %swap3A_191] {strides = array<i32>} : memref<80x128xf32, #tpu.memory_space<vmem>>, vector<1x16xf32>,
          %swap3A_193 = vector.shape_cast %swap3A_192 : vector<1x16xf32> to vector<16xf32>
          %swap3A_194 = vector.shape_cast %max3A_189 : vector<16xf32> to vector<1x16xf32>
          tpu.vector_store %arg15[%swap3A_190, %swap3A_191], %swap3A_194 {strides = array<i32>} : memref<80x128xf32, #tpu.memory_space<vmem>>, vector<1x16xf32>,
          %get3A_195 = arith.index_cast %scan3A_78 : i32 to index
          %get3A_196 = arith.constant 112 : index
          %get3A_197 = tpu.vector_load %arg15[%get3A_195, %get3A_196] {strides = array<i32>} : memref<80x128xf32, #tpu.memory_space<vmem>>, vector<1x16xf32>,
          %get3A_198 = vector.shape_cast %get3A_197 : vector<1x16xf32> to vector<16xf32>
          %get3A_199 = arith.index_cast %scan3A_78 : i32 to index
          %get3A_200 = arith.constant 112 : index
          %get3A_201 = tpu.vector_load %arg13[%get3A_199, %get3A_200] {strides = array<i32>} : memref<80x128xf32, #tpu.memory_space<vmem>>, vector<1x16xf32>,
          %get3A_202 = vector.shape_cast %get3A_201 : vector<1x16xf32> to vector<16xf32>
          %add3A_203 = arith.addf %get3A_198, %get3A_202 : vector<16xf32>
          %max3A_204 = arith.constant 0.000000e+00 : f32
          %max3A_205 = vector.broadcast %max3A_204 : f32 to vector<16xf32>
          %max3A_206 = arith.maximumf %add3A_203, %max3A_205 : vector<16xf32>
          %swap3A_207 = arith.index_cast %scan3A_78 : i32 to index
          %swap3A_208 = arith.constant 112 : index
          %swap3A_209 = tpu.vector_load %arg15[%swap3A_207, %swap3A_208] {strides = array<i32>} : memref<80x128xf32, #tpu.memory_space<vmem>>, vector<1x16xf32>,
          %swap3A_210 = vector.shape_cast %swap3A_209 : vector<1x16xf32> to vector<16xf32>
          %swap3A_211 = vector.shape_cast %max3A_206 : vector<16xf32> to vector<1x16xf32>
          tpu.vector_store %arg15[%swap3A_207, %swap3A_208], %swap3A_211 {strides = array<i32>} : memref<80x128xf32, #tpu.memory_space<vmem>>, vector<1x16xf32>,
        }
        %scan3A_77 = arith.constant 80 : i32
        "tpu.region"() ({
          %run_scoped3A = tpu.sem_alloc : memref<!tpu.dma_semaphore, #tpu.memory_space<semaphore_mem>>
          %dma_start3A_78 = arith.constant 0 : i32
          %dma_start3A_79 = arith.constant 0 : i32
          %dma_start3A_80 = tpu.memref_slice %arg20[%dma_start3A_78, %dma_start3A_79] : memref<10000x128xf32, #tpu.memory_space<vmem_shared>> -> memref<10000x128xf32, #tpu.memory_space<vmem_shared>>
          tpu.enqueue_indirect_dma source(%arg15 : memref<80x128xf32, #tpu.memory_space<vmem>>) target(%dma_start3A_80 : memref<10000x128xf32, #tpu.memory_space<vmem_shared>>) offsets(%arg11 : memref<80xi32, #tpu.memory_space<vmem>>) semaphore(%run_scoped3A : memref<!tpu.dma_semaphore, #tpu.memory_space<semaphore_mem>>) {add = true}
          %dma_wait3A_81 = arith.constant 0 : i32
          %dma_wait3A_82 = arith.constant 0 : i32
          %dma_wait3A_83 = tpu.memref_slice %arg20[%dma_wait3A_81, %dma_wait3A_82] : memref<10000x128xf32, #tpu.memory_space<vmem_shared>> -> memref<10000x128xf32, #tpu.memory_space<vmem_shared>>
          tpu.wait_indirect_dma semaphore(%run_scoped3A : memref<!tpu.dma_semaphore, #tpu.memory_space<semaphore_mem>>) src(%arg15 : memref<80x128xf32, #tpu.memory_space<vmem>>) dst(%dma_wait3A_83 : memref<10000x128xf32, #tpu.memory_space<vmem_shared>>)
          tpu.yield
        }) : () -> ()
      } else {
      }
    }
    %scan3A_17 = arith.constant 63 : i32
    %barrier3A_18 = arith.constant 0 : index
    tpu.barrier barrier_id(%barrier3A_18)
    %mul3A_19 = arith.constant 624 : i32
    %mul3A_20 = arith.muli %arg1, %mul3A_19 : i32
    "tpu.region"() ({
      %run_scoped3A = tpu.sem_alloc : memref<!tpu.dma_semaphore, #tpu.memory_space<semaphore_mem>>
      %dma_start3A_26 = arith.constant 0 : i32
      %dma_start3A_27 = tpu.memref_slice %arg7[%arg0, %mul3A_20, %dma_start3A_26] : memref<2x10000x128xf32, #tpu.memory_space<hbm>> -> memref<1x624x128xf32, #tpu.memory_space<hbm>>
      %dma_start3A_28 = tpu.memref_squeeze %dma_start3A_27 : memref<1x624x128xf32, #tpu.memory_space<hbm>> -> memref<624x128xf32, #tpu.memory_space<hbm>>
      %dma_start3A_29 = arith.constant 0 : i32
      %dma_start3A_30 = tpu.memref_slice %arg20[%mul3A_20, %dma_start3A_29] : memref<10000x128xf32, #tpu.memory_space<vmem_shared>> -> memref<624x128xf32, #tpu.memory_space<vmem_shared>>
      tpu.enqueue_dma source(%dma_start3A_30 : memref<624x128xf32, #tpu.memory_space<vmem_shared>>) target(%dma_start3A_28 : memref<624x128xf32, #tpu.memory_space<hbm>>) target_semaphore(%run_scoped3A : memref<!tpu.dma_semaphore, #tpu.memory_space<semaphore_mem>>)
      %dma_wait3A = arith.constant 0 : i32
      %dma_wait3A_31 = tpu.memref_slice %arg7[%arg0, %mul3A_20, %dma_wait3A] : memref<2x10000x128xf32, #tpu.memory_space<hbm>> -> memref<1x624x128xf32, #tpu.memory_space<hbm>>
      %dma_wait3A_32 = tpu.memref_squeeze %dma_wait3A_31 : memref<1x624x128xf32, #tpu.memory_space<hbm>> -> memref<624x128xf32, #tpu.memory_space<hbm>>
      %dma_wait3A_33 = arith.constant 0 : i32
      %dma_wait3A_34 = tpu.memref_slice %arg20[%mul3A_20, %dma_wait3A_33] : memref<10000x128xf32, #tpu.memory_space<vmem_shared>> -> memref<624x128xf32, #tpu.memory_space<vmem_shared>>
      tpu.wait_dma2 semaphore(%run_scoped3A : memref<!tpu.dma_semaphore, #tpu.memory_space<semaphore_mem>>) src(%dma_wait3A_34 : memref<624x128xf32, #tpu.memory_space<vmem_shared>>) dst(%dma_wait3A_32 : memref<624x128xf32, #tpu.memory_space<hbm>>)
      tpu.yield
    }) : () -> ()
    %eq3A_21 = arith.constant 0 : i32
    %eq3A_22 = arith.cmpi eq, %arg1, %eq3A_21 : i32
    %convert_element_type3A_23 = arith.extui %eq3A_22 : i1 to i32
    %cond3A_24 = arith.constant 0 : i32
    %cond3A_25 = arith.cmpi ne, %convert_element_type3A_23, %cond3A_24 : i32
    scf.if %cond3A_25 {
      "tpu.region"() ({
        %run_scoped3A = tpu.sem_alloc : memref<!tpu.dma_semaphore, #tpu.memory_space<semaphore_mem>>
        %dma_start3A_26 = arith.constant 9984 : i32
        %dma_start3A_27 = arith.constant 0 : i32
        %dma_start3A_28 = tpu.memref_slice %arg7[%arg0, %dma_start3A_26, %dma_start3A_27] : memref<2x10000x128xf32, #tpu.memory_space<hbm>> -> memref<1x16x128xf32, #tpu.memory_space<hbm>>
        %dma_start3A_29 = tpu.memref_squeeze %dma_start3A_28 : memref<1x16x128xf32, #tpu.memory_space<hbm>> -> memref<16x128xf32, #tpu.memory_space<hbm>>
        %dma_start3A_30 = arith.constant 9984 : i32
        %dma_start3A_31 = arith.constant 0 : i32
        %dma_start3A_32 = tpu.memref_slice %arg20[%dma_start3A_30, %dma_start3A_31] : memref<10000x128xf32, #tpu.memory_space<vmem_shared>> -> memref<16x128xf32, #tpu.memory_space<vmem_shared>>
        tpu.enqueue_dma source(%dma_start3A_32 : memref<16x128xf32, #tpu.memory_space<vmem_shared>>) target(%dma_start3A_29 : memref<16x128xf32, #tpu.memory_space<hbm>>) target_semaphore(%run_scoped3A : memref<!tpu.dma_semaphore, #tpu.memory_space<semaphore_mem>>)
        %dma_wait3A = arith.constant 9984 : i32
        %dma_wait3A_33 = arith.constant 0 : i32
        %dma_wait3A_34 = tpu.memref_slice %arg7[%arg0, %dma_wait3A, %dma_wait3A_33] : memref<2x10000x128xf32, #tpu.memory_space<hbm>> -> memref<1x16x128xf32, #tpu.memory_space<hbm>>
        %dma_wait3A_35 = tpu.memref_squeeze %dma_wait3A_34 : memref<1x16x128xf32, #tpu.memory_space<hbm>> -> memref<16x128xf32, #tpu.memory_space<hbm>>
        %dma_wait3A_36 = arith.constant 9984 : i32
        %dma_wait3A_37 = arith.constant 0 : i32
        %dma_wait3A_38 = tpu.memref_slice %arg20[%dma_wait3A_36, %dma_wait3A_37] : memref<10000x128xf32, #tpu.memory_space<vmem_shared>> -> memref<16x128xf32, #tpu.memory_space<vmem_shared>>
        tpu.wait_dma2 semaphore(%run_scoped3A : memref<!tpu.dma_semaphore, #tpu.memory_space<semaphore_mem>>) src(%dma_wait3A_38 : memref<16x128xf32, #tpu.memory_space<vmem_shared>>) dst(%dma_wait3A_35 : memref<16x128xf32, #tpu.memory_space<hbm>>)
        tpu.yield
      }) : () -> ()
    } else {
    }
    return
  }
}

#map = affine_map<(d0, d1) -> (0, 0)>
#map1 = affine_map<(d0, d1) -> (0)>
#map2 = affine_map<(d0, d1) -> (0, 0, 0)>
module attributes {stable_mosaic.version = 14 : i64} {
  func.func @_sc_l0_body(%arg0: i32, %arg1: i32, %arg2: memref<320000x128xf32, #tpu.memory_space<hbm>>, %arg3: memref<320000xi32, #tpu.memory_space<hbm>>, %arg4: memref<10000x128xf32, #tpu.memory_space<hbm>>, %arg5: memref<2x10000x128xf32, #tpu.memory_space<hbm>>, %arg6: memref<128xi32, #tpu.memory_space<vmem>>, %arg7: memref<128xi32, #tpu.memory_space<vmem>>, %arg8: memref<128x128xf32, #tpu.memory_space<vmem>>, %arg9: memref<128x128xf32, #tpu.memory_space<vmem>>, %arg10: memref<!tpu.dma_semaphore, #tpu.memory_space<semaphore_mem>>, %arg11: memref<!tpu.dma_semaphore, #tpu.memory_space<semaphore_mem>>, %arg12: memref<10000x128xf32, #tpu.memory_space<vmem_shared>>) attributes {dimension_semantics = [#tpu.dimension_semantics<core_parallel>, #tpu.dimension_semantics<subcore_parallel>], iteration_bounds = array<i64: 2, 16>, scalar_prefetch = 0 : i64, scratch_operands = 7 : i64, tpu.core_type = #tpu.core_type<sc_vector_subcore>, window_params = [{transform_indices = #map}, {transform_indices = #map1}, {transform_indices = #map}, {transform_indices = #map2}]} {
    %mul3A = arith.constant 2 : i32
    %mul3A_0 = arith.muli %arg1, %mul3A : i32
    %add3A = arith.addi %mul3A_0, %arg0 : i32
    %mul3A_1 = arith.constant 624 : i32
    %mul3A_2 = arith.muli %arg1, %mul3A_1 : i32
    "tpu.region"() ({
      %run_scoped3A = tpu.sem_alloc : memref<!tpu.dma_semaphore, #tpu.memory_space<semaphore_mem>>
      %dma_start3A_23 = arith.constant 0 : i32
      %dma_start3A_24 = tpu.memref_slice %arg12[%mul3A_2, %dma_start3A_23] : memref<10000x128xf32, #tpu.memory_space<vmem_shared>> -> memref<624x128xf32, #tpu.memory_space<vmem_shared>>
      %dma_start3A_25 = arith.constant 0 : i32
      %dma_start3A_26 = tpu.memref_slice %arg4[%mul3A_2, %dma_start3A_25] : memref<10000x128xf32, #tpu.memory_space<hbm>> -> memref<624x128xf32, #tpu.memory_space<hbm>>
      tpu.enqueue_dma source(%dma_start3A_26 : memref<624x128xf32, #tpu.memory_space<hbm>>) target(%dma_start3A_24 : memref<624x128xf32, #tpu.memory_space<vmem_shared>>) target_semaphore(%run_scoped3A : memref<!tpu.dma_semaphore, #tpu.memory_space<semaphore_mem>>)
      %dma_wait3A = arith.constant 0 : i32
      %dma_wait3A_27 = tpu.memref_slice %arg12[%mul3A_2, %dma_wait3A] : memref<10000x128xf32, #tpu.memory_space<vmem_shared>> -> memref<624x128xf32, #tpu.memory_space<vmem_shared>>
      %dma_wait3A_28 = arith.constant 0 : i32
      %dma_wait3A_29 = tpu.memref_slice %arg4[%mul3A_2, %dma_wait3A_28] : memref<10000x128xf32, #tpu.memory_space<hbm>> -> memref<624x128xf32, #tpu.memory_space<hbm>>
      tpu.wait_dma2 semaphore(%run_scoped3A : memref<!tpu.dma_semaphore, #tpu.memory_space<semaphore_mem>>) src(%dma_wait3A_29 : memref<624x128xf32, #tpu.memory_space<hbm>>) dst(%dma_wait3A_27 : memref<624x128xf32, #tpu.memory_space<vmem_shared>>)
      tpu.yield
    }) : () -> ()
    %eq3A = arith.constant 0 : i32
    %eq3A_3 = arith.cmpi eq, %arg1, %eq3A : i32
    %convert_element_type3A = arith.extui %eq3A_3 : i1 to i32
    %cond3A = arith.constant 0 : i32
    %cond3A_4 = arith.cmpi ne, %convert_element_type3A, %cond3A : i32
    scf.if %cond3A_4 {
      "tpu.region"() ({
        %run_scoped3A = tpu.sem_alloc : memref<!tpu.dma_semaphore, #tpu.memory_space<semaphore_mem>>
        %dma_start3A_23 = arith.constant 9984 : i32
        %dma_start3A_24 = arith.constant 0 : i32
        %dma_start3A_25 = tpu.memref_slice %arg12[%dma_start3A_23, %dma_start3A_24] : memref<10000x128xf32, #tpu.memory_space<vmem_shared>> -> memref<16x128xf32, #tpu.memory_space<vmem_shared>>
        %dma_start3A_26 = arith.constant 9984 : i32
        %dma_start3A_27 = arith.constant 0 : i32
        %dma_start3A_28 = tpu.memref_slice %arg4[%dma_start3A_26, %dma_start3A_27] : memref<10000x128xf32, #tpu.memory_space<hbm>> -> memref<16x128xf32, #tpu.memory_space<hbm>>
        tpu.enqueue_dma source(%dma_start3A_28 : memref<16x128xf32, #tpu.memory_space<hbm>>) target(%dma_start3A_25 : memref<16x128xf32, #tpu.memory_space<vmem_shared>>) target_semaphore(%run_scoped3A : memref<!tpu.dma_semaphore, #tpu.memory_space<semaphore_mem>>)
        %dma_wait3A = arith.constant 9984 : i32
        %dma_wait3A_29 = arith.constant 0 : i32
        %dma_wait3A_30 = tpu.memref_slice %arg12[%dma_wait3A, %dma_wait3A_29] : memref<10000x128xf32, #tpu.memory_space<vmem_shared>> -> memref<16x128xf32, #tpu.memory_space<vmem_shared>>
        %dma_wait3A_31 = arith.constant 9984 : i32
        %dma_wait3A_32 = arith.constant 0 : i32
        %dma_wait3A_33 = tpu.memref_slice %arg4[%dma_wait3A_31, %dma_wait3A_32] : memref<10000x128xf32, #tpu.memory_space<hbm>> -> memref<16x128xf32, #tpu.memory_space<hbm>>
        tpu.wait_dma2 semaphore(%run_scoped3A : memref<!tpu.dma_semaphore, #tpu.memory_space<semaphore_mem>>) src(%dma_wait3A_33 : memref<16x128xf32, #tpu.memory_space<hbm>>) dst(%dma_wait3A_30 : memref<16x128xf32, #tpu.memory_space<vmem_shared>>)
        tpu.yield
      }) : () -> ()
    } else {
    }
    %mul3A_5 = arith.constant 128 : i32
    %mul3A_6 = arith.muli %add3A, %mul3A_5 : i32
    "tpu.region"() ({
      %run_scoped3A = tpu.sem_alloc : memref<!tpu.dma_semaphore, #tpu.memory_space<semaphore_mem>>
      %dma_start3A_23 = tpu.memref_slice %arg3[%mul3A_6] : memref<320000xi32, #tpu.memory_space<hbm>> -> memref<128xi32, #tpu.memory_space<hbm>>
      %dma_start3A_24 = tpu.memref_slice %arg3[%mul3A_6] : memref<320000xi32, #tpu.memory_space<hbm>> -> memref<128xi32, #tpu.memory_space<hbm>>
      tpu.enqueue_dma source(%dma_start3A_24 : memref<128xi32, #tpu.memory_space<hbm>>) target(%arg6 : memref<128xi32, #tpu.memory_space<vmem>>) target_semaphore(%run_scoped3A : memref<!tpu.dma_semaphore, #tpu.memory_space<semaphore_mem>>)
      %dma_wait3A = tpu.memref_slice %arg3[%mul3A_6] : memref<320000xi32, #tpu.memory_space<hbm>> -> memref<128xi32, #tpu.memory_space<hbm>>
      %dma_wait3A_25 = tpu.memref_slice %arg3[%mul3A_6] : memref<320000xi32, #tpu.memory_space<hbm>> -> memref<128xi32, #tpu.memory_space<hbm>>
      tpu.wait_dma2 semaphore(%run_scoped3A : memref<!tpu.dma_semaphore, #tpu.memory_space<semaphore_mem>>) src(%dma_wait3A_25 : memref<128xi32, #tpu.memory_space<hbm>>) dst(%arg6 : memref<128xi32, #tpu.memory_space<vmem>>)
      tpu.yield
    }) : () -> ()
    %dma_start3A = arith.constant 0 : i32
    %dma_start3A_7 = tpu.memref_slice %arg2[%mul3A_6, %dma_start3A] : memref<320000x128xf32, #tpu.memory_space<hbm>> -> memref<128x128xf32, #tpu.memory_space<hbm>>
    %dma_start3A_8 = arith.constant 0 : i32
    %dma_start3A_9 = tpu.memref_slice %arg2[%mul3A_6, %dma_start3A_8] : memref<320000x128xf32, #tpu.memory_space<hbm>> -> memref<128x128xf32, #tpu.memory_space<hbm>>
    tpu.enqueue_dma source(%dma_start3A_9 : memref<128x128xf32, #tpu.memory_space<hbm>>) target(%arg8 : memref<128x128xf32, #tpu.memory_space<vmem>>) target_semaphore(%arg10 : memref<!tpu.dma_semaphore, #tpu.memory_space<semaphore_mem>>)
    %barrier3A = arith.constant 0 : index
    tpu.barrier barrier_id(%barrier3A)
    %scan3A = arith.constant 0 : i32
    %scan3A_10 = arith.constant 0 : i32
    %scan3A_11 = arith.constant 40 : i32
    %scan3A_12 = arith.addi %scan3A_10, %scan3A_11 : i32
    %scan3A_13 = arith.constant 1 : i32
    scf.for %scan3A_23 = %scan3A_10 to %scan3A_12 step %scan3A_13  : i32 {
      %mul3A_24 = arith.constant 2 : i32
      %mul3A_25 = arith.muli %scan3A_23, %mul3A_24 : i32
      %add3A_26 = arith.constant 0 : i32
      %add3A_27 = arith.addi %mul3A_25, %add3A_26 : i32
      %mul3A_28 = arith.constant 32 : i32
      %mul3A_29 = arith.muli %mul3A_28, %add3A_27 : i32
      %add3A_30 = arith.addi %add3A, %mul3A_29 : i32
      %add3A_31 = arith.constant 32 : i32
      %add3A_32 = arith.addi %add3A_30, %add3A_31 : i32
      %lt3A = arith.constant 2500 : i32
      %lt3A_33 = arith.cmpi slt, %add3A_32, %lt3A : i32
      %convert_element_type3A_34 = arith.extui %lt3A_33 : i1 to i32
      %cond3A_35 = arith.constant 0 : i32
      %cond3A_36 = arith.cmpi ne, %convert_element_type3A_34, %cond3A_35 : i32
      scf.if %cond3A_36 {
        %add3A_61 = arith.constant 32 : i32
        %add3A_62 = arith.addi %add3A_30, %add3A_61 : i32
        %mul3A_63 = arith.constant 128 : i32
        %mul3A_64 = arith.muli %add3A_62, %mul3A_63 : i32
        "tpu.region"() ({
          %run_scoped3A = tpu.sem_alloc : memref<!tpu.dma_semaphore, #tpu.memory_space<semaphore_mem>>
          %dma_start3A_69 = tpu.memref_slice %arg3[%mul3A_64] : memref<320000xi32, #tpu.memory_space<hbm>> -> memref<128xi32, #tpu.memory_space<hbm>>
          %dma_start3A_70 = tpu.memref_slice %arg3[%mul3A_64] : memref<320000xi32, #tpu.memory_space<hbm>> -> memref<128xi32, #tpu.memory_space<hbm>>
          tpu.enqueue_dma source(%dma_start3A_70 : memref<128xi32, #tpu.memory_space<hbm>>) target(%arg7 : memref<128xi32, #tpu.memory_space<vmem>>) target_semaphore(%run_scoped3A : memref<!tpu.dma_semaphore, #tpu.memory_space<semaphore_mem>>)
          %dma_wait3A = tpu.memref_slice %arg3[%mul3A_64] : memref<320000xi32, #tpu.memory_space<hbm>> -> memref<128xi32, #tpu.memory_space<hbm>>
          %dma_wait3A_71 = tpu.memref_slice %arg3[%mul3A_64] : memref<320000xi32, #tpu.memory_space<hbm>> -> memref<128xi32, #tpu.memory_space<hbm>>
          tpu.wait_dma2 semaphore(%run_scoped3A : memref<!tpu.dma_semaphore, #tpu.memory_space<semaphore_mem>>) src(%dma_wait3A_71 : memref<128xi32, #tpu.memory_space<hbm>>) dst(%arg7 : memref<128xi32, #tpu.memory_space<vmem>>)
          tpu.yield
        }) : () -> ()
        %dma_start3A_65 = arith.constant 0 : i32
        %dma_start3A_66 = tpu.memref_slice %arg2[%mul3A_64, %dma_start3A_65] : memref<320000x128xf32, #tpu.memory_space<hbm>> -> memref<128x128xf32, #tpu.memory_space<hbm>>
        %dma_start3A_67 = arith.constant 0 : i32
        %dma_start3A_68 = tpu.memref_slice %arg2[%mul3A_64, %dma_start3A_67] : memref<320000x128xf32, #tpu.memory_space<hbm>> -> memref<128x128xf32, #tpu.memory_space<hbm>>
        tpu.enqueue_dma source(%dma_start3A_68 : memref<128x128xf32, #tpu.memory_space<hbm>>) target(%arg9 : memref<128x128xf32, #tpu.memory_space<vmem>>) target_semaphore(%arg11 : memref<!tpu.dma_semaphore, #tpu.memory_space<semaphore_mem>>)
      } else {
      }
      %lt3A_37 = arith.constant 2500 : i32
      %lt3A_38 = arith.cmpi slt, %add3A_30, %lt3A_37 : i32
      %convert_element_type3A_39 = arith.extui %lt3A_38 : i1 to i32
      %cond3A_40 = arith.constant 0 : i32
      %cond3A_41 = arith.cmpi ne, %convert_element_type3A_39, %cond3A_40 : i32
      scf.if %cond3A_41 {
        %mul3A_61 = arith.constant 128 : i32
        %mul3A_62 = arith.muli %add3A_30, %mul3A_61 : i32
        %dma_wait3A = arith.constant 0 : i32
        %dma_wait3A_63 = tpu.memref_slice %arg2[%mul3A_62, %dma_wait3A] : memref<320000x128xf32, #tpu.memory_space<hbm>> -> memref<128x128xf32, #tpu.memory_space<hbm>>
        %dma_wait3A_64 = arith.constant 0 : i32
        %dma_wait3A_65 = tpu.memref_slice %arg2[%mul3A_62, %dma_wait3A_64] : memref<320000x128xf32, #tpu.memory_space<hbm>> -> memref<128x128xf32, #tpu.memory_space<hbm>>
        tpu.wait_dma2 semaphore(%arg10 : memref<!tpu.dma_semaphore, #tpu.memory_space<semaphore_mem>>) src(%dma_wait3A_65 : memref<128x128xf32, #tpu.memory_space<hbm>>) dst(%arg8 : memref<128x128xf32, #tpu.memory_space<vmem>>)
        "tpu.region"() ({
          %run_scoped3A = tpu.sem_alloc : memref<!tpu.dma_semaphore, #tpu.memory_space<semaphore_mem>>
          %dma_start3A_66 = arith.constant 0 : i32
          %dma_start3A_67 = arith.constant 0 : i32
          %dma_start3A_68 = tpu.memref_slice %arg12[%dma_start3A_66, %dma_start3A_67] : memref<10000x128xf32, #tpu.memory_space<vmem_shared>> -> memref<10000x128xf32, #tpu.memory_space<vmem_shared>>
          tpu.enqueue_indirect_dma source(%arg8 : memref<128x128xf32, #tpu.memory_space<vmem>>) target(%dma_start3A_68 : memref<10000x128xf32, #tpu.memory_space<vmem_shared>>) offsets(%arg6 : memref<128xi32, #tpu.memory_space<vmem>>) semaphore(%run_scoped3A : memref<!tpu.dma_semaphore, #tpu.memory_space<semaphore_mem>>) {add = true}
          %dma_wait3A_69 = arith.constant 0 : i32
          %dma_wait3A_70 = arith.constant 0 : i32
          %dma_wait3A_71 = tpu.memref_slice %arg12[%dma_wait3A_69, %dma_wait3A_70] : memref<10000x128xf32, #tpu.memory_space<vmem_shared>> -> memref<10000x128xf32, #tpu.memory_space<vmem_shared>>
          tpu.wait_indirect_dma semaphore(%run_scoped3A : memref<!tpu.dma_semaphore, #tpu.memory_space<semaphore_mem>>) src(%arg8 : memref<128x128xf32, #tpu.memory_space<vmem>>) dst(%dma_wait3A_71 : memref<10000x128xf32, #tpu.memory_space<vmem_shared>>)
          tpu.yield
        }) : () -> ()
      } else {
      }
      %mul3A_42 = arith.constant 2 : i32
      %mul3A_43 = arith.muli %scan3A_23, %mul3A_42 : i32
      %add3A_44 = arith.constant 1 : i32
      %add3A_45 = arith.addi %mul3A_43, %add3A_44 : i32
      %mul3A_46 = arith.constant 32 : i32
      %mul3A_47 = arith.muli %mul3A_46, %add3A_45 : i32
      %add3A_48 = arith.addi %add3A, %mul3A_47 : i32
      %add3A_49 = arith.constant 32 : i32
      %add3A_50 = arith.addi %add3A_48, %add3A_49 : i32
      %lt3A_51 = arith.constant 2500 : i32
      %lt3A_52 = arith.cmpi slt, %add3A_50, %lt3A_51 : i32
      %convert_element_type3A_53 = arith.extui %lt3A_52 : i1 to i32
      %cond3A_54 = arith.constant 0 : i32
      %cond3A_55 = arith.cmpi ne, %convert_element_type3A_53, %cond3A_54 : i32
      scf.if %cond3A_55 {
        %add3A_61 = arith.constant 32 : i32
        %add3A_62 = arith.addi %add3A_48, %add3A_61 : i32
        %mul3A_63 = arith.constant 128 : i32
        %mul3A_64 = arith.muli %add3A_62, %mul3A_63 : i32
        "tpu.region"() ({
          %run_scoped3A = tpu.sem_alloc : memref<!tpu.dma_semaphore, #tpu.memory_space<semaphore_mem>>
          %dma_start3A_69 = tpu.memref_slice %arg3[%mul3A_64] : memref<320000xi32, #tpu.memory_space<hbm>> -> memref<128xi32, #tpu.memory_space<hbm>>
          %dma_start3A_70 = tpu.memref_slice %arg3[%mul3A_64] : memref<320000xi32, #tpu.memory_space<hbm>> -> memref<128xi32, #tpu.memory_space<hbm>>
          tpu.enqueue_dma source(%dma_start3A_70 : memref<128xi32, #tpu.memory_space<hbm>>) target(%arg6 : memref<128xi32, #tpu.memory_space<vmem>>) target_semaphore(%run_scoped3A : memref<!tpu.dma_semaphore, #tpu.memory_space<semaphore_mem>>)
          %dma_wait3A = tpu.memref_slice %arg3[%mul3A_64] : memref<320000xi32, #tpu.memory_space<hbm>> -> memref<128xi32, #tpu.memory_space<hbm>>
          %dma_wait3A_71 = tpu.memref_slice %arg3[%mul3A_64] : memref<320000xi32, #tpu.memory_space<hbm>> -> memref<128xi32, #tpu.memory_space<hbm>>
          tpu.wait_dma2 semaphore(%run_scoped3A : memref<!tpu.dma_semaphore, #tpu.memory_space<semaphore_mem>>) src(%dma_wait3A_71 : memref<128xi32, #tpu.memory_space<hbm>>) dst(%arg6 : memref<128xi32, #tpu.memory_space<vmem>>)
          tpu.yield
        }) : () -> ()
        %dma_start3A_65 = arith.constant 0 : i32
        %dma_start3A_66 = tpu.memref_slice %arg2[%mul3A_64, %dma_start3A_65] : memref<320000x128xf32, #tpu.memory_space<hbm>> -> memref<128x128xf32, #tpu.memory_space<hbm>>
        %dma_start3A_67 = arith.constant 0 : i32
        %dma_start3A_68 = tpu.memref_slice %arg2[%mul3A_64, %dma_start3A_67] : memref<320000x128xf32, #tpu.memory_space<hbm>> -> memref<128x128xf32, #tpu.memory_space<hbm>>
        tpu.enqueue_dma source(%dma_start3A_68 : memref<128x128xf32, #tpu.memory_space<hbm>>) target(%arg8 : memref<128x128xf32, #tpu.memory_space<vmem>>) target_semaphore(%arg10 : memref<!tpu.dma_semaphore, #tpu.memory_space<semaphore_mem>>)
      } else {
      }
      %lt3A_56 = arith.constant 2500 : i32
      %lt3A_57 = arith.cmpi slt, %add3A_48, %lt3A_56 : i32
      %convert_element_type3A_58 = arith.extui %lt3A_57 : i1 to i32
      %cond3A_59 = arith.constant 0 : i32
      %cond3A_60 = arith.cmpi ne, %convert_element_type3A_58, %cond3A_59 : i32
      scf.if %cond3A_60 {
        %mul3A_61 = arith.constant 128 : i32
        %mul3A_62 = arith.muli %add3A_48, %mul3A_61 : i32
        %dma_wait3A = arith.constant 0 : i32
        %dma_wait3A_63 = tpu.memref_slice %arg2[%mul3A_62, %dma_wait3A] : memref<320000x128xf32, #tpu.memory_space<hbm>> -> memref<128x128xf32, #tpu.memory_space<hbm>>
        %dma_wait3A_64 = arith.constant 0 : i32
        %dma_wait3A_65 = tpu.memref_slice %arg2[%mul3A_62, %dma_wait3A_64] : memref<320000x128xf32, #tpu.memory_space<hbm>> -> memref<128x128xf32, #tpu.memory_space<hbm>>
        tpu.wait_dma2 semaphore(%arg11 : memref<!tpu.dma_semaphore, #tpu.memory_space<semaphore_mem>>) src(%dma_wait3A_65 : memref<128x128xf32, #tpu.memory_space<hbm>>) dst(%arg9 : memref<128x128xf32, #tpu.memory_space<vmem>>)
        "tpu.region"() ({
          %run_scoped3A = tpu.sem_alloc : memref<!tpu.dma_semaphore, #tpu.memory_space<semaphore_mem>>
          %dma_start3A_66 = arith.constant 0 : i32
          %dma_start3A_67 = arith.constant 0 : i32
          %dma_start3A_68 = tpu.memref_slice %arg12[%dma_start3A_66, %dma_start3A_67] : memref<10000x128xf32, #tpu.memory_space<vmem_shared>> -> memref<10000x128xf32, #tpu.memory_space<vmem_shared>>
          tpu.enqueue_indirect_dma source(%arg9 : memref<128x128xf32, #tpu.memory_space<vmem>>) target(%dma_start3A_68 : memref<10000x128xf32, #tpu.memory_space<vmem_shared>>) offsets(%arg7 : memref<128xi32, #tpu.memory_space<vmem>>) semaphore(%run_scoped3A : memref<!tpu.dma_semaphore, #tpu.memory_space<semaphore_mem>>) {add = true}
          %dma_wait3A_69 = arith.constant 0 : i32
          %dma_wait3A_70 = arith.constant 0 : i32
          %dma_wait3A_71 = tpu.memref_slice %arg12[%dma_wait3A_69, %dma_wait3A_70] : memref<10000x128xf32, #tpu.memory_space<vmem_shared>> -> memref<10000x128xf32, #tpu.memory_space<vmem_shared>>
          tpu.wait_indirect_dma semaphore(%run_scoped3A : memref<!tpu.dma_semaphore, #tpu.memory_space<semaphore_mem>>) src(%arg9 : memref<128x128xf32, #tpu.memory_space<vmem>>) dst(%dma_wait3A_71 : memref<10000x128xf32, #tpu.memory_space<vmem_shared>>)
          tpu.yield
        }) : () -> ()
      } else {
      }
    }
    %scan3A_14 = arith.constant 40 : i32
    %barrier3A_15 = arith.constant 0 : index
    tpu.barrier barrier_id(%barrier3A_15)
    %mul3A_16 = arith.constant 624 : i32
    %mul3A_17 = arith.muli %arg1, %mul3A_16 : i32
    "tpu.region"() ({
      %run_scoped3A = tpu.sem_alloc : memref<!tpu.dma_semaphore, #tpu.memory_space<semaphore_mem>>
      %dma_start3A_23 = arith.constant 0 : i32
      %dma_start3A_24 = tpu.memref_slice %arg5[%arg0, %mul3A_17, %dma_start3A_23] : memref<2x10000x128xf32, #tpu.memory_space<hbm>> -> memref<1x624x128xf32, #tpu.memory_space<hbm>>
      %dma_start3A_25 = tpu.memref_squeeze %dma_start3A_24 : memref<1x624x128xf32, #tpu.memory_space<hbm>> -> memref<624x128xf32, #tpu.memory_space<hbm>>
      %dma_start3A_26 = arith.constant 0 : i32
      %dma_start3A_27 = tpu.memref_slice %arg12[%mul3A_17, %dma_start3A_26] : memref<10000x128xf32, #tpu.memory_space<vmem_shared>> -> memref<624x128xf32, #tpu.memory_space<vmem_shared>>
      tpu.enqueue_dma source(%dma_start3A_27 : memref<624x128xf32, #tpu.memory_space<vmem_shared>>) target(%dma_start3A_25 : memref<624x128xf32, #tpu.memory_space<hbm>>) target_semaphore(%run_scoped3A : memref<!tpu.dma_semaphore, #tpu.memory_space<semaphore_mem>>)
      %dma_wait3A = arith.constant 0 : i32
      %dma_wait3A_28 = tpu.memref_slice %arg5[%arg0, %mul3A_17, %dma_wait3A] : memref<2x10000x128xf32, #tpu.memory_space<hbm>> -> memref<1x624x128xf32, #tpu.memory_space<hbm>>
      %dma_wait3A_29 = tpu.memref_squeeze %dma_wait3A_28 : memref<1x624x128xf32, #tpu.memory_space<hbm>> -> memref<624x128xf32, #tpu.memory_space<hbm>>
      %dma_wait3A_30 = arith.constant 0 : i32
      %dma_wait3A_31 = tpu.memref_slice %arg12[%mul3A_17, %dma_wait3A_30] : memref<10000x128xf32, #tpu.memory_space<vmem_shared>> -> memref<624x128xf32, #tpu.memory_space<vmem_shared>>
      tpu.wait_dma2 semaphore(%run_scoped3A : memref<!tpu.dma_semaphore, #tpu.memory_space<semaphore_mem>>) src(%dma_wait3A_31 : memref<624x128xf32, #tpu.memory_space<vmem_shared>>) dst(%dma_wait3A_29 : memref<624x128xf32, #tpu.memory_space<hbm>>)
      tpu.yield
    }) : () -> ()
    %eq3A_18 = arith.constant 0 : i32
    %eq3A_19 = arith.cmpi eq, %arg1, %eq3A_18 : i32
    %convert_element_type3A_20 = arith.extui %eq3A_19 : i1 to i32
    %cond3A_21 = arith.constant 0 : i32
    %cond3A_22 = arith.cmpi ne, %convert_element_type3A_20, %cond3A_21 : i32
    scf.if %cond3A_22 {
      "tpu.region"() ({
        %run_scoped3A = tpu.sem_alloc : memref<!tpu.dma_semaphore, #tpu.memory_space<semaphore_mem>>
        %dma_start3A_23 = arith.constant 9984 : i32
        %dma_start3A_24 = arith.constant 0 : i32
        %dma_start3A_25 = tpu.memref_slice %arg5[%arg0, %dma_start3A_23, %dma_start3A_24] : memref<2x10000x128xf32, #tpu.memory_space<hbm>> -> memref<1x16x128xf32, #tpu.memory_space<hbm>>
        %dma_start3A_26 = tpu.memref_squeeze %dma_start3A_25 : memref<1x16x128xf32, #tpu.memory_space<hbm>> -> memref<16x128xf32, #tpu.memory_space<hbm>>
        %dma_start3A_27 = arith.constant 9984 : i32
        %dma_start3A_28 = arith.constant 0 : i32
        %dma_start3A_29 = tpu.memref_slice %arg12[%dma_start3A_27, %dma_start3A_28] : memref<10000x128xf32, #tpu.memory_space<vmem_shared>> -> memref<16x128xf32, #tpu.memory_space<vmem_shared>>
        tpu.enqueue_dma source(%dma_start3A_29 : memref<16x128xf32, #tpu.memory_space<vmem_shared>>) target(%dma_start3A_26 : memref<16x128xf32, #tpu.memory_space<hbm>>) target_semaphore(%run_scoped3A : memref<!tpu.dma_semaphore, #tpu.memory_space<semaphore_mem>>)
        %dma_wait3A = arith.constant 9984 : i32
        %dma_wait3A_30 = arith.constant 0 : i32
        %dma_wait3A_31 = tpu.memref_slice %arg5[%arg0, %dma_wait3A, %dma_wait3A_30] : memref<2x10000x128xf32, #tpu.memory_space<hbm>> -> memref<1x16x128xf32, #tpu.memory_space<hbm>>
        %dma_wait3A_32 = tpu.memref_squeeze %dma_wait3A_31 : memref<1x16x128xf32, #tpu.memory_space<hbm>> -> memref<16x128xf32, #tpu.memory_space<hbm>>
        %dma_wait3A_33 = arith.constant 9984 : i32
        %dma_wait3A_34 = arith.constant 0 : i32
        %dma_wait3A_35 = tpu.memref_slice %arg12[%dma_wait3A_33, %dma_wait3A_34] : memref<10000x128xf32, #tpu.memory_space<vmem_shared>> -> memref<16x128xf32, #tpu.memory_space<vmem_shared>>
        tpu.wait_dma2 semaphore(%run_scoped3A : memref<!tpu.dma_semaphore, #tpu.memory_space<semaphore_mem>>) src(%dma_wait3A_35 : memref<16x128xf32, #tpu.memory_space<vmem_shared>>) dst(%dma_wait3A_32 : memref<16x128xf32, #tpu.memory_space<hbm>>)
        tpu.yield
      }) : () -> ()
    } else {
    }
    return
  }
}

#map = affine_map<(d0, d1) -> (0)>
#map1 = affine_map<(d0, d1) -> (0, 0)>
#map2 = affine_map<(d0, d1) -> (0, 0, 0)>
module attributes {stable_mosaic.version = 14 : i64} {
  func.func @_sc_deg_body(%arg0: i32, %arg1: i32, %arg2: memref<320000xi32, #tpu.memory_space<hbm>>, %arg3: memref<10000x128xf32, #tpu.memory_space<hbm>>, %arg4: memref<128x128xf32, #tpu.memory_space<hbm>>, %arg5: memref<2x10000x128xf32, #tpu.memory_space<hbm>>, %arg6: memref<128xi32, #tpu.memory_space<vmem>>, %arg7: memref<128xi32, #tpu.memory_space<vmem>>, %arg8: memref<128x128xf32, #tpu.memory_space<vmem>>, %arg9: memref<!tpu.dma_semaphore, #tpu.memory_space<semaphore_mem>>, %arg10: memref<!tpu.dma_semaphore, #tpu.memory_space<semaphore_mem>>, %arg11: memref<10000x128xf32, #tpu.memory_space<vmem_shared>>) attributes {dimension_semantics = [#tpu.dimension_semantics<core_parallel>, #tpu.dimension_semantics<subcore_parallel>], iteration_bounds = array<i64: 2, 16>, scalar_prefetch = 0 : i64, scratch_operands = 6 : i64, tpu.core_type = #tpu.core_type<sc_vector_subcore>, window_params = [{transform_indices = #map}, {transform_indices = #map1}, {transform_indices = #map1}, {transform_indices = #map2}]} {
    %mul3A = arith.constant 2 : i32
    %mul3A_0 = arith.muli %arg1, %mul3A : i32
    %add3A = arith.addi %mul3A_0, %arg0 : i32
    %mul3A_1 = arith.constant 624 : i32
    %mul3A_2 = arith.muli %arg1, %mul3A_1 : i32
    "tpu.region"() ({
      %run_scoped3A = tpu.sem_alloc : memref<!tpu.dma_semaphore, #tpu.memory_space<semaphore_mem>>
      %dma_start3A = arith.constant 0 : i32
      %dma_start3A_20 = tpu.memref_slice %arg11[%mul3A_2, %dma_start3A] : memref<10000x128xf32, #tpu.memory_space<vmem_shared>> -> memref<624x128xf32, #tpu.memory_space<vmem_shared>>
      %dma_start3A_21 = arith.constant 0 : i32
      %dma_start3A_22 = tpu.memref_slice %arg3[%mul3A_2, %dma_start3A_21] : memref<10000x128xf32, #tpu.memory_space<hbm>> -> memref<624x128xf32, #tpu.memory_space<hbm>>
      tpu.enqueue_dma source(%dma_start3A_22 : memref<624x128xf32, #tpu.memory_space<hbm>>) target(%dma_start3A_20 : memref<624x128xf32, #tpu.memory_space<vmem_shared>>) target_semaphore(%run_scoped3A : memref<!tpu.dma_semaphore, #tpu.memory_space<semaphore_mem>>)
      %dma_wait3A = arith.constant 0 : i32
      %dma_wait3A_23 = tpu.memref_slice %arg11[%mul3A_2, %dma_wait3A] : memref<10000x128xf32, #tpu.memory_space<vmem_shared>> -> memref<624x128xf32, #tpu.memory_space<vmem_shared>>
      %dma_wait3A_24 = arith.constant 0 : i32
      %dma_wait3A_25 = tpu.memref_slice %arg3[%mul3A_2, %dma_wait3A_24] : memref<10000x128xf32, #tpu.memory_space<hbm>> -> memref<624x128xf32, #tpu.memory_space<hbm>>
      tpu.wait_dma2 semaphore(%run_scoped3A : memref<!tpu.dma_semaphore, #tpu.memory_space<semaphore_mem>>) src(%dma_wait3A_25 : memref<624x128xf32, #tpu.memory_space<hbm>>) dst(%dma_wait3A_23 : memref<624x128xf32, #tpu.memory_space<vmem_shared>>)
      tpu.yield
    }) : () -> ()
    %eq3A = arith.constant 0 : i32
    %eq3A_3 = arith.cmpi eq, %arg1, %eq3A : i32
    %convert_element_type3A = arith.extui %eq3A_3 : i1 to i32
    %cond3A = arith.constant 0 : i32
    %cond3A_4 = arith.cmpi ne, %convert_element_type3A, %cond3A : i32
    scf.if %cond3A_4 {
      "tpu.region"() ({
        %run_scoped3A = tpu.sem_alloc : memref<!tpu.dma_semaphore, #tpu.memory_space<semaphore_mem>>
        %dma_start3A = arith.constant 9984 : i32
        %dma_start3A_20 = arith.constant 0 : i32
        %dma_start3A_21 = tpu.memref_slice %arg11[%dma_start3A, %dma_start3A_20] : memref<10000x128xf32, #tpu.memory_space<vmem_shared>> -> memref<16x128xf32, #tpu.memory_space<vmem_shared>>
        %dma_start3A_22 = arith.constant 9984 : i32
        %dma_start3A_23 = arith.constant 0 : i32
        %dma_start3A_24 = tpu.memref_slice %arg3[%dma_start3A_22, %dma_start3A_23] : memref<10000x128xf32, #tpu.memory_space<hbm>> -> memref<16x128xf32, #tpu.memory_space<hbm>>
        tpu.enqueue_dma source(%dma_start3A_24 : memref<16x128xf32, #tpu.memory_space<hbm>>) target(%dma_start3A_21 : memref<16x128xf32, #tpu.memory_space<vmem_shared>>) target_semaphore(%run_scoped3A : memref<!tpu.dma_semaphore, #tpu.memory_space<semaphore_mem>>)
        %dma_wait3A = arith.constant 9984 : i32
        %dma_wait3A_25 = arith.constant 0 : i32
        %dma_wait3A_26 = tpu.memref_slice %arg11[%dma_wait3A, %dma_wait3A_25] : memref<10000x128xf32, #tpu.memory_space<vmem_shared>> -> memref<16x128xf32, #tpu.memory_space<vmem_shared>>
        %dma_wait3A_27 = arith.constant 9984 : i32
        %dma_wait3A_28 = arith.constant 0 : i32
        %dma_wait3A_29 = tpu.memref_slice %arg3[%dma_wait3A_27, %dma_wait3A_28] : memref<10000x128xf32, #tpu.memory_space<hbm>> -> memref<16x128xf32, #tpu.memory_space<hbm>>
        tpu.wait_dma2 semaphore(%run_scoped3A : memref<!tpu.dma_semaphore, #tpu.memory_space<semaphore_mem>>) src(%dma_wait3A_29 : memref<16x128xf32, #tpu.memory_space<hbm>>) dst(%dma_wait3A_26 : memref<16x128xf32, #tpu.memory_space<vmem_shared>>)
        tpu.yield
      }) : () -> ()
    } else {
    }
    "tpu.region"() ({
      %run_scoped3A = tpu.sem_alloc : memref<!tpu.dma_semaphore, #tpu.memory_space<semaphore_mem>>
      tpu.enqueue_dma source(%arg4 : memref<128x128xf32, #tpu.memory_space<hbm>>) target(%arg8 : memref<128x128xf32, #tpu.memory_space<vmem>>) target_semaphore(%run_scoped3A : memref<!tpu.dma_semaphore, #tpu.memory_space<semaphore_mem>>)
      tpu.wait_dma2 semaphore(%run_scoped3A : memref<!tpu.dma_semaphore, #tpu.memory_space<semaphore_mem>>) src(%arg4 : memref<128x128xf32, #tpu.memory_space<hbm>>) dst(%arg8 : memref<128x128xf32, #tpu.memory_space<vmem>>)
      tpu.yield
    }) : () -> ()
    %mul3A_5 = arith.constant 128 : i32
    %mul3A_6 = arith.muli %add3A, %mul3A_5 : i32
    "tpu.region"() ({
      %run_scoped3A = tpu.sem_alloc : memref<!tpu.dma_semaphore, #tpu.memory_space<semaphore_mem>>
      %dma_start3A = tpu.memref_slice %arg2[%mul3A_6] : memref<320000xi32, #tpu.memory_space<hbm>> -> memref<128xi32, #tpu.memory_space<hbm>>
      %dma_start3A_20 = tpu.memref_slice %arg2[%mul3A_6] : memref<320000xi32, #tpu.memory_space<hbm>> -> memref<128xi32, #tpu.memory_space<hbm>>
      tpu.enqueue_dma source(%dma_start3A_20 : memref<128xi32, #tpu.memory_space<hbm>>) target(%arg6 : memref<128xi32, #tpu.memory_space<vmem>>) target_semaphore(%run_scoped3A : memref<!tpu.dma_semaphore, #tpu.memory_space<semaphore_mem>>)
      %dma_wait3A = tpu.memref_slice %arg2[%mul3A_6] : memref<320000xi32, #tpu.memory_space<hbm>> -> memref<128xi32, #tpu.memory_space<hbm>>
      %dma_wait3A_21 = tpu.memref_slice %arg2[%mul3A_6] : memref<320000xi32, #tpu.memory_space<hbm>> -> memref<128xi32, #tpu.memory_space<hbm>>
      tpu.wait_dma2 semaphore(%run_scoped3A : memref<!tpu.dma_semaphore, #tpu.memory_space<semaphore_mem>>) src(%dma_wait3A_21 : memref<128xi32, #tpu.memory_space<hbm>>) dst(%arg6 : memref<128xi32, #tpu.memory_space<vmem>>)
      tpu.yield
    }) : () -> ()
    %barrier3A = arith.constant 0 : index
    tpu.barrier barrier_id(%barrier3A)
    %scan3A = arith.constant 0 : i32
    %scan3A_7 = arith.constant 0 : i32
    %scan3A_8 = arith.constant 40 : i32
    %scan3A_9 = arith.addi %scan3A_7, %scan3A_8 : i32
    %scan3A_10 = arith.constant 1 : i32
    scf.for %scan3A_20 = %scan3A_7 to %scan3A_9 step %scan3A_10  : i32 {
      %mul3A_21 = arith.constant 2 : i32
      %mul3A_22 = arith.muli %scan3A_20, %mul3A_21 : i32
      %add3A_23 = arith.constant 0 : i32
      %add3A_24 = arith.addi %mul3A_22, %add3A_23 : i32
      %mul3A_25 = arith.constant 32 : i32
      %mul3A_26 = arith.muli %mul3A_25, %add3A_24 : i32
      %add3A_27 = arith.addi %add3A, %mul3A_26 : i32
      %add3A_28 = arith.constant 32 : i32
      %add3A_29 = arith.addi %add3A_27, %add3A_28 : i32
      %lt3A = arith.constant 2500 : i32
      %lt3A_30 = arith.cmpi slt, %add3A_29, %lt3A : i32
      %convert_element_type3A_31 = arith.extui %lt3A_30 : i1 to i32
      %cond3A_32 = arith.constant 0 : i32
      %cond3A_33 = arith.cmpi ne, %convert_element_type3A_31, %cond3A_32 : i32
      scf.if %cond3A_33 {
        %add3A_58 = arith.constant 32 : i32
        %add3A_59 = arith.addi %add3A_27, %add3A_58 : i32
        %mul3A_60 = arith.constant 128 : i32
        %mul3A_61 = arith.muli %add3A_59, %mul3A_60 : i32
        "tpu.region"() ({
          %run_scoped3A = tpu.sem_alloc : memref<!tpu.dma_semaphore, #tpu.memory_space<semaphore_mem>>
          %dma_start3A = tpu.memref_slice %arg2[%mul3A_61] : memref<320000xi32, #tpu.memory_space<hbm>> -> memref<128xi32, #tpu.memory_space<hbm>>
          %dma_start3A_62 = tpu.memref_slice %arg2[%mul3A_61] : memref<320000xi32, #tpu.memory_space<hbm>> -> memref<128xi32, #tpu.memory_space<hbm>>
          tpu.enqueue_dma source(%dma_start3A_62 : memref<128xi32, #tpu.memory_space<hbm>>) target(%arg7 : memref<128xi32, #tpu.memory_space<vmem>>) target_semaphore(%run_scoped3A : memref<!tpu.dma_semaphore, #tpu.memory_space<semaphore_mem>>)
          %dma_wait3A = tpu.memref_slice %arg2[%mul3A_61] : memref<320000xi32, #tpu.memory_space<hbm>> -> memref<128xi32, #tpu.memory_space<hbm>>
          %dma_wait3A_63 = tpu.memref_slice %arg2[%mul3A_61] : memref<320000xi32, #tpu.memory_space<hbm>> -> memref<128xi32, #tpu.memory_space<hbm>>
          tpu.wait_dma2 semaphore(%run_scoped3A : memref<!tpu.dma_semaphore, #tpu.memory_space<semaphore_mem>>) src(%dma_wait3A_63 : memref<128xi32, #tpu.memory_space<hbm>>) dst(%arg7 : memref<128xi32, #tpu.memory_space<vmem>>)
          tpu.yield
        }) : () -> ()
      } else {
      }
      %lt3A_34 = arith.constant 2500 : i32
      %lt3A_35 = arith.cmpi slt, %add3A_27, %lt3A_34 : i32
      %convert_element_type3A_36 = arith.extui %lt3A_35 : i1 to i32
      %cond3A_37 = arith.constant 0 : i32
      %cond3A_38 = arith.cmpi ne, %convert_element_type3A_36, %cond3A_37 : i32
      scf.if %cond3A_38 {
        "tpu.region"() ({
          %run_scoped3A = tpu.sem_alloc : memref<!tpu.dma_semaphore, #tpu.memory_space<semaphore_mem>>
          %dma_start3A = arith.constant 0 : i32
          %dma_start3A_58 = arith.constant 0 : i32
          %dma_start3A_59 = tpu.memref_slice %arg11[%dma_start3A, %dma_start3A_58] : memref<10000x128xf32, #tpu.memory_space<vmem_shared>> -> memref<10000x128xf32, #tpu.memory_space<vmem_shared>>
          tpu.enqueue_indirect_dma source(%arg8 : memref<128x128xf32, #tpu.memory_space<vmem>>) target(%dma_start3A_59 : memref<10000x128xf32, #tpu.memory_space<vmem_shared>>) offsets(%arg6 : memref<128xi32, #tpu.memory_space<vmem>>) semaphore(%run_scoped3A : memref<!tpu.dma_semaphore, #tpu.memory_space<semaphore_mem>>) {add = true}
          %dma_wait3A = arith.constant 0 : i32
          %dma_wait3A_60 = arith.constant 0 : i32
          %dma_wait3A_61 = tpu.memref_slice %arg11[%dma_wait3A, %dma_wait3A_60] : memref<10000x128xf32, #tpu.memory_space<vmem_shared>> -> memref<10000x128xf32, #tpu.memory_space<vmem_shared>>
          tpu.wait_indirect_dma semaphore(%run_scoped3A : memref<!tpu.dma_semaphore, #tpu.memory_space<semaphore_mem>>) src(%arg8 : memref<128x128xf32, #tpu.memory_space<vmem>>) dst(%dma_wait3A_61 : memref<10000x128xf32, #tpu.memory_space<vmem_shared>>)
          tpu.yield
        }) : () -> ()
      } else {
      }
      %mul3A_39 = arith.constant 2 : i32
      %mul3A_40 = arith.muli %scan3A_20, %mul3A_39 : i32
      %add3A_41 = arith.constant 1 : i32
      %add3A_42 = arith.addi %mul3A_40, %add3A_41 : i32
      %mul3A_43 = arith.constant 32 : i32
      %mul3A_44 = arith.muli %mul3A_43, %add3A_42 : i32
      %add3A_45 = arith.addi %add3A, %mul3A_44 : i32
      %add3A_46 = arith.constant 32 : i32
      %add3A_47 = arith.addi %add3A_45, %add3A_46 : i32
      %lt3A_48 = arith.constant 2500 : i32
      %lt3A_49 = arith.cmpi slt, %add3A_47, %lt3A_48 : i32
      %convert_element_type3A_50 = arith.extui %lt3A_49 : i1 to i32
      %cond3A_51 = arith.constant 0 : i32
      %cond3A_52 = arith.cmpi ne, %convert_element_type3A_50, %cond3A_51 : i32
      scf.if %cond3A_52 {
        %add3A_58 = arith.constant 32 : i32
        %add3A_59 = arith.addi %add3A_45, %add3A_58 : i32
        %mul3A_60 = arith.constant 128 : i32
        %mul3A_61 = arith.muli %add3A_59, %mul3A_60 : i32
        "tpu.region"() ({
          %run_scoped3A = tpu.sem_alloc : memref<!tpu.dma_semaphore, #tpu.memory_space<semaphore_mem>>
          %dma_start3A = tpu.memref_slice %arg2[%mul3A_61] : memref<320000xi32, #tpu.memory_space<hbm>> -> memref<128xi32, #tpu.memory_space<hbm>>
          %dma_start3A_62 = tpu.memref_slice %arg2[%mul3A_61] : memref<320000xi32, #tpu.memory_space<hbm>> -> memref<128xi32, #tpu.memory_space<hbm>>
          tpu.enqueue_dma source(%dma_start3A_62 : memref<128xi32, #tpu.memory_space<hbm>>) target(%arg6 : memref<128xi32, #tpu.memory_space<vmem>>) target_semaphore(%run_scoped3A : memref<!tpu.dma_semaphore, #tpu.memory_space<semaphore_mem>>)
          %dma_wait3A = tpu.memref_slice %arg2[%mul3A_61] : memref<320000xi32, #tpu.memory_space<hbm>> -> memref<128xi32, #tpu.memory_space<hbm>>
          %dma_wait3A_63 = tpu.memref_slice %arg2[%mul3A_61] : memref<320000xi32, #tpu.memory_space<hbm>> -> memref<128xi32, #tpu.memory_space<hbm>>
          tpu.wait_dma2 semaphore(%run_scoped3A : memref<!tpu.dma_semaphore, #tpu.memory_space<semaphore_mem>>) src(%dma_wait3A_63 : memref<128xi32, #tpu.memory_space<hbm>>) dst(%arg6 : memref<128xi32, #tpu.memory_space<vmem>>)
          tpu.yield
        }) : () -> ()
      } else {
      }
      %lt3A_53 = arith.constant 2500 : i32
      %lt3A_54 = arith.cmpi slt, %add3A_45, %lt3A_53 : i32
      %convert_element_type3A_55 = arith.extui %lt3A_54 : i1 to i32
      %cond3A_56 = arith.constant 0 : i32
      %cond3A_57 = arith.cmpi ne, %convert_element_type3A_55, %cond3A_56 : i32
      scf.if %cond3A_57 {
        "tpu.region"() ({
          %run_scoped3A = tpu.sem_alloc : memref<!tpu.dma_semaphore, #tpu.memory_space<semaphore_mem>>
          %dma_start3A = arith.constant 0 : i32
          %dma_start3A_58 = arith.constant 0 : i32
          %dma_start3A_59 = tpu.memref_slice %arg11[%dma_start3A, %dma_start3A_58] : memref<10000x128xf32, #tpu.memory_space<vmem_shared>> -> memref<10000x128xf32, #tpu.memory_space<vmem_shared>>
          tpu.enqueue_indirect_dma source(%arg8 : memref<128x128xf32, #tpu.memory_space<vmem>>) target(%dma_start3A_59 : memref<10000x128xf32, #tpu.memory_space<vmem_shared>>) offsets(%arg7 : memref<128xi32, #tpu.memory_space<vmem>>) semaphore(%run_scoped3A : memref<!tpu.dma_semaphore, #tpu.memory_space<semaphore_mem>>) {add = true}
          %dma_wait3A = arith.constant 0 : i32
          %dma_wait3A_60 = arith.constant 0 : i32
          %dma_wait3A_61 = tpu.memref_slice %arg11[%dma_wait3A, %dma_wait3A_60] : memref<10000x128xf32, #tpu.memory_space<vmem_shared>> -> memref<10000x128xf32, #tpu.memory_space<vmem_shared>>
          tpu.wait_indirect_dma semaphore(%run_scoped3A : memref<!tpu.dma_semaphore, #tpu.memory_space<semaphore_mem>>) src(%arg8 : memref<128x128xf32, #tpu.memory_space<vmem>>) dst(%dma_wait3A_61 : memref<10000x128xf32, #tpu.memory_space<vmem_shared>>)
          tpu.yield
        }) : () -> ()
      } else {
      }
    }
    %scan3A_11 = arith.constant 40 : i32
    %barrier3A_12 = arith.constant 0 : index
    tpu.barrier barrier_id(%barrier3A_12)
    %mul3A_13 = arith.constant 624 : i32
    %mul3A_14 = arith.muli %arg1, %mul3A_13 : i32
    "tpu.region"() ({
      %run_scoped3A = tpu.sem_alloc : memref<!tpu.dma_semaphore, #tpu.memory_space<semaphore_mem>>
      %dma_start3A = arith.constant 0 : i32
      %dma_start3A_20 = tpu.memref_slice %arg5[%arg0, %mul3A_14, %dma_start3A] : memref<2x10000x128xf32, #tpu.memory_space<hbm>> -> memref<1x624x128xf32, #tpu.memory_space<hbm>>
      %dma_start3A_21 = tpu.memref_squeeze %dma_start3A_20 : memref<1x624x128xf32, #tpu.memory_space<hbm>> -> memref<624x128xf32, #tpu.memory_space<hbm>>
      %dma_start3A_22 = arith.constant 0 : i32
      %dma_start3A_23 = tpu.memref_slice %arg11[%mul3A_14, %dma_start3A_22] : memref<10000x128xf32, #tpu.memory_space<vmem_shared>> -> memref<624x128xf32, #tpu.memory_space<vmem_shared>>
      tpu.enqueue_dma source(%dma_start3A_23 : memref<624x128xf32, #tpu.memory_space<vmem_shared>>) target(%dma_start3A_21 : memref<624x128xf32, #tpu.memory_space<hbm>>) target_semaphore(%run_scoped3A : memref<!tpu.dma_semaphore, #tpu.memory_space<semaphore_mem>>)
      %dma_wait3A = arith.constant 0 : i32
      %dma_wait3A_24 = tpu.memref_slice %arg5[%arg0, %mul3A_14, %dma_wait3A] : memref<2x10000x128xf32, #tpu.memory_space<hbm>> -> memref<1x624x128xf32, #tpu.memory_space<hbm>>
      %dma_wait3A_25 = tpu.memref_squeeze %dma_wait3A_24 : memref<1x624x128xf32, #tpu.memory_space<hbm>> -> memref<624x128xf32, #tpu.memory_space<hbm>>
      %dma_wait3A_26 = arith.constant 0 : i32
      %dma_wait3A_27 = tpu.memref_slice %arg11[%mul3A_14, %dma_wait3A_26] : memref<10000x128xf32, #tpu.memory_space<vmem_shared>> -> memref<624x128xf32, #tpu.memory_space<vmem_shared>>
      tpu.wait_dma2 semaphore(%run_scoped3A : memref<!tpu.dma_semaphore, #tpu.memory_space<semaphore_mem>>) src(%dma_wait3A_27 : memref<624x128xf32, #tpu.memory_space<vmem_shared>>) dst(%dma_wait3A_25 : memref<624x128xf32, #tpu.memory_space<hbm>>)
      tpu.yield
    }) : () -> ()
    %eq3A_15 = arith.constant 0 : i32
    %eq3A_16 = arith.cmpi eq, %arg1, %eq3A_15 : i32
    %convert_element_type3A_17 = arith.extui %eq3A_16 : i1 to i32
    %cond3A_18 = arith.constant 0 : i32
    %cond3A_19 = arith.cmpi ne, %convert_element_type3A_17, %cond3A_18 : i32
    scf.if %cond3A_19 {
      "tpu.region"() ({
        %run_scoped3A = tpu.sem_alloc : memref<!tpu.dma_semaphore, #tpu.memory_space<semaphore_mem>>
        %dma_start3A = arith.constant 9984 : i32
        %dma_start3A_20 = arith.constant 0 : i32
        %dma_start3A_21 = tpu.memref_slice %arg5[%arg0, %dma_start3A, %dma_start3A_20] : memref<2x10000x128xf32, #tpu.memory_space<hbm>> -> memref<1x16x128xf32, #tpu.memory_space<hbm>>
        %dma_start3A_22 = tpu.memref_squeeze %dma_start3A_21 : memref<1x16x128xf32, #tpu.memory_space<hbm>> -> memref<16x128xf32, #tpu.memory_space<hbm>>
        %dma_start3A_23 = arith.constant 9984 : i32
        %dma_start3A_24 = arith.constant 0 : i32
        %dma_start3A_25 = tpu.memref_slice %arg11[%dma_start3A_23, %dma_start3A_24] : memref<10000x128xf32, #tpu.memory_space<vmem_shared>> -> memref<16x128xf32, #tpu.memory_space<vmem_shared>>
        tpu.enqueue_dma source(%dma_start3A_25 : memref<16x128xf32, #tpu.memory_space<vmem_shared>>) target(%dma_start3A_22 : memref<16x128xf32, #tpu.memory_space<hbm>>) target_semaphore(%run_scoped3A : memref<!tpu.dma_semaphore, #tpu.memory_space<semaphore_mem>>)
        %dma_wait3A = arith.constant 9984 : i32
        %dma_wait3A_26 = arith.constant 0 : i32
        %dma_wait3A_27 = tpu.memref_slice %arg5[%arg0, %dma_wait3A, %dma_wait3A_26] : memref<2x10000x128xf32, #tpu.memory_space<hbm>> -> memref<1x16x128xf32, #tpu.memory_space<hbm>>
        %dma_wait3A_28 = tpu.memref_squeeze %dma_wait3A_27 : memref<1x16x128xf32, #tpu.memory_space<hbm>> -> memref<16x128xf32, #tpu.memory_space<hbm>>
        %dma_wait3A_29 = arith.constant 9984 : i32
        %dma_wait3A_30 = arith.constant 0 : i32
        %dma_wait3A_31 = tpu.memref_slice %arg11[%dma_wait3A_29, %dma_wait3A_30] : memref<10000x128xf32, #tpu.memory_space<vmem_shared>> -> memref<16x128xf32, #tpu.memory_space<vmem_shared>>
        tpu.wait_dma2 semaphore(%run_scoped3A : memref<!tpu.dma_semaphore, #tpu.memory_space<semaphore_mem>>) src(%dma_wait3A_31 : memref<16x128xf32, #tpu.memory_space<vmem_shared>>) dst(%dma_wait3A_28 : memref<16x128xf32, #tpu.memory_space<hbm>>)
        tpu.yield
      }) : () -> ()
    } else {
    }
    return
  }
}

#map = affine_map<(d0, d1) -> (0, 0)>
#map1 = affine_map<(d0, d1) -> (0)>
#map2 = affine_map<(d0, d1) -> (0, 0, 0)>
module attributes {stable_mosaic.version = 14 : i64} {
  func.func @_sc_edge_body(%arg0: i32, %arg1: i32, %arg2: memref<10000x128xf32, #tpu.memory_space<hbm>>, %arg3: memref<320000x128xf32, #tpu.memory_space<hbm>>, %arg4: memref<320000xi32, #tpu.memory_space<hbm>>, %arg5: memref<320000xi32, #tpu.memory_space<hbm>>, %arg6: memref<10000x128xf32, #tpu.memory_space<hbm>>, %arg7: memref<2x10000x128xf32, #tpu.memory_space<hbm>>, %arg8: memref<80xi32, #tpu.memory_space<vmem>>, %arg9: memref<80xi32, #tpu.memory_space<vmem>>, %arg10: memref<80xi32, #tpu.memory_space<vmem>>, %arg11: memref<80xi32, #tpu.memory_space<vmem>>, %arg12: memref<80x128xf32, #tpu.memory_space<vmem>>, %arg13: memref<80x128xf32, #tpu.memory_space<vmem>>, %arg14: memref<80x128xf32, #tpu.memory_space<vmem>>, %arg15: memref<80x128xf32, #tpu.memory_space<vmem>>, %arg16: memref<!tpu.dma_semaphore, #tpu.memory_space<semaphore_mem>>, %arg17: memref<!tpu.dma_semaphore, #tpu.memory_space<semaphore_mem>>, %arg18: memref<!tpu.dma_semaphore, #tpu.memory_space<semaphore_mem>>, %arg19: memref<!tpu.dma_semaphore, #tpu.memory_space<semaphore_mem>>, %arg20: memref<10000x128xf32, #tpu.memory_space<vmem_shared>>) attributes {dimension_semantics = [#tpu.dimension_semantics<core_parallel>, #tpu.dimension_semantics<subcore_parallel>], iteration_bounds = array<i64: 2, 16>, scalar_prefetch = 0 : i64, scratch_operands = 13 : i64, tpu.core_type = #tpu.core_type<sc_vector_subcore>, window_params = [{transform_indices = #map}, {transform_indices = #map}, {transform_indices = #map1}, {transform_indices = #map1}, {transform_indices = #map}, {transform_indices = #map2}]} {
    %mul3A = arith.constant 2 : i32
    %mul3A_0 = arith.muli %arg1, %mul3A : i32
    %add3A = arith.addi %mul3A_0, %arg0 : i32
    %mul3A_1 = arith.constant 624 : i32
    %mul3A_2 = arith.muli %arg1, %mul3A_1 : i32
    "tpu.region"() ({
      %run_scoped3A = tpu.sem_alloc : memref<!tpu.dma_semaphore, #tpu.memory_space<semaphore_mem>>
      %dma_start3A_26 = arith.constant 0 : i32
      %dma_start3A_27 = tpu.memref_slice %arg20[%mul3A_2, %dma_start3A_26] : memref<10000x128xf32, #tpu.memory_space<vmem_shared>> -> memref<624x128xf32, #tpu.memory_space<vmem_shared>>
      %dma_start3A_28 = arith.constant 0 : i32
      %dma_start3A_29 = tpu.memref_slice %arg6[%mul3A_2, %dma_start3A_28] : memref<10000x128xf32, #tpu.memory_space<hbm>> -> memref<624x128xf32, #tpu.memory_space<hbm>>
      tpu.enqueue_dma source(%dma_start3A_29 : memref<624x128xf32, #tpu.memory_space<hbm>>) target(%dma_start3A_27 : memref<624x128xf32, #tpu.memory_space<vmem_shared>>) target_semaphore(%run_scoped3A : memref<!tpu.dma_semaphore, #tpu.memory_space<semaphore_mem>>)
      %dma_wait3A = arith.constant 0 : i32
      %dma_wait3A_30 = tpu.memref_slice %arg20[%mul3A_2, %dma_wait3A] : memref<10000x128xf32, #tpu.memory_space<vmem_shared>> -> memref<624x128xf32, #tpu.memory_space<vmem_shared>>
      %dma_wait3A_31 = arith.constant 0 : i32
      %dma_wait3A_32 = tpu.memref_slice %arg6[%mul3A_2, %dma_wait3A_31] : memref<10000x128xf32, #tpu.memory_space<hbm>> -> memref<624x128xf32, #tpu.memory_space<hbm>>
      tpu.wait_dma2 semaphore(%run_scoped3A : memref<!tpu.dma_semaphore, #tpu.memory_space<semaphore_mem>>) src(%dma_wait3A_32 : memref<624x128xf32, #tpu.memory_space<hbm>>) dst(%dma_wait3A_30 : memref<624x128xf32, #tpu.memory_space<vmem_shared>>)
      tpu.yield
    }) : () -> ()
    %eq3A = arith.constant 0 : i32
    %eq3A_3 = arith.cmpi eq, %arg1, %eq3A : i32
    %convert_element_type3A = arith.extui %eq3A_3 : i1 to i32
    %cond3A = arith.constant 0 : i32
    %cond3A_4 = arith.cmpi ne, %convert_element_type3A, %cond3A : i32
    scf.if %cond3A_4 {
      "tpu.region"() ({
        %run_scoped3A = tpu.sem_alloc : memref<!tpu.dma_semaphore, #tpu.memory_space<semaphore_mem>>
        %dma_start3A_26 = arith.constant 9984 : i32
        %dma_start3A_27 = arith.constant 0 : i32
        %dma_start3A_28 = tpu.memref_slice %arg20[%dma_start3A_26, %dma_start3A_27] : memref<10000x128xf32, #tpu.memory_space<vmem_shared>> -> memref<16x128xf32, #tpu.memory_space<vmem_shared>>
        %dma_start3A_29 = arith.constant 9984 : i32
        %dma_start3A_30 = arith.constant 0 : i32
        %dma_start3A_31 = tpu.memref_slice %arg6[%dma_start3A_29, %dma_start3A_30] : memref<10000x128xf32, #tpu.memory_space<hbm>> -> memref<16x128xf32, #tpu.memory_space<hbm>>
        tpu.enqueue_dma source(%dma_start3A_31 : memref<16x128xf32, #tpu.memory_space<hbm>>) target(%dma_start3A_28 : memref<16x128xf32, #tpu.memory_space<vmem_shared>>) target_semaphore(%run_scoped3A : memref<!tpu.dma_semaphore, #tpu.memory_space<semaphore_mem>>)
        %dma_wait3A = arith.constant 9984 : i32
        %dma_wait3A_32 = arith.constant 0 : i32
        %dma_wait3A_33 = tpu.memref_slice %arg20[%dma_wait3A, %dma_wait3A_32] : memref<10000x128xf32, #tpu.memory_space<vmem_shared>> -> memref<16x128xf32, #tpu.memory_space<vmem_shared>>
        %dma_wait3A_34 = arith.constant 9984 : i32
        %dma_wait3A_35 = arith.constant 0 : i32
        %dma_wait3A_36 = tpu.memref_slice %arg6[%dma_wait3A_34, %dma_wait3A_35] : memref<10000x128xf32, #tpu.memory_space<hbm>> -> memref<16x128xf32, #tpu.memory_space<hbm>>
        tpu.wait_dma2 semaphore(%run_scoped3A : memref<!tpu.dma_semaphore, #tpu.memory_space<semaphore_mem>>) src(%dma_wait3A_36 : memref<16x128xf32, #tpu.memory_space<hbm>>) dst(%dma_wait3A_33 : memref<16x128xf32, #tpu.memory_space<vmem_shared>>)
        tpu.yield
      }) : () -> ()
    } else {
    }
    %mul3A_5 = arith.constant 80 : i32
    %mul3A_6 = arith.muli %add3A, %mul3A_5 : i32
    "tpu.region"() ({
      %run_scoped3A = tpu.sem_alloc : memref<!tpu.dma_semaphore, #tpu.memory_space<semaphore_mem>>
      %dma_start3A_26 = tpu.memref_slice %arg4[%mul3A_6] : memref<320000xi32, #tpu.memory_space<hbm>> -> memref<80xi32, #tpu.memory_space<hbm>>
      %dma_start3A_27 = tpu.memref_slice %arg4[%mul3A_6] : memref<320000xi32, #tpu.memory_space<hbm>> -> memref<80xi32, #tpu.memory_space<hbm>>
      tpu.enqueue_dma source(%dma_start3A_27 : memref<80xi32, #tpu.memory_space<hbm>>) target(%arg8 : memref<80xi32, #tpu.memory_space<vmem>>) target_semaphore(%run_scoped3A : memref<!tpu.dma_semaphore, #tpu.memory_space<semaphore_mem>>)
      %dma_wait3A = tpu.memref_slice %arg4[%mul3A_6] : memref<320000xi32, #tpu.memory_space<hbm>> -> memref<80xi32, #tpu.memory_space<hbm>>
      %dma_wait3A_28 = tpu.memref_slice %arg4[%mul3A_6] : memref<320000xi32, #tpu.memory_space<hbm>> -> memref<80xi32, #tpu.memory_space<hbm>>
      tpu.wait_dma2 semaphore(%run_scoped3A : memref<!tpu.dma_semaphore, #tpu.memory_space<semaphore_mem>>) src(%dma_wait3A_28 : memref<80xi32, #tpu.memory_space<hbm>>) dst(%arg8 : memref<80xi32, #tpu.memory_space<vmem>>)
      tpu.yield
    }) : () -> ()
    "tpu.region"() ({
      %run_scoped3A = tpu.sem_alloc : memref<!tpu.dma_semaphore, #tpu.memory_space<semaphore_mem>>
      %dma_start3A_26 = tpu.memref_slice %arg5[%mul3A_6] : memref<320000xi32, #tpu.memory_space<hbm>> -> memref<80xi32, #tpu.memory_space<hbm>>
      %dma_start3A_27 = tpu.memref_slice %arg5[%mul3A_6] : memref<320000xi32, #tpu.memory_space<hbm>> -> memref<80xi32, #tpu.memory_space<hbm>>
      tpu.enqueue_dma source(%dma_start3A_27 : memref<80xi32, #tpu.memory_space<hbm>>) target(%arg10 : memref<80xi32, #tpu.memory_space<vmem>>) target_semaphore(%run_scoped3A : memref<!tpu.dma_semaphore, #tpu.memory_space<semaphore_mem>>)
      %dma_wait3A = tpu.memref_slice %arg5[%mul3A_6] : memref<320000xi32, #tpu.memory_space<hbm>> -> memref<80xi32, #tpu.memory_space<hbm>>
      %dma_wait3A_28 = tpu.memref_slice %arg5[%mul3A_6] : memref<320000xi32, #tpu.memory_space<hbm>> -> memref<80xi32, #tpu.memory_space<hbm>>
      tpu.wait_dma2 semaphore(%run_scoped3A : memref<!tpu.dma_semaphore, #tpu.memory_space<semaphore_mem>>) src(%dma_wait3A_28 : memref<80xi32, #tpu.memory_space<hbm>>) dst(%arg10 : memref<80xi32, #tpu.memory_space<vmem>>)
      tpu.yield
    }) : () -> ()
    %dma_start3A = arith.constant 0 : i32
    %dma_start3A_7 = arith.constant 0 : i32
    %dma_start3A_8 = tpu.memref_slice %arg2[%dma_start3A, %dma_start3A_7] : memref<10000x128xf32, #tpu.memory_space<hbm>> -> memref<10000x128xf32, #tpu.memory_space<hbm>>
    tpu.enqueue_indirect_dma source(%dma_start3A_8 : memref<10000x128xf32, #tpu.memory_space<hbm>>) target(%arg12 : memref<80x128xf32, #tpu.memory_space<vmem>>) offsets(%arg8 : memref<80xi32, #tpu.memory_space<vmem>>) semaphore(%arg16 : memref<!tpu.dma_semaphore, #tpu.memory_space<semaphore_mem>>)
    %dma_start3A_9 = arith.constant 0 : i32
    %dma_start3A_10 = tpu.memref_slice %arg3[%mul3A_6, %dma_start3A_9] : memref<320000x128xf32, #tpu.memory_space<hbm>> -> memref<80x128xf32, #tpu.memory_space<hbm>>
    %dma_start3A_11 = arith.constant 0 : i32
    %dma_start3A_12 = tpu.memref_slice %arg3[%mul3A_6, %dma_start3A_11] : memref<320000x128xf32, #tpu.memory_space<hbm>> -> memref<80x128xf32, #tpu.memory_space<hbm>>
    tpu.enqueue_dma source(%dma_start3A_12 : memref<80x128xf32, #tpu.memory_space<hbm>>) target(%arg14 : memref<80x128xf32, #tpu.memory_space<vmem>>) target_semaphore(%arg18 : memref<!tpu.dma_semaphore, #tpu.memory_space<semaphore_mem>>)
    %barrier3A = arith.constant 0 : index
    tpu.barrier barrier_id(%barrier3A)
    %scan3A = arith.constant 0 : i32
    %scan3A_13 = arith.constant 0 : i32
    %scan3A_14 = arith.constant 63 : i32
    %scan3A_15 = arith.addi %scan3A_13, %scan3A_14 : i32
    %scan3A_16 = arith.constant 1 : i32
    scf.for %scan3A_26 = %scan3A_13 to %scan3A_15 step %scan3A_16  : i32 {
      %mul3A_27 = arith.constant 2 : i32
      %mul3A_28 = arith.muli %scan3A_26, %mul3A_27 : i32
      %add3A_29 = arith.constant 0 : i32
      %add3A_30 = arith.addi %mul3A_28, %add3A_29 : i32
      %mul3A_31 = arith.constant 32 : i32
      %mul3A_32 = arith.muli %mul3A_31, %add3A_30 : i32
      %add3A_33 = arith.addi %add3A, %mul3A_32 : i32
      %add3A_34 = arith.constant 32 : i32
      %add3A_35 = arith.addi %add3A_33, %add3A_34 : i32
      %lt3A = arith.constant 4000 : i32
      %lt3A_36 = arith.cmpi slt, %add3A_35, %lt3A : i32
      %convert_element_type3A_37 = arith.extui %lt3A_36 : i1 to i32
      %cond3A_38 = arith.constant 0 : i32
      %cond3A_39 = arith.cmpi ne, %convert_element_type3A_37, %cond3A_38 : i32
      scf.if %cond3A_39 {
        %add3A_64 = arith.constant 32 : i32
        %add3A_65 = arith.addi %add3A_33, %add3A_64 : i32
        %mul3A_66 = arith.constant 80 : i32
        %mul3A_67 = arith.muli %add3A_65, %mul3A_66 : i32
        "tpu.region"() ({
          %run_scoped3A = tpu.sem_alloc : memref<!tpu.dma_semaphore, #tpu.memory_space<semaphore_mem>>
          %dma_start3A_75 = tpu.memref_slice %arg4[%mul3A_67] : memref<320000xi32, #tpu.memory_space<hbm>> -> memref<80xi32, #tpu.memory_space<hbm>>
          %dma_start3A_76 = tpu.memref_slice %arg4[%mul3A_67] : memref<320000xi32, #tpu.memory_space<hbm>> -> memref<80xi32, #tpu.memory_space<hbm>>
          tpu.enqueue_dma source(%dma_start3A_76 : memref<80xi32, #tpu.memory_space<hbm>>) target(%arg9 : memref<80xi32, #tpu.memory_space<vmem>>) target_semaphore(%run_scoped3A : memref<!tpu.dma_semaphore, #tpu.memory_space<semaphore_mem>>)
          %dma_wait3A = tpu.memref_slice %arg4[%mul3A_67] : memref<320000xi32, #tpu.memory_space<hbm>> -> memref<80xi32, #tpu.memory_space<hbm>>
          %dma_wait3A_77 = tpu.memref_slice %arg4[%mul3A_67] : memref<320000xi32, #tpu.memory_space<hbm>> -> memref<80xi32, #tpu.memory_space<hbm>>
          tpu.wait_dma2 semaphore(%run_scoped3A : memref<!tpu.dma_semaphore, #tpu.memory_space<semaphore_mem>>) src(%dma_wait3A_77 : memref<80xi32, #tpu.memory_space<hbm>>) dst(%arg9 : memref<80xi32, #tpu.memory_space<vmem>>)
          tpu.yield
        }) : () -> ()
        "tpu.region"() ({
          %run_scoped3A = tpu.sem_alloc : memref<!tpu.dma_semaphore, #tpu.memory_space<semaphore_mem>>
          %dma_start3A_75 = tpu.memref_slice %arg5[%mul3A_67] : memref<320000xi32, #tpu.memory_space<hbm>> -> memref<80xi32, #tpu.memory_space<hbm>>
          %dma_start3A_76 = tpu.memref_slice %arg5[%mul3A_67] : memref<320000xi32, #tpu.memory_space<hbm>> -> memref<80xi32, #tpu.memory_space<hbm>>
          tpu.enqueue_dma source(%dma_start3A_76 : memref<80xi32, #tpu.memory_space<hbm>>) target(%arg11 : memref<80xi32, #tpu.memory_space<vmem>>) target_semaphore(%run_scoped3A : memref<!tpu.dma_semaphore, #tpu.memory_space<semaphore_mem>>)
          %dma_wait3A = tpu.memref_slice %arg5[%mul3A_67] : memref<320000xi32, #tpu.memory_space<hbm>> -> memref<80xi32, #tpu.memory_space<hbm>>
          %dma_wait3A_77 = tpu.memref_slice %arg5[%mul3A_67] : memref<320000xi32, #tpu.memory_space<hbm>> -> memref<80xi32, #tpu.memory_space<hbm>>
          tpu.wait_dma2 semaphore(%run_scoped3A : memref<!tpu.dma_semaphore, #tpu.memory_space<semaphore_mem>>) src(%dma_wait3A_77 : memref<80xi32, #tpu.memory_space<hbm>>) dst(%arg11 : memref<80xi32, #tpu.memory_space<vmem>>)
          tpu.yield
        }) : () -> ()
        %dma_start3A_68 = arith.constant 0 : i32
        %dma_start3A_69 = arith.constant 0 : i32
        %dma_start3A_70 = tpu.memref_slice %arg2[%dma_start3A_68, %dma_start3A_69] : memref<10000x128xf32, #tpu.memory_space<hbm>> -> memref<10000x128xf32, #tpu.memory_space<hbm>>
        tpu.enqueue_indirect_dma source(%dma_start3A_70 : memref<10000x128xf32, #tpu.memory_space<hbm>>) target(%arg13 : memref<80x128xf32, #tpu.memory_space<vmem>>) offsets(%arg9 : memref<80xi32, #tpu.memory_space<vmem>>) semaphore(%arg17 : memref<!tpu.dma_semaphore, #tpu.memory_space<semaphore_mem>>)
        %dma_start3A_71 = arith.constant 0 : i32
        %dma_start3A_72 = tpu.memref_slice %arg3[%mul3A_67, %dma_start3A_71] : memref<320000x128xf32, #tpu.memory_space<hbm>> -> memref<80x128xf32, #tpu.memory_space<hbm>>
        %dma_start3A_73 = arith.constant 0 : i32
        %dma_start3A_74 = tpu.memref_slice %arg3[%mul3A_67, %dma_start3A_73] : memref<320000x128xf32, #tpu.memory_space<hbm>> -> memref<80x128xf32, #tpu.memory_space<hbm>>
        tpu.enqueue_dma source(%dma_start3A_74 : memref<80x128xf32, #tpu.memory_space<hbm>>) target(%arg15 : memref<80x128xf32, #tpu.memory_space<vmem>>) target_semaphore(%arg19 : memref<!tpu.dma_semaphore, #tpu.memory_space<semaphore_mem>>)
      } else {
      }
      %lt3A_40 = arith.constant 4000 : i32
      %lt3A_41 = arith.cmpi slt, %add3A_33, %lt3A_40 : i32
      %convert_element_type3A_42 = arith.extui %lt3A_41 : i1 to i32
      %cond3A_43 = arith.constant 0 : i32
      %cond3A_44 = arith.cmpi ne, %convert_element_type3A_42, %cond3A_43 : i32
      scf.if %cond3A_44 {
        %mul3A_64 = arith.constant 80 : i32
        %mul3A_65 = arith.muli %add3A_33, %mul3A_64 : i32
        %dma_wait3A = arith.constant 0 : i32
        %dma_wait3A_66 = arith.constant 0 : i32
        %dma_wait3A_67 = tpu.memref_slice %arg2[%dma_wait3A, %dma_wait3A_66] : memref<10000x128xf32, #tpu.memory_space<hbm>> -> memref<10000x128xf32, #tpu.memory_space<hbm>>
        tpu.wait_indirect_dma semaphore(%arg16 : memref<!tpu.dma_semaphore, #tpu.memory_space<semaphore_mem>>) src(%dma_wait3A_67 : memref<10000x128xf32, #tpu.memory_space<hbm>>) dst(%arg12 : memref<80x128xf32, #tpu.memory_space<vmem>>)
        %dma_wait3A_68 = arith.constant 0 : i32
        %dma_wait3A_69 = tpu.memref_slice %arg3[%mul3A_65, %dma_wait3A_68] : memref<320000x128xf32, #tpu.memory_space<hbm>> -> memref<80x128xf32, #tpu.memory_space<hbm>>
        %dma_wait3A_70 = arith.constant 0 : i32
        %dma_wait3A_71 = tpu.memref_slice %arg3[%mul3A_65, %dma_wait3A_70] : memref<320000x128xf32, #tpu.memory_space<hbm>> -> memref<80x128xf32, #tpu.memory_space<hbm>>
        tpu.wait_dma2 semaphore(%arg18 : memref<!tpu.dma_semaphore, #tpu.memory_space<semaphore_mem>>) src(%dma_wait3A_71 : memref<80x128xf32, #tpu.memory_space<hbm>>) dst(%arg14 : memref<80x128xf32, #tpu.memory_space<vmem>>)
        %scan3A_72 = arith.constant 0 : i32
        %scan3A_73 = arith.constant 0 : i32
        %scan3A_74 = arith.constant 80 : i32
        %scan3A_75 = arith.addi %scan3A_73, %scan3A_74 : i32
        %scan3A_76 = arith.constant 1 : i32
        scf.for %scan3A_78 = %scan3A_73 to %scan3A_75 step %scan3A_76  : i32 {
          %get3A = arith.index_cast %scan3A_78 : i32 to index
          %get3A_79 = arith.constant 0 : index
          %get3A_80 = tpu.vector_load %arg14[%get3A, %get3A_79] {strides = array<i32>} : memref<80x128xf32, #tpu.memory_space<vmem>>, vector<1x16xf32>,
          %get3A_81 = vector.shape_cast %get3A_80 : vector<1x16xf32> to vector<16xf32>
          %get3A_82 = arith.index_cast %scan3A_78 : i32 to index
          %get3A_83 = arith.constant 0 : index
          %get3A_84 = tpu.vector_load %arg12[%get3A_82, %get3A_83] {strides = array<i32>} : memref<80x128xf32, #tpu.memory_space<vmem>>, vector<1x16xf32>,
          %get3A_85 = vector.shape_cast %get3A_84 : vector<1x16xf32> to vector<16xf32>
          %add3A_86 = arith.addf %get3A_81, %get3A_85 : vector<16xf32>
          %max3A = arith.constant 0.000000e+00 : f32
          %max3A_87 = vector.broadcast %max3A : f32 to vector<16xf32>
          %max3A_88 = arith.maximumf %add3A_86, %max3A_87 : vector<16xf32>
          %swap3A = arith.index_cast %scan3A_78 : i32 to index
          %swap3A_89 = arith.constant 0 : index
          %swap3A_90 = tpu.vector_load %arg14[%swap3A, %swap3A_89] {strides = array<i32>} : memref<80x128xf32, #tpu.memory_space<vmem>>, vector<1x16xf32>,
          %swap3A_91 = vector.shape_cast %swap3A_90 : vector<1x16xf32> to vector<16xf32>
          %swap3A_92 = vector.shape_cast %max3A_88 : vector<16xf32> to vector<1x16xf32>
          tpu.vector_store %arg14[%swap3A, %swap3A_89], %swap3A_92 {strides = array<i32>} : memref<80x128xf32, #tpu.memory_space<vmem>>, vector<1x16xf32>,
          %get3A_93 = arith.index_cast %scan3A_78 : i32 to index
          %get3A_94 = arith.constant 16 : index
          %get3A_95 = tpu.vector_load %arg14[%get3A_93, %get3A_94] {strides = array<i32>} : memref<80x128xf32, #tpu.memory_space<vmem>>, vector<1x16xf32>,
          %get3A_96 = vector.shape_cast %get3A_95 : vector<1x16xf32> to vector<16xf32>
          %get3A_97 = arith.index_cast %scan3A_78 : i32 to index
          %get3A_98 = arith.constant 16 : index
          %get3A_99 = tpu.vector_load %arg12[%get3A_97, %get3A_98] {strides = array<i32>} : memref<80x128xf32, #tpu.memory_space<vmem>>, vector<1x16xf32>,
          %get3A_100 = vector.shape_cast %get3A_99 : vector<1x16xf32> to vector<16xf32>
          %add3A_101 = arith.addf %get3A_96, %get3A_100 : vector<16xf32>
          %max3A_102 = arith.constant 0.000000e+00 : f32
          %max3A_103 = vector.broadcast %max3A_102 : f32 to vector<16xf32>
          %max3A_104 = arith.maximumf %add3A_101, %max3A_103 : vector<16xf32>
          %swap3A_105 = arith.index_cast %scan3A_78 : i32 to index
          %swap3A_106 = arith.constant 16 : index
          %swap3A_107 = tpu.vector_load %arg14[%swap3A_105, %swap3A_106] {strides = array<i32>} : memref<80x128xf32, #tpu.memory_space<vmem>>, vector<1x16xf32>,
          %swap3A_108 = vector.shape_cast %swap3A_107 : vector<1x16xf32> to vector<16xf32>
          %swap3A_109 = vector.shape_cast %max3A_104 : vector<16xf32> to vector<1x16xf32>
          tpu.vector_store %arg14[%swap3A_105, %swap3A_106], %swap3A_109 {strides = array<i32>} : memref<80x128xf32, #tpu.memory_space<vmem>>, vector<1x16xf32>,
          %get3A_110 = arith.index_cast %scan3A_78 : i32 to index
          %get3A_111 = arith.constant 32 : index
          %get3A_112 = tpu.vector_load %arg14[%get3A_110, %get3A_111] {strides = array<i32>} : memref<80x128xf32, #tpu.memory_space<vmem>>, vector<1x16xf32>,
          %get3A_113 = vector.shape_cast %get3A_112 : vector<1x16xf32> to vector<16xf32>
          %get3A_114 = arith.index_cast %scan3A_78 : i32 to index
          %get3A_115 = arith.constant 32 : index
          %get3A_116 = tpu.vector_load %arg12[%get3A_114, %get3A_115] {strides = array<i32>} : memref<80x128xf32, #tpu.memory_space<vmem>>, vector<1x16xf32>,
          %get3A_117 = vector.shape_cast %get3A_116 : vector<1x16xf32> to vector<16xf32>
          %add3A_118 = arith.addf %get3A_113, %get3A_117 : vector<16xf32>
          %max3A_119 = arith.constant 0.000000e+00 : f32
          %max3A_120 = vector.broadcast %max3A_119 : f32 to vector<16xf32>
          %max3A_121 = arith.maximumf %add3A_118, %max3A_120 : vector<16xf32>
          %swap3A_122 = arith.index_cast %scan3A_78 : i32 to index
          %swap3A_123 = arith.constant 32 : index
          %swap3A_124 = tpu.vector_load %arg14[%swap3A_122, %swap3A_123] {strides = array<i32>} : memref<80x128xf32, #tpu.memory_space<vmem>>, vector<1x16xf32>,
          %swap3A_125 = vector.shape_cast %swap3A_124 : vector<1x16xf32> to vector<16xf32>
          %swap3A_126 = vector.shape_cast %max3A_121 : vector<16xf32> to vector<1x16xf32>
          tpu.vector_store %arg14[%swap3A_122, %swap3A_123], %swap3A_126 {strides = array<i32>} : memref<80x128xf32, #tpu.memory_space<vmem>>, vector<1x16xf32>,
          %get3A_127 = arith.index_cast %scan3A_78 : i32 to index
          %get3A_128 = arith.constant 48 : index
          %get3A_129 = tpu.vector_load %arg14[%get3A_127, %get3A_128] {strides = array<i32>} : memref<80x128xf32, #tpu.memory_space<vmem>>, vector<1x16xf32>,
          %get3A_130 = vector.shape_cast %get3A_129 : vector<1x16xf32> to vector<16xf32>
          %get3A_131 = arith.index_cast %scan3A_78 : i32 to index
          %get3A_132 = arith.constant 48 : index
          %get3A_133 = tpu.vector_load %arg12[%get3A_131, %get3A_132] {strides = array<i32>} : memref<80x128xf32, #tpu.memory_space<vmem>>, vector<1x16xf32>,
          %get3A_134 = vector.shape_cast %get3A_133 : vector<1x16xf32> to vector<16xf32>
          %add3A_135 = arith.addf %get3A_130, %get3A_134 : vector<16xf32>
          %max3A_136 = arith.constant 0.000000e+00 : f32
          %max3A_137 = vector.broadcast %max3A_136 : f32 to vector<16xf32>
          %max3A_138 = arith.maximumf %add3A_135, %max3A_137 : vector<16xf32>
          %swap3A_139 = arith.index_cast %scan3A_78 : i32 to index
          %swap3A_140 = arith.constant 48 : index
          %swap3A_141 = tpu.vector_load %arg14[%swap3A_139, %swap3A_140] {strides = array<i32>} : memref<80x128xf32, #tpu.memory_space<vmem>>, vector<1x16xf32>,
          %swap3A_142 = vector.shape_cast %swap3A_141 : vector<1x16xf32> to vector<16xf32>
          %swap3A_143 = vector.shape_cast %max3A_138 : vector<16xf32> to vector<1x16xf32>
          tpu.vector_store %arg14[%swap3A_139, %swap3A_140], %swap3A_143 {strides = array<i32>} : memref<80x128xf32, #tpu.memory_space<vmem>>, vector<1x16xf32>,
          %get3A_144 = arith.index_cast %scan3A_78 : i32 to index
          %get3A_145 = arith.constant 64 : index
          %get3A_146 = tpu.vector_load %arg14[%get3A_144, %get3A_145] {strides = array<i32>} : memref<80x128xf32, #tpu.memory_space<vmem>>, vector<1x16xf32>,
          %get3A_147 = vector.shape_cast %get3A_146 : vector<1x16xf32> to vector<16xf32>
          %get3A_148 = arith.index_cast %scan3A_78 : i32 to index
          %get3A_149 = arith.constant 64 : index
          %get3A_150 = tpu.vector_load %arg12[%get3A_148, %get3A_149] {strides = array<i32>} : memref<80x128xf32, #tpu.memory_space<vmem>>, vector<1x16xf32>,
          %get3A_151 = vector.shape_cast %get3A_150 : vector<1x16xf32> to vector<16xf32>
          %add3A_152 = arith.addf %get3A_147, %get3A_151 : vector<16xf32>
          %max3A_153 = arith.constant 0.000000e+00 : f32
          %max3A_154 = vector.broadcast %max3A_153 : f32 to vector<16xf32>
          %max3A_155 = arith.maximumf %add3A_152, %max3A_154 : vector<16xf32>
          %swap3A_156 = arith.index_cast %scan3A_78 : i32 to index
          %swap3A_157 = arith.constant 64 : index
          %swap3A_158 = tpu.vector_load %arg14[%swap3A_156, %swap3A_157] {strides = array<i32>} : memref<80x128xf32, #tpu.memory_space<vmem>>, vector<1x16xf32>,
          %swap3A_159 = vector.shape_cast %swap3A_158 : vector<1x16xf32> to vector<16xf32>
          %swap3A_160 = vector.shape_cast %max3A_155 : vector<16xf32> to vector<1x16xf32>
          tpu.vector_store %arg14[%swap3A_156, %swap3A_157], %swap3A_160 {strides = array<i32>} : memref<80x128xf32, #tpu.memory_space<vmem>>, vector<1x16xf32>,
          %get3A_161 = arith.index_cast %scan3A_78 : i32 to index
          %get3A_162 = arith.constant 80 : index
          %get3A_163 = tpu.vector_load %arg14[%get3A_161, %get3A_162] {strides = array<i32>} : memref<80x128xf32, #tpu.memory_space<vmem>>, vector<1x16xf32>,
          %get3A_164 = vector.shape_cast %get3A_163 : vector<1x16xf32> to vector<16xf32>
          %get3A_165 = arith.index_cast %scan3A_78 : i32 to index
          %get3A_166 = arith.constant 80 : index
          %get3A_167 = tpu.vector_load %arg12[%get3A_165, %get3A_166] {strides = array<i32>} : memref<80x128xf32, #tpu.memory_space<vmem>>, vector<1x16xf32>,
          %get3A_168 = vector.shape_cast %get3A_167 : vector<1x16xf32> to vector<16xf32>
          %add3A_169 = arith.addf %get3A_164, %get3A_168 : vector<16xf32>
          %max3A_170 = arith.constant 0.000000e+00 : f32
          %max3A_171 = vector.broadcast %max3A_170 : f32 to vector<16xf32>
          %max3A_172 = arith.maximumf %add3A_169, %max3A_171 : vector<16xf32>
          %swap3A_173 = arith.index_cast %scan3A_78 : i32 to index
          %swap3A_174 = arith.constant 80 : index
          %swap3A_175 = tpu.vector_load %arg14[%swap3A_173, %swap3A_174] {strides = array<i32>} : memref<80x128xf32, #tpu.memory_space<vmem>>, vector<1x16xf32>,
          %swap3A_176 = vector.shape_cast %swap3A_175 : vector<1x16xf32> to vector<16xf32>
          %swap3A_177 = vector.shape_cast %max3A_172 : vector<16xf32> to vector<1x16xf32>
          tpu.vector_store %arg14[%swap3A_173, %swap3A_174], %swap3A_177 {strides = array<i32>} : memref<80x128xf32, #tpu.memory_space<vmem>>, vector<1x16xf32>,
          %get3A_178 = arith.index_cast %scan3A_78 : i32 to index
          %get3A_179 = arith.constant 96 : index
          %get3A_180 = tpu.vector_load %arg14[%get3A_178, %get3A_179] {strides = array<i32>} : memref<80x128xf32, #tpu.memory_space<vmem>>, vector<1x16xf32>,
          %get3A_181 = vector.shape_cast %get3A_180 : vector<1x16xf32> to vector<16xf32>
          %get3A_182 = arith.index_cast %scan3A_78 : i32 to index
          %get3A_183 = arith.constant 96 : index
          %get3A_184 = tpu.vector_load %arg12[%get3A_182, %get3A_183] {strides = array<i32>} : memref<80x128xf32, #tpu.memory_space<vmem>>, vector<1x16xf32>,
          %get3A_185 = vector.shape_cast %get3A_184 : vector<1x16xf32> to vector<16xf32>
          %add3A_186 = arith.addf %get3A_181, %get3A_185 : vector<16xf32>
          %max3A_187 = arith.constant 0.000000e+00 : f32
          %max3A_188 = vector.broadcast %max3A_187 : f32 to vector<16xf32>
          %max3A_189 = arith.maximumf %add3A_186, %max3A_188 : vector<16xf32>
          %swap3A_190 = arith.index_cast %scan3A_78 : i32 to index
          %swap3A_191 = arith.constant 96 : index
          %swap3A_192 = tpu.vector_load %arg14[%swap3A_190, %swap3A_191] {strides = array<i32>} : memref<80x128xf32, #tpu.memory_space<vmem>>, vector<1x16xf32>,
          %swap3A_193 = vector.shape_cast %swap3A_192 : vector<1x16xf32> to vector<16xf32>
          %swap3A_194 = vector.shape_cast %max3A_189 : vector<16xf32> to vector<1x16xf32>
          tpu.vector_store %arg14[%swap3A_190, %swap3A_191], %swap3A_194 {strides = array<i32>} : memref<80x128xf32, #tpu.memory_space<vmem>>, vector<1x16xf32>,
          %get3A_195 = arith.index_cast %scan3A_78 : i32 to index
          %get3A_196 = arith.constant 112 : index
          %get3A_197 = tpu.vector_load %arg14[%get3A_195, %get3A_196] {strides = array<i32>} : memref<80x128xf32, #tpu.memory_space<vmem>>, vector<1x16xf32>,
          %get3A_198 = vector.shape_cast %get3A_197 : vector<1x16xf32> to vector<16xf32>
          %get3A_199 = arith.index_cast %scan3A_78 : i32 to index
          %get3A_200 = arith.constant 112 : index
          %get3A_201 = tpu.vector_load %arg12[%get3A_199, %get3A_200] {strides = array<i32>} : memref<80x128xf32, #tpu.memory_space<vmem>>, vector<1x16xf32>,
          %get3A_202 = vector.shape_cast %get3A_201 : vector<1x16xf32> to vector<16xf32>
          %add3A_203 = arith.addf %get3A_198, %get3A_202 : vector<16xf32>
          %max3A_204 = arith.constant 0.000000e+00 : f32
          %max3A_205 = vector.broadcast %max3A_204 : f32 to vector<16xf32>
          %max3A_206 = arith.maximumf %add3A_203, %max3A_205 : vector<16xf32>
          %swap3A_207 = arith.index_cast %scan3A_78 : i32 to index
          %swap3A_208 = arith.constant 112 : index
          %swap3A_209 = tpu.vector_load %arg14[%swap3A_207, %swap3A_208] {strides = array<i32>} : memref<80x128xf32, #tpu.memory_space<vmem>>, vector<1x16xf32>,
          %swap3A_210 = vector.shape_cast %swap3A_209 : vector<1x16xf32> to vector<16xf32>
          %swap3A_211 = vector.shape_cast %max3A_206 : vector<16xf32> to vector<1x16xf32>
          tpu.vector_store %arg14[%swap3A_207, %swap3A_208], %swap3A_211 {strides = array<i32>} : memref<80x128xf32, #tpu.memory_space<vmem>>, vector<1x16xf32>,
        }
        %scan3A_77 = arith.constant 80 : i32
        "tpu.region"() ({
          %run_scoped3A = tpu.sem_alloc : memref<!tpu.dma_semaphore, #tpu.memory_space<semaphore_mem>>
          %dma_start3A_78 = arith.constant 0 : i32
          %dma_start3A_79 = arith.constant 0 : i32
          %dma_start3A_80 = tpu.memref_slice %arg20[%dma_start3A_78, %dma_start3A_79] : memref<10000x128xf32, #tpu.memory_space<vmem_shared>> -> memref<10000x128xf32, #tpu.memory_space<vmem_shared>>
          tpu.enqueue_indirect_dma source(%arg14 : memref<80x128xf32, #tpu.memory_space<vmem>>) target(%dma_start3A_80 : memref<10000x128xf32, #tpu.memory_space<vmem_shared>>) offsets(%arg10 : memref<80xi32, #tpu.memory_space<vmem>>) semaphore(%run_scoped3A : memref<!tpu.dma_semaphore, #tpu.memory_space<semaphore_mem>>) {add = true}
          %dma_wait3A_81 = arith.constant 0 : i32
          %dma_wait3A_82 = arith.constant 0 : i32
          %dma_wait3A_83 = tpu.memref_slice %arg20[%dma_wait3A_81, %dma_wait3A_82] : memref<10000x128xf32, #tpu.memory_space<vmem_shared>> -> memref<10000x128xf32, #tpu.memory_space<vmem_shared>>
          tpu.wait_indirect_dma semaphore(%run_scoped3A : memref<!tpu.dma_semaphore, #tpu.memory_space<semaphore_mem>>) src(%arg14 : memref<80x128xf32, #tpu.memory_space<vmem>>) dst(%dma_wait3A_83 : memref<10000x128xf32, #tpu.memory_space<vmem_shared>>)
          tpu.yield
        }) : () -> ()
      } else {
      }
      %mul3A_45 = arith.constant 2 : i32
      %mul3A_46 = arith.muli %scan3A_26, %mul3A_45 : i32
      %add3A_47 = arith.constant 1 : i32
      %add3A_48 = arith.addi %mul3A_46, %add3A_47 : i32
      %mul3A_49 = arith.constant 32 : i32
      %mul3A_50 = arith.muli %mul3A_49, %add3A_48 : i32
      %add3A_51 = arith.addi %add3A, %mul3A_50 : i32
      %add3A_52 = arith.constant 32 : i32
      %add3A_53 = arith.addi %add3A_51, %add3A_52 : i32
      %lt3A_54 = arith.constant 4000 : i32
      %lt3A_55 = arith.cmpi slt, %add3A_53, %lt3A_54 : i32
      %convert_element_type3A_56 = arith.extui %lt3A_55 : i1 to i32
      %cond3A_57 = arith.constant 0 : i32
      %cond3A_58 = arith.cmpi ne, %convert_element_type3A_56, %cond3A_57 : i32
      scf.if %cond3A_58 {
        %add3A_64 = arith.constant 32 : i32
        %add3A_65 = arith.addi %add3A_51, %add3A_64 : i32
        %mul3A_66 = arith.constant 80 : i32
        %mul3A_67 = arith.muli %add3A_65, %mul3A_66 : i32
        "tpu.region"() ({
          %run_scoped3A = tpu.sem_alloc : memref<!tpu.dma_semaphore, #tpu.memory_space<semaphore_mem>>
          %dma_start3A_75 = tpu.memref_slice %arg4[%mul3A_67] : memref<320000xi32, #tpu.memory_space<hbm>> -> memref<80xi32, #tpu.memory_space<hbm>>
          %dma_start3A_76 = tpu.memref_slice %arg4[%mul3A_67] : memref<320000xi32, #tpu.memory_space<hbm>> -> memref<80xi32, #tpu.memory_space<hbm>>
          tpu.enqueue_dma source(%dma_start3A_76 : memref<80xi32, #tpu.memory_space<hbm>>) target(%arg8 : memref<80xi32, #tpu.memory_space<vmem>>) target_semaphore(%run_scoped3A : memref<!tpu.dma_semaphore, #tpu.memory_space<semaphore_mem>>)
          %dma_wait3A = tpu.memref_slice %arg4[%mul3A_67] : memref<320000xi32, #tpu.memory_space<hbm>> -> memref<80xi32, #tpu.memory_space<hbm>>
          %dma_wait3A_77 = tpu.memref_slice %arg4[%mul3A_67] : memref<320000xi32, #tpu.memory_space<hbm>> -> memref<80xi32, #tpu.memory_space<hbm>>
          tpu.wait_dma2 semaphore(%run_scoped3A : memref<!tpu.dma_semaphore, #tpu.memory_space<semaphore_mem>>) src(%dma_wait3A_77 : memref<80xi32, #tpu.memory_space<hbm>>) dst(%arg8 : memref<80xi32, #tpu.memory_space<vmem>>)
          tpu.yield
        }) : () -> ()
        "tpu.region"() ({
          %run_scoped3A = tpu.sem_alloc : memref<!tpu.dma_semaphore, #tpu.memory_space<semaphore_mem>>
          %dma_start3A_75 = tpu.memref_slice %arg5[%mul3A_67] : memref<320000xi32, #tpu.memory_space<hbm>> -> memref<80xi32, #tpu.memory_space<hbm>>
          %dma_start3A_76 = tpu.memref_slice %arg5[%mul3A_67] : memref<320000xi32, #tpu.memory_space<hbm>> -> memref<80xi32, #tpu.memory_space<hbm>>
          tpu.enqueue_dma source(%dma_start3A_76 : memref<80xi32, #tpu.memory_space<hbm>>) target(%arg10 : memref<80xi32, #tpu.memory_space<vmem>>) target_semaphore(%run_scoped3A : memref<!tpu.dma_semaphore, #tpu.memory_space<semaphore_mem>>)
          %dma_wait3A = tpu.memref_slice %arg5[%mul3A_67] : memref<320000xi32, #tpu.memory_space<hbm>> -> memref<80xi32, #tpu.memory_space<hbm>>
          %dma_wait3A_77 = tpu.memref_slice %arg5[%mul3A_67] : memref<320000xi32, #tpu.memory_space<hbm>> -> memref<80xi32, #tpu.memory_space<hbm>>
          tpu.wait_dma2 semaphore(%run_scoped3A : memref<!tpu.dma_semaphore, #tpu.memory_space<semaphore_mem>>) src(%dma_wait3A_77 : memref<80xi32, #tpu.memory_space<hbm>>) dst(%arg10 : memref<80xi32, #tpu.memory_space<vmem>>)
          tpu.yield
        }) : () -> ()
        %dma_start3A_68 = arith.constant 0 : i32
        %dma_start3A_69 = arith.constant 0 : i32
        %dma_start3A_70 = tpu.memref_slice %arg2[%dma_start3A_68, %dma_start3A_69] : memref<10000x128xf32, #tpu.memory_space<hbm>> -> memref<10000x128xf32, #tpu.memory_space<hbm>>
        tpu.enqueue_indirect_dma source(%dma_start3A_70 : memref<10000x128xf32, #tpu.memory_space<hbm>>) target(%arg12 : memref<80x128xf32, #tpu.memory_space<vmem>>) offsets(%arg8 : memref<80xi32, #tpu.memory_space<vmem>>) semaphore(%arg16 : memref<!tpu.dma_semaphore, #tpu.memory_space<semaphore_mem>>)
        %dma_start3A_71 = arith.constant 0 : i32
        %dma_start3A_72 = tpu.memref_slice %arg3[%mul3A_67, %dma_start3A_71] : memref<320000x128xf32, #tpu.memory_space<hbm>> -> memref<80x128xf32, #tpu.memory_space<hbm>>
        %dma_start3A_73 = arith.constant 0 : i32
        %dma_start3A_74 = tpu.memref_slice %arg3[%mul3A_67, %dma_start3A_73] : memref<320000x128xf32, #tpu.memory_space<hbm>> -> memref<80x128xf32, #tpu.memory_space<hbm>>
        tpu.enqueue_dma source(%dma_start3A_74 : memref<80x128xf32, #tpu.memory_space<hbm>>) target(%arg14 : memref<80x128xf32, #tpu.memory_space<vmem>>) target_semaphore(%arg18 : memref<!tpu.dma_semaphore, #tpu.memory_space<semaphore_mem>>)
      } else {
      }
      %lt3A_59 = arith.constant 4000 : i32
      %lt3A_60 = arith.cmpi slt, %add3A_51, %lt3A_59 : i32
      %convert_element_type3A_61 = arith.extui %lt3A_60 : i1 to i32
      %cond3A_62 = arith.constant 0 : i32
      %cond3A_63 = arith.cmpi ne, %convert_element_type3A_61, %cond3A_62 : i32
      scf.if %cond3A_63 {
        %mul3A_64 = arith.constant 80 : i32
        %mul3A_65 = arith.muli %add3A_51, %mul3A_64 : i32
        %dma_wait3A = arith.constant 0 : i32
        %dma_wait3A_66 = arith.constant 0 : i32
        %dma_wait3A_67 = tpu.memref_slice %arg2[%dma_wait3A, %dma_wait3A_66] : memref<10000x128xf32, #tpu.memory_space<hbm>> -> memref<10000x128xf32, #tpu.memory_space<hbm>>
        tpu.wait_indirect_dma semaphore(%arg17 : memref<!tpu.dma_semaphore, #tpu.memory_space<semaphore_mem>>) src(%dma_wait3A_67 : memref<10000x128xf32, #tpu.memory_space<hbm>>) dst(%arg13 : memref<80x128xf32, #tpu.memory_space<vmem>>)
        %dma_wait3A_68 = arith.constant 0 : i32
        %dma_wait3A_69 = tpu.memref_slice %arg3[%mul3A_65, %dma_wait3A_68] : memref<320000x128xf32, #tpu.memory_space<hbm>> -> memref<80x128xf32, #tpu.memory_space<hbm>>
        %dma_wait3A_70 = arith.constant 0 : i32
        %dma_wait3A_71 = tpu.memref_slice %arg3[%mul3A_65, %dma_wait3A_70] : memref<320000x128xf32, #tpu.memory_space<hbm>> -> memref<80x128xf32, #tpu.memory_space<hbm>>
        tpu.wait_dma2 semaphore(%arg19 : memref<!tpu.dma_semaphore, #tpu.memory_space<semaphore_mem>>) src(%dma_wait3A_71 : memref<80x128xf32, #tpu.memory_space<hbm>>) dst(%arg15 : memref<80x128xf32, #tpu.memory_space<vmem>>)
        %scan3A_72 = arith.constant 0 : i32
        %scan3A_73 = arith.constant 0 : i32
        %scan3A_74 = arith.constant 80 : i32
        %scan3A_75 = arith.addi %scan3A_73, %scan3A_74 : i32
        %scan3A_76 = arith.constant 1 : i32
        scf.for %scan3A_78 = %scan3A_73 to %scan3A_75 step %scan3A_76  : i32 {
          %get3A = arith.index_cast %scan3A_78 : i32 to index
          %get3A_79 = arith.constant 0 : index
          %get3A_80 = tpu.vector_load %arg15[%get3A, %get3A_79] {strides = array<i32>} : memref<80x128xf32, #tpu.memory_space<vmem>>, vector<1x16xf32>,
          %get3A_81 = vector.shape_cast %get3A_80 : vector<1x16xf32> to vector<16xf32>
          %get3A_82 = arith.index_cast %scan3A_78 : i32 to index
          %get3A_83 = arith.constant 0 : index
          %get3A_84 = tpu.vector_load %arg13[%get3A_82, %get3A_83] {strides = array<i32>} : memref<80x128xf32, #tpu.memory_space<vmem>>, vector<1x16xf32>,
          %get3A_85 = vector.shape_cast %get3A_84 : vector<1x16xf32> to vector<16xf32>
          %add3A_86 = arith.addf %get3A_81, %get3A_85 : vector<16xf32>
          %max3A = arith.constant 0.000000e+00 : f32
          %max3A_87 = vector.broadcast %max3A : f32 to vector<16xf32>
          %max3A_88 = arith.maximumf %add3A_86, %max3A_87 : vector<16xf32>
          %swap3A = arith.index_cast %scan3A_78 : i32 to index
          %swap3A_89 = arith.constant 0 : index
          %swap3A_90 = tpu.vector_load %arg15[%swap3A, %swap3A_89] {strides = array<i32>} : memref<80x128xf32, #tpu.memory_space<vmem>>, vector<1x16xf32>,
          %swap3A_91 = vector.shape_cast %swap3A_90 : vector<1x16xf32> to vector<16xf32>
          %swap3A_92 = vector.shape_cast %max3A_88 : vector<16xf32> to vector<1x16xf32>
          tpu.vector_store %arg15[%swap3A, %swap3A_89], %swap3A_92 {strides = array<i32>} : memref<80x128xf32, #tpu.memory_space<vmem>>, vector<1x16xf32>,
          %get3A_93 = arith.index_cast %scan3A_78 : i32 to index
          %get3A_94 = arith.constant 16 : index
          %get3A_95 = tpu.vector_load %arg15[%get3A_93, %get3A_94] {strides = array<i32>} : memref<80x128xf32, #tpu.memory_space<vmem>>, vector<1x16xf32>,
          %get3A_96 = vector.shape_cast %get3A_95 : vector<1x16xf32> to vector<16xf32>
          %get3A_97 = arith.index_cast %scan3A_78 : i32 to index
          %get3A_98 = arith.constant 16 : index
          %get3A_99 = tpu.vector_load %arg13[%get3A_97, %get3A_98] {strides = array<i32>} : memref<80x128xf32, #tpu.memory_space<vmem>>, vector<1x16xf32>,
          %get3A_100 = vector.shape_cast %get3A_99 : vector<1x16xf32> to vector<16xf32>
          %add3A_101 = arith.addf %get3A_96, %get3A_100 : vector<16xf32>
          %max3A_102 = arith.constant 0.000000e+00 : f32
          %max3A_103 = vector.broadcast %max3A_102 : f32 to vector<16xf32>
          %max3A_104 = arith.maximumf %add3A_101, %max3A_103 : vector<16xf32>
          %swap3A_105 = arith.index_cast %scan3A_78 : i32 to index
          %swap3A_106 = arith.constant 16 : index
          %swap3A_107 = tpu.vector_load %arg15[%swap3A_105, %swap3A_106] {strides = array<i32>} : memref<80x128xf32, #tpu.memory_space<vmem>>, vector<1x16xf32>,
          %swap3A_108 = vector.shape_cast %swap3A_107 : vector<1x16xf32> to vector<16xf32>
          %swap3A_109 = vector.shape_cast %max3A_104 : vector<16xf32> to vector<1x16xf32>
          tpu.vector_store %arg15[%swap3A_105, %swap3A_106], %swap3A_109 {strides = array<i32>} : memref<80x128xf32, #tpu.memory_space<vmem>>, vector<1x16xf32>,
          %get3A_110 = arith.index_cast %scan3A_78 : i32 to index
          %get3A_111 = arith.constant 32 : index
          %get3A_112 = tpu.vector_load %arg15[%get3A_110, %get3A_111] {strides = array<i32>} : memref<80x128xf32, #tpu.memory_space<vmem>>, vector<1x16xf32>,
          %get3A_113 = vector.shape_cast %get3A_112 : vector<1x16xf32> to vector<16xf32>
          %get3A_114 = arith.index_cast %scan3A_78 : i32 to index
          %get3A_115 = arith.constant 32 : index
          %get3A_116 = tpu.vector_load %arg13[%get3A_114, %get3A_115] {strides = array<i32>} : memref<80x128xf32, #tpu.memory_space<vmem>>, vector<1x16xf32>,
          %get3A_117 = vector.shape_cast %get3A_116 : vector<1x16xf32> to vector<16xf32>
          %add3A_118 = arith.addf %get3A_113, %get3A_117 : vector<16xf32>
          %max3A_119 = arith.constant 0.000000e+00 : f32
          %max3A_120 = vector.broadcast %max3A_119 : f32 to vector<16xf32>
          %max3A_121 = arith.maximumf %add3A_118, %max3A_120 : vector<16xf32>
          %swap3A_122 = arith.index_cast %scan3A_78 : i32 to index
          %swap3A_123 = arith.constant 32 : index
          %swap3A_124 = tpu.vector_load %arg15[%swap3A_122, %swap3A_123] {strides = array<i32>} : memref<80x128xf32, #tpu.memory_space<vmem>>, vector<1x16xf32>,
          %swap3A_125 = vector.shape_cast %swap3A_124 : vector<1x16xf32> to vector<16xf32>
          %swap3A_126 = vector.shape_cast %max3A_121 : vector<16xf32> to vector<1x16xf32>
          tpu.vector_store %arg15[%swap3A_122, %swap3A_123], %swap3A_126 {strides = array<i32>} : memref<80x128xf32, #tpu.memory_space<vmem>>, vector<1x16xf32>,
          %get3A_127 = arith.index_cast %scan3A_78 : i32 to index
          %get3A_128 = arith.constant 48 : index
          %get3A_129 = tpu.vector_load %arg15[%get3A_127, %get3A_128] {strides = array<i32>} : memref<80x128xf32, #tpu.memory_space<vmem>>, vector<1x16xf32>,
          %get3A_130 = vector.shape_cast %get3A_129 : vector<1x16xf32> to vector<16xf32>
          %get3A_131 = arith.index_cast %scan3A_78 : i32 to index
          %get3A_132 = arith.constant 48 : index
          %get3A_133 = tpu.vector_load %arg13[%get3A_131, %get3A_132] {strides = array<i32>} : memref<80x128xf32, #tpu.memory_space<vmem>>, vector<1x16xf32>,
          %get3A_134 = vector.shape_cast %get3A_133 : vector<1x16xf32> to vector<16xf32>
          %add3A_135 = arith.addf %get3A_130, %get3A_134 : vector<16xf32>
          %max3A_136 = arith.constant 0.000000e+00 : f32
          %max3A_137 = vector.broadcast %max3A_136 : f32 to vector<16xf32>
          %max3A_138 = arith.maximumf %add3A_135, %max3A_137 : vector<16xf32>
          %swap3A_139 = arith.index_cast %scan3A_78 : i32 to index
          %swap3A_140 = arith.constant 48 : index
          %swap3A_141 = tpu.vector_load %arg15[%swap3A_139, %swap3A_140] {strides = array<i32>} : memref<80x128xf32, #tpu.memory_space<vmem>>, vector<1x16xf32>,
          %swap3A_142 = vector.shape_cast %swap3A_141 : vector<1x16xf32> to vector<16xf32>
          %swap3A_143 = vector.shape_cast %max3A_138 : vector<16xf32> to vector<1x16xf32>
          tpu.vector_store %arg15[%swap3A_139, %swap3A_140], %swap3A_143 {strides = array<i32>} : memref<80x128xf32, #tpu.memory_space<vmem>>, vector<1x16xf32>,
          %get3A_144 = arith.index_cast %scan3A_78 : i32 to index
          %get3A_145 = arith.constant 64 : index
          %get3A_146 = tpu.vector_load %arg15[%get3A_144, %get3A_145] {strides = array<i32>} : memref<80x128xf32, #tpu.memory_space<vmem>>, vector<1x16xf32>,
          %get3A_147 = vector.shape_cast %get3A_146 : vector<1x16xf32> to vector<16xf32>
          %get3A_148 = arith.index_cast %scan3A_78 : i32 to index
          %get3A_149 = arith.constant 64 : index
          %get3A_150 = tpu.vector_load %arg13[%get3A_148, %get3A_149] {strides = array<i32>} : memref<80x128xf32, #tpu.memory_space<vmem>>, vector<1x16xf32>,
          %get3A_151 = vector.shape_cast %get3A_150 : vector<1x16xf32> to vector<16xf32>
          %add3A_152 = arith.addf %get3A_147, %get3A_151 : vector<16xf32>
          %max3A_153 = arith.constant 0.000000e+00 : f32
          %max3A_154 = vector.broadcast %max3A_153 : f32 to vector<16xf32>
          %max3A_155 = arith.maximumf %add3A_152, %max3A_154 : vector<16xf32>
          %swap3A_156 = arith.index_cast %scan3A_78 : i32 to index
          %swap3A_157 = arith.constant 64 : index
          %swap3A_158 = tpu.vector_load %arg15[%swap3A_156, %swap3A_157] {strides = array<i32>} : memref<80x128xf32, #tpu.memory_space<vmem>>, vector<1x16xf32>,
          %swap3A_159 = vector.shape_cast %swap3A_158 : vector<1x16xf32> to vector<16xf32>
          %swap3A_160 = vector.shape_cast %max3A_155 : vector<16xf32> to vector<1x16xf32>
          tpu.vector_store %arg15[%swap3A_156, %swap3A_157], %swap3A_160 {strides = array<i32>} : memref<80x128xf32, #tpu.memory_space<vmem>>, vector<1x16xf32>,
          %get3A_161 = arith.index_cast %scan3A_78 : i32 to index
          %get3A_162 = arith.constant 80 : index
          %get3A_163 = tpu.vector_load %arg15[%get3A_161, %get3A_162] {strides = array<i32>} : memref<80x128xf32, #tpu.memory_space<vmem>>, vector<1x16xf32>,
          %get3A_164 = vector.shape_cast %get3A_163 : vector<1x16xf32> to vector<16xf32>
          %get3A_165 = arith.index_cast %scan3A_78 : i32 to index
          %get3A_166 = arith.constant 80 : index
          %get3A_167 = tpu.vector_load %arg13[%get3A_165, %get3A_166] {strides = array<i32>} : memref<80x128xf32, #tpu.memory_space<vmem>>, vector<1x16xf32>,
          %get3A_168 = vector.shape_cast %get3A_167 : vector<1x16xf32> to vector<16xf32>
          %add3A_169 = arith.addf %get3A_164, %get3A_168 : vector<16xf32>
          %max3A_170 = arith.constant 0.000000e+00 : f32
          %max3A_171 = vector.broadcast %max3A_170 : f32 to vector<16xf32>
          %max3A_172 = arith.maximumf %add3A_169, %max3A_171 : vector<16xf32>
          %swap3A_173 = arith.index_cast %scan3A_78 : i32 to index
          %swap3A_174 = arith.constant 80 : index
          %swap3A_175 = tpu.vector_load %arg15[%swap3A_173, %swap3A_174] {strides = array<i32>} : memref<80x128xf32, #tpu.memory_space<vmem>>, vector<1x16xf32>,
          %swap3A_176 = vector.shape_cast %swap3A_175 : vector<1x16xf32> to vector<16xf32>
          %swap3A_177 = vector.shape_cast %max3A_172 : vector<16xf32> to vector<1x16xf32>
          tpu.vector_store %arg15[%swap3A_173, %swap3A_174], %swap3A_177 {strides = array<i32>} : memref<80x128xf32, #tpu.memory_space<vmem>>, vector<1x16xf32>,
          %get3A_178 = arith.index_cast %scan3A_78 : i32 to index
          %get3A_179 = arith.constant 96 : index
          %get3A_180 = tpu.vector_load %arg15[%get3A_178, %get3A_179] {strides = array<i32>} : memref<80x128xf32, #tpu.memory_space<vmem>>, vector<1x16xf32>,
          %get3A_181 = vector.shape_cast %get3A_180 : vector<1x16xf32> to vector<16xf32>
          %get3A_182 = arith.index_cast %scan3A_78 : i32 to index
          %get3A_183 = arith.constant 96 : index
          %get3A_184 = tpu.vector_load %arg13[%get3A_182, %get3A_183] {strides = array<i32>} : memref<80x128xf32, #tpu.memory_space<vmem>>, vector<1x16xf32>,
          %get3A_185 = vector.shape_cast %get3A_184 : vector<1x16xf32> to vector<16xf32>
          %add3A_186 = arith.addf %get3A_181, %get3A_185 : vector<16xf32>
          %max3A_187 = arith.constant 0.000000e+00 : f32
          %max3A_188 = vector.broadcast %max3A_187 : f32 to vector<16xf32>
          %max3A_189 = arith.maximumf %add3A_186, %max3A_188 : vector<16xf32>
          %swap3A_190 = arith.index_cast %scan3A_78 : i32 to index
          %swap3A_191 = arith.constant 96 : index
          %swap3A_192 = tpu.vector_load %arg15[%swap3A_190, %swap3A_191] {strides = array<i32>} : memref<80x128xf32, #tpu.memory_space<vmem>>, vector<1x16xf32>,
          %swap3A_193 = vector.shape_cast %swap3A_192 : vector<1x16xf32> to vector<16xf32>
          %swap3A_194 = vector.shape_cast %max3A_189 : vector<16xf32> to vector<1x16xf32>
          tpu.vector_store %arg15[%swap3A_190, %swap3A_191], %swap3A_194 {strides = array<i32>} : memref<80x128xf32, #tpu.memory_space<vmem>>, vector<1x16xf32>,
          %get3A_195 = arith.index_cast %scan3A_78 : i32 to index
          %get3A_196 = arith.constant 112 : index
          %get3A_197 = tpu.vector_load %arg15[%get3A_195, %get3A_196] {strides = array<i32>} : memref<80x128xf32, #tpu.memory_space<vmem>>, vector<1x16xf32>,
          %get3A_198 = vector.shape_cast %get3A_197 : vector<1x16xf32> to vector<16xf32>
          %get3A_199 = arith.index_cast %scan3A_78 : i32 to index
          %get3A_200 = arith.constant 112 : index
          %get3A_201 = tpu.vector_load %arg13[%get3A_199, %get3A_200] {strides = array<i32>} : memref<80x128xf32, #tpu.memory_space<vmem>>, vector<1x16xf32>,
          %get3A_202 = vector.shape_cast %get3A_201 : vector<1x16xf32> to vector<16xf32>
          %add3A_203 = arith.addf %get3A_198, %get3A_202 : vector<16xf32>
          %max3A_204 = arith.constant 0.000000e+00 : f32
          %max3A_205 = vector.broadcast %max3A_204 : f32 to vector<16xf32>
          %max3A_206 = arith.maximumf %add3A_203, %max3A_205 : vector<16xf32>
          %swap3A_207 = arith.index_cast %scan3A_78 : i32 to index
          %swap3A_208 = arith.constant 112 : index
          %swap3A_209 = tpu.vector_load %arg15[%swap3A_207, %swap3A_208] {strides = array<i32>} : memref<80x128xf32, #tpu.memory_space<vmem>>, vector<1x16xf32>,
          %swap3A_210 = vector.shape_cast %swap3A_209 : vector<1x16xf32> to vector<16xf32>
          %swap3A_211 = vector.shape_cast %max3A_206 : vector<16xf32> to vector<1x16xf32>
          tpu.vector_store %arg15[%swap3A_207, %swap3A_208], %swap3A_211 {strides = array<i32>} : memref<80x128xf32, #tpu.memory_space<vmem>>, vector<1x16xf32>,
        }
        %scan3A_77 = arith.constant 80 : i32
        "tpu.region"() ({
          %run_scoped3A = tpu.sem_alloc : memref<!tpu.dma_semaphore, #tpu.memory_space<semaphore_mem>>
          %dma_start3A_78 = arith.constant 0 : i32
          %dma_start3A_79 = arith.constant 0 : i32
          %dma_start3A_80 = tpu.memref_slice %arg20[%dma_start3A_78, %dma_start3A_79] : memref<10000x128xf32, #tpu.memory_space<vmem_shared>> -> memref<10000x128xf32, #tpu.memory_space<vmem_shared>>
          tpu.enqueue_indirect_dma source(%arg15 : memref<80x128xf32, #tpu.memory_space<vmem>>) target(%dma_start3A_80 : memref<10000x128xf32, #tpu.memory_space<vmem_shared>>) offsets(%arg11 : memref<80xi32, #tpu.memory_space<vmem>>) semaphore(%run_scoped3A : memref<!tpu.dma_semaphore, #tpu.memory_space<semaphore_mem>>) {add = true}
          %dma_wait3A_81 = arith.constant 0 : i32
          %dma_wait3A_82 = arith.constant 0 : i32
          %dma_wait3A_83 = tpu.memref_slice %arg20[%dma_wait3A_81, %dma_wait3A_82] : memref<10000x128xf32, #tpu.memory_space<vmem_shared>> -> memref<10000x128xf32, #tpu.memory_space<vmem_shared>>
          tpu.wait_indirect_dma semaphore(%run_scoped3A : memref<!tpu.dma_semaphore, #tpu.memory_space<semaphore_mem>>) src(%arg15 : memref<80x128xf32, #tpu.memory_space<vmem>>) dst(%dma_wait3A_83 : memref<10000x128xf32, #tpu.memory_space<vmem_shared>>)
          tpu.yield
        }) : () -> ()
      } else {
      }
    }
    %scan3A_17 = arith.constant 63 : i32
    %barrier3A_18 = arith.constant 0 : index
    tpu.barrier barrier_id(%barrier3A_18)
    %mul3A_19 = arith.constant 624 : i32
    %mul3A_20 = arith.muli %arg1, %mul3A_19 : i32
    "tpu.region"() ({
      %run_scoped3A = tpu.sem_alloc : memref<!tpu.dma_semaphore, #tpu.memory_space<semaphore_mem>>
      %dma_start3A_26 = arith.constant 0 : i32
      %dma_start3A_27 = tpu.memref_slice %arg7[%arg0, %mul3A_20, %dma_start3A_26] : memref<2x10000x128xf32, #tpu.memory_space<hbm>> -> memref<1x624x128xf32, #tpu.memory_space<hbm>>
      %dma_start3A_28 = tpu.memref_squeeze %dma_start3A_27 : memref<1x624x128xf32, #tpu.memory_space<hbm>> -> memref<624x128xf32, #tpu.memory_space<hbm>>
      %dma_start3A_29 = arith.constant 0 : i32
      %dma_start3A_30 = tpu.memref_slice %arg20[%mul3A_20, %dma_start3A_29] : memref<10000x128xf32, #tpu.memory_space<vmem_shared>> -> memref<624x128xf32, #tpu.memory_space<vmem_shared>>
      tpu.enqueue_dma source(%dma_start3A_30 : memref<624x128xf32, #tpu.memory_space<vmem_shared>>) target(%dma_start3A_28 : memref<624x128xf32, #tpu.memory_space<hbm>>) target_semaphore(%run_scoped3A : memref<!tpu.dma_semaphore, #tpu.memory_space<semaphore_mem>>)
      %dma_wait3A = arith.constant 0 : i32
      %dma_wait3A_31 = tpu.memref_slice %arg7[%arg0, %mul3A_20, %dma_wait3A] : memref<2x10000x128xf32, #tpu.memory_space<hbm>> -> memref<1x624x128xf32, #tpu.memory_space<hbm>>
      %dma_wait3A_32 = tpu.memref_squeeze %dma_wait3A_31 : memref<1x624x128xf32, #tpu.memory_space<hbm>> -> memref<624x128xf32, #tpu.memory_space<hbm>>
      %dma_wait3A_33 = arith.constant 0 : i32
      %dma_wait3A_34 = tpu.memref_slice %arg20[%mul3A_20, %dma_wait3A_33] : memref<10000x128xf32, #tpu.memory_space<vmem_shared>> -> memref<624x128xf32, #tpu.memory_space<vmem_shared>>
      tpu.wait_dma2 semaphore(%run_scoped3A : memref<!tpu.dma_semaphore, #tpu.memory_space<semaphore_mem>>) src(%dma_wait3A_34 : memref<624x128xf32, #tpu.memory_space<vmem_shared>>) dst(%dma_wait3A_32 : memref<624x128xf32, #tpu.memory_space<hbm>>)
      tpu.yield
    }) : () -> ()
    %eq3A_21 = arith.constant 0 : i32
    %eq3A_22 = arith.cmpi eq, %arg1, %eq3A_21 : i32
    %convert_element_type3A_23 = arith.extui %eq3A_22 : i1 to i32
    %cond3A_24 = arith.constant 0 : i32
    %cond3A_25 = arith.cmpi ne, %convert_element_type3A_23, %cond3A_24 : i32
    scf.if %cond3A_25 {
      "tpu.region"() ({
        %run_scoped3A = tpu.sem_alloc : memref<!tpu.dma_semaphore, #tpu.memory_space<semaphore_mem>>
        %dma_start3A_26 = arith.constant 9984 : i32
        %dma_start3A_27 = arith.constant 0 : i32
        %dma_start3A_28 = tpu.memref_slice %arg7[%arg0, %dma_start3A_26, %dma_start3A_27] : memref<2x10000x128xf32, #tpu.memory_space<hbm>> -> memref<1x16x128xf32, #tpu.memory_space<hbm>>
        %dma_start3A_29 = tpu.memref_squeeze %dma_start3A_28 : memref<1x16x128xf32, #tpu.memory_space<hbm>> -> memref<16x128xf32, #tpu.memory_space<hbm>>
        %dma_start3A_30 = arith.constant 9984 : i32
        %dma_start3A_31 = arith.constant 0 : i32
        %dma_start3A_32 = tpu.memref_slice %arg20[%dma_start3A_30, %dma_start3A_31] : memref<10000x128xf32, #tpu.memory_space<vmem_shared>> -> memref<16x128xf32, #tpu.memory_space<vmem_shared>>
        tpu.enqueue_dma source(%dma_start3A_32 : memref<16x128xf32, #tpu.memory_space<vmem_shared>>) target(%dma_start3A_29 : memref<16x128xf32, #tpu.memory_space<hbm>>) target_semaphore(%run_scoped3A : memref<!tpu.dma_semaphore, #tpu.memory_space<semaphore_mem>>)
        %dma_wait3A = arith.constant 9984 : i32
        %dma_wait3A_33 = arith.constant 0 : i32
        %dma_wait3A_34 = tpu.memref_slice %arg7[%arg0, %dma_wait3A, %dma_wait3A_33] : memref<2x10000x128xf32, #tpu.memory_space<hbm>> -> memref<1x16x128xf32, #tpu.memory_space<hbm>>
        %dma_wait3A_35 = tpu.memref_squeeze %dma_wait3A_34 : memref<1x16x128xf32, #tpu.memory_space<hbm>> -> memref<16x128xf32, #tpu.memory_space<hbm>>
        %dma_wait3A_36 = arith.constant 9984 : i32
        %dma_wait3A_37 = arith.constant 0 : i32
        %dma_wait3A_38 = tpu.memref_slice %arg20[%dma_wait3A_36, %dma_wait3A_37] : memref<10000x128xf32, #tpu.memory_space<vmem_shared>> -> memref<16x128xf32, #tpu.memory_space<vmem_shared>>
        tpu.wait_dma2 semaphore(%run_scoped3A : memref<!tpu.dma_semaphore, #tpu.memory_space<semaphore_mem>>) src(%dma_wait3A_38 : memref<16x128xf32, #tpu.memory_space<vmem_shared>>) dst(%dma_wait3A_35 : memref<16x128xf32, #tpu.memory_space<hbm>>)
        tpu.yield
      }) : () -> ()
    } else {
    }
    return
  }
}

#map = affine_map<(d0, d1) -> (0, 0, 0)>
#map1 = affine_map<(d0, d1) -> (0)>
#map2 = affine_map<(d0, d1) -> (0, 0)>
module attributes {stable_mosaic.version = 14 : i64} {
  func.func @_sc_pool_body(%arg0: i32, %arg1: i32, %arg2: memref<2x10000x128xf32, #tpu.memory_space<hbm>>, %arg3: memref<2x10000x128xf32, #tpu.memory_space<hbm>>, %arg4: memref<10000xi32, #tpu.memory_space<hbm>>, %arg5: memref<256x128xf32, #tpu.memory_space<hbm>>, %arg6: memref<80x128xf32, #tpu.memory_space<hbm>>, %arg7: memref<2x256x128xf32, #tpu.memory_space<hbm>>, %arg8: memref<2x256x128xf32, #tpu.memory_space<hbm>>, %arg9: memref<80xi32, #tpu.memory_space<vmem>>, %arg10: memref<80x128xf32, #tpu.memory_space<vmem>>, %arg11: memref<80x128xf32, #tpu.memory_space<vmem>>, %arg12: memref<80x128xf32, #tpu.memory_space<vmem>>, %arg13: memref<80x128xf32, #tpu.memory_space<vmem>>, %arg14: memref<80x128xf32, #tpu.memory_space<vmem>>, %arg15: memref<256x128xf32, #tpu.memory_space<vmem_shared>>, %arg16: memref<256x128xf32, #tpu.memory_space<vmem_shared>>) attributes {dimension_semantics = [#tpu.dimension_semantics<core_parallel>, #tpu.dimension_semantics<subcore_parallel>], iteration_bounds = array<i64: 2, 16>, scalar_prefetch = 0 : i64, scratch_operands = 8 : i64, tpu.core_type = #tpu.core_type<sc_vector_subcore>, window_params = [{transform_indices = #map}, {transform_indices = #map}, {transform_indices = #map1}, {transform_indices = #map2}, {transform_indices = #map2}, {transform_indices = #map}, {transform_indices = #map}]} {
    %mul3A = arith.constant 2 : i32
    %mul3A_0 = arith.muli %arg1, %mul3A : i32
    %add3A = arith.addi %mul3A_0, %arg0 : i32
    %mul3A_1 = arith.constant 16 : i32
    %mul3A_2 = arith.muli %arg1, %mul3A_1 : i32
    %mul3A_3 = arith.constant 16 : i32
    %mul3A_4 = arith.muli %arg1, %mul3A_3 : i32
    "tpu.region"() ({
      %run_scoped3A = tpu.sem_alloc : memref<!tpu.dma_semaphore, #tpu.memory_space<semaphore_mem>>
      %dma_start3A = arith.constant 0 : i32
      %dma_start3A_23 = tpu.memref_slice %arg15[%mul3A_4, %dma_start3A] : memref<256x128xf32, #tpu.memory_space<vmem_shared>> -> memref<16x128xf32, #tpu.memory_space<vmem_shared>>
      %dma_start3A_24 = arith.constant 0 : i32
      %dma_start3A_25 = tpu.memref_slice %arg5[%mul3A_2, %dma_start3A_24] : memref<256x128xf32, #tpu.memory_space<hbm>> -> memref<16x128xf32, #tpu.memory_space<hbm>>
      tpu.enqueue_dma source(%dma_start3A_25 : memref<16x128xf32, #tpu.memory_space<hbm>>) target(%dma_start3A_23 : memref<16x128xf32, #tpu.memory_space<vmem_shared>>) target_semaphore(%run_scoped3A : memref<!tpu.dma_semaphore, #tpu.memory_space<semaphore_mem>>)
      %dma_wait3A = arith.constant 0 : i32
      %dma_wait3A_26 = tpu.memref_slice %arg15[%mul3A_4, %dma_wait3A] : memref<256x128xf32, #tpu.memory_space<vmem_shared>> -> memref<16x128xf32, #tpu.memory_space<vmem_shared>>
      %dma_wait3A_27 = arith.constant 0 : i32
      %dma_wait3A_28 = tpu.memref_slice %arg5[%mul3A_2, %dma_wait3A_27] : memref<256x128xf32, #tpu.memory_space<hbm>> -> memref<16x128xf32, #tpu.memory_space<hbm>>
      tpu.wait_dma2 semaphore(%run_scoped3A : memref<!tpu.dma_semaphore, #tpu.memory_space<semaphore_mem>>) src(%dma_wait3A_28 : memref<16x128xf32, #tpu.memory_space<hbm>>) dst(%dma_wait3A_26 : memref<16x128xf32, #tpu.memory_space<vmem_shared>>)
      tpu.yield
    }) : () -> ()
    %mul3A_5 = arith.constant 16 : i32
    %mul3A_6 = arith.muli %arg1, %mul3A_5 : i32
    %mul3A_7 = arith.constant 16 : i32
    %mul3A_8 = arith.muli %arg1, %mul3A_7 : i32
    "tpu.region"() ({
      %run_scoped3A = tpu.sem_alloc : memref<!tpu.dma_semaphore, #tpu.memory_space<semaphore_mem>>
      %dma_start3A = arith.constant 0 : i32
      %dma_start3A_23 = tpu.memref_slice %arg16[%mul3A_8, %dma_start3A] : memref<256x128xf32, #tpu.memory_space<vmem_shared>> -> memref<16x128xf32, #tpu.memory_space<vmem_shared>>
      %dma_start3A_24 = arith.constant 0 : i32
      %dma_start3A_25 = tpu.memref_slice %arg5[%mul3A_6, %dma_start3A_24] : memref<256x128xf32, #tpu.memory_space<hbm>> -> memref<16x128xf32, #tpu.memory_space<hbm>>
      tpu.enqueue_dma source(%dma_start3A_25 : memref<16x128xf32, #tpu.memory_space<hbm>>) target(%dma_start3A_23 : memref<16x128xf32, #tpu.memory_space<vmem_shared>>) target_semaphore(%run_scoped3A : memref<!tpu.dma_semaphore, #tpu.memory_space<semaphore_mem>>)
      %dma_wait3A = arith.constant 0 : i32
      %dma_wait3A_26 = tpu.memref_slice %arg16[%mul3A_8, %dma_wait3A] : memref<256x128xf32, #tpu.memory_space<vmem_shared>> -> memref<16x128xf32, #tpu.memory_space<vmem_shared>>
      %dma_wait3A_27 = arith.constant 0 : i32
      %dma_wait3A_28 = tpu.memref_slice %arg5[%mul3A_6, %dma_wait3A_27] : memref<256x128xf32, #tpu.memory_space<hbm>> -> memref<16x128xf32, #tpu.memory_space<hbm>>
      tpu.wait_dma2 semaphore(%run_scoped3A : memref<!tpu.dma_semaphore, #tpu.memory_space<semaphore_mem>>) src(%dma_wait3A_28 : memref<16x128xf32, #tpu.memory_space<hbm>>) dst(%dma_wait3A_26 : memref<16x128xf32, #tpu.memory_space<vmem_shared>>)
      tpu.yield
    }) : () -> ()
    "tpu.region"() ({
      %run_scoped3A = tpu.sem_alloc : memref<!tpu.dma_semaphore, #tpu.memory_space<semaphore_mem>>
      tpu.enqueue_dma source(%arg6 : memref<80x128xf32, #tpu.memory_space<hbm>>) target(%arg14 : memref<80x128xf32, #tpu.memory_space<vmem>>) target_semaphore(%run_scoped3A : memref<!tpu.dma_semaphore, #tpu.memory_space<semaphore_mem>>)
      tpu.wait_dma2 semaphore(%run_scoped3A : memref<!tpu.dma_semaphore, #tpu.memory_space<semaphore_mem>>) src(%arg6 : memref<80x128xf32, #tpu.memory_space<hbm>>) dst(%arg14 : memref<80x128xf32, #tpu.memory_space<vmem>>)
      tpu.yield
    }) : () -> ()
    %barrier3A = arith.constant 0 : index
    tpu.barrier barrier_id(%barrier3A)
    %scan3A = arith.constant 0 : i32
    %scan3A_9 = arith.constant 0 : i32
    %scan3A_10 = arith.constant 4 : i32
    %scan3A_11 = arith.addi %scan3A_9, %scan3A_10 : i32
    %scan3A_12 = arith.constant 1 : i32
    scf.for %scan3A_23 = %scan3A_9 to %scan3A_11 step %scan3A_12  : i32 {
      %mul3A_24 = arith.constant 32 : i32
      %mul3A_25 = arith.muli %mul3A_24, %scan3A_23 : i32
      %add3A_26 = arith.addi %add3A, %mul3A_25 : i32
      %lt3A = arith.constant 125 : i32
      %lt3A_27 = arith.cmpi slt, %add3A_26, %lt3A : i32
      %convert_element_type3A = arith.extui %lt3A_27 : i1 to i32
      %cond3A = arith.constant 0 : i32
      %cond3A_28 = arith.cmpi ne, %convert_element_type3A, %cond3A : i32
      scf.if %cond3A_28 {
        %mul3A_29 = arith.constant 80 : i32
        %mul3A_30 = arith.muli %add3A_26, %mul3A_29 : i32
        "tpu.region"() ({
          %run_scoped3A_40 = tpu.sem_alloc : memref<!tpu.dma_semaphore, #tpu.memory_space<semaphore_mem>>
          %dma_start3A = tpu.memref_slice %arg4[%mul3A_30] : memref<10000xi32, #tpu.memory_space<hbm>> -> memref<80xi32, #tpu.memory_space<hbm>>
          %dma_start3A_41 = tpu.memref_slice %arg4[%mul3A_30] : memref<10000xi32, #tpu.memory_space<hbm>> -> memref<80xi32, #tpu.memory_space<hbm>>
          tpu.enqueue_dma source(%dma_start3A_41 : memref<80xi32, #tpu.memory_space<hbm>>) target(%arg9 : memref<80xi32, #tpu.memory_space<vmem>>) target_semaphore(%run_scoped3A_40 : memref<!tpu.dma_semaphore, #tpu.memory_space<semaphore_mem>>)
          %dma_wait3A = tpu.memref_slice %arg4[%mul3A_30] : memref<10000xi32, #tpu.memory_space<hbm>> -> memref<80xi32, #tpu.memory_space<hbm>>
          %dma_wait3A_42 = tpu.memref_slice %arg4[%mul3A_30] : memref<10000xi32, #tpu.memory_space<hbm>> -> memref<80xi32, #tpu.memory_space<hbm>>
          tpu.wait_dma2 semaphore(%run_scoped3A_40 : memref<!tpu.dma_semaphore, #tpu.memory_space<semaphore_mem>>) src(%dma_wait3A_42 : memref<80xi32, #tpu.memory_space<hbm>>) dst(%arg9 : memref<80xi32, #tpu.memory_space<vmem>>)
          tpu.yield
        }) : () -> ()
        %run_scoped3A = arith.constant 0 : i32
        "tpu.region"() ({
          %run_scoped3A_40 = tpu.sem_alloc : memref<!tpu.dma_semaphore, #tpu.memory_space<semaphore_mem>>
          %dma_start3A = arith.constant 0 : i32
          %dma_start3A_41 = tpu.memref_slice %arg2[%run_scoped3A, %mul3A_30, %dma_start3A] : memref<2x10000x128xf32, #tpu.memory_space<hbm>> -> memref<1x80x128xf32, #tpu.memory_space<hbm>>
          %dma_start3A_42 = tpu.memref_squeeze %dma_start3A_41 : memref<1x80x128xf32, #tpu.memory_space<hbm>> -> memref<80x128xf32, #tpu.memory_space<hbm>>
          %dma_start3A_43 = arith.constant 0 : i32
          %dma_start3A_44 = tpu.memref_slice %arg2[%run_scoped3A, %mul3A_30, %dma_start3A_43] : memref<2x10000x128xf32, #tpu.memory_space<hbm>> -> memref<1x80x128xf32, #tpu.memory_space<hbm>>
          %dma_start3A_45 = tpu.memref_squeeze %dma_start3A_44 : memref<1x80x128xf32, #tpu.memory_space<hbm>> -> memref<80x128xf32, #tpu.memory_space<hbm>>
          tpu.enqueue_dma source(%dma_start3A_45 : memref<80x128xf32, #tpu.memory_space<hbm>>) target(%arg10 : memref<80x128xf32, #tpu.memory_space<vmem>>) target_semaphore(%run_scoped3A_40 : memref<!tpu.dma_semaphore, #tpu.memory_space<semaphore_mem>>)
          %dma_wait3A = arith.constant 0 : i32
          %dma_wait3A_46 = tpu.memref_slice %arg2[%run_scoped3A, %mul3A_30, %dma_wait3A] : memref<2x10000x128xf32, #tpu.memory_space<hbm>> -> memref<1x80x128xf32, #tpu.memory_space<hbm>>
          %dma_wait3A_47 = tpu.memref_squeeze %dma_wait3A_46 : memref<1x80x128xf32, #tpu.memory_space<hbm>> -> memref<80x128xf32, #tpu.memory_space<hbm>>
          %dma_wait3A_48 = arith.constant 0 : i32
          %dma_wait3A_49 = tpu.memref_slice %arg2[%run_scoped3A, %mul3A_30, %dma_wait3A_48] : memref<2x10000x128xf32, #tpu.memory_space<hbm>> -> memref<1x80x128xf32, #tpu.memory_space<hbm>>
          %dma_wait3A_50 = tpu.memref_squeeze %dma_wait3A_49 : memref<1x80x128xf32, #tpu.memory_space<hbm>> -> memref<80x128xf32, #tpu.memory_space<hbm>>
          tpu.wait_dma2 semaphore(%run_scoped3A_40 : memref<!tpu.dma_semaphore, #tpu.memory_space<semaphore_mem>>) src(%dma_wait3A_50 : memref<80x128xf32, #tpu.memory_space<hbm>>) dst(%arg10 : memref<80x128xf32, #tpu.memory_space<vmem>>)
          tpu.yield
        }) : () -> ()
        %run_scoped3A_31 = arith.constant 1 : i32
        "tpu.region"() ({
          %run_scoped3A_40 = tpu.sem_alloc : memref<!tpu.dma_semaphore, #tpu.memory_space<semaphore_mem>>
          %dma_start3A = arith.constant 0 : i32
          %dma_start3A_41 = tpu.memref_slice %arg2[%run_scoped3A_31, %mul3A_30, %dma_start3A] : memref<2x10000x128xf32, #tpu.memory_space<hbm>> -> memref<1x80x128xf32, #tpu.memory_space<hbm>>
          %dma_start3A_42 = tpu.memref_squeeze %dma_start3A_41 : memref<1x80x128xf32, #tpu.memory_space<hbm>> -> memref<80x128xf32, #tpu.memory_space<hbm>>
          %dma_start3A_43 = arith.constant 0 : i32
          %dma_start3A_44 = tpu.memref_slice %arg2[%run_scoped3A_31, %mul3A_30, %dma_start3A_43] : memref<2x10000x128xf32, #tpu.memory_space<hbm>> -> memref<1x80x128xf32, #tpu.memory_space<hbm>>
          %dma_start3A_45 = tpu.memref_squeeze %dma_start3A_44 : memref<1x80x128xf32, #tpu.memory_space<hbm>> -> memref<80x128xf32, #tpu.memory_space<hbm>>
          tpu.enqueue_dma source(%dma_start3A_45 : memref<80x128xf32, #tpu.memory_space<hbm>>) target(%arg11 : memref<80x128xf32, #tpu.memory_space<vmem>>) target_semaphore(%run_scoped3A_40 : memref<!tpu.dma_semaphore, #tpu.memory_space<semaphore_mem>>)
          %dma_wait3A = arith.constant 0 : i32
          %dma_wait3A_46 = tpu.memref_slice %arg2[%run_scoped3A_31, %mul3A_30, %dma_wait3A] : memref<2x10000x128xf32, #tpu.memory_space<hbm>> -> memref<1x80x128xf32, #tpu.memory_space<hbm>>
          %dma_wait3A_47 = tpu.memref_squeeze %dma_wait3A_46 : memref<1x80x128xf32, #tpu.memory_space<hbm>> -> memref<80x128xf32, #tpu.memory_space<hbm>>
          %dma_wait3A_48 = arith.constant 0 : i32
          %dma_wait3A_49 = tpu.memref_slice %arg2[%run_scoped3A_31, %mul3A_30, %dma_wait3A_48] : memref<2x10000x128xf32, #tpu.memory_space<hbm>> -> memref<1x80x128xf32, #tpu.memory_space<hbm>>
          %dma_wait3A_50 = tpu.memref_squeeze %dma_wait3A_49 : memref<1x80x128xf32, #tpu.memory_space<hbm>> -> memref<80x128xf32, #tpu.memory_space<hbm>>
          tpu.wait_dma2 semaphore(%run_scoped3A_40 : memref<!tpu.dma_semaphore, #tpu.memory_space<semaphore_mem>>) src(%dma_wait3A_50 : memref<80x128xf32, #tpu.memory_space<hbm>>) dst(%arg11 : memref<80x128xf32, #tpu.memory_space<vmem>>)
          tpu.yield
        }) : () -> ()
        %run_scoped3A_32 = arith.constant 0 : i32
        "tpu.region"() ({
          %run_scoped3A_40 = tpu.sem_alloc : memref<!tpu.dma_semaphore, #tpu.memory_space<semaphore_mem>>
          %dma_start3A = arith.constant 0 : i32
          %dma_start3A_41 = tpu.memref_slice %arg3[%run_scoped3A_32, %mul3A_30, %dma_start3A] : memref<2x10000x128xf32, #tpu.memory_space<hbm>> -> memref<1x80x128xf32, #tpu.memory_space<hbm>>
          %dma_start3A_42 = tpu.memref_squeeze %dma_start3A_41 : memref<1x80x128xf32, #tpu.memory_space<hbm>> -> memref<80x128xf32, #tpu.memory_space<hbm>>
          %dma_start3A_43 = arith.constant 0 : i32
          %dma_start3A_44 = tpu.memref_slice %arg3[%run_scoped3A_32, %mul3A_30, %dma_start3A_43] : memref<2x10000x128xf32, #tpu.memory_space<hbm>> -> memref<1x80x128xf32, #tpu.memory_space<hbm>>
          %dma_start3A_45 = tpu.memref_squeeze %dma_start3A_44 : memref<1x80x128xf32, #tpu.memory_space<hbm>> -> memref<80x128xf32, #tpu.memory_space<hbm>>
          tpu.enqueue_dma source(%dma_start3A_45 : memref<80x128xf32, #tpu.memory_space<hbm>>) target(%arg12 : memref<80x128xf32, #tpu.memory_space<vmem>>) target_semaphore(%run_scoped3A_40 : memref<!tpu.dma_semaphore, #tpu.memory_space<semaphore_mem>>)
          %dma_wait3A = arith.constant 0 : i32
          %dma_wait3A_46 = tpu.memref_slice %arg3[%run_scoped3A_32, %mul3A_30, %dma_wait3A] : memref<2x10000x128xf32, #tpu.memory_space<hbm>> -> memref<1x80x128xf32, #tpu.memory_space<hbm>>
          %dma_wait3A_47 = tpu.memref_squeeze %dma_wait3A_46 : memref<1x80x128xf32, #tpu.memory_space<hbm>> -> memref<80x128xf32, #tpu.memory_space<hbm>>
          %dma_wait3A_48 = arith.constant 0 : i32
          %dma_wait3A_49 = tpu.memref_slice %arg3[%run_scoped3A_32, %mul3A_30, %dma_wait3A_48] : memref<2x10000x128xf32, #tpu.memory_space<hbm>> -> memref<1x80x128xf32, #tpu.memory_space<hbm>>
          %dma_wait3A_50 = tpu.memref_squeeze %dma_wait3A_49 : memref<1x80x128xf32, #tpu.memory_space<hbm>> -> memref<80x128xf32, #tpu.memory_space<hbm>>
          tpu.wait_dma2 semaphore(%run_scoped3A_40 : memref<!tpu.dma_semaphore, #tpu.memory_space<semaphore_mem>>) src(%dma_wait3A_50 : memref<80x128xf32, #tpu.memory_space<hbm>>) dst(%arg12 : memref<80x128xf32, #tpu.memory_space<vmem>>)
          tpu.yield
        }) : () -> ()
        %run_scoped3A_33 = arith.constant 1 : i32
        "tpu.region"() ({
          %run_scoped3A_40 = tpu.sem_alloc : memref<!tpu.dma_semaphore, #tpu.memory_space<semaphore_mem>>
          %dma_start3A = arith.constant 0 : i32
          %dma_start3A_41 = tpu.memref_slice %arg3[%run_scoped3A_33, %mul3A_30, %dma_start3A] : memref<2x10000x128xf32, #tpu.memory_space<hbm>> -> memref<1x80x128xf32, #tpu.memory_space<hbm>>
          %dma_start3A_42 = tpu.memref_squeeze %dma_start3A_41 : memref<1x80x128xf32, #tpu.memory_space<hbm>> -> memref<80x128xf32, #tpu.memory_space<hbm>>
          %dma_start3A_43 = arith.constant 0 : i32
          %dma_start3A_44 = tpu.memref_slice %arg3[%run_scoped3A_33, %mul3A_30, %dma_start3A_43] : memref<2x10000x128xf32, #tpu.memory_space<hbm>> -> memref<1x80x128xf32, #tpu.memory_space<hbm>>
          %dma_start3A_45 = tpu.memref_squeeze %dma_start3A_44 : memref<1x80x128xf32, #tpu.memory_space<hbm>> -> memref<80x128xf32, #tpu.memory_space<hbm>>
          tpu.enqueue_dma source(%dma_start3A_45 : memref<80x128xf32, #tpu.memory_space<hbm>>) target(%arg13 : memref<80x128xf32, #tpu.memory_space<vmem>>) target_semaphore(%run_scoped3A_40 : memref<!tpu.dma_semaphore, #tpu.memory_space<semaphore_mem>>)
          %dma_wait3A = arith.constant 0 : i32
          %dma_wait3A_46 = tpu.memref_slice %arg3[%run_scoped3A_33, %mul3A_30, %dma_wait3A] : memref<2x10000x128xf32, #tpu.memory_space<hbm>> -> memref<1x80x128xf32, #tpu.memory_space<hbm>>
          %dma_wait3A_47 = tpu.memref_squeeze %dma_wait3A_46 : memref<1x80x128xf32, #tpu.memory_space<hbm>> -> memref<80x128xf32, #tpu.memory_space<hbm>>
          %dma_wait3A_48 = arith.constant 0 : i32
          %dma_wait3A_49 = tpu.memref_slice %arg3[%run_scoped3A_33, %mul3A_30, %dma_wait3A_48] : memref<2x10000x128xf32, #tpu.memory_space<hbm>> -> memref<1x80x128xf32, #tpu.memory_space<hbm>>
          %dma_wait3A_50 = tpu.memref_squeeze %dma_wait3A_49 : memref<1x80x128xf32, #tpu.memory_space<hbm>> -> memref<80x128xf32, #tpu.memory_space<hbm>>
          tpu.wait_dma2 semaphore(%run_scoped3A_40 : memref<!tpu.dma_semaphore, #tpu.memory_space<semaphore_mem>>) src(%dma_wait3A_50 : memref<80x128xf32, #tpu.memory_space<hbm>>) dst(%arg13 : memref<80x128xf32, #tpu.memory_space<vmem>>)
          tpu.yield
        }) : () -> ()
        %scan3A_34 = arith.constant 0 : i32
        %scan3A_35 = arith.constant 0 : i32
        %scan3A_36 = arith.constant 80 : i32
        %scan3A_37 = arith.addi %scan3A_35, %scan3A_36 : i32
        %scan3A_38 = arith.constant 1 : i32
        scf.for %scan3A_40 = %scan3A_35 to %scan3A_37 step %scan3A_38  : i32 {
          %get3A = arith.index_cast %scan3A_40 : i32 to index
          %get3A_41 = arith.constant 0 : index
          %get3A_42 = tpu.vector_load %arg12[%get3A, %get3A_41] {strides = array<i32>} : memref<80x128xf32, #tpu.memory_space<vmem>>, vector<1x16xf32>,
          %get3A_43 = vector.shape_cast %get3A_42 : vector<1x16xf32> to vector<16xf32>
          %get3A_44 = arith.index_cast %scan3A_40 : i32 to index
          %get3A_45 = arith.constant 0 : index
          %get3A_46 = tpu.vector_load %arg13[%get3A_44, %get3A_45] {strides = array<i32>} : memref<80x128xf32, #tpu.memory_space<vmem>>, vector<1x16xf32>,
          %get3A_47 = vector.shape_cast %get3A_46 : vector<1x16xf32> to vector<16xf32>
          %add3A_48 = arith.addf %get3A_43, %get3A_47 : vector<16xf32>
          %max3A = arith.constant 1.000000e+00 : f32
          %max3A_49 = vector.broadcast %max3A : f32 to vector<16xf32>
          %max3A_50 = arith.maximumf %add3A_48, %max3A_49 : vector<16xf32>
          %get3A_51 = arith.index_cast %scan3A_40 : i32 to index
          %get3A_52 = arith.constant 0 : index
          %get3A_53 = tpu.vector_load %arg10[%get3A_51, %get3A_52] {strides = array<i32>} : memref<80x128xf32, #tpu.memory_space<vmem>>, vector<1x16xf32>,
          %get3A_54 = vector.shape_cast %get3A_53 : vector<1x16xf32> to vector<16xf32>
          %get3A_55 = arith.index_cast %scan3A_40 : i32 to index
          %get3A_56 = arith.constant 0 : index
          %get3A_57 = tpu.vector_load %arg11[%get3A_55, %get3A_56] {strides = array<i32>} : memref<80x128xf32, #tpu.memory_space<vmem>>, vector<1x16xf32>,
          %get3A_58 = vector.shape_cast %get3A_57 : vector<1x16xf32> to vector<16xf32>
          %add3A_59 = arith.addf %get3A_54, %get3A_58 : vector<16xf32>
          %div3A = arith.divf %add3A_59, %max3A_50 : vector<16xf32>
          %swap3A = arith.index_cast %scan3A_40 : i32 to index
          %swap3A_60 = arith.constant 0 : index
          %swap3A_61 = tpu.vector_load %arg10[%swap3A, %swap3A_60] {strides = array<i32>} : memref<80x128xf32, #tpu.memory_space<vmem>>, vector<1x16xf32>,
          %swap3A_62 = vector.shape_cast %swap3A_61 : vector<1x16xf32> to vector<16xf32>
          %swap3A_63 = vector.shape_cast %div3A : vector<16xf32> to vector<1x16xf32>
          tpu.vector_store %arg10[%swap3A, %swap3A_60], %swap3A_63 {strides = array<i32>} : memref<80x128xf32, #tpu.memory_space<vmem>>, vector<1x16xf32>,
          %get3A_64 = arith.index_cast %scan3A_40 : i32 to index
          %get3A_65 = arith.constant 16 : index
          %get3A_66 = tpu.vector_load %arg10[%get3A_64, %get3A_65] {strides = array<i32>} : memref<80x128xf32, #tpu.memory_space<vmem>>, vector<1x16xf32>,
          %get3A_67 = vector.shape_cast %get3A_66 : vector<1x16xf32> to vector<16xf32>
          %get3A_68 = arith.index_cast %scan3A_40 : i32 to index
          %get3A_69 = arith.constant 16 : index
          %get3A_70 = tpu.vector_load %arg11[%get3A_68, %get3A_69] {strides = array<i32>} : memref<80x128xf32, #tpu.memory_space<vmem>>, vector<1x16xf32>,
          %get3A_71 = vector.shape_cast %get3A_70 : vector<1x16xf32> to vector<16xf32>
          %add3A_72 = arith.addf %get3A_67, %get3A_71 : vector<16xf32>
          %div3A_73 = arith.divf %add3A_72, %max3A_50 : vector<16xf32>
          %swap3A_74 = arith.index_cast %scan3A_40 : i32 to index
          %swap3A_75 = arith.constant 16 : index
          %swap3A_76 = tpu.vector_load %arg10[%swap3A_74, %swap3A_75] {strides = array<i32>} : memref<80x128xf32, #tpu.memory_space<vmem>>, vector<1x16xf32>,
          %swap3A_77 = vector.shape_cast %swap3A_76 : vector<1x16xf32> to vector<16xf32>
          %swap3A_78 = vector.shape_cast %div3A_73 : vector<16xf32> to vector<1x16xf32>
          tpu.vector_store %arg10[%swap3A_74, %swap3A_75], %swap3A_78 {strides = array<i32>} : memref<80x128xf32, #tpu.memory_space<vmem>>, vector<1x16xf32>,
          %get3A_79 = arith.index_cast %scan3A_40 : i32 to index
          %get3A_80 = arith.constant 32 : index
          %get3A_81 = tpu.vector_load %arg10[%get3A_79, %get3A_80] {strides = array<i32>} : memref<80x128xf32, #tpu.memory_space<vmem>>, vector<1x16xf32>,
          %get3A_82 = vector.shape_cast %get3A_81 : vector<1x16xf32> to vector<16xf32>
          %get3A_83 = arith.index_cast %scan3A_40 : i32 to index
          %get3A_84 = arith.constant 32 : index
          %get3A_85 = tpu.vector_load %arg11[%get3A_83, %get3A_84] {strides = array<i32>} : memref<80x128xf32, #tpu.memory_space<vmem>>, vector<1x16xf32>,
          %get3A_86 = vector.shape_cast %get3A_85 : vector<1x16xf32> to vector<16xf32>
          %add3A_87 = arith.addf %get3A_82, %get3A_86 : vector<16xf32>
          %div3A_88 = arith.divf %add3A_87, %max3A_50 : vector<16xf32>
          %swap3A_89 = arith.index_cast %scan3A_40 : i32 to index
          %swap3A_90 = arith.constant 32 : index
          %swap3A_91 = tpu.vector_load %arg10[%swap3A_89, %swap3A_90] {strides = array<i32>} : memref<80x128xf32, #tpu.memory_space<vmem>>, vector<1x16xf32>,
          %swap3A_92 = vector.shape_cast %swap3A_91 : vector<1x16xf32> to vector<16xf32>
          %swap3A_93 = vector.shape_cast %div3A_88 : vector<16xf32> to vector<1x16xf32>
          tpu.vector_store %arg10[%swap3A_89, %swap3A_90], %swap3A_93 {strides = array<i32>} : memref<80x128xf32, #tpu.memory_space<vmem>>, vector<1x16xf32>,
          %get3A_94 = arith.index_cast %scan3A_40 : i32 to index
          %get3A_95 = arith.constant 48 : index
          %get3A_96 = tpu.vector_load %arg10[%get3A_94, %get3A_95] {strides = array<i32>} : memref<80x128xf32, #tpu.memory_space<vmem>>, vector<1x16xf32>,
          %get3A_97 = vector.shape_cast %get3A_96 : vector<1x16xf32> to vector<16xf32>
          %get3A_98 = arith.index_cast %scan3A_40 : i32 to index
          %get3A_99 = arith.constant 48 : index
          %get3A_100 = tpu.vector_load %arg11[%get3A_98, %get3A_99] {strides = array<i32>} : memref<80x128xf32, #tpu.memory_space<vmem>>, vector<1x16xf32>,
          %get3A_101 = vector.shape_cast %get3A_100 : vector<1x16xf32> to vector<16xf32>
          %add3A_102 = arith.addf %get3A_97, %get3A_101 : vector<16xf32>
          %div3A_103 = arith.divf %add3A_102, %max3A_50 : vector<16xf32>
          %swap3A_104 = arith.index_cast %scan3A_40 : i32 to index
          %swap3A_105 = arith.constant 48 : index
          %swap3A_106 = tpu.vector_load %arg10[%swap3A_104, %swap3A_105] {strides = array<i32>} : memref<80x128xf32, #tpu.memory_space<vmem>>, vector<1x16xf32>,
          %swap3A_107 = vector.shape_cast %swap3A_106 : vector<1x16xf32> to vector<16xf32>
          %swap3A_108 = vector.shape_cast %div3A_103 : vector<16xf32> to vector<1x16xf32>
          tpu.vector_store %arg10[%swap3A_104, %swap3A_105], %swap3A_108 {strides = array<i32>} : memref<80x128xf32, #tpu.memory_space<vmem>>, vector<1x16xf32>,
          %get3A_109 = arith.index_cast %scan3A_40 : i32 to index
          %get3A_110 = arith.constant 64 : index
          %get3A_111 = tpu.vector_load %arg10[%get3A_109, %get3A_110] {strides = array<i32>} : memref<80x128xf32, #tpu.memory_space<vmem>>, vector<1x16xf32>,
          %get3A_112 = vector.shape_cast %get3A_111 : vector<1x16xf32> to vector<16xf32>
          %get3A_113 = arith.index_cast %scan3A_40 : i32 to index
          %get3A_114 = arith.constant 64 : index
          %get3A_115 = tpu.vector_load %arg11[%get3A_113, %get3A_114] {strides = array<i32>} : memref<80x128xf32, #tpu.memory_space<vmem>>, vector<1x16xf32>,
          %get3A_116 = vector.shape_cast %get3A_115 : vector<1x16xf32> to vector<16xf32>
          %add3A_117 = arith.addf %get3A_112, %get3A_116 : vector<16xf32>
          %div3A_118 = arith.divf %add3A_117, %max3A_50 : vector<16xf32>
          %swap3A_119 = arith.index_cast %scan3A_40 : i32 to index
          %swap3A_120 = arith.constant 64 : index
          %swap3A_121 = tpu.vector_load %arg10[%swap3A_119, %swap3A_120] {strides = array<i32>} : memref<80x128xf32, #tpu.memory_space<vmem>>, vector<1x16xf32>,
          %swap3A_122 = vector.shape_cast %swap3A_121 : vector<1x16xf32> to vector<16xf32>
          %swap3A_123 = vector.shape_cast %div3A_118 : vector<16xf32> to vector<1x16xf32>
          tpu.vector_store %arg10[%swap3A_119, %swap3A_120], %swap3A_123 {strides = array<i32>} : memref<80x128xf32, #tpu.memory_space<vmem>>, vector<1x16xf32>,
          %get3A_124 = arith.index_cast %scan3A_40 : i32 to index
          %get3A_125 = arith.constant 80 : index
          %get3A_126 = tpu.vector_load %arg10[%get3A_124, %get3A_125] {strides = array<i32>} : memref<80x128xf32, #tpu.memory_space<vmem>>, vector<1x16xf32>,
          %get3A_127 = vector.shape_cast %get3A_126 : vector<1x16xf32> to vector<16xf32>
          %get3A_128 = arith.index_cast %scan3A_40 : i32 to index
          %get3A_129 = arith.constant 80 : index
          %get3A_130 = tpu.vector_load %arg11[%get3A_128, %get3A_129] {strides = array<i32>} : memref<80x128xf32, #tpu.memory_space<vmem>>, vector<1x16xf32>,
          %get3A_131 = vector.shape_cast %get3A_130 : vector<1x16xf32> to vector<16xf32>
          %add3A_132 = arith.addf %get3A_127, %get3A_131 : vector<16xf32>
          %div3A_133 = arith.divf %add3A_132, %max3A_50 : vector<16xf32>
          %swap3A_134 = arith.index_cast %scan3A_40 : i32 to index
          %swap3A_135 = arith.constant 80 : index
          %swap3A_136 = tpu.vector_load %arg10[%swap3A_134, %swap3A_135] {strides = array<i32>} : memref<80x128xf32, #tpu.memory_space<vmem>>, vector<1x16xf32>,
          %swap3A_137 = vector.shape_cast %swap3A_136 : vector<1x16xf32> to vector<16xf32>
          %swap3A_138 = vector.shape_cast %div3A_133 : vector<16xf32> to vector<1x16xf32>
          tpu.vector_store %arg10[%swap3A_134, %swap3A_135], %swap3A_138 {strides = array<i32>} : memref<80x128xf32, #tpu.memory_space<vmem>>, vector<1x16xf32>,
          %get3A_139 = arith.index_cast %scan3A_40 : i32 to index
          %get3A_140 = arith.constant 96 : index
          %get3A_141 = tpu.vector_load %arg10[%get3A_139, %get3A_140] {strides = array<i32>} : memref<80x128xf32, #tpu.memory_space<vmem>>, vector<1x16xf32>,
          %get3A_142 = vector.shape_cast %get3A_141 : vector<1x16xf32> to vector<16xf32>
          %get3A_143 = arith.index_cast %scan3A_40 : i32 to index
          %get3A_144 = arith.constant 96 : index
          %get3A_145 = tpu.vector_load %arg11[%get3A_143, %get3A_144] {strides = array<i32>} : memref<80x128xf32, #tpu.memory_space<vmem>>, vector<1x16xf32>,
          %get3A_146 = vector.shape_cast %get3A_145 : vector<1x16xf32> to vector<16xf32>
          %add3A_147 = arith.addf %get3A_142, %get3A_146 : vector<16xf32>
          %div3A_148 = arith.divf %add3A_147, %max3A_50 : vector<16xf32>
          %swap3A_149 = arith.index_cast %scan3A_40 : i32 to index
          %swap3A_150 = arith.constant 96 : index
          %swap3A_151 = tpu.vector_load %arg10[%swap3A_149, %swap3A_150] {strides = array<i32>} : memref<80x128xf32, #tpu.memory_space<vmem>>, vector<1x16xf32>,
          %swap3A_152 = vector.shape_cast %swap3A_151 : vector<1x16xf32> to vector<16xf32>
          %swap3A_153 = vector.shape_cast %div3A_148 : vector<16xf32> to vector<1x16xf32>
          tpu.vector_store %arg10[%swap3A_149, %swap3A_150], %swap3A_153 {strides = array<i32>} : memref<80x128xf32, #tpu.memory_space<vmem>>, vector<1x16xf32>,
          %get3A_154 = arith.index_cast %scan3A_40 : i32 to index
          %get3A_155 = arith.constant 112 : index
          %get3A_156 = tpu.vector_load %arg10[%get3A_154, %get3A_155] {strides = array<i32>} : memref<80x128xf32, #tpu.memory_space<vmem>>, vector<1x16xf32>,
          %get3A_157 = vector.shape_cast %get3A_156 : vector<1x16xf32> to vector<16xf32>
          %get3A_158 = arith.index_cast %scan3A_40 : i32 to index
          %get3A_159 = arith.constant 112 : index
          %get3A_160 = tpu.vector_load %arg11[%get3A_158, %get3A_159] {strides = array<i32>} : memref<80x128xf32, #tpu.memory_space<vmem>>, vector<1x16xf32>,
          %get3A_161 = vector.shape_cast %get3A_160 : vector<1x16xf32> to vector<16xf32>
          %add3A_162 = arith.addf %get3A_157, %get3A_161 : vector<16xf32>
          %div3A_163 = arith.divf %add3A_162, %max3A_50 : vector<16xf32>
          %swap3A_164 = arith.index_cast %scan3A_40 : i32 to index
          %swap3A_165 = arith.constant 112 : index
          %swap3A_166 = tpu.vector_load %arg10[%swap3A_164, %swap3A_165] {strides = array<i32>} : memref<80x128xf32, #tpu.memory_space<vmem>>, vector<1x16xf32>,
          %swap3A_167 = vector.shape_cast %swap3A_166 : vector<1x16xf32> to vector<16xf32>
          %swap3A_168 = vector.shape_cast %div3A_163 : vector<16xf32> to vector<1x16xf32>
          tpu.vector_store %arg10[%swap3A_164, %swap3A_165], %swap3A_168 {strides = array<i32>} : memref<80x128xf32, #tpu.memory_space<vmem>>, vector<1x16xf32>,
        }
        %scan3A_39 = arith.constant 80 : i32
        "tpu.region"() ({
          %run_scoped3A_40 = tpu.sem_alloc : memref<!tpu.dma_semaphore, #tpu.memory_space<semaphore_mem>>
          %dma_start3A = arith.constant 0 : i32
          %dma_start3A_41 = arith.constant 0 : i32
          %dma_start3A_42 = tpu.memref_slice %arg15[%dma_start3A, %dma_start3A_41] : memref<256x128xf32, #tpu.memory_space<vmem_shared>> -> memref<256x128xf32, #tpu.memory_space<vmem_shared>>
          tpu.enqueue_indirect_dma source(%arg10 : memref<80x128xf32, #tpu.memory_space<vmem>>) target(%dma_start3A_42 : memref<256x128xf32, #tpu.memory_space<vmem_shared>>) offsets(%arg9 : memref<80xi32, #tpu.memory_space<vmem>>) semaphore(%run_scoped3A_40 : memref<!tpu.dma_semaphore, #tpu.memory_space<semaphore_mem>>) {add = true}
          %dma_wait3A = arith.constant 0 : i32
          %dma_wait3A_43 = arith.constant 0 : i32
          %dma_wait3A_44 = tpu.memref_slice %arg15[%dma_wait3A, %dma_wait3A_43] : memref<256x128xf32, #tpu.memory_space<vmem_shared>> -> memref<256x128xf32, #tpu.memory_space<vmem_shared>>
          tpu.wait_indirect_dma semaphore(%run_scoped3A_40 : memref<!tpu.dma_semaphore, #tpu.memory_space<semaphore_mem>>) src(%arg10 : memref<80x128xf32, #tpu.memory_space<vmem>>) dst(%dma_wait3A_44 : memref<256x128xf32, #tpu.memory_space<vmem_shared>>)
          tpu.yield
        }) : () -> ()
        "tpu.region"() ({
          %run_scoped3A_40 = tpu.sem_alloc : memref<!tpu.dma_semaphore, #tpu.memory_space<semaphore_mem>>
          %dma_start3A = arith.constant 0 : i32
          %dma_start3A_41 = arith.constant 0 : i32
          %dma_start3A_42 = tpu.memref_slice %arg16[%dma_start3A, %dma_start3A_41] : memref<256x128xf32, #tpu.memory_space<vmem_shared>> -> memref<256x128xf32, #tpu.memory_space<vmem_shared>>
          tpu.enqueue_indirect_dma source(%arg14 : memref<80x128xf32, #tpu.memory_space<vmem>>) target(%dma_start3A_42 : memref<256x128xf32, #tpu.memory_space<vmem_shared>>) offsets(%arg9 : memref<80xi32, #tpu.memory_space<vmem>>) semaphore(%run_scoped3A_40 : memref<!tpu.dma_semaphore, #tpu.memory_space<semaphore_mem>>) {add = true}
          %dma_wait3A = arith.constant 0 : i32
          %dma_wait3A_43 = arith.constant 0 : i32
          %dma_wait3A_44 = tpu.memref_slice %arg16[%dma_wait3A, %dma_wait3A_43] : memref<256x128xf32, #tpu.memory_space<vmem_shared>> -> memref<256x128xf32, #tpu.memory_space<vmem_shared>>
          tpu.wait_indirect_dma semaphore(%run_scoped3A_40 : memref<!tpu.dma_semaphore, #tpu.memory_space<semaphore_mem>>) src(%arg14 : memref<80x128xf32, #tpu.memory_space<vmem>>) dst(%dma_wait3A_44 : memref<256x128xf32, #tpu.memory_space<vmem_shared>>)
          tpu.yield
        }) : () -> ()
      } else {
      }
    }
    %scan3A_13 = arith.constant 4 : i32
    %barrier3A_14 = arith.constant 0 : index
    tpu.barrier barrier_id(%barrier3A_14)
    %mul3A_15 = arith.constant 16 : i32
    %mul3A_16 = arith.muli %arg1, %mul3A_15 : i32
    %mul3A_17 = arith.constant 16 : i32
    %mul3A_18 = arith.muli %arg1, %mul3A_17 : i32
    "tpu.region"() ({
      %run_scoped3A = tpu.sem_alloc : memref<!tpu.dma_semaphore, #tpu.memory_space<semaphore_mem>>
      %dma_start3A = arith.constant 0 : i32
      %dma_start3A_23 = tpu.memref_slice %arg7[%arg0, %mul3A_18, %dma_start3A] : memref<2x256x128xf32, #tpu.memory_space<hbm>> -> memref<1x16x128xf32, #tpu.memory_space<hbm>>
      %dma_start3A_24 = tpu.memref_squeeze %dma_start3A_23 : memref<1x16x128xf32, #tpu.memory_space<hbm>> -> memref<16x128xf32, #tpu.memory_space<hbm>>
      %dma_start3A_25 = arith.constant 0 : i32
      %dma_start3A_26 = tpu.memref_slice %arg15[%mul3A_16, %dma_start3A_25] : memref<256x128xf32, #tpu.memory_space<vmem_shared>> -> memref<16x128xf32, #tpu.memory_space<vmem_shared>>
      tpu.enqueue_dma source(%dma_start3A_26 : memref<16x128xf32, #tpu.memory_space<vmem_shared>>) target(%dma_start3A_24 : memref<16x128xf32, #tpu.memory_space<hbm>>) target_semaphore(%run_scoped3A : memref<!tpu.dma_semaphore, #tpu.memory_space<semaphore_mem>>)
      %dma_wait3A = arith.constant 0 : i32
      %dma_wait3A_27 = tpu.memref_slice %arg7[%arg0, %mul3A_18, %dma_wait3A] : memref<2x256x128xf32, #tpu.memory_space<hbm>> -> memref<1x16x128xf32, #tpu.memory_space<hbm>>
      %dma_wait3A_28 = tpu.memref_squeeze %dma_wait3A_27 : memref<1x16x128xf32, #tpu.memory_space<hbm>> -> memref<16x128xf32, #tpu.memory_space<hbm>>
      %dma_wait3A_29 = arith.constant 0 : i32
      %dma_wait3A_30 = tpu.memref_slice %arg15[%mul3A_16, %dma_wait3A_29] : memref<256x128xf32, #tpu.memory_space<vmem_shared>> -> memref<16x128xf32, #tpu.memory_space<vmem_shared>>
      tpu.wait_dma2 semaphore(%run_scoped3A : memref<!tpu.dma_semaphore, #tpu.memory_space<semaphore_mem>>) src(%dma_wait3A_30 : memref<16x128xf32, #tpu.memory_space<vmem_shared>>) dst(%dma_wait3A_28 : memref<16x128xf32, #tpu.memory_space<hbm>>)
      tpu.yield
    }) : () -> ()
    %mul3A_19 = arith.constant 16 : i32
    %mul3A_20 = arith.muli %arg1, %mul3A_19 : i32
    %mul3A_21 = arith.constant 16 : i32
    %mul3A_22 = arith.muli %arg1, %mul3A_21 : i32
    "tpu.region"() ({
      %run_scoped3A = tpu.sem_alloc : memref<!tpu.dma_semaphore, #tpu.memory_space<semaphore_mem>>
      %dma_start3A = arith.constant 0 : i32
      %dma_start3A_23 = tpu.memref_slice %arg8[%arg0, %mul3A_22, %dma_start3A] : memref<2x256x128xf32, #tpu.memory_space<hbm>> -> memref<1x16x128xf32, #tpu.memory_space<hbm>>
      %dma_start3A_24 = tpu.memref_squeeze %dma_start3A_23 : memref<1x16x128xf32, #tpu.memory_space<hbm>> -> memref<16x128xf32, #tpu.memory_space<hbm>>
      %dma_start3A_25 = arith.constant 0 : i32
      %dma_start3A_26 = tpu.memref_slice %arg16[%mul3A_20, %dma_start3A_25] : memref<256x128xf32, #tpu.memory_space<vmem_shared>> -> memref<16x128xf32, #tpu.memory_space<vmem_shared>>
      tpu.enqueue_dma source(%dma_start3A_26 : memref<16x128xf32, #tpu.memory_space<vmem_shared>>) target(%dma_start3A_24 : memref<16x128xf32, #tpu.memory_space<hbm>>) target_semaphore(%run_scoped3A : memref<!tpu.dma_semaphore, #tpu.memory_space<semaphore_mem>>)
      %dma_wait3A = arith.constant 0 : i32
      %dma_wait3A_27 = tpu.memref_slice %arg8[%arg0, %mul3A_22, %dma_wait3A] : memref<2x256x128xf32, #tpu.memory_space<hbm>> -> memref<1x16x128xf32, #tpu.memory_space<hbm>>
      %dma_wait3A_28 = tpu.memref_squeeze %dma_wait3A_27 : memref<1x16x128xf32, #tpu.memory_space<hbm>> -> memref<16x128xf32, #tpu.memory_space<hbm>>
      %dma_wait3A_29 = arith.constant 0 : i32
      %dma_wait3A_30 = tpu.memref_slice %arg16[%mul3A_20, %dma_wait3A_29] : memref<256x128xf32, #tpu.memory_space<vmem_shared>> -> memref<16x128xf32, #tpu.memory_space<vmem_shared>>
      tpu.wait_dma2 semaphore(%run_scoped3A : memref<!tpu.dma_semaphore, #tpu.memory_space<semaphore_mem>>) src(%dma_wait3A_30 : memref<16x128xf32, #tpu.memory_space<vmem_shared>>) dst(%dma_wait3A_28 : memref<16x128xf32, #tpu.memory_space<hbm>>)
      tpu.yield
    }) : () -> ()
    return
  }
}

module attributes {stable_mosaic.version = 14 : i64} {
  func.func @_edges_body(%arg0: i32, %arg1: memref<3200x16xf32, #tpu.memory_space<vmem>>, %arg2: memref<16x128xf32, #tpu.memory_space<vmem>>, %arg3: memref<16x128xf32, #tpu.memory_space<vmem>>, %arg4: memref<16x128xf32, #tpu.memory_space<vmem>>, %arg5: memref<1x128xf32, #tpu.memory_space<vmem>>, %arg6: memref<128x128xf32, #tpu.memory_space<vmem>>, %arg7: memref<1x128xf32, #tpu.memory_space<vmem>>, %arg8: memref<3200x128xf32, #tpu.memory_space<vmem>>, %arg9: memref<3200x128xf32, #tpu.memory_space<vmem>>, %arg10: memref<3200x128xf32, #tpu.memory_space<vmem>>) attributes {dimension_semantics = [#tpu.dimension_semantics<arbitrary>], iteration_bounds = array<i64: 100>, scalar_prefetch = 0 : i64, scratch_operands = 0 : i64, tpu.core_type = #tpu.core_type<tc>, window_params = [{transform_indices = @transform_0, window_bounds = array<i64: 3200, 16>}, {pipeline_mode = #tpu.pipeline_mode<synchronous>, transform_indices = @transform_1, window_bounds = array<i64: 16, 128>}, {pipeline_mode = #tpu.pipeline_mode<synchronous>, transform_indices = @transform_2, window_bounds = array<i64: 16, 128>}, {pipeline_mode = #tpu.pipeline_mode<synchronous>, transform_indices = @transform_3, window_bounds = array<i64: 16, 128>}, {pipeline_mode = #tpu.pipeline_mode<synchronous>, transform_indices = @transform_4, window_bounds = array<i64: 1, 128>}, {pipeline_mode = #tpu.pipeline_mode<synchronous>, transform_indices = @transform_5, window_bounds = array<i64: 128, 128>}, {pipeline_mode = #tpu.pipeline_mode<synchronous>, transform_indices = @transform_6, window_bounds = array<i64: 1, 128>}, {transform_indices = @transform_7, window_bounds = array<i64: 3200, 128>}, {transform_indices = @transform_8, window_bounds = array<i64: 3200, 128>}, {transform_indices = @transform_9, window_bounds = array<i64: 3200, 128>}]} {
    %get3A = arith.constant 0 : index
    %get3A_0 = arith.constant 0 : index
    %get3A_1 = vector.load %arg5[%get3A, %get3A_0] : memref<1x128xf32, #tpu.memory_space<vmem>>, vector<1x128xf32>
    %get3A_2 = arith.constant 0 : index
    %get3A_3 = arith.constant 0 : index
    %get3A_4 = vector.load %arg6[%get3A_2, %get3A_3] : memref<128x128xf32, #tpu.memory_space<vmem>>, vector<128x128xf32>
    %dot_general3A = arith.constant dense<0.000000e+00> : vector<1x128xf32>
    %dot_general3A_5 = tpu.matmul %get3A_1, %get3A_4, %dot_general3A {dimension_numbers = #tpu.dot_dimension_numbers<[1], [0], [0], [1], [0, 0, 1, 1], [], []>, transpose_lhs_hint = false} : vector<1x128xf32>, vector<128x128xf32>, vector<1x128xf32> -> vector<1x128xf32>
    %get3A_6 = arith.constant 0 : index
    %get3A_7 = arith.constant 0 : index
    %get3A_8 = vector.load %arg7[%get3A_6, %get3A_7] : memref<1x128xf32, #tpu.memory_space<vmem>>, vector<1x128xf32>
    %add3A = arith.addf %dot_general3A_5, %get3A_8 : vector<1x128xf32>
    %get3A_9 = arith.constant 0 : index
    %get3A_10 = arith.constant 0 : index
    %get3A_11 = vector.load %arg1[%get3A_9, %get3A_10] : memref<3200x16xf32, #tpu.memory_space<vmem>>, vector<3200x16xf32>
    %get3A_12 = arith.constant 0 : index
    %get3A_13 = arith.constant 0 : index
    %get3A_14 = vector.load %arg2[%get3A_12, %get3A_13] : memref<16x128xf32, #tpu.memory_space<vmem>>, vector<16x128xf32>
    %dot_general3A_15 = arith.constant dense<0.000000e+00> : vector<3200x128xf32>
    %dot_general3A_16 = tpu.matmul %get3A_11, %get3A_14, %dot_general3A_15 {dimension_numbers = #tpu.dot_dimension_numbers<[1], [0], [0], [1], [0, 0, 1, 1], [], []>, transpose_lhs_hint = false} : vector<3200x16xf32>, vector<16x128xf32>, vector<3200x128xf32> -> vector<3200x128xf32>
    %add3A_17 = vector.broadcast %add3A : vector<1x128xf32> to vector<3200x128xf32>
    %add3A_18 = arith.addf %dot_general3A_16, %add3A_17 : vector<3200x128xf32>
    %max3A = arith.constant 0.000000e+00 : f32
    %max3A_19 = vector.broadcast %max3A : f32 to vector<3200x128xf32>
    %max3A_20 = arith.maximumf %add3A_18, %max3A_19 : vector<3200x128xf32>
    %swap3A = arith.constant 0 : index
    %swap3A_21 = arith.constant 0 : index
    %swap3A_22 = vector.load %arg8[%swap3A, %swap3A_21] : memref<3200x128xf32, #tpu.memory_space<vmem>>, vector<3200x128xf32>
    tpu.vector_store %arg8[%swap3A, %swap3A_21], %max3A_20 {strides = array<i32>} : memref<3200x128xf32, #tpu.memory_space<vmem>>, vector<3200x128xf32>,
    %get3A_23 = arith.constant 0 : index
    %get3A_24 = arith.constant 0 : index
    %get3A_25 = vector.load %arg3[%get3A_23, %get3A_24] : memref<16x128xf32, #tpu.memory_space<vmem>>, vector<16x128xf32>
    %dot_general3A_26 = arith.constant dense<0.000000e+00> : vector<3200x128xf32>
    %dot_general3A_27 = tpu.matmul %get3A_11, %get3A_25, %dot_general3A_26 {dimension_numbers = #tpu.dot_dimension_numbers<[1], [0], [0], [1], [0, 0, 1, 1], [], []>, transpose_lhs_hint = false} : vector<3200x16xf32>, vector<16x128xf32>, vector<3200x128xf32> -> vector<3200x128xf32>
    %swap3A_28 = arith.constant 0 : index
    %swap3A_29 = arith.constant 0 : index
    %swap3A_30 = vector.load %arg9[%swap3A_28, %swap3A_29] : memref<3200x128xf32, #tpu.memory_space<vmem>>, vector<3200x128xf32>
    tpu.vector_store %arg9[%swap3A_28, %swap3A_29], %dot_general3A_27 {strides = array<i32>} : memref<3200x128xf32, #tpu.memory_space<vmem>>, vector<3200x128xf32>,
    %get3A_31 = arith.constant 0 : index
    %get3A_32 = arith.constant 0 : index
    %get3A_33 = vector.load %arg4[%get3A_31, %get3A_32] : memref<16x128xf32, #tpu.memory_space<vmem>>, vector<16x128xf32>
    %dot_general3A_34 = arith.constant dense<0.000000e+00> : vector<3200x128xf32>
    %dot_general3A_35 = tpu.matmul %get3A_11, %get3A_33, %dot_general3A_34 {dimension_numbers = #tpu.dot_dimension_numbers<[1], [0], [0], [1], [0, 0, 1, 1], [], []>, transpose_lhs_hint = false} : vector<3200x16xf32>, vector<16x128xf32>, vector<3200x128xf32> -> vector<3200x128xf32>
    %swap3A_36 = arith.constant 0 : index
    %swap3A_37 = arith.constant 0 : index
    %swap3A_38 = vector.load %arg10[%swap3A_36, %swap3A_37] : memref<3200x128xf32, #tpu.memory_space<vmem>>, vector<3200x128xf32>
    tpu.vector_store %arg10[%swap3A_36, %swap3A_37], %dot_general3A_35 {strides = array<i32>} : memref<3200x128xf32, #tpu.memory_space<vmem>>, vector<3200x128xf32>,
    return
  }
  func.func @transform_0(%arg0: i32) -> (i32, i32) {
    %c0_i32 = arith.constant 0 : i32
    %c0_i32_0 = arith.constant 0 : i32
    return %arg0, %c0_i32 : i32, i32
  }
  func.func @transform_1(%arg0: i32) -> (i32, i32) {
    %c0_i32 = arith.constant 0 : i32
    %c0_i32_0 = arith.constant 0 : i32
    %c0_i32_1 = arith.constant 0 : i32
    return %c0_i32, %c0_i32_0 : i32, i32
  }
  func.func @transform_2(%arg0: i32) -> (i32, i32) {
    %c0_i32 = arith.constant 0 : i32
    %c0_i32_0 = arith.constant 0 : i32
    %c0_i32_1 = arith.constant 0 : i32
    return %c0_i32, %c0_i32_0 : i32, i32
  }
  func.func @transform_3(%arg0: i32) -> (i32, i32) {
    %c0_i32 = arith.constant 0 : i32
    %c0_i32_0 = arith.constant 0 : i32
    %c0_i32_1 = arith.constant 0 : i32
    return %c0_i32, %c0_i32_0 : i32, i32
  }
  func.func @transform_4(%arg0: i32) -> (i32, i32) {
    %c0_i32 = arith.constant 0 : i32
    %c0_i32_0 = arith.constant 0 : i32
    %c0_i32_1 = arith.constant 0 : i32
    return %c0_i32, %c0_i32_0 : i32, i32
  }
  func.func @transform_5(%arg0: i32) -> (i32, i32) {
    %c0_i32 = arith.constant 0 : i32
    %c0_i32_0 = arith.constant 0 : i32
    %c0_i32_1 = arith.constant 0 : i32
    return %c0_i32, %c0_i32_0 : i32, i32
  }
  func.func @transform_6(%arg0: i32) -> (i32, i32) {
    %c0_i32 = arith.constant 0 : i32
    %c0_i32_0 = arith.constant 0 : i32
    %c0_i32_1 = arith.constant 0 : i32
    return %c0_i32, %c0_i32_0 : i32, i32
  }
  func.func @transform_7(%arg0: i32) -> (i32, i32) {
    %c0_i32 = arith.constant 0 : i32
    %c0_i32_0 = arith.constant 0 : i32
    return %arg0, %c0_i32 : i32, i32
  }
  func.func @transform_8(%arg0: i32) -> (i32, i32) {
    %c0_i32 = arith.constant 0 : i32
    %c0_i32_0 = arith.constant 0 : i32
    return %arg0, %c0_i32 : i32, i32
  }
  func.func @transform_9(%arg0: i32) -> (i32, i32) {
    %c0_i32 = arith.constant 0 : i32
    %c0_i32_0 = arith.constant 0 : i32
    return %arg0, %c0_i32 : i32, i32
  }
}

module attributes {stable_mosaic.version = 14 : i64} {
  func.func @_upd_body(%arg0: i32, %arg1: memref<2x400x128xf32, #tpu.memory_space<vmem>>, %arg2: memref<2x400x128xf32, #tpu.memory_space<vmem>>, %arg3: memref<128x128xf32, #tpu.memory_space<vmem>>, %arg4: memref<1x128xf32, #tpu.memory_space<vmem>>, %arg5: memref<400x128xf32, #tpu.memory_space<vmem>>) attributes {dimension_semantics = [#tpu.dimension_semantics<arbitrary>], iteration_bounds = array<i64: 25>, scalar_prefetch = 0 : i64, scratch_operands = 0 : i64, tpu.core_type = #tpu.core_type<tc>, window_params = [{transform_indices = @transform_0, window_bounds = array<i64: 2, 400, 128>}, {transform_indices = @transform_1, window_bounds = array<i64: 2, 400, 128>}, {pipeline_mode = #tpu.pipeline_mode<synchronous>, transform_indices = @transform_2, window_bounds = array<i64: 128, 128>}, {pipeline_mode = #tpu.pipeline_mode<synchronous>, transform_indices = @transform_3, window_bounds = array<i64: 1, 128>}, {transform_indices = @transform_4, window_bounds = array<i64: 400, 128>}]} {
    %get3A = arith.constant 0 : index
    %get3A_0 = arith.constant 0 : index
    %get3A_1 = arith.constant 0 : index
    %get3A_2 = vector.load %arg1[%get3A, %get3A_0, %get3A_1] : memref<2x400x128xf32, #tpu.memory_space<vmem>>, vector<1x400x128xf32>
    %get3A_3 = vector.shape_cast %get3A_2 : vector<1x400x128xf32> to vector<400x128xf32>
    %get3A_4 = arith.constant 1 : index
    %get3A_5 = arith.constant 0 : index
    %get3A_6 = arith.constant 0 : index
    %get3A_7 = vector.load %arg1[%get3A_4, %get3A_5, %get3A_6] : memref<2x400x128xf32, #tpu.memory_space<vmem>>, vector<1x400x128xf32>
    %get3A_8 = vector.shape_cast %get3A_7 : vector<1x400x128xf32> to vector<400x128xf32>
    %add3A = arith.addf %get3A_3, %get3A_8 : vector<400x128xf32>
    %get3A_9 = arith.constant 0 : index
    %get3A_10 = arith.constant 0 : index
    %get3A_11 = arith.constant 0 : index
    %get3A_12 = vector.load %arg2[%get3A_9, %get3A_10, %get3A_11] : memref<2x400x128xf32, #tpu.memory_space<vmem>>, vector<1x400x1xf32>
    %get3A_13 = vector.shape_cast %get3A_12 : vector<1x400x1xf32> to vector<400x1xf32>
    %get3A_14 = arith.constant 1 : index
    %get3A_15 = arith.constant 0 : index
    %get3A_16 = arith.constant 0 : index
    %get3A_17 = vector.load %arg2[%get3A_14, %get3A_15, %get3A_16] : memref<2x400x128xf32, #tpu.memory_space<vmem>>, vector<1x400x1xf32>
    %get3A_18 = vector.shape_cast %get3A_17 : vector<1x400x1xf32> to vector<400x1xf32>
    %add3A_19 = arith.addf %get3A_13, %get3A_18 : vector<400x1xf32>
    %max3A = arith.constant 1.000000e+00 : f32
    %max3A_20 = vector.broadcast %max3A : f32 to vector<400x1xf32>
    %max3A_21 = arith.maximumf %add3A_19, %max3A_20 : vector<400x1xf32>
    %div3A = vector.broadcast %max3A_21 : vector<400x1xf32> to vector<400x128xf32>
    %div3A_22 = arith.divf %add3A, %div3A : vector<400x128xf32>
    %max3A_23 = arith.constant 0.000000e+00 : f32
    %max3A_24 = vector.broadcast %max3A_23 : f32 to vector<400x128xf32>
    %max3A_25 = arith.maximumf %div3A_22, %max3A_24 : vector<400x128xf32>
    %get3A_26 = arith.constant 0 : index
    %get3A_27 = arith.constant 0 : index
    %get3A_28 = vector.load %arg3[%get3A_26, %get3A_27] : memref<128x128xf32, #tpu.memory_space<vmem>>, vector<128x128xf32>
    %dot_general3A = arith.constant dense<0.000000e+00> : vector<400x128xf32>
    %dot_general3A_29 = tpu.matmul %max3A_25, %get3A_28, %dot_general3A {dimension_numbers = #tpu.dot_dimension_numbers<[1], [0], [0], [1], [0, 0, 1, 1], [], []>, transpose_lhs_hint = false} : vector<400x128xf32>, vector<128x128xf32>, vector<400x128xf32> -> vector<400x128xf32>
    %get3A_30 = arith.constant 0 : index
    %get3A_31 = arith.constant 0 : index
    %get3A_32 = vector.load %arg4[%get3A_30, %get3A_31] : memref<1x128xf32, #tpu.memory_space<vmem>>, vector<1x128xf32>
    %add3A_33 = vector.broadcast %get3A_32 : vector<1x128xf32> to vector<400x128xf32>
    %add3A_34 = arith.addf %dot_general3A_29, %add3A_33 : vector<400x128xf32>
    %swap3A = arith.constant 0 : index
    %swap3A_35 = arith.constant 0 : index
    %swap3A_36 = vector.load %arg5[%swap3A, %swap3A_35] : memref<400x128xf32, #tpu.memory_space<vmem>>, vector<400x128xf32>
    tpu.vector_store %arg5[%swap3A, %swap3A_35], %add3A_34 {strides = array<i32>} : memref<400x128xf32, #tpu.memory_space<vmem>>, vector<400x128xf32>,
    return
  }
  func.func @transform_0(%arg0: i32) -> (i32, i32, i32) {
    %c0_i32 = arith.constant 0 : i32
    %c0_i32_0 = arith.constant 0 : i32
    %c0_i32_1 = arith.constant 0 : i32
    return %c0_i32, %arg0, %c0_i32_0 : i32, i32, i32
  }
  func.func @transform_1(%arg0: i32) -> (i32, i32, i32) {
    %c0_i32 = arith.constant 0 : i32
    %c0_i32_0 = arith.constant 0 : i32
    %c0_i32_1 = arith.constant 0 : i32
    return %c0_i32, %arg0, %c0_i32_0 : i32, i32, i32
  }
  func.func @transform_2(%arg0: i32) -> (i32, i32) {
    %c0_i32 = arith.constant 0 : i32
    %c0_i32_0 = arith.constant 0 : i32
    %c0_i32_1 = arith.constant 0 : i32
    return %c0_i32, %c0_i32_0 : i32, i32
  }
  func.func @transform_3(%arg0: i32) -> (i32, i32) {
    %c0_i32 = arith.constant 0 : i32
    %c0_i32_0 = arith.constant 0 : i32
    %c0_i32_1 = arith.constant 0 : i32
    return %c0_i32, %c0_i32_0 : i32, i32
  }
  func.func @transform_4(%arg0: i32) -> (i32, i32) {
    %c0_i32 = arith.constant 0 : i32
    %c0_i32_0 = arith.constant 0 : i32
    return %arg0, %c0_i32 : i32, i32
  }
}

module attributes {stable_mosaic.version = 14 : i64} {
  func.func @_final_body(%arg0: i32, %arg1: memref<2x256x128xf32, #tpu.memory_space<vmem>>, %arg2: memref<2x256x128xf32, #tpu.memory_space<vmem>>, %arg3: memref<128x128xf32, #tpu.memory_space<vmem>>, %arg4: memref<1x128xf32, #tpu.memory_space<vmem>>, %arg5: memref<256x128xf32, #tpu.memory_space<vmem>>) attributes {dimension_semantics = [#tpu.dimension_semantics<arbitrary>], iteration_bounds = array<i64: 1>, scalar_prefetch = 0 : i64, scratch_operands = 0 : i64, tpu.core_type = #tpu.core_type<tc>, window_params = [{pipeline_mode = #tpu.pipeline_mode<synchronous>, transform_indices = @transform_0, window_bounds = array<i64: 2, 256, 128>}, {pipeline_mode = #tpu.pipeline_mode<synchronous>, transform_indices = @transform_1, window_bounds = array<i64: 2, 256, 128>}, {pipeline_mode = #tpu.pipeline_mode<synchronous>, transform_indices = @transform_2, window_bounds = array<i64: 128, 128>}, {pipeline_mode = #tpu.pipeline_mode<synchronous>, transform_indices = @transform_3, window_bounds = array<i64: 1, 128>}, {pipeline_mode = #tpu.pipeline_mode<synchronous>, transform_indices = @transform_4, window_bounds = array<i64: 256, 128>}]} {
    %get3A = arith.constant 0 : index
    %get3A_0 = arith.constant 0 : index
    %get3A_1 = arith.constant 0 : index
    %get3A_2 = vector.load %arg1[%get3A, %get3A_0, %get3A_1] : memref<2x256x128xf32, #tpu.memory_space<vmem>>, vector<1x256x128xf32>
    %get3A_3 = vector.shape_cast %get3A_2 : vector<1x256x128xf32> to vector<256x128xf32>
    %get3A_4 = arith.constant 1 : index
    %get3A_5 = arith.constant 0 : index
    %get3A_6 = arith.constant 0 : index
    %get3A_7 = vector.load %arg1[%get3A_4, %get3A_5, %get3A_6] : memref<2x256x128xf32, #tpu.memory_space<vmem>>, vector<1x256x128xf32>
    %get3A_8 = vector.shape_cast %get3A_7 : vector<1x256x128xf32> to vector<256x128xf32>
    %add3A = arith.addf %get3A_3, %get3A_8 : vector<256x128xf32>
    %get3A_9 = arith.constant 0 : index
    %get3A_10 = arith.constant 0 : index
    %get3A_11 = arith.constant 0 : index
    %get3A_12 = vector.load %arg2[%get3A_9, %get3A_10, %get3A_11] : memref<2x256x128xf32, #tpu.memory_space<vmem>>, vector<1x256x1xf32>
    %get3A_13 = vector.shape_cast %get3A_12 : vector<1x256x1xf32> to vector<256x1xf32>
    %get3A_14 = arith.constant 1 : index
    %get3A_15 = arith.constant 0 : index
    %get3A_16 = arith.constant 0 : index
    %get3A_17 = vector.load %arg2[%get3A_14, %get3A_15, %get3A_16] : memref<2x256x128xf32, #tpu.memory_space<vmem>>, vector<1x256x1xf32>
    %get3A_18 = vector.shape_cast %get3A_17 : vector<1x256x1xf32> to vector<256x1xf32>
    %add3A_19 = arith.addf %get3A_13, %get3A_18 : vector<256x1xf32>
    %max3A = arith.constant 1.000000e+00 : f32
    %max3A_20 = vector.broadcast %max3A : f32 to vector<256x1xf32>
    %max3A_21 = arith.maximumf %add3A_19, %max3A_20 : vector<256x1xf32>
    %div3A = vector.broadcast %max3A_21 : vector<256x1xf32> to vector<256x128xf32>
    %div3A_22 = arith.divf %add3A, %div3A : vector<256x128xf32>
    %get3A_23 = arith.constant 0 : index
    %get3A_24 = arith.constant 0 : index
    %get3A_25 = vector.load %arg3[%get3A_23, %get3A_24] : memref<128x128xf32, #tpu.memory_space<vmem>>, vector<128x128xf32>
    %dot_general3A = arith.constant dense<0.000000e+00> : vector<256x128xf32>
    %dot_general3A_26 = tpu.matmul %div3A_22, %get3A_25, %dot_general3A {dimension_numbers = #tpu.dot_dimension_numbers<[1], [0], [0], [1], [0, 0, 1, 1], [], []>, transpose_lhs_hint = false} : vector<256x128xf32>, vector<128x128xf32>, vector<256x128xf32> -> vector<256x128xf32>
    %get3A_27 = arith.constant 0 : index
    %get3A_28 = arith.constant 0 : index
    %get3A_29 = vector.load %arg4[%get3A_27, %get3A_28] : memref<1x128xf32, #tpu.memory_space<vmem>>, vector<1x128xf32>
    %add3A_30 = vector.broadcast %get3A_29 : vector<1x128xf32> to vector<256x128xf32>
    %add3A_31 = arith.addf %dot_general3A_26, %add3A_30 : vector<256x128xf32>
    %swap3A = arith.constant 0 : index
    %swap3A_32 = arith.constant 0 : index
    %swap3A_33 = vector.load %arg5[%swap3A, %swap3A_32] : memref<256x128xf32, #tpu.memory_space<vmem>>, vector<256x128xf32>
    tpu.vector_store %arg5[%swap3A, %swap3A_32], %add3A_31 {strides = array<i32>} : memref<256x128xf32, #tpu.memory_space<vmem>>, vector<256x128xf32>,
    return
  }
  func.func @transform_0(%arg0: i32) -> (i32, i32, i32) {
    %c0_i32 = arith.constant 0 : i32
    %c0_i32_0 = arith.constant 0 : i32
    %c0_i32_1 = arith.constant 0 : i32
    %c0_i32_2 = arith.constant 0 : i32
    return %c0_i32, %c0_i32_0, %c0_i32_1 : i32, i32, i32
  }
  func.func @transform_1(%arg0: i32) -> (i32, i32, i32) {
    %c0_i32 = arith.constant 0 : i32
    %c0_i32_0 = arith.constant 0 : i32
    %c0_i32_1 = arith.constant 0 : i32
    %c0_i32_2 = arith.constant 0 : i32
    return %c0_i32, %c0_i32_0, %c0_i32_1 : i32, i32, i32
  }
  func.func @transform_2(%arg0: i32) -> (i32, i32) {
    %c0_i32 = arith.constant 0 : i32
    %c0_i32_0 = arith.constant 0 : i32
    %c0_i32_1 = arith.constant 0 : i32
    return %c0_i32, %c0_i32_0 : i32, i32
  }
  func.func @transform_3(%arg0: i32) -> (i32, i32) {
    %c0_i32 = arith.constant 0 : i32
    %c0_i32_0 = arith.constant 0 : i32
    %c0_i32_1 = arith.constant 0 : i32
    return %c0_i32, %c0_i32_0 : i32, i32
  }
  func.func @transform_4(%arg0: i32) -> (i32, i32) {
    %c0_i32 = arith.constant 0 : i32
    %c0_i32_0 = arith.constant 0 : i32
    %c0_i32_1 = arith.constant 0 : i32
    return %c0_i32, %c0_i32_0 : i32, i32
  }
}

</mosaic_0001>

<sc_bundles>
// kernel: kernel.11.cloned.1.call-start
scs
__scs_entry_jumppad:
0x0: {  	(pc) =	sbr.rel $0x88, $3  }
0x1: {  	(tag) =	ssettag $0x0;
	lr =	simm.s32 $0x1  }
0x2: {  	[smem:$0x3F98] =	sst lr;
	_ =	strace $0xD0000000  }
0x3: {  	_ = 	snop  }
0x4: {  	_ = 	snop  }
0x5: {  	_ = 	snop  }
0x6: {  	_ = 	snop  }
0x7: {  	_ = 	snop  }
__scs_overlays_trampoline_lowered:
0x8: {  	[smem:$0x3FA7] =	sst s0  }
0x9: {  	[smem:$0x3FA8] =	sst s1  }
0xa: {  	[smem:$0x3FA9] =	sst s2  }
0xb: {  	[smem:$0x3FAA] =	sst s3  }
0xc: {  	[smem:$0x3FAB] =	sst s4  }
0xd: {  	[smem:$0x3FAC] =	sst s5  }
0xe: {  	[smem:$0x3FAD] =	sst s6  }
0xf: {  	[smem:$0x3FAE] =	sst s7  }
0x10: {  	[smem:$0x3FAF] =	sst s8  }
0x11: {  	[smem:$0x3FB0] =	sst s9;
	s0 =	simm.s32 @!p0 $0x0  }
0x12: {  	s1 =	sld [smem:$0x3F96];
	s0 =	simm.s32 @p0 $0x1  }
0x13: {  	[smem:$0x3FB1] =	sst s0;
	s0 =	simm.s32 @!p1 $0x0  }
0x14: {  	s2 =	sld [smem:$0x3F95];
	s0 =	simm.s32 @p1 $0x1  }
0x15: {  	[smem:$0x3FB2] =	sst s0;
	s0 =	simm.s32 @!p2 $0x0  }
0x16: {  	s3 =	sld [smem:$0x3FDB];
	s0 =	simm.s32 @p2 $0x1  }
0x17: {  	s4 =	simm.s32 $0x1BF5;
	[smem:$0x3FB4] =	sst s0  }
0x18: {  	s0 =	sld [smem:$0x3F97];
	_ =	swait.ge [sflag:s4], $0x0  }
0x19: {  	s7 =	sld [smem:$0x3F98]  }
0x1a: {  	s8 =	sadd.s32 $0xFFFFE003, lr  }
0x1b: {  	s9 =	sadd.s32 $0xFFFFFEF7, lr;
	s5 =	simm.s32 $0xFFFFFFFF;
	p2 =	slt.u32 s8, $0xFFFFF086  }
0x1c: {  	p1 =	slt.u32 s9, $0xF7A;
	s5 =	simm.s32 @!p2 $0x0  }
0x1d: {  	s5 =	simm.s32 @p1 $0x1;
	p0 =	seq.s32 s7, s2  }
0x1e: {  	s7 =	smul.u32 @!p0 $0xF7A, s2;
	p2 =	seq.s32 @!p0 s5, $0x0  }
0x1f: {  	s9 =	smul.u32 $0xF7A, s1;
	s8 =	simm.s32 @!p0 $0x1BF5;
	p2 =	por !p2, p0  }
0x20: {  	[sflag:s8] =	ssyncset.s32 @!p0 $0xFFFFF086;
	s6 =	sadd.s32 @!p0 s3, s7;
	s7 =	simm.s32 @!p0 $0x108  }
0x21: {  	s3 =	sadd.s32 s3, s9;
	s6 =	sadd.s32 @!p0 $0x88, s6;
	s7 =	simm.s32 @p2 $0x1082  }
0x22: {  	[simem:s7], [sflag:s8] =	dma.local @!p0 [hbm:s6], $0xF7A  }
0x23: {  	s9 =	sor.u32 $0xD0000000, s2;
	s6 =	simm.s32 $0x108;
	_ =	swait.ge @!p0 [sflag:s8], $0x0  }
0x24: {  	s3 =	sadd.s32 $0x88, s3;
	s6 =	simm.s32 @!p1 $0x1082;
	[sflag:s4] =	ssyncset.s32 $0xFFFFF086  }
0x25: {  	[simem:s6], [sflag:s4] =	dma.local [hbm:s3], $0xF7A  }
0x26: {  	[smem:$0x3F98] =	sst s1;
	(tag) =	ssettag s2;
	_ =	strace s9  }
0x27: {  	s1 =	sld [smem:$0x3FA8]  }
0x28: {  	s2 =	sld [smem:$0x3FA9]  }
0x29: {  	s4 =	sld [smem:$0x3FAB]  }
0x2a: {  	p0 =	seq.s32 s5, $0x0;
	s5 =	sld [smem:$0x3FAC]  }
0x2b: {  	s6 =	sld [smem:$0x3FAD]  }
0x2c: {  	s7 =	sld [smem:$0x3FAE]  }
0x2d: {  	s3 =	simm.s32 $0x108;
	s8 =	sld [smem:$0x3FAF]  }
0x2e: {  	s3 =	simm.s32 @!p0 $0x1082;
	s9 =	sld [smem:$0x3FB0]  }
0x2f: {  	lr =	sadd.s32 s0, s3;
	s0 =	sld [smem:$0x3FA7]  }
0x30: {  	s3 =	sld [smem:$0x3FAA]  }
0x31: {  	[smem:$0x3FB3] =	sst s10  }
0x32: {  	s10 =	sld [smem:$0x3FB1];
	_ =	sdelay $0x3  }
0x33: {  	p0 =	seq.s32 s10, $0x1;
	s10 =	sld [smem:$0x3FB3];
	_ =	sdelay $0x3  }
0x34: {  	[smem:$0x3FB3] =	sst s10  }
0x35: {  	s10 =	sld [smem:$0x3FB2];
	_ =	sdelay $0x3  }
0x36: {  	p1 =	seq.s32 s10, $0x1;
	s10 =	sld [smem:$0x3FB3];
	_ =	sdelay $0x3  }
0x37: {  	[smem:$0x3FB3] =	sst s10  }
0x38: {  	s10 =	sld [smem:$0x3FB4]  }
0x39: {  	_ = 	snop;
	(pc) =	sbr.ind lr, $3  }
0x3a: {  	_ = 	snop  }
0x3b: {  	_ = 	snop  }
0x3c: {  	p2 =	seq.s32 s10, $0x1;
	s10 =	sld [smem:$0x3FB3]  }
0x3d: {  	_ =	shalt  }
0x3e: {  	_ =	shalt  }
0x3f: {  	_ =	shalt  }
0x40: {  	_ =	shalt  }
0x41: {  	_ =	shalt  }
0x42: {  	_ =	shalt  }
0x43: {  	_ =	shalt  }
0x44: {  	_ =	shalt  }
0x45: {  	_ =	shalt  }
0x46: {  	_ =	shalt  }
0x47: {  	_ =	shalt  }
0x48: {  	_ =	shalt  }
0x49: {  	_ =	shalt  }
0x4a: {  	_ =	shalt  }
0x4b: {  	_ =	shalt  }
0x4c: {  	_ =	shalt  }
0x4d: {  	_ =	shalt  }
0x4e: {  	_ =	shalt  }
0x4f: {  	_ =	shalt  }
0x50: {  	_ =	shalt  }
0x51: {  	_ =	shalt  }
0x52: {  	_ =	shalt  }
0x53: {  	_ =	shalt  }
0x54: {  	_ =	shalt  }
0x55: {  	_ =	shalt  }
0x56: {  	_ =	shalt  }
0x57: {  	_ =	shalt  }
0x58: {  	_ =	shalt  }
0x59: {  	_ =	shalt  }
0x5a: {  	_ =	shalt  }
0x5b: {  	_ =	shalt  }
0x5c: {  	_ =	shalt  }
0x5d: {  	_ =	shalt  }
0x5e: {  	_ =	shalt  }
0x5f: {  	_ =	shalt  }
0x60: {  	_ =	shalt  }
0x61: {  	_ =	shalt  }
0x62: {  	_ =	shalt  }
0x63: {  	_ =	shalt  }
0x64: {  	_ =	shalt  }
0x65: {  	_ =	shalt  }
0x66: {  	_ =	shalt  }
0x67: {  	_ =	shalt  }
0x68: {  	_ =	shalt  }
0x69: {  	_ =	shalt  }
0x6a: {  	_ =	shalt  }
0x6b: {  	_ =	shalt  }
0x6c: {  	_ =	shalt  }
0x6d: {  	_ =	shalt  }
0x6e: {  	_ =	shalt  }
0x6f: {  	_ =	shalt  }
0x70: {  	_ =	shalt  }
0x71: {  	_ =	shalt  }
0x72: {  	_ =	shalt  }
0x73: {  	_ =	shalt  }
0x74: {  	_ =	shalt  }
0x75: {  	_ =	shalt  }
0x76: {  	_ =	shalt  }
0x77: {  	_ =	shalt  }
0x78: {  	_ =	shalt  }
0x79: {  	_ =	shalt  }
0x7a: {  	_ =	shalt  }
0x7b: {  	_ =	shalt  }
0x7c: {  	_ =	shalt  }
0x7d: {  	_ =	shalt  }
0x7e: {  	_ =	shalt  }
0x7f: {  	_ =	shalt  }
0x80: {  	_ =	shalt  }
0x81: {  	_ =	shalt  }
0x82: {  	_ =	shalt  }
0x83: {  	_ =	shalt  }
0x84: {  	_ =	shalt  }
0x85: {  	_ =	shalt  }
0x86: {  	_ =	shalt  }
0x87: {  	_ =	shalt  }
.Lfunc_end0:
.L_simem_size_0:
called_computation_lowered:
.L_overlay_start_0:
0x88: {  	s2 =	sld [smem:$0x3FD9]  }
0x89: {  	s3 =	sld [smem:$0x3FFE];
	_ =	sdelay $0x1  }
0x8a: {  	s1 =	srdreg.scid  }
0x8b: {  	s0 =	sand.u32 $0x1, s1  }
0x8c: {  	s17 =	sshll.u32 s0, $0xA;
	s2 =	sadd.s32 s3, s2  }
0x8d: {  	s2 =	sadd.s32 s2, s17  }
0x8e: {  	[smem:$0x3FBF] =	sst s2  }
0x8f: {  	_ = 	snop  }
0x90: {  	(tm) =	ssettm $0x1  }
0x91: {  	s18 =	sld [smem:$0x3FFB];
	_ =	sdelay $0x3  }
0x92: {  	_ =	strace s18  }
0x93: {  	s2 =	sld [smem:$0x3FFC];
	_ =	sdelay $0x3  }
0x94: {  	_ =	strace s2  }
0x95: {  	s2 =	sld [smem:$0x3FFD];
	_ =	sdelay $0x3  }
0x96: {  	_ =	strace s2  }
0x97: {  	_ =	strace $0x8FFFFFFF  }
0x98: {  	s19 =	sld [smem:$0x3FDB];
	_ =	sdelay $0x1  }
0x99: {  	s20 =	simm.s32 $_scs_section_size  }
0x9a: {  	s4 =	simm.s32 $_size__tile_overlayer_lowered;
	s5 =	simm.s32 $_tile_overlayer_lowered  }
0x9b: {  	s6 =	simm.s32 $0x1BFF;
	s21 =	sshll.u32 s5, $0x1;
	s3 =	sadd.s32 s20, s19  }
0x9c: {  	s22 =	simm.s32 $0x0;
	s4 =	sshll.u32 s4, $0x1;
	s5 =	sadd.s32 s21, s3  }
0x9d: {  	[timem:s22], [sflag:s6] =	dma.local [hbm:s5], s4  }
0x9e: {  	_ =	swait.ge [sflag:s6], s4  }
0x9f: {  	s4 =	ssub.s32 $0x0, s4;
	[sflag:s6] =	ssyncset.done $0x0  }
0xa0: {  	[sflag:s6] =	ssyncadd.s32 s4;
	_ =	sdelay $0x1  }
0xa1: {  	s23 =	simm.s32 $0x1B8B  }
0xa2: {  	_ =	swait.ge [sflag:s23], $0x1  }
0xa3: {  	[sflag:s23] =	ssyncset.done $0x0  }
0xa4: {  	[sflag:s23] =	ssyncadd.s32 $0xFFFFFFFF  }
0xa5: {  	s4 =	sld [smem:$0x0]  }
0xa6: {  	s5 =	sand.u32 $0xFFFFFFFE, s1  }
0xa7: {  	p0 =	sne.s32 s1, s5  }
0xa8: {  	s5 =	sshll.u32 @p0 s5, $0xE  }
0xa9: {  	s5 =	sadd.s32 @p0 $0x11B8D, s5;
	s6 =	sshll.u32 @p0 s4, $0x11  }
0xaa: {  	s5 =	sor.u32 @p0 s6, s5  }
0xab: {  	[sflag:s5] =	ssyncadd.remote.s32 @p0 $0x1;
	_ =	sdelay $0x1  }
0xac: {  	s5 =	simm.s32 @p0 $0x1B8D  }
0xad: {  	_ =	swait.eq @p0 [sflag:s5], $0x1  }
0xae: {  	[sflag:s5] =	ssyncadd.s32 @p0 $0xFFFFFFFF  }
0xaf: {  	s6 =	sshll.u32 @!p0 s1, $0xE  }
0xb0: {  	s6 =	sor.u32 @!p0 $0x4000, s6;
	s5 =	simm.s32 @!p0 $0x1B8D  }
0xb1: {  	s4 =	sshll.u32 @!p0 s4, $0x11;
	s6 =	sadd.s32 @!p0 $0x11B8D, s6;
	_ =	swait.eq @!p0 [sflag:s5], $0x1  }
0xb2: {  	s4 =	sor.u32 @!p0 s4, s6;
	[sflag:s5] =	ssyncadd.s32 @!p0 $0xFFFFFFFF  }
0xb3: {  	s25 =	simm.s32 $0x1B8E;
	s24 =	sld [smem:$0x3FFE];
	[sflag:s4] =	ssyncadd.remote.s32 @!p0 $0x1  }
0xb4: {  	s26 =	simm.s32 $execute0_lowered;
	[smem:$0x3FD2] =	sst s25  }
0xb5: {  	s5 =	sshll.u32 s26, $0x1;
	_ =	strace $0x80000049;
	[dreg:$0x1] =	wrdreg $0xFFFFFFFF  }
0xb6: {  	s28 =	simm.s32 $_size_execute0_lowered;
	s3 =	sadd.s32 s3, s5;
	[dreg:$0x0] =	wrdreg $0x0  }
0xb7: {  	s5 =	sshll.u32 s28, $0x1;
	[dreg:$0x2] =	wrdreg s3  }
0xb8: {  	[dreg:$0x3] =	wrdreg s5  }
0xb9: {  	[dreg:$0x4] =	wrdreg $0xC0  }
0xba: {  	_ =	task [dreg:s22], $0x5FFFF  }
0xbb: {  	[dreg:$0x1] =	wrdreg $0xFFFFFFFF  }
0xbc: {  	[dreg:$0x0] =	wrdreg $0x60  }
0xbd: {  	[dreg:$0x2] =	wrdreg s24  }
0xbe: {  	[dreg:$0x3] =	wrdreg $0x41000  }
0xbf: {  	[dreg:$0x4] =	wrdreg $0x9  }
0xc0: {  	_ =	task.clear_ibuf [dreg:s22], $0x5FFFF;
	_ =	strace $0x90000049  }
0xc1: {  	s29 =	simm.s32 $0x9;
	_ =	strace $0x8000004B  }
0xc2: {  	_ =	swait.ge [sflag:s29], $0x1  }
0xc3: {  	[sflag:s29] =	ssyncadd.s32 $0xFFFFFFFF  }
0xc4: {  	_ =	strace $0x9000004B  }
0xc5: {  	_ =	sfence  }
0xc6: {  	s30 =	sld [smem:$0x0];
	_ =	sdelay $0x2  }
0xc7: {  	s31 =	sshll.u32 s1, $0xD;
	s1 =	sshrl.u32 s1, $0x2  }
0xc8: {  	s4 =	sand.u32 $0x4000, s31;
	s1 =	sadd.s32 s1, s30  }
0xc9: {  	s0 =	sor.u32 s4, s0;
	s1 =	sshll.u32 s1, $0x11  }
0xca: {  	s0 =	sor.u32 s1, s0  }
0xcb: {  	s0 =	sadd.s32 $0x8F2B, s0  }
0xcc: {  	[sflag:s0] =	ssyncadd.remote.s32 $0x1  }
0xcd: {  	_ =	sfence.sel $0xFFFF  }
0xce: {  	[dreg:$0x0] =	wrdreg $0xFFFFFFFF;
	(pc) =	sbr.abs _section_cstart, $3  }
0xcf: {  	[dreg:$0x1] =	wrdreg $0xFFFFFFFF  }
0xd0: {  	_ =	task.clear_ibuf [dreg:s22], $0x2FFFF;
	_ =	strace $0x9FFFFFFF  }
0xd1: {  	(tm) =	ssettm $0x7FFFFFFF  }
tec
execute0_lowered:
.L_overlay_start_1:
0x0: {  	(tag) =	ssettag $0x1  }
0x1: {  	s7 =	rddreg [dreg:$0x0]  }
0x2: {  	s1 =	rddreg [dreg:$0x1]  }
0x3: {  	s0 =	rddreg [dreg:$0x2]  }
0x4: {  	s2 =	simm.s32 $0x0;
	s13 =	stileid.u32;
	s4 =	srdreg.scid  }
0x5: {  	[smem:$0x7FF] =	sst s2;
	s9 =	smul.u32 $0x13800, s13  }
0x6: {  	s10 =	sadd.s32 $0x4EFE00, s7;
	s11 =	sand.u32 $0x1, s4;
	s26 =	smul.u32 $0x4E000, s13  }
0x7: {  	s12 =	sadd.s32 $0x79C00, s7;
	s14 =	sshll.u32 s13, $0x1;
	s28 =	sshll.u32 s13, $0x6  }
0x8: {  	s18 =	sadd.s32 $0x138000, s1;
	s19 =	sshll.u32 s13, $0x5;
	p0 =	sne.s32 s13, $0x0  }
0x9: {  	_ =	strace $0x8000004A;
	s6 =	ssub.s32 $0x2, s11;
	s4 =	sor.u32 s11, s14  }
0xa: {  	s17 =	smul.u32 $0x138800, s11;
	s19 =	sadd.s32 s19, s10;
	s11 =	sshll.u32 s11, $0x4  }
0xb: {  	s31 =	sor.u32 $0x9C0, s14;
	s14 =	simm.s32 $0x1;
	s3 =	sshrl.u32 s9, $0x3  }
0xc: {  	s8 =	sshrl.u32 s6, $0x1;
	s15 =	sshrl.u32 s26, $0x2;
	s29 =	sshll.u32 s4, $0x4  }
0xd: {  	s30 =	sadd.s32 s11, s19;
	p1 =	sgt.u32 s31, $0x9C3;
	s19 =	simm.s32 $0x0  }
0xe: {  	s5 =	sadd.s32 s3, s7;
	s3 =	sadd.s32 $0x79400, s7;
	s16 =	ssub.s32 s6, s8  }
0xf: {  	s15 =	sadd.s32 s15, s1;
	s6 =	sor.u32 $0x1C01, s28;
	s7 =	sadd.s32 $0x2B000, s7  }
0x10: {  	s8 =	sadd.s32 s10, s29;
	s9 =	sadd.s32 s9, s17;
	s17 =	sshrl.u32 s17, $0x3  }
0x11: {  	s5 =	sadd.s32 $0x4000, s5;
	s9 =	sshrl.u32 s9, $0x3;
	s17 =	sadd.s32 s12, s17  }
0x12: {  	s11 =	smax.u32 s16, $0x1;
	s13 =	sshrl.u32 s15, $0x3;
	s15 =	sshrl.u32 @!p0 s18, $0x3  }
0x13: {  	s16 =	simm.s32 $0x100;
	s18 =	simm.s32 $0x2;
	s9 =	sadd.s32 s12, s9  }
0x14: {  	s10 =	sadd.s32 $0x27000, s17;
	s12 =	sadd.s32 $0x400, s30;
	s17 =	simm.s32 $0x80  }
.LBB2_1:
0x15: {  	[spmem:s13], [sflag:s6] =	dma.local [hbm:s5], $0x2700  }
0x16: {  	_ =	swait.ge [sflag:s14], $0x2700  }
0x17: {  	[sflag:s14] =	ssyncset.done $0x0  }
0x18: {  	s20 =	simm.s32 @!p0 $0x1;
	[sflag:s14] =	ssyncadd.s32 $0xFFFFD900  }
0x19: {  	[spmem:s15], [sflag:s6] =	dma.local @!p0 [hbm:s7], $0x100  }
0x1a: {  	_ =	swait.ge @!p0 [sflag:s20], $0x100  }
0x1b: {  	[sflag:s20] =	ssyncset.done @!p0 $0x0  }
0x1c: {  	[sflag:s20] =	ssyncadd.s32 @!p0 $0xFFFFFF00  }
0x1d: {  	[tilespmem:s16], [sflag:$0x1] =	stream.linear.gather [hbm4b:s3+s2], $0x4000, $0x38;
	[tilespmem:$0x17980] =	vst v63  }
0x1e: {  	_ =	swait.ge [sflag:s14], $0x4000  }
0x1f: {  	[sflag:s14] =	ssyncset.done $0x0  }
0x20: {  	[sflag:s14] =	ssyncadd.s32 $0xFFFFC000  }
0x21: {  	[tilespmem:s2], [sflag:$0x1] =	stream.linear.gather [hbm4b:s8+s2], $0x80, $0x38;
	[tilespmem:$0x17980] =	vst v63  }
0x22: {  	_ =	swait.ge [sflag:s14], $0x80  }
0x23: {  	[sflag:s14] =	ssyncset.done $0x0  }
0x24: {  	[sflag:s14] =	ssyncadd.s32 $0xFFFFFF80  }
0x25: {  	s30 =	sadd.s32 $0xFFFFFE00, s12;
	[bflag:$0x0] =	sbarrier.arrive $0xFFFF  }
0x26: {  	[tilespmem:s17], [sflag:$0x2] =	stream.linear.gather [hbm4b:s30+s2], $0x80, $0x38;
	[tilespmem:$0x17980] =	vst v63  }
0x27: {  	_ =	swait.ge [sflag:s18], $0x80  }
0x28: {  	[sflag:s18] =	ssyncset.done $0x0  }
0x29: {  	[sflag:s18] =	ssyncadd.s32 $0xFFFFFF80  }
0x2a: {  	[spmem:s1] =	stream.indirect.scatter.add.f32 [tilespmem:s16], [sflag:$0x2], $0x80, s2, s17, $0xb8;
	[tilespmem:$0x17980] =	vst v63  }
0x2b: {  	s31 =	sadd.s32 $0x20, s4;
	_ =	swait.ge [sflag:s18], $0x4000  }
0x2c: {  	p2 =	sgt.u32 s31, $0x9A3;
	[sflag:s18] =	ssyncset.done $0x0  }
0x2d: {  	s21 =	simm.s32 @!p2 $0x2;
	s20 =	simm.s32 @!p2 $0x0;
	[sflag:s18] =	ssyncadd.s32 $0xFFFFC000  }
0x2e: {  	[tilespmem:s20], [sflag:$0x2] =	stream.linear.gather @!p2 [hbm4b:s12+s20], $0x80, $0x38;
	[tilespmem:$0x17980] =	vst v63  }
0x2f: {  	_ =	swait.ge @!p2 [sflag:s21], $0x80  }
0x30: {  	[sflag:s21] =	ssyncset.done @!p2 $0x0  }
0x31: {  	[sflag:s21] =	ssyncadd.s32 @!p2 $0xFFFFFF80  }
0x32: {  	[spmem:s1] =	stream.indirect.scatter.add.f32 [tilespmem:s16], [sflag:$0x1], $0x80, s17, s17, $0xb8;
	[tilespmem:$0x17980] =	vst v63  }
0x33: {  	s22 =	simm.s32 $0xA0;
	_ =	swait.ge [sflag:s14], $0x4000  }
0x34: {  	s20 =	sadd.s32 $0x400, s12;
	s21 =	simm.s32 $0x60;
	[sflag:s14] =	ssyncset.done $0x0  }
.LBB2_2:
0x35: {  	s23 =	sadd.s32 $0xFFFFFE00, s20  }
0x36: {  	[sflag:s14] =	ssyncadd.s32 $0xFFFFC000;
	s24 =	smov.u32 s22;
	s22 =	sadd.s32 $0x40, s22  }
0x37: {  	[tilespmem:s17], [sflag:$0x2] =	stream.linear.gather [hbm4b:s23+s2], $0x80, $0x38;
	[tilespmem:$0x17980] =	vst v63  }
0x38: {  	p2 =	sne.s32 s22, $0x9E0;
	_ =	swait.ge [sflag:s18], $0x80  }
0x39: {  	[sflag:s18] =	ssyncset.done $0x0  }
0x3a: {  	[sflag:s18] =	ssyncadd.s32 $0xFFFFFF80  }
0x3b: {  	[spmem:s1] =	stream.indirect.scatter.add.f32 [tilespmem:s16], [sflag:$0x2], $0x80, s2, s17, $0xb8;
	[tilespmem:$0x17980] =	vst v63  }
0x3c: {  	s23 =	sadd.s32 s21, s4;
	s21 =	smov.u32 s24;
	_ =	swait.ge [sflag:s18], $0x4000  }
0x3d: {  	p3 =	sgt.u32 s23, $0x9A3;
	[sflag:s18] =	ssyncset.done $0x0  }
0x3e: {  	s23 =	simm.s32 @!p3 $0x0;
	s24 =	simm.s32 @!p3 $0x2;
	[sflag:s18] =	ssyncadd.s32 $0xFFFFC000  }
0x3f: {  	[tilespmem:s23], [sflag:$0x2] =	stream.linear.gather @!p3 [hbm4b:s20+s23], $0x80, $0x38;
	[tilespmem:$0x17980] =	vst v63  }
0x40: {  	_ =	swait.ge @!p3 [sflag:s24], $0x80  }
.Ltmp0:
0x41: {  	[sflag:s24] =	ssyncset.done @!p3 $0x0;
	(pc) =	sbr.rel @p2 .LBB2_2-.Ltmp0, $4  }
0x42: {  	[sflag:s24] =	ssyncadd.s32 @!p3 $0xFFFFFF80  }
0x43: {  	[spmem:s1] =	stream.indirect.scatter.add.f32 [tilespmem:s16], [sflag:$0x1], $0x80, s17, s17, $0xb8;
	[tilespmem:$0x17980] =	vst v63  }
0x44: {  	_ =	swait.ge [sflag:s14], $0x4000  }
0x45: {  	s20 =	sadd.s32 $0x400, s20;
	[sflag:s14] =	ssyncset.done $0x0  }
0x46: {  	s22 =	sadd.s32 $0xFFFFFE00, s20;
	[sflag:s14] =	ssyncadd.s32 $0xFFFFC000  }
0x47: {  	[tilespmem:s17], [sflag:$0x2] =	stream.linear.gather [hbm4b:s22+s2], $0x80, $0x38;
	[tilespmem:$0x17980] =	vst v63  }
0x48: {  	_ =	swait.ge [sflag:s18], $0x80  }
0x49: {  	[sflag:s18] =	ssyncset.done $0x0  }
0x4a: {  	[sflag:s18] =	ssyncadd.s32 $0xFFFFFF80  }
0x4b: {  	[spmem:s1] =	stream.indirect.scatter.add.f32 [tilespmem:s16], [sflag:$0x2], $0x80, s2, s17, $0xb8;
	[tilespmem:$0x17980] =	vst v63  }
0x4c: {  	s21 =	sadd.s32 s21, s4;
	_ =	swait.ge [sflag:s18], $0x4000  }
0x4d: {  	p2 =	sgt.u32 s21, $0x9A3;
	[sflag:s18] =	ssyncset.done $0x0  }
0x4e: {  	s21 =	simm.s32 @!p2 $0x0;
	s22 =	simm.s32 @!p2 $0x2;
	[sflag:s18] =	ssyncadd.s32 $0xFFFFC000  }
0x4f: {  	[tilespmem:s21], [sflag:$0x2] =	stream.linear.gather @!p2 [hbm4b:s20+s21], $0x80, $0x38;
	[tilespmem:$0x17980] =	vst v63  }
0x50: {  	_ =	swait.ge @!p2 [sflag:s22], $0x80  }
0x51: {  	[sflag:s22] =	ssyncset.done @!p2 $0x0  }
0x52: {  	[sflag:s22] =	ssyncadd.s32 @!p2 $0xFFFFFF80  }
0x53: {  	[spmem:s1] =	stream.indirect.scatter.add.f32 [tilespmem:s16], [sflag:$0x1], $0x80, s17, s17, $0xb8;
	[tilespmem:$0x17980] =	vst v63  }
0x54: {  	_ =	swait.ge [sflag:s14], $0x4000  }
0x55: {  	s20 =	simm.s32 @!p1 $0x80;
	[sflag:s14] =	ssyncset.done $0x0  }
0x56: {  	s21 =	simm.s32 @!p1 $0x0;
	s22 =	simm.s32 @!p1 $0x100;
	[sflag:s14] =	ssyncadd.s32 $0xFFFFC000  }
0x57: {  	[spmem:s1] =	stream.indirect.scatter.add.f32 @!p1 [tilespmem:s22], [sflag:$0x2], $0x80, s21, s20, $0xb8;
	[tilespmem:$0x17980] =	vst v63  }
0x58: {  	s20 =	simm.s32 @!p1 $0x2  }
0x59: {  	_ =	swait.ge @!p1 [sflag:s20], $0x4000  }
0x5a: {  	[sflag:s20] =	ssyncset.done @!p1 $0x0  }
0x5b: {  	[sflag:s20] =	ssyncadd.s32 @!p1 $0xFFFFC000  }
0x5c: {  	[bflag:$0x0] =	sbarrier.arrive $0xFFFF  }
0x5d: {  	[hbm:s9], [sflag:s6] =	dma.local [spmem:s13], $0x2700  }
0x5e: {  	s19 =	sadd.s32 $0x1, s19;
	_ =	swait.ge [sflag:s14], $0x2700  }
0x5f: {  	p2 =	sne.s32 s19, s11;
	[sflag:s14] =	ssyncset.done $0x0  }
.Ltmp1:
0x60: {  	s20 =	simm.s32 @!p0 $0x1;
	[sflag:s14] =	ssyncadd.s32 $0xFFFFD900;
	(pc) =	sbr.rel @p2 .LBB2_1-.Ltmp1, $4  }
0x61: {  	[hbm:s10], [sflag:s6] =	dma.local @!p0 [spmem:s15], $0x100  }
0x62: {  	_ =	swait.ge @!p0 [sflag:s20], $0x100  }
0x63: {  	[sflag:s20] =	ssyncset.done @!p0 $0x0  }
0x64: {  	[sflag:s20] =	ssyncadd.s32 @!p0 $0xFFFFFF00  }
0x65: {  	_ =	sfence.sel $0x180000  }
0x66: {  	[bflag:$0x0] =	sbarrier.arrive $0xFFFF  }
0x67: {  	_ =	strace $0x9000004A  }
0x68: {  	s0 =	sadd.s32 @!p0 $0x100000, s0;
	[bflag:$0x2] =	sbarrier.arrive $0xFFFF  }
0x69: {  	[sflag:s0] =	ssyncadd.tile.s32 @!p0 $0x1;
	_ =	shalt  }
.Lfunc_end2:
_tile_overlayer_lowered:
.L_overlay_start_2:
0x6a: {  	(tag) =	ssettag $0x2  }
0x6b: {  	s0 =	rddreg [dreg:$0x0];
	s2 =	stileid.u32  }
0x6c: {  	s1 =	rddreg [dreg:$0x1];
	p0 =	sne.s32 s2, $0x0  }
0x6d: {  	s3 =	rddreg [dreg:$0x2];
	[bflag:$0x3] =	sbarrier.arrive $0xFFFF;
	s2 =	simm.s32 @!p0 $0x1C01  }
0x6e: {  	[timem:s3], [sflag:s2] =	dma.local @!p0 [hbm:s0], s1  }
0x6f: {  	s0 =	simm.s32 @!p0 $0x1  }
0x70: {  	_ =	swait.ge @!p0 [sflag:s0], s1  }
0x71: {  	s1 =	ssub.s32 @!p0 $0x0, s1;
	[sflag:s0] =	ssyncset.done @!p0 $0x0  }
0x72: {  	[sflag:s0] =	ssyncadd.s32 @!p0 s1  }
0x73: {  	[bflag:$0x3] =	sbarrier.arrive $0xFFFF  }
0x74: {  	_ =	shalt  }

// kernel: kernel.14.cloned.1.call-start
scs
__scs_entry_jumppad:
0x0: {  	(pc) =	sbr.rel $0x88, $3  }
0x1: {  	(tag) =	ssettag $0x0;
	lr =	simm.s32 $0x1  }
0x2: {  	[smem:$0x3F98] =	sst lr;
	_ =	strace $0xD0000000  }
0x3: {  	_ = 	snop  }
0x4: {  	_ = 	snop  }
0x5: {  	_ = 	snop  }
0x6: {  	_ = 	snop  }
0x7: {  	_ = 	snop  }
__scs_overlays_trampoline_lowered:
0x8: {  	[smem:$0x3FA7] =	sst s0  }
0x9: {  	[smem:$0x3FA8] =	sst s1  }
0xa: {  	[smem:$0x3FA9] =	sst s2  }
0xb: {  	[smem:$0x3FAA] =	sst s3  }
0xc: {  	[smem:$0x3FAB] =	sst s4  }
0xd: {  	[smem:$0x3FAC] =	sst s5  }
0xe: {  	[smem:$0x3FAD] =	sst s6  }
0xf: {  	[smem:$0x3FAE] =	sst s7  }
0x10: {  	[smem:$0x3FAF] =	sst s8  }
0x11: {  	[smem:$0x3FB0] =	sst s9;
	s0 =	simm.s32 @!p0 $0x0  }
0x12: {  	s1 =	sld [smem:$0x3F96];
	s0 =	simm.s32 @p0 $0x1  }
0x13: {  	[smem:$0x3FB1] =	sst s0;
	s0 =	simm.s32 @!p1 $0x0  }
0x14: {  	s2 =	sld [smem:$0x3F95];
	s0 =	simm.s32 @p1 $0x1  }
0x15: {  	[smem:$0x3FB2] =	sst s0;
	s0 =	simm.s32 @!p2 $0x0  }
0x16: {  	s3 =	sld [smem:$0x3FDB];
	s0 =	simm.s32 @p2 $0x1  }
0x17: {  	s4 =	simm.s32 $0x1BF5;
	[smem:$0x3FB4] =	sst s0  }
0x18: {  	s0 =	sld [smem:$0x3F97];
	_ =	swait.ge [sflag:s4], $0x0  }
0x19: {  	s7 =	sld [smem:$0x3F98]  }
0x1a: {  	s8 =	sadd.s32 $0xFFFFE003, lr  }
0x1b: {  	s9 =	sadd.s32 $0xFFFFFEF7, lr;
	s5 =	simm.s32 $0xFFFFFFFF;
	p2 =	slt.u32 s8, $0xFFFFF086  }
0x1c: {  	p1 =	slt.u32 s9, $0xF7A;
	s5 =	simm.s32 @!p2 $0x0  }
0x1d: {  	s5 =	simm.s32 @p1 $0x1;
	p0 =	seq.s32 s7, s2  }
0x1e: {  	s7 =	smul.u32 @!p0 $0xF7A, s2;
	p2 =	seq.s32 @!p0 s5, $0x0  }
0x1f: {  	s9 =	smul.u32 $0xF7A, s1;
	s8 =	simm.s32 @!p0 $0x1BF5;
	p2 =	por !p2, p0  }
0x20: {  	[sflag:s8] =	ssyncset.s32 @!p0 $0xFFFFF086;
	s6 =	sadd.s32 @!p0 s3, s7;
	s7 =	simm.s32 @!p0 $0x108  }
0x21: {  	s3 =	sadd.s32 s3, s9;
	s6 =	sadd.s32 @!p0 $0x88, s6;
	s7 =	simm.s32 @p2 $0x1082  }
0x22: {  	[simem:s7], [sflag:s8] =	dma.local @!p0 [hbm:s6], $0xF7A  }
0x23: {  	s9 =	sor.u32 $0xD0000000, s2;
	s6 =	simm.s32 $0x108;
	_ =	swait.ge @!p0 [sflag:s8], $0x0  }
0x24: {  	s3 =	sadd.s32 $0x88, s3;
	s6 =	simm.s32 @!p1 $0x1082;
	[sflag:s4] =	ssyncset.s32 $0xFFFFF086  }
0x25: {  	[simem:s6], [sflag:s4] =	dma.local [hbm:s3], $0xF7A  }
0x26: {  	[smem:$0x3F98] =	sst s1;
	(tag) =	ssettag s2;
	_ =	strace s9  }
0x27: {  	s1 =	sld [smem:$0x3FA8]  }
0x28: {  	s2 =	sld [smem:$0x3FA9]  }
0x29: {  	s4 =	sld [smem:$0x3FAB]  }
0x2a: {  	p0 =	seq.s32 s5, $0x0;
	s5 =	sld [smem:$0x3FAC]  }
0x2b: {  	s6 =	sld [smem:$0x3FAD]  }
0x2c: {  	s7 =	sld [smem:$0x3FAE]  }
0x2d: {  	s3 =	simm.s32 $0x108;
	s8 =	sld [smem:$0x3FAF]  }
0x2e: {  	s3 =	simm.s32 @!p0 $0x1082;
	s9 =	sld [smem:$0x3FB0]  }
0x2f: {  	lr =	sadd.s32 s0, s3;
	s0 =	sld [smem:$0x3FA7]  }
0x30: {  	s3 =	sld [smem:$0x3FAA]  }
0x31: {  	[smem:$0x3FB3] =	sst s10  }
0x32: {  	s10 =	sld [smem:$0x3FB1];
	_ =	sdelay $0x3  }
0x33: {  	p0 =	seq.s32 s10, $0x1;
	s10 =	sld [smem:$0x3FB3];
	_ =	sdelay $0x3  }
0x34: {  	[smem:$0x3FB3] =	sst s10  }
0x35: {  	s10 =	sld [smem:$0x3FB2];
	_ =	sdelay $0x3  }
0x36: {  	p1 =	seq.s32 s10, $0x1;
	s10 =	sld [smem:$0x3FB3];
	_ =	sdelay $0x3  }
0x37: {  	[smem:$0x3FB3] =	sst s10  }
0x38: {  	s10 =	sld [smem:$0x3FB4]  }
0x39: {  	_ = 	snop;
	(pc) =	sbr.ind lr, $3  }
0x3a: {  	_ = 	snop  }
0x3b: {  	_ = 	snop  }
0x3c: {  	p2 =	seq.s32 s10, $0x1;
	s10 =	sld [smem:$0x3FB3]  }
0x3d: {  	_ =	shalt  }
0x3e: {  	_ =	shalt  }
0x3f: {  	_ =	shalt  }
0x40: {  	_ =	shalt  }
0x41: {  	_ =	shalt  }
0x42: {  	_ =	shalt  }
0x43: {  	_ =	shalt  }
0x44: {  	_ =	shalt  }
0x45: {  	_ =	shalt  }
0x46: {  	_ =	shalt  }
0x47: {  	_ =	shalt  }
0x48: {  	_ =	shalt  }
0x49: {  	_ =	shalt  }
0x4a: {  	_ =	shalt  }
0x4b: {  	_ =	shalt  }
0x4c: {  	_ =	shalt  }
0x4d: {  	_ =	shalt  }
0x4e: {  	_ =	shalt  }
0x4f: {  	_ =	shalt  }
0x50: {  	_ =	shalt  }
0x51: {  	_ =	shalt  }
0x52: {  	_ =	shalt  }
0x53: {  	_ =	shalt  }
0x54: {  	_ =	shalt  }
0x55: {  	_ =	shalt  }
0x56: {  	_ =	shalt  }
0x57: {  	_ =	shalt  }
0x58: {  	_ =	shalt  }
0x59: {  	_ =	shalt  }
0x5a: {  	_ =	shalt  }
0x5b: {  	_ =	shalt  }
0x5c: {  	_ =	shalt  }
0x5d: {  	_ =	shalt  }
0x5e: {  	_ =	shalt  }
0x5f: {  	_ =	shalt  }
0x60: {  	_ =	shalt  }
0x61: {  	_ =	shalt  }
0x62: {  	_ =	shalt  }
0x63: {  	_ =	shalt  }
0x64: {  	_ =	shalt  }
0x65: {  	_ =	shalt  }
0x66: {  	_ =	shalt  }
0x67: {  	_ =	shalt  }
0x68: {  	_ =	shalt  }
0x69: {  	_ =	shalt  }
0x6a: {  	_ =	shalt  }
0x6b: {  	_ =	shalt  }
0x6c: {  	_ =	shalt  }
0x6d: {  	_ =	shalt  }
0x6e: {  	_ =	shalt  }
0x6f: {  	_ =	shalt  }
0x70: {  	_ =	shalt  }
0x71: {  	_ =	shalt  }
0x72: {  	_ =	shalt  }
0x73: {  	_ =	shalt  }
0x74: {  	_ =	shalt  }
0x75: {  	_ =	shalt  }
0x76: {  	_ =	shalt  }
0x77: {  	_ =	shalt  }
0x78: {  	_ =	shalt  }
0x79: {  	_ =	shalt  }
0x7a: {  	_ =	shalt  }
0x7b: {  	_ =	shalt  }
0x7c: {  	_ =	shalt  }
0x7d: {  	_ =	shalt  }
0x7e: {  	_ =	shalt  }
0x7f: {  	_ =	shalt  }
0x80: {  	_ =	shalt  }
0x81: {  	_ =	shalt  }
0x82: {  	_ =	shalt  }
0x83: {  	_ =	shalt  }
0x84: {  	_ =	shalt  }
0x85: {  	_ =	shalt  }
0x86: {  	_ =	shalt  }
0x87: {  	_ =	shalt  }
.Lfunc_end0:
.L_simem_size_0:
called_computation.1_lowered:
.L_overlay_start_0:
0x88: {  	s2 =	sld [smem:$0x3FD9]  }
0x89: {  	s3 =	sld [smem:$0x3FFE];
	_ =	sdelay $0x1  }
0x8a: {  	s1 =	srdreg.scid  }
0x8b: {  	s0 =	sand.u32 $0x1, s1  }
0x8c: {  	s16 =	sshll.u32 s0, $0xA;
	s2 =	sadd.s32 s3, s2  }
0x8d: {  	s2 =	sadd.s32 s2, s16  }
0x8e: {  	[smem:$0x3FBF] =	sst s2  }
0x8f: {  	_ = 	snop  }
0x90: {  	(tm) =	ssettm $0x1  }
0x91: {  	s17 =	sld [smem:$0x3FFB];
	_ =	sdelay $0x3  }
0x92: {  	_ =	strace s17  }
0x93: {  	s2 =	sld [smem:$0x3FFC];
	_ =	sdelay $0x3  }
0x94: {  	_ =	strace s2  }
0x95: {  	s2 =	sld [smem:$0x3FFD];
	_ =	sdelay $0x3  }
0x96: {  	_ =	strace s2  }
0x97: {  	_ =	strace $0x8FFFFFFF  }
0x98: {  	s18 =	sld [smem:$0x3FDB];
	_ =	sdelay $0x1  }
0x99: {  	s19 =	simm.s32 $_scs_section_size  }
0x9a: {  	s4 =	simm.s32 $_size__tile_overlayer_lowered;
	s5 =	simm.s32 $_tile_overlayer_lowered  }
0x9b: {  	s22 =	simm.s32 $0x1BFF;
	s21 =	sshll.u32 s5, $0x1;
	s2 =	sadd.s32 s19, s18  }
0x9c: {  	s6 =	simm.s32 $0x0;
	s20 =	sshll.u32 s4, $0x1;
	s4 =	sadd.s32 s21, s2  }
0x9d: {  	[timem:s6], [sflag:s22] =	dma.local [hbm:s4], s20  }
0x9e: {  	_ =	swait.ge [sflag:s22], s20  }
0x9f: {  	s3 =	ssub.s32 $0x0, s20;
	[sflag:s22] =	ssyncset.done $0x0  }
0xa0: {  	[sflag:s22] =	ssyncadd.s32 s3;
	_ =	sdelay $0x1  }
0xa1: {  	s23 =	simm.s32 $0x1B8B  }
0xa2: {  	_ =	swait.ge [sflag:s23], $0x1  }
0xa3: {  	[sflag:s23] =	ssyncset.done $0x0  }
0xa4: {  	s25 =	simm.s32 $0x1B8E;
	s24 =	sld [smem:$0x3FFE];
	[sflag:s23] =	ssyncadd.s32 $0xFFFFFFFF  }
0xa5: {  	s26 =	simm.s32 $execute0_lowered;
	[smem:$0x3FD2] =	sst s25  }
0xa6: {  	s4 =	sshll.u32 s26, $0x1;
	_ =	strace $0x80000046;
	[dreg:$0x1] =	wrdreg $0xFFFFFFFF  }
0xa7: {  	s28 =	simm.s32 $_size_execute0_lowered;
	s2 =	sadd.s32 s2, s4;
	[dreg:$0x0] =	wrdreg $0x0  }
0xa8: {  	s4 =	sshll.u32 s28, $0x1;
	[dreg:$0x2] =	wrdreg s2  }
0xa9: {  	[dreg:$0x3] =	wrdreg s4  }
0xaa: {  	[dreg:$0x4] =	wrdreg $0xC0  }
0xab: {  	_ =	task [dreg:s6], $0x5FFFF  }
0xac: {  	[dreg:$0x1] =	wrdreg $0xFFFFFFFF  }
0xad: {  	[dreg:$0x0] =	wrdreg $0x60  }
0xae: {  	[dreg:$0x2] =	wrdreg s24  }
0xaf: {  	[dreg:$0x3] =	wrdreg $0x81000  }
0xb0: {  	[dreg:$0x4] =	wrdreg $0xA  }
0xb1: {  	_ =	task.clear_ibuf [dreg:s6], $0x5FFFF;
	_ =	strace $0x90000046  }
0xb2: {  	s29 =	simm.s32 $0xA;
	_ =	strace $0x80000048  }
0xb3: {  	_ =	swait.ge [sflag:s29], $0x1  }
0xb4: {  	[sflag:s29] =	ssyncadd.s32 $0xFFFFFFFF  }
0xb5: {  	_ =	strace $0x90000048  }
0xb6: {  	_ =	sfence  }
0xb7: {  	s30 =	sld [smem:$0x0];
	_ =	sdelay $0x2  }
0xb8: {  	s31 =	sshll.u32 s1, $0xD;
	s1 =	sshrl.u32 s1, $0x2  }
0xb9: {  	s3 =	sand.u32 $0x4000, s31;
	s1 =	sadd.s32 s1, s30  }
0xba: {  	s0 =	sor.u32 s3, s0;
	s1 =	sshll.u32 s1, $0x11  }
0xbb: {  	s0 =	sor.u32 s1, s0  }
0xbc: {  	s0 =	sadd.s32 $0x8F2B, s0  }
0xbd: {  	[sflag:s0] =	ssyncadd.remote.s32 $0x1  }
0xbe: {  	_ =	sfence.sel $0xFFFF  }
0xbf: {  	[dreg:$0x0] =	wrdreg $0xFFFFFFFF;
	(pc) =	sbr.abs _section_cstart, $3  }
0xc0: {  	[dreg:$0x1] =	wrdreg $0xFFFFFFFF  }
0xc1: {  	_ =	task.clear_ibuf [dreg:s6], $0x2FFFF;
	_ =	strace $0x9FFFFFFF  }
0xc2: {  	(tm) =	ssettm $0x7FFFFFFF  }
0xc3: {  	_ =	shalt  }
tec
execute0_lowered:
.L_overlay_start_1:
0x0: {  	(tag) =	ssettag $0x1  }
0x1: {  	s5 =	rddreg [dreg:$0x0]  }
0x2: {  	s1 =	rddreg [dreg:$0x1]  }
0x3: {  	s2 =	simm.s32 $0x0;
	s14 =	stileid.u32;
	s3 =	srdreg.scid  }
0x4: {  	s21 =	simm.s32 $0x1;
	[smem:$0x7FF] =	sst s2;
	s7 =	smul.u32 $0x13800, s14  }
0x5: {  	s22 =	simm.s32 $0x2;
	s11 =	sadd.s32 $0x4F9C00, s5;
	s12 =	sadd.s32 $0x4EFE00, s5  }
0x6: {  	s13 =	sand.u32 $0x1, s3;
	s6 =	smul.u32 $0x4E000, s14;
	s8 =	sadd.s32 $0x2B200, s5  }
0x7: {  	s15 =	sshll.u32 s14, $0x1;
	s25 =	sshll.u32 s14, $0x6;
	s18 =	sadd.s32 $0x138000, s1  }
0x8: {  	s29 =	sshll.u32 s14, $0x5;
	s30 =	sshll.u32 s14, $0xC;
	p0 =	sne.s32 s14, $0x0  }
0x9: {  	_ =	strace $0x80000047;
	s4 =	ssub.s32 $0x2, s13;
	s16 =	sor.u32 s13, s15  }
0xa: {  	s26 =	smul.u32 $0x138800, s13;
	s31 =	sshll.u32 s13, $0x4;
	s13 =	sshll.u32 s13, $0xB  }
0xb: {  	s23 =	sshrl.u32 s7, $0x3;
	s9 =	sshrl.u32 s4, $0x1;
	s24 =	sshrl.u32 s6, $0x2  }
0xc: {  	s28 =	sshll.u32 s16, $0x4;
	s19 =	sshll.u32 s16, $0xB;
	s3 =	sadd.s32 s23, s5  }
0xd: {  	s10 =	ssub.s32 s4, s9;
	s17 =	sadd.s32 s24, s1;
	s4 =	sor.u32 $0x1C03, s25  }
0xe: {  	s5 =	sadd.s32 $0x2B000, s5;
	s6 =	sadd.s32 s12, s28;
	s7 =	sadd.s32 s7, s26  }
0xf: {  	s9 =	sshrl.u32 s26, $0x3;
	s23 =	sor.u32 $0x9C0, s15;
	s12 =	sadd.s32 s29, s12  }
0x10: {  	s15 =	simm.s32 $0x3;
	s3 =	sadd.s32 $0x4000, s3;
	s20 =	sshrl.u32 s7, $0x3  }
0x11: {  	s9 =	sadd.s32 s8, s9;
	s7 =	sadd.s32 s11, s19;
	s10 =	smax.u32 s10, $0x1  }
0x12: {  	s11 =	sadd.s32 s30, s11;
	s12 =	sadd.s32 s31, s12;
	s14 =	sshrl.u32 s17, $0x3  }
0x13: {  	s17 =	simm.s32 $0x100;
	s19 =	simm.s32 $0x4;
	p1 =	sgt.u32 s23, $0x9C3  }
0x14: {  	s23 =	simm.s32 $0x0;
	s8 =	sadd.s32 s8, s20;
	s9 =	sadd.s32 $0x27000, s9  }
0x15: {  	s11 =	sadd.s32 s13, s11;
	s12 =	sadd.s32 $0x400, s12;
	s13 =	sor.u32 $0x20, s16  }
0x16: {  	s16 =	sshrl.u32 @!p0 s18, $0x3;
	s18 =	simm.s32 $0x80;
	s20 =	simm.s32 $0x4100  }
.LBB2_1:
0x17: {  	[spmem:s14], [sflag:s4] =	dma.local [hbm:s3], $0x2700  }
0x18: {  	_ =	swait.ge [sflag:s15], $0x2700  }
0x19: {  	[sflag:s15] =	ssyncset.done $0x0  }
0x1a: {  	s24 =	simm.s32 @!p0 $0x3;
	[sflag:s15] =	ssyncadd.s32 $0xFFFFD900  }
0x1b: {  	[spmem:s16], [sflag:s4] =	dma.local @!p0 [hbm:s5], $0x100  }
0x1c: {  	_ =	swait.ge @!p0 [sflag:s24], $0x100  }
0x1d: {  	[sflag:s24] =	ssyncset.done @!p0 $0x0  }
0x1e: {  	[sflag:s24] =	ssyncadd.s32 @!p0 $0xFFFFFF00  }
0x1f: {  	[tilespmem:s2], [sflag:$0x3] =	stream.linear.gather [hbm4b:s6+s2], $0x80, $0x38;
	[tilespmem:$0x1B980] =	vst v63  }
0x20: {  	_ =	swait.ge [sflag:s15], $0x80  }
0x21: {  	[sflag:s15] =	ssyncset.done $0x0  }
0x22: {  	[sflag:s15] =	ssyncadd.s32 $0xFFFFFF80  }
0x23: {  	[tilespmem:s17], [sflag:$0x1] =	stream.linear.gather [hbm4b:s7+s2], $0x4000, $0x38;
	[tilespmem:$0x1B980] =	vst v63  }
0x24: {  	s30 =	sadd.s32 $0xFFFFFE00, s12;
	[bflag:$0x0] =	sbarrier.arrive $0xFFFF  }
0x25: {  	[tilespmem:s18], [sflag:$0x4] =	stream.linear.gather [hbm4b:s30+s2], $0x80, $0x38;
	[tilespmem:$0x1B980] =	vst v63  }
0x26: {  	_ =	swait.ge [sflag:s19], $0x80  }
0x27: {  	s31 =	sadd.s32 $0x0, s11;
	[sflag:s19] =	ssyncset.done $0x0  }
0x28: {  	s24 =	sadd.s32 $0x10000, s31;
	[sflag:s19] =	ssyncadd.s32 $0xFFFFFF80  }
0x29: {  	[tilespmem:s20], [sflag:$0x2] =	stream.linear.gather [hbm4b:s24+s2], $0x4000, $0x38;
	[tilespmem:$0x1B980] =	vst v63  }
0x2a: {  	_ =	swait.ge [sflag:s21], $0x4000  }
0x2b: {  	[sflag:s21] =	ssyncset.done $0x0  }
0x2c: {  	[sflag:s21] =	ssyncadd.s32 $0xFFFFC000  }
0x2d: {  	[spmem:s1] =	stream.indirect.scatter.add.f32 [tilespmem:s17], [sflag:$0x4], $0x80, s2, s18, $0xb8;
	[tilespmem:$0x1B980] =	vst v63  }
0x2e: {  	_ =	swait.ge [sflag:s19], $0x4000  }
0x2f: {  	p2 =	sgt.u32 s13, $0x9A3;
	[sflag:s19] =	ssyncset.done $0x0  }
0x30: {  	s25 =	simm.s32 @!p2 $0x4;
	s24 =	simm.s32 @!p2 $0x0;
	[sflag:s19] =	ssyncadd.s32 $0xFFFFC000  }
0x31: {  	[tilespmem:s24], [sflag:$0x4] =	stream.linear.gather @!p2 [hbm4b:s12+s24], $0x80, $0x38;
	[tilespmem:$0x1B980] =	vst v63  }
0x32: {  	_ =	swait.ge @!p2 [sflag:s25], $0x80  }
0x33: {  	s26 =	sadd.s32 @!p2 $0x0, s11;
	[sflag:s25] =	ssyncset.done @!p2 $0x0  }
0x34: {  	s26 =	sadd.s32 @!p2 $0x20000, s26;
	[sflag:s25] =	ssyncadd.s32 @!p2 $0xFFFFFF80;
	s25 =	simm.s32 @!p2 $0x100  }
0x35: {  	[tilespmem:s25], [sflag:$0x1] =	stream.linear.gather @!p2 [hbm4b:s26+s24], $0x4000, $0x38;
	[tilespmem:$0x1B980] =	vst v63  }
0x36: {  	_ =	swait.ge [sflag:s22], $0x4000  }
0x37: {  	[sflag:s22] =	ssyncset.done $0x0  }
0x38: {  	[sflag:s22] =	ssyncadd.s32 $0xFFFFC000  }
0x39: {  	[spmem:s1] =	stream.indirect.scatter.add.f32 [tilespmem:s20], [sflag:$0x3], $0x80, s18, s18, $0xb8;
	[tilespmem:$0x1B980] =	vst v63  }
0x3a: {  	s28 =	simm.s32 $0x40000;
	s24 =	simm.s32 $0x20000;
	_ =	swait.ge [sflag:s15], $0x4000  }
0x3b: {  	s25 =	sadd.s32 $0x400, s12;
	s26 =	sadd.s32 $0x40, s13;
	[sflag:s15] =	ssyncset.done $0x0  }
.LBB2_2:
0x3c: {  	s29 =	sadd.s32 $0xFFFFFE00, s25  }
0x3d: {  	[sflag:s15] =	ssyncadd.s32 $0xFFFFC000;
	s30 =	smov.u32 s28;
	s28 =	sadd.s32 $0x20000, s28  }
0x3e: {  	[tilespmem:s18], [sflag:$0x4] =	stream.linear.gather [hbm4b:s29+s2], $0x80, $0x38;
	[tilespmem:$0x1B980] =	vst v63  }
0x3f: {  	p2 =	sne.s32 s28, $0x4E0000;
	_ =	swait.ge [sflag:s19], $0x80  }
0x40: {  	s29 =	sadd.s32 s24, s11;
	[sflag:s19] =	ssyncset.done $0x0  }
0x41: {  	s29 =	sadd.s32 $0x10000, s29;
	[sflag:s19] =	ssyncadd.s32 $0xFFFFFF80  }
0x42: {  	[tilespmem:s20], [sflag:$0x2] =	stream.linear.gather [hbm4b:s29+s2], $0x4000, $0x38;
	[tilespmem:$0x1B980] =	vst v63  }
0x43: {  	_ =	swait.ge [sflag:s21], $0x4000  }
0x44: {  	[sflag:s21] =	ssyncset.done $0x0  }
0x45: {  	[sflag:s21] =	ssyncadd.s32 $0xFFFFC000  }
0x46: {  	[spmem:s1] =	stream.indirect.scatter.add.f32 [tilespmem:s17], [sflag:$0x4], $0x80, s2, s18, $0xb8;
	[tilespmem:$0x1B980] =	vst v63  }
0x47: {  	_ =	swait.ge [sflag:s19], $0x4000  }
0x48: {  	p3 =	sgt.u32 s26, $0x9A3;
	[sflag:s19] =	ssyncset.done $0x0  }
0x49: {  	s31 =	simm.s32 @!p3 $0x4;
	s29 =	simm.s32 @!p3 $0x0;
	[sflag:s19] =	ssyncadd.s32 $0xFFFFC000  }
0x4a: {  	[tilespmem:s29], [sflag:$0x4] =	stream.linear.gather @!p3 [hbm4b:s25+s29], $0x80, $0x38;
	[tilespmem:$0x1B980] =	vst v63  }
0x4b: {  	s0 =	sadd.s32 @!p3 s24, s11;
	s24 =	smov.u32 s30;
	_ =	swait.ge @!p3 [sflag:s31], $0x80  }
0x4c: {  	s0 =	sadd.s32 @!p3 $0x20000, s0;
	[sflag:s31] =	ssyncset.done @!p3 $0x0  }
0x4d: {  	s30 =	simm.s32 @!p3 $0x100;
	[sflag:s31] =	ssyncadd.s32 @!p3 $0xFFFFFF80  }
0x4e: {  	[tilespmem:s30], [sflag:$0x1] =	stream.linear.gather @!p3 [hbm4b:s0+s29], $0x4000, $0x38;
	[tilespmem:$0x1B980] =	vst v63  }
0x4f: {  	_ =	swait.ge [sflag:s22], $0x4000  }
.Ltmp0:
0x50: {  	[sflag:s22] =	ssyncset.done $0x0;
	(pc) =	sbr.rel @p2 .LBB2_2-.Ltmp0, $4  }
0x51: {  	[sflag:s22] =	ssyncadd.s32 $0xFFFFC000  }
0x52: {  	[spmem:s1] =	stream.indirect.scatter.add.f32 [tilespmem:s20], [sflag:$0x3], $0x80, s18, s18, $0xb8;
	[tilespmem:$0x1B980] =	vst v63  }
0x53: {  	_ =	swait.ge [sflag:s15], $0x4000  }
0x54: {  	s26 =	sadd.s32 $0x40, s26;
	s25 =	sadd.s32 $0x400, s25;
	[sflag:s15] =	ssyncset.done $0x0  }
0x55: {  	s0 =	sadd.s32 $0xFFFFFE00, s25;
	[sflag:s15] =	ssyncadd.s32 $0xFFFFC000  }
0x56: {  	[tilespmem:s18], [sflag:$0x4] =	stream.linear.gather [hbm4b:s0+s2], $0x80, $0x38;
	[tilespmem:$0x1B980] =	vst v63  }
0x57: {  	_ =	swait.ge [sflag:s19], $0x80  }
0x58: {  	s31 =	sadd.s32 s24, s11;
	[sflag:s19] =	ssyncset.done $0x0  }
0x59: {  	s0 =	sadd.s32 $0x10000, s31;
	[sflag:s19] =	ssyncadd.s32 $0xFFFFFF80  }
0x5a: {  	[tilespmem:s20], [sflag:$0x2] =	stream.linear.gather [hbm4b:s0+s2], $0x4000, $0x38;
	[tilespmem:$0x1B980] =	vst v63  }
0x5b: {  	_ =	swait.ge [sflag:s21], $0x4000  }
0x5c: {  	[sflag:s21] =	ssyncset.done $0x0  }
0x5d: {  	[sflag:s21] =	ssyncadd.s32 $0xFFFFC000  }
0x5e: {  	[spmem:s1] =	stream.indirect.scatter.add.f32 [tilespmem:s17], [sflag:$0x4], $0x80, s2, s18, $0xb8;
	[tilespmem:$0x1B980] =	vst v63  }
0x5f: {  	_ =	swait.ge [sflag:s19], $0x4000  }
0x60: {  	p2 =	sgt.u32 s26, $0x9A3;
	[sflag:s19] =	ssyncset.done $0x0  }
0x61: {  	s26 =	simm.s32 @!p2 $0x4;
	s0 =	simm.s32 @!p2 $0x0;
	[sflag:s19] =	ssyncadd.s32 $0xFFFFC000  }
0x62: {  	[tilespmem:s0], [sflag:$0x4] =	stream.linear.gather @!p2 [hbm4b:s25+s0], $0x80, $0x38;
	[tilespmem:$0x1B980] =	vst v63  }
0x63: {  	_ =	swait.ge @!p2 [sflag:s26], $0x80  }
0x64: {  	s24 =	sadd.s32 @!p2 s24, s11;
	[sflag:s26] =	ssyncset.done @!p2 $0x0  }
0x65: {  	s24 =	sadd.s32 @!p2 $0x20000, s24;
	s25 =	simm.s32 @!p2 $0x100;
	[sflag:s26] =	ssyncadd.s32 @!p2 $0xFFFFFF80  }
0x66: {  	[tilespmem:s25], [sflag:$0x1] =	stream.linear.gather @!p2 [hbm4b:s24+s0], $0x4000, $0x38;
	[tilespmem:$0x1B980] =	vst v63  }
0x67: {  	_ =	swait.ge [sflag:s22], $0x4000  }
0x68: {  	[sflag:s22] =	ssyncset.done $0x0  }
0x69: {  	[sflag:s22] =	ssyncadd.s32 $0xFFFFC000  }
0x6a: {  	[spmem:s1] =	stream.indirect.scatter.add.f32 [tilespmem:s20], [sflag:$0x3], $0x80, s18, s18, $0xb8;
	[tilespmem:$0x1B980] =	vst v63  }
0x6b: {  	_ =	swait.ge [sflag:s15], $0x4000  }
0x6c: {  	[sflag:s15] =	ssyncset.done $0x0  }
0x6d: {  	s0 =	simm.s32 @!p1 $0x1;
	[sflag:s15] =	ssyncadd.s32 $0xFFFFC000  }
0x6e: {  	_ =	swait.ge @!p1 [sflag:s0], $0x4000  }
0x6f: {  	s24 =	simm.s32 @!p1 $0x0;
	[sflag:s0] =	ssyncset.done @!p1 $0x0  }
0x70: {  	s25 =	simm.s32 @!p1 $0x100;
	[sflag:s0] =	ssyncadd.s32 @!p1 $0xFFFFC000;
	s0 =	simm.s32 @!p1 $0x80  }
0x71: {  	[spmem:s1] =	stream.indirect.scatter.add.f32 @!p1 [tilespmem:s25], [sflag:$0x4], $0x80, s24, s0, $0xb8;
	[tilespmem:$0x1B980] =	vst v63  }
0x72: {  	s0 =	simm.s32 @!p1 $0x4  }
0x73: {  	_ =	swait.ge @!p1 [sflag:s0], $0x4000  }
0x74: {  	[sflag:s0] =	ssyncset.done @!p1 $0x0  }
0x75: {  	[sflag:s0] =	ssyncadd.s32 @!p1 $0xFFFFC000  }
0x76: {  	[bflag:$0x0] =	sbarrier.arrive $0xFFFF  }
0x77: {  	[hbm:s8], [sflag:s4] =	dma.local [spmem:s14], $0x2700  }
0x78: {  	s23 =	sadd.s32 $0x1, s23;
	_ =	swait.ge [sflag:s15], $0x2700  }
0x79: {  	p2 =	sne.s32 s23, s10;
	[sflag:s15] =	ssyncset.done $0x0  }
.Ltmp1:
0x7a: {  	s0 =	simm.s32 @!p0 $0x3;
	[sflag:s15] =	ssyncadd.s32 $0xFFFFD900;
	(pc) =	sbr.rel @p2 .LBB2_1-.Ltmp1, $4  }
0x7b: {  	[hbm:s9], [sflag:s4] =	dma.local @!p0 [spmem:s16], $0x100  }
0x7c: {  	_ =	swait.ge @!p0 [sflag:s0], $0x100  }
0x7d: {  	[sflag:s0] =	ssyncset.done @!p0 $0x0  }
0x7e: {  	[sflag:s0] =	ssyncadd.s32 @!p0 $0xFFFFFF00  }
0x7f: {  	_ =	sfence.sel $0x180000  }
0x80: {  	[bflag:$0x0] =	sbarrier.arrive $0xFFFF  }
0x81: {  	_ =	strace $0x90000047  }
0x82: {  	[bflag:$0x2] =	sbarrier.arrive $0xFFFF  }
0x83: {  	s0 =	rddreg [dreg:$0x2]  }
0x84: {  	s0 =	sadd.s32 @!p0 $0x100000, s0  }
0x85: {  	[sflag:s0] =	ssyncadd.tile.s32 @!p0 $0x1;
	_ =	shalt  }
.Lfunc_end2:
_tile_overlayer_lowered:
.L_overlay_start_2:
0x86: {  	(tag) =	ssettag $0x2  }
0x87: {  	s0 =	rddreg [dreg:$0x0];
	s2 =	stileid.u32  }
0x88: {  	s1 =	rddreg [dreg:$0x1];
	p0 =	sne.s32 s2, $0x0  }
0x89: {  	s3 =	rddreg [dreg:$0x2];
	[bflag:$0x3] =	sbarrier.arrive $0xFFFF;
	s2 =	simm.s32 @!p0 $0x1C03  }
0x8a: {  	[timem:s3], [sflag:s2] =	dma.local @!p0 [hbm:s0], s1  }
0x8b: {  	s0 =	simm.s32 @!p0 $0x3  }
0x8c: {  	_ =	swait.ge @!p0 [sflag:s0], s1  }
0x8d: {  	s1 =	ssub.s32 @!p0 $0x0, s1;
	[sflag:s0] =	ssyncset.done @!p0 $0x0  }
0x8e: {  	[sflag:s0] =	ssyncadd.s32 @!p0 s1  }
0x8f: {  	[bflag:$0x3] =	sbarrier.arrive $0xFFFF  }
0x90: {  	_ =	shalt  }

// kernel: kernel.17.cloned.1.call-start
scs
__scs_entry_jumppad:
0x0: {  	(pc) =	sbr.rel $0x88, $3  }
0x1: {  	(tag) =	ssettag $0x0;
	lr =	simm.s32 $0x1  }
0x2: {  	[smem:$0x3F98] =	sst lr;
	_ =	strace $0xD0000000  }
0x3: {  	_ = 	snop  }
0x4: {  	_ = 	snop  }
0x5: {  	_ = 	snop  }
0x6: {  	_ = 	snop  }
0x7: {  	_ = 	snop  }
__scs_overlays_trampoline_lowered:
0x8: {  	[smem:$0x3FA7] =	sst s0  }
0x9: {  	[smem:$0x3FA8] =	sst s1  }
0xa: {  	[smem:$0x3FA9] =	sst s2  }
0xb: {  	[smem:$0x3FAA] =	sst s3  }
0xc: {  	[smem:$0x3FAB] =	sst s4  }
0xd: {  	[smem:$0x3FAC] =	sst s5  }
0xe: {  	[smem:$0x3FAD] =	sst s6  }
0xf: {  	[smem:$0x3FAE] =	sst s7  }
0x10: {  	[smem:$0x3FAF] =	sst s8  }
0x11: {  	[smem:$0x3FB0] =	sst s9;
	s0 =	simm.s32 @!p0 $0x0  }
0x12: {  	s1 =	sld [smem:$0x3F96];
	s0 =	simm.s32 @p0 $0x1  }
0x13: {  	[smem:$0x3FB1] =	sst s0;
	s0 =	simm.s32 @!p1 $0x0  }
0x14: {  	s2 =	sld [smem:$0x3F95];
	s0 =	simm.s32 @p1 $0x1  }
0x15: {  	[smem:$0x3FB2] =	sst s0;
	s0 =	simm.s32 @!p2 $0x0  }
0x16: {  	s3 =	sld [smem:$0x3FDB];
	s0 =	simm.s32 @p2 $0x1  }
0x17: {  	s4 =	simm.s32 $0x1BF5;
	[smem:$0x3FB4] =	sst s0  }
0x18: {  	s0 =	sld [smem:$0x3F97];
	_ =	swait.ge [sflag:s4], $0x0  }
0x19: {  	s7 =	sld [smem:$0x3F98]  }
0x1a: {  	s8 =	sadd.s32 $0xFFFFE003, lr  }
0x1b: {  	s9 =	sadd.s32 $0xFFFFFEF7, lr;
	s5 =	simm.s32 $0xFFFFFFFF;
	p2 =	slt.u32 s8, $0xFFFFF086  }
0x1c: {  	p1 =	slt.u32 s9, $0xF7A;
	s5 =	simm.s32 @!p2 $0x0  }
0x1d: {  	s5 =	simm.s32 @p1 $0x1;
	p0 =	seq.s32 s7, s2  }
0x1e: {  	s7 =	smul.u32 @!p0 $0xF7A, s2;
	p2 =	seq.s32 @!p0 s5, $0x0  }
0x1f: {  	s9 =	smul.u32 $0xF7A, s1;
	s8 =	simm.s32 @!p0 $0x1BF5;
	p2 =	por !p2, p0  }
0x20: {  	[sflag:s8] =	ssyncset.s32 @!p0 $0xFFFFF086;
	s6 =	sadd.s32 @!p0 s3, s7;
	s7 =	simm.s32 @!p0 $0x108  }
0x21: {  	s3 =	sadd.s32 s3, s9;
	s6 =	sadd.s32 @!p0 $0x88, s6;
	s7 =	simm.s32 @p2 $0x1082  }
0x22: {  	[simem:s7], [sflag:s8] =	dma.local @!p0 [hbm:s6], $0xF7A  }
0x23: {  	s9 =	sor.u32 $0xD0000000, s2;
	s6 =	simm.s32 $0x108;
	_ =	swait.ge @!p0 [sflag:s8], $0x0  }
0x24: {  	s3 =	sadd.s32 $0x88, s3;
	s6 =	simm.s32 @!p1 $0x1082;
	[sflag:s4] =	ssyncset.s32 $0xFFFFF086  }
0x25: {  	[simem:s6], [sflag:s4] =	dma.local [hbm:s3], $0xF7A  }
0x26: {  	[smem:$0x3F98] =	sst s1;
	(tag) =	ssettag s2;
	_ =	strace s9  }
0x27: {  	s1 =	sld [smem:$0x3FA8]  }
0x28: {  	s2 =	sld [smem:$0x3FA9]  }
0x29: {  	s4 =	sld [smem:$0x3FAB]  }
0x2a: {  	p0 =	seq.s32 s5, $0x0;
	s5 =	sld [smem:$0x3FAC]  }
0x2b: {  	s6 =	sld [smem:$0x3FAD]  }
0x2c: {  	s7 =	sld [smem:$0x3FAE]  }
0x2d: {  	s3 =	simm.s32 $0x108;
	s8 =	sld [smem:$0x3FAF]  }
0x2e: {  	s3 =	simm.s32 @!p0 $0x1082;
	s9 =	sld [smem:$0x3FB0]  }
0x2f: {  	lr =	sadd.s32 s0, s3;
	s0 =	sld [smem:$0x3FA7]  }
0x30: {  	s3 =	sld [smem:$0x3FAA]  }
0x31: {  	[smem:$0x3FB3] =	sst s10  }
0x32: {  	s10 =	sld [smem:$0x3FB1];
	_ =	sdelay $0x3  }
0x33: {  	p0 =	seq.s32 s10, $0x1;
	s10 =	sld [smem:$0x3FB3];
	_ =	sdelay $0x3  }
0x34: {  	[smem:$0x3FB3] =	sst s10  }
0x35: {  	s10 =	sld [smem:$0x3FB2];
	_ =	sdelay $0x3  }
0x36: {  	p1 =	seq.s32 s10, $0x1;
	s10 =	sld [smem:$0x3FB3];
	_ =	sdelay $0x3  }
0x37: {  	[smem:$0x3FB3] =	sst s10  }
0x38: {  	s10 =	sld [smem:$0x3FB4]  }
0x39: {  	_ = 	snop;
	(pc) =	sbr.ind lr, $3  }
0x3a: {  	_ = 	snop  }
0x3b: {  	_ = 	snop  }
0x3c: {  	p2 =	seq.s32 s10, $0x1;
	s10 =	sld [smem:$0x3FB3]  }
0x3d: {  	_ =	shalt  }
0x3e: {  	_ =	shalt  }
0x3f: {  	_ =	shalt  }
0x40: {  	_ =	shalt  }
0x41: {  	_ =	shalt  }
0x42: {  	_ =	shalt  }
0x43: {  	_ =	shalt  }
0x44: {  	_ =	shalt  }
0x45: {  	_ =	shalt  }
0x46: {  	_ =	shalt  }
0x47: {  	_ =	shalt  }
0x48: {  	_ =	shalt  }
0x49: {  	_ =	shalt  }
0x4a: {  	_ =	shalt  }
0x4b: {  	_ =	shalt  }
0x4c: {  	_ =	shalt  }
0x4d: {  	_ =	shalt  }
0x4e: {  	_ =	shalt  }
0x4f: {  	_ =	shalt  }
0x50: {  	_ =	shalt  }
0x51: {  	_ =	shalt  }
0x52: {  	_ =	shalt  }
0x53: {  	_ =	shalt  }
0x54: {  	_ =	shalt  }
0x55: {  	_ =	shalt  }
0x56: {  	_ =	shalt  }
0x57: {  	_ =	shalt  }
0x58: {  	_ =	shalt  }
0x59: {  	_ =	shalt  }
0x5a: {  	_ =	shalt  }
0x5b: {  	_ =	shalt  }
0x5c: {  	_ =	shalt  }
0x5d: {  	_ =	shalt  }
0x5e: {  	_ =	shalt  }
0x5f: {  	_ =	shalt  }
0x60: {  	_ =	shalt  }
0x61: {  	_ =	shalt  }
0x62: {  	_ =	shalt  }
0x63: {  	_ =	shalt  }
0x64: {  	_ =	shalt  }
0x65: {  	_ =	shalt  }
0x66: {  	_ =	shalt  }
0x67: {  	_ =	shalt  }
0x68: {  	_ =	shalt  }
0x69: {  	_ =	shalt  }
0x6a: {  	_ =	shalt  }
0x6b: {  	_ =	shalt  }
0x6c: {  	_ =	shalt  }
0x6d: {  	_ =	shalt  }
0x6e: {  	_ =	shalt  }
0x6f: {  	_ =	shalt  }
0x70: {  	_ =	shalt  }
0x71: {  	_ =	shalt  }
0x72: {  	_ =	shalt  }
0x73: {  	_ =	shalt  }
0x74: {  	_ =	shalt  }
0x75: {  	_ =	shalt  }
0x76: {  	_ =	shalt  }
0x77: {  	_ =	shalt  }
0x78: {  	_ =	shalt  }
0x79: {  	_ =	shalt  }
0x7a: {  	_ =	shalt  }
0x7b: {  	_ =	shalt  }
0x7c: {  	_ =	shalt  }
0x7d: {  	_ =	shalt  }
0x7e: {  	_ =	shalt  }
0x7f: {  	_ =	shalt  }
0x80: {  	_ =	shalt  }
0x81: {  	_ =	shalt  }
0x82: {  	_ =	shalt  }
0x83: {  	_ =	shalt  }
0x84: {  	_ =	shalt  }
0x85: {  	_ =	shalt  }
0x86: {  	_ =	shalt  }
0x87: {  	_ =	shalt  }
.Lfunc_end0:
.L_simem_size_0:
called_computation.2_lowered:
.L_overlay_start_0:
0x88: {  	s2 =	sld [smem:$0x3FD9]  }
0x89: {  	s3 =	sld [smem:$0x3FFE];
	_ =	sdelay $0x1  }
0x8a: {  	s1 =	srdreg.scid  }
0x8b: {  	s0 =	sand.u32 $0x1, s1  }
0x8c: {  	s16 =	sshll.u32 s0, $0xA;
	s2 =	sadd.s32 s3, s2  }
0x8d: {  	s2 =	sadd.s32 s2, s16  }
0x8e: {  	[smem:$0x3FBF] =	sst s2  }
0x8f: {  	_ = 	snop  }
0x90: {  	(tm) =	ssettm $0x1  }
0x91: {  	s17 =	sld [smem:$0x3FFB];
	_ =	sdelay $0x3  }
0x92: {  	_ =	strace s17  }
0x93: {  	s2 =	sld [smem:$0x3FFC];
	_ =	sdelay $0x3  }
0x94: {  	_ =	strace s2  }
0x95: {  	s2 =	sld [smem:$0x3FFD];
	_ =	sdelay $0x3  }
0x96: {  	_ =	strace s2  }
0x97: {  	_ =	strace $0x8FFFFFFF  }
0x98: {  	s18 =	sld [smem:$0x3FDB];
	_ =	sdelay $0x1  }
0x99: {  	s19 =	simm.s32 $_scs_section_size  }
0x9a: {  	s4 =	simm.s32 $_size__tile_overlayer_lowered;
	s5 =	simm.s32 $_tile_overlayer_lowered  }
0x9b: {  	s22 =	simm.s32 $0x1BFF;
	s21 =	sshll.u32 s5, $0x1;
	s2 =	sadd.s32 s19, s18  }
0x9c: {  	s6 =	simm.s32 $0x0;
	s20 =	sshll.u32 s4, $0x1;
	s4 =	sadd.s32 s21, s2  }
0x9d: {  	[timem:s6], [sflag:s22] =	dma.local [hbm:s4], s20  }
0x9e: {  	_ =	swait.ge [sflag:s22], s20  }
0x9f: {  	s3 =	ssub.s32 $0x0, s20;
	[sflag:s22] =	ssyncset.done $0x0  }
0xa0: {  	[sflag:s22] =	ssyncadd.s32 s3;
	_ =	sdelay $0x1  }
0xa1: {  	s23 =	simm.s32 $0x1B8B  }
0xa2: {  	_ =	swait.ge [sflag:s23], $0x1  }
0xa3: {  	[sflag:s23] =	ssyncset.done $0x0  }
0xa4: {  	s25 =	simm.s32 $0x1B8E;
	s24 =	sld [smem:$0x3FFE];
	[sflag:s23] =	ssyncadd.s32 $0xFFFFFFFF  }
0xa5: {  	s26 =	simm.s32 $execute0_lowered;
	[smem:$0x3FD2] =	sst s25  }
0xa6: {  	s4 =	sshll.u32 s26, $0x1;
	_ =	strace $0x8000004C;
	[dreg:$0x1] =	wrdreg $0xFFFFFFFF  }
0xa7: {  	s28 =	simm.s32 $_size_execute0_lowered;
	s2 =	sadd.s32 s2, s4;
	[dreg:$0x0] =	wrdreg $0x0  }
0xa8: {  	s4 =	sshll.u32 s28, $0x1;
	[dreg:$0x2] =	wrdreg s2  }
0xa9: {  	[dreg:$0x3] =	wrdreg s4  }
0xaa: {  	[dreg:$0x4] =	wrdreg $0xC0  }
0xab: {  	_ =	task [dreg:s6], $0x5FFFF  }
0xac: {  	[dreg:$0x1] =	wrdreg $0xFFFFFFFF  }
0xad: {  	[dreg:$0x0] =	wrdreg $0x60  }
0xae: {  	[dreg:$0x2] =	wrdreg s24  }
0xaf: {  	[dreg:$0x3] =	wrdreg $0xA2000  }
0xb0: {  	[dreg:$0x4] =	wrdreg $0x9  }
0xb1: {  	_ =	task.clear_ibuf [dreg:s6], $0x5FFFF;
	_ =	strace $0x9000004C  }
0xb2: {  	s29 =	simm.s32 $0x9;
	_ =	strace $0x8000004E  }
0xb3: {  	_ =	swait.ge [sflag:s29], $0x1  }
0xb4: {  	[sflag:s29] =	ssyncadd.s32 $0xFFFFFFFF  }
0xb5: {  	_ =	strace $0x9000004E  }
0xb6: {  	_ =	sfence  }
0xb7: {  	s30 =	sld [smem:$0x0];
	_ =	sdelay $0x2  }
0xb8: {  	s31 =	sshll.u32 s1, $0xD;
	s1 =	sshrl.u32 s1, $0x2  }
0xb9: {  	s3 =	sand.u32 $0x4000, s31;
	s1 =	sadd.s32 s1, s30  }
0xba: {  	s0 =	sor.u32 s3, s0;
	s1 =	sshll.u32 s1, $0x11  }
0xbb: {  	s0 =	sor.u32 s1, s0  }
0xbc: {  	s0 =	sadd.s32 $0x8F2B, s0  }
0xbd: {  	[sflag:s0] =	ssyncadd.remote.s32 $0x1  }
0xbe: {  	_ =	sfence.sel $0xFFFF  }
0xbf: {  	[dreg:$0x0] =	wrdreg $0xFFFFFFFF;
	(pc) =	sbr.abs _section_cstart, $3  }
0xc0: {  	[dreg:$0x1] =	wrdreg $0xFFFFFFFF  }
0xc1: {  	_ =	task.clear_ibuf [dreg:s6], $0x2FFFF;
	_ =	strace $0x9FFFFFFF  }
0xc2: {  	(tm) =	ssettm $0x7FFFFFFF  }
0xc3: {  	_ =	shalt  }
tec
execute0_lowered:
.L_overlay_start_1:
0x0: {  	(tag) =	ssettag $0x1  }
0x1: {  	s0 =	rddreg [dreg:$0x0]  }
0x2: {  	s1 =	rddreg [dreg:$0x1];
	s2 =	simm.s32 $0x0;
	s8 =	stileid.u32  }
0x3: {  	s7 =	srdreg.scid;
	s19 =	simm.s32 $0x5;
	s28 =	simm.s32 $0x6  }
0x4: {  	s29 =	simm.s32 $0x2;
	s30 =	simm.s32 $0x4;
	s31 =	simm.s32 $0x180  }
0x5: {  	[smem:$0x7FF] =	sst s2;
	s3 =	sadd.s32 $0x2B200, s0;
	s4 =	sadd.s32 $0x9DBC00, s0  }
0x6: {  	s10 =	smul.u32 $0x13800, s8;
	s5 =	sadd.s32 $0x4E6000, s0;
	s6 =	sadd.s32 $0x4EFE00, s0  }
0x7: {  	s11 =	sand.u32 $0x1, s7;
	s12 =	smul.u32 $0x4E000, s8;
	s14 =	sadd.s32 $0xC7E00, s0  }
0x8: {  	s15 =	sshll.u32 s8, $0x1;
	s20 =	sshll.u32 s8, $0x6;
	p0 =	sne.s32 s8, $0x0  }
0x9: {  	_ =	strace $0x8000004D;
	s7 =	ssub.s32 $0x2, s11;
	s9 =	sshrl.u32 s10, $0x3  }
0xa: {  	s13 =	sshrl.u32 s7, $0x1;
	s12 =	sshrl.u32 s12, $0x2;
	s9 =	sadd.s32 s9, s0  }
0xb: {  	s16 =	ssub.s32 s7, s13;
	s7 =	sor.u32 s11, s15;
	s11 =	smul.u32 $0x138800, s11  }
0xc: {  	s12 =	sadd.s32 s12, s1;
	s0 =	sadd.s32 $0x2B000, s0;
	s15 =	smul.u32 $0xA, s7  }
0xd: {  	s9 =	sadd.s32 $0x4000, s9;
	[dreg:$0x4] =	wrdreg s0;
	s22 =	smul.u32 $0x500, s7  }
0xe: {  	s26 =	smax.u32 s16, $0x1;
	s17 =	sor.u32 $0x20, s7;
	s18 =	sshrl.u32 s12, $0x3  }
0xf: {  	[dreg:$0x3] =	wrdreg s9;
	s9 =	sor.u32 $0x1C05, s20;
	s20 =	sadd.s32 $0x138000, s1  }
0x10: {  	s10 =	sadd.s32 s10, s11;
	s11 =	sshrl.u32 s11, $0x3;
	[dreg:$0xa] =	wrdreg s26  }
0x11: {  	s26 =	simm.s32 $0x3;
	s21 =	sadd.s32 s5, s15;
	s23 =	sadd.s32 s6, s15  }
0x12: {  	s10 =	sshrl.u32 s10, $0x3;
	s11 =	sadd.s32 s14, s11;
	[dreg:$0x5] =	wrdreg s21  }
.Ltmp0:
0x13: {  	s0 =	sadd.s32 s4, s22;
	[dreg:$0x6] =	wrdreg s23;
	(pc) =	sbr.rel .LBB2_1-.Ltmp0, $4  }
0x14: {  	s20 =	sshrl.u32 @!p0 s20, $0x3;
	s22 =	simm.s32 $0x50;
	[dreg:$0x7] =	wrdreg s0  }
0x15: {  	s24 =	sadd.s32 s14, s10;
	s25 =	sadd.s32 $0x27000, s11;
	s21 =	simm.s32 $0x100  }
0x16: {  	s0 =	simm.s32 $0x7A00;
	s23 =	simm.s32 $0x0;
	[dreg:$0x8] =	wrdreg s24  }
0x17: {  	[dreg:$0x9] =	wrdreg s25;
	s24 =	simm.s32 $0x5200;
	s25 =	simm.s32 $0x1  }
.LBB2_9:
0x18: {  	[bflag:$0x0] =	sbarrier.arrive $0xFFFF  }
0x19: {  	s8 =	rddreg [dreg:$0x8]  }
0x1a: {  	[hbm:s8], [sflag:s9] =	dma.local [spmem:s18], $0x2700  }
0x1b: {  	_ =	swait.ge [sflag:s19], $0x2700  }
0x1c: {  	[sflag:s19] =	ssyncset.done $0x0  }
0x1d: {  	s8 =	rddreg [dreg:$0x9];
	[sflag:s19] =	ssyncadd.s32 $0xFFFFD900  }
0x1e: {  	[hbm:s8], [sflag:s9] =	dma.local @!p0 [spmem:s20], $0x100  }
0x1f: {  	s8 =	simm.s32 @!p0 $0x5  }
0x20: {  	_ =	swait.ge @!p0 [sflag:s8], $0x100  }
0x21: {  	s23 =	sadd.s32 $0x1, s23;
	s10 =	rddreg [dreg:$0xa]  }
0x22: {  	p1 =	sne.s32 s23, s10  }
.Ltmp1:
0x23: {  	_ = 	snop;
	(pc) =	sbr.rel @!p1 .LBB2_10-.Ltmp1, $3  }
0x24: {  	_ =	sdelay $0x1  }
0x25: {  	[sflag:s8] =	ssyncset.done @!p0 $0x0  }
0x26: {  	[sflag:s8] =	ssyncadd.s32 @!p0 $0xFFFFFF00  }
.LBB2_1:
0x27: {  	s8 =	rddreg [dreg:$0x3]  }
0x28: {  	[spmem:s18], [sflag:s9] =	dma.local [hbm:s8], $0x2700  }
0x29: {  	_ =	swait.ge [sflag:s19], $0x2700  }
0x2a: {  	[sflag:s19] =	ssyncset.done $0x0  }
0x2b: {  	s8 =	rddreg [dreg:$0x4];
	[sflag:s19] =	ssyncadd.s32 $0xFFFFD900  }
0x2c: {  	[spmem:s20], [sflag:s9] =	dma.local @!p0 [hbm:s8], $0x100  }
0x2d: {  	s8 =	simm.s32 @!p0 $0x5  }
0x2e: {  	_ =	swait.ge @!p0 [sflag:s8], $0x100  }
0x2f: {  	[sflag:s8] =	ssyncset.done @!p0 $0x0  }
0x30: {  	s13 =	rddreg [dreg:$0x5];
	[sflag:s8] =	ssyncadd.s32 @!p0 $0xFFFFFF00  }
0x31: {  	[tilespmem:s2], [sflag:$0x5] =	stream.linear.gather [hbm4b:s13+s2], $0x50, $0x38;
	[tilespmem:$0x1DA80] =	vst v63  }
0x32: {  	_ =	swait.ge [sflag:s19], $0x50  }
0x33: {  	[sflag:s19] =	ssyncset.done $0x0  }
0x34: {  	s14 =	rddreg [dreg:$0x6];
	[sflag:s19] =	ssyncadd.s32 $0xFFFFFFB0  }
0x35: {  	[tilespmem:s21], [sflag:$0x5] =	stream.linear.gather [hbm4b:s14+s2], $0x50, $0x38;
	[tilespmem:$0x1DA80] =	vst v63  }
0x36: {  	_ =	swait.ge [sflag:s19], $0x50  }
0x37: {  	[sflag:s19] =	ssyncset.done $0x0  }
0x38: {  	s15 =	simm.s32 $0x200;
	[sflag:s19] =	ssyncadd.s32 $0xFFFFFFB0  }
0x39: {  	[tilespmem:s15], [sflag:$0x1] =	stream.indirect.gather [hbm4b:s3+s22], $0x80, s2, s22, $0xb8;
	[tilespmem:$0x1DA80] =	vst v63  }
.Ltmp2:
0x3a: {  	_ = 	snop;
	(pc) =	sbr.rel .LBB2_2-.Ltmp2, $4  }
0x3b: {  	s16 =	rddreg [dreg:$0x7]  }
0x3c: {  	[tilespmem:s24], [sflag:$0x3] =	stream.linear.gather [hbm4b:s16+s2], $0x2800, $0x38;
	[tilespmem:$0x1DA80] =	vst v63  }
0x3d: {  	[bflag:$0x0] =	sbarrier.arrive $0xFFFF  }
0x3e: {  	s8 =	simm.s32 $0x0  }
.LBB2_8:
0x3f: {  	s8 =	sadd.s32 $0x1, s8  }
0x40: {  	p1 =	sne.s32 s8, $0x3F  }
.Ltmp3:
0x41: {  	_ = 	snop;
	(pc) =	sbr.rel @!p1 .LBB2_9-.Ltmp3, $1  }
0x42: {  	_ =	sdelay $0x3  }
.LBB2_2:
0x43: {  	s10 =	sshll.u32 s8, $0x6  }
0x44: {  	s11 =	sor.u32 s17, s10  }
0x45: {  	p1 =	sgt.u32 s11, $0xF9F  }
0x46: {  	s12 =	smul.u32 @!p1 $0xA, s11;
	_ =	sdelay $0x1  }
0x47: {  	s14 =	simm.s32 @!p1 $0x0;
	s15 =	simm.s32 @!p1 $0x80;
	s13 =	sadd.s32 @!p1 s5, s12  }
0x48: {  	[tilespmem:s15], [sflag:$0x6] =	stream.linear.gather @!p1 [hbm4b:s13+s14], $0x50, $0x38;
	[tilespmem:$0x1DA80] =	vst v63  }
0x49: {  	s13 =	simm.s32 @!p1 $0x6  }
0x4a: {  	_ =	swait.ge @!p1 [sflag:s13], $0x50  }
0x4b: {  	[sflag:s13] =	ssyncset.done @!p1 $0x0  }
0x4c: {  	s16 =	simm.s32 @!p1 $0x180;
	s12 =	sadd.s32 @!p1 s6, s12;
	[sflag:s13] =	ssyncadd.s32 @!p1 $0xFFFFFFB0  }
0x4d: {  	[tilespmem:s16], [sflag:$0x6] =	stream.linear.gather @!p1 [hbm4b:s12+s14], $0x50, $0x38;
	[tilespmem:$0x1DA80] =	vst v63  }
0x4e: {  	_ =	swait.ge @!p1 [sflag:s13], $0x50  }
0x4f: {  	s11 =	smul.u32 @!p1 $0x500, s11;
	[sflag:s13] =	ssyncset.done @!p1 $0x0  }
0x50: {  	s12 =	simm.s32 @!p1 $0x50;
	[sflag:s13] =	ssyncadd.s32 @!p1 $0xFFFFFFB0;
	s13 =	simm.s32 @!p1 $0x2A00  }
0x51: {  	[tilespmem:s13], [sflag:$0x2] =	stream.indirect.gather @!p1 [hbm4b:s3+s12], $0x80, s15, s12, $0xb8;
	[tilespmem:$0x1DA80] =	vst v63  }
0x52: {  	s11 =	sadd.s32 @!p1 s4, s11;
	s12 =	simm.s32 @!p1 $0x7A00  }
0x53: {  	[tilespmem:s12], [sflag:$0x4] =	stream.linear.gather @!p1 [hbm4b:s11+s14], $0x2800, $0x38;
	[tilespmem:$0x1DA80] =	vst v63  }
0x54: {  	_ =	swait.ge [sflag:s25], $0x2800  }
0x55: {  	[sflag:s25] =	ssyncset.done $0x0  }
0x56: {  	[sflag:s25] =	ssyncadd.s32 $0xFFFFD800  }
0x57: {  	_ =	swait.ge [sflag:s26], $0x2800  }
0x58: {  	[sflag:s26] =	ssyncset.done $0x0  }
0x59: {  	s11 =	simm.s32 $0x0;
	[sflag:s26] =	ssyncadd.s32 $0xFFFFD800  }
0x5a: {  	v6 =	vld [tilespmem:s11+$0x200]  }
0x5b: {  	v11 =	vld [tilespmem:s11+$0x210]  }
0x5c: {  	v5 =	vld [tilespmem:s11+$0x220]  }
0x5d: {  	v4 =	vld [tilespmem:s11+$0x230]  }
0x5e: {  	v3 =	vld [tilespmem:s11+$0x240]  }
0x5f: {  	v2 =	vld [tilespmem:s11+$0x250]  }
0x60: {  	v1 =	vld [tilespmem:s11+$0x260]  }
0x61: {  	v0 =	vld [tilespmem:s11+$0x270]  }
0x62: {  	v12 =	vld [tilespmem:s11+$0x5200]  }
0x63: {  	v13 =	vld [tilespmem:s11+$0x5210]  }
0x64: {  	v10 =	vld [tilespmem:s11+$0x5220]  }
0x65: {  	v9 =	vld [tilespmem:s11+$0x5230]  }
0x66: {  	v8 =	vld [tilespmem:s11+$0x5240]  }
0x67: {  	v7 =	vld [tilespmem:s11+$0x5250];
	v12 =	vadd.f32 v6, v12  }
0x68: {  	s12 =	simm.s32 $0x200;
	v11 =	vadd.f32 v11, v13;
	v6 =	vld [tilespmem:s11+$0x5260]  }
.LBB2_3:
0x69: {  	s13 =	sshra.s32 s12, $0x2;
	p1 =	sne.s32 s12, $0x9E00;
	v12 =	vmax.f32 v12, $0.0e+00;
	v5 =	vadd.f32 v5, v10;
	v10 =	vld [tilespmem:s11+$0x5270]  }
0x6a: {  	v13 =	vld [tilespmem:s13+$0x200];
	[tilespmem:s11+$0x5200] =	vst v12;
	v11 =	vmax.f32 v11, $0.0e+00;
	v4 =	vadd.f32 v4, v9  }
0x6b: {  	v14 =	vld [tilespmem:s13+$0x210];
	[tilespmem:s11+$0x5210] =	vst v11;
	v9 =	vmax.f32 v5, $0.0e+00;
	v3 =	vadd.f32 v3, v8  }
0x6c: {  	v5 =	vld [tilespmem:s13+$0x220];
	[tilespmem:s11+$0x5220] =	vst v9;
	v8 =	vmax.f32 v4, $0.0e+00;
	v2 =	vadd.f32 v2, v7  }
0x6d: {  	v4 =	vld [tilespmem:s13+$0x230];
	[tilespmem:s11+$0x5230] =	vst v8;
	v7 =	vmax.f32 v3, $0.0e+00;
	v1 =	vadd.f32 v1, v6  }
0x6e: {  	v3 =	vld [tilespmem:s13+$0x240];
	[tilespmem:s11+$0x5240] =	vst v7;
	v6 =	vmax.f32 v2, $0.0e+00;
	v0 =	vadd.f32 v0, v10  }
0x6f: {  	v2 =	vld [tilespmem:s13+$0x250];
	[tilespmem:s11+$0x5250] =	vst v6;
	v6 =	vmax.f32 v1, $0.0e+00  }
0x70: {  	v1 =	vld [tilespmem:s13+$0x260];
	[tilespmem:s11+$0x5260] =	vst v6;
	v6 =	vmax.f32 v0, $0.0e+00  }
0x71: {  	v0 =	vld [tilespmem:s13+$0x270];
	[tilespmem:s11+$0x5270] =	vst v6;
	s11 =	smov.u32 s13  }
0x72: {  	v6 =	vld [tilespmem:s11+$0x5200]  }
0x73: {  	v11 =	vld [tilespmem:s11+$0x5210]  }
.Ltmp4:
0x74: {  	v10 =	vld [tilespmem:s11+$0x5220];
	(pc) =	sbr.rel @p1 .LBB2_3-.Ltmp4, $4  }
0x75: {  	v9 =	vld [tilespmem:s11+$0x5230]  }
0x76: {  	v8 =	vld [tilespmem:s11+$0x5240]  }
0x77: {  	v12 =	vadd.f32 v13, v6;
	v7 =	vld [tilespmem:s11+$0x5250]  }
0x78: {  	s12 =	sadd.s32 $0x200, s12;
	v11 =	vadd.f32 v14, v11;
	v6 =	vld [tilespmem:s11+$0x5260]  }
0x79: {  	v12 =	vmax.f32 v12, $0.0e+00;
	v5 =	vadd.f32 v5, v10;
	v63 =	vld [tilespmem:s11+$0x5270]  }
0x7a: {  	[tilespmem:s11+$0x5200] =	vst v12;
	v11 =	vmax.f32 v11, $0.0e+00;
	v4 =	vadd.f32 v4, v9  }
0x7b: {  	[tilespmem:s11+$0x5210] =	vst v11;
	v5 =	vmax.f32 v5, $0.0e+00;
	v3 =	vadd.f32 v3, v8  }
0x7c: {  	[tilespmem:s11+$0x5220] =	vst v5;
	v4 =	vmax.f32 v4, $0.0e+00;
	v2 =	vadd.f32 v2, v7  }
0x7d: {  	[tilespmem:s11+$0x5230] =	vst v4;
	v3 =	vmax.f32 v3, $0.0e+00;
	v1 =	vadd.f32 v1, v6  }
0x7e: {  	[tilespmem:s11+$0x5240] =	vst v3;
	v2 =	vmax.f32 v2, $0.0e+00;
	v0 =	vadd.f32 v0, v63  }
0x7f: {  	[tilespmem:s11+$0x5250] =	vst v2;
	v1 =	vmax.f32 v1, $0.0e+00  }
0x80: {  	s10 =	sor.u32 $0x20, s10;
	p1 =	seq.s32 s8, $0x3E;
	[tilespmem:s11+$0x5260] =	vst v1;
	v0 =	vmax.f32 v0, $0.0e+00  }
0x81: {  	[tilespmem:s11+$0x5270] =	vst v0;
	s11 =	sor.u32 @!p1 s7, s10  }
0x82: {  	[spmem:s1] =	stream.indirect.scatter.add.f32 [tilespmem:s24], [sflag:$0x6], $0x80, s21, s22, $0xb8;
	[tilespmem:$0x1DA80] =	vst v63  }
0x83: {  	s11 =	sadd.s32 @!p1 $0x20, s11  }
0x84: {  	_ =	swait.ge [sflag:s28], $0x2800;
	s12 =	smul.u32 @!p1 $0xA, s11  }
0x85: {  	[sflag:s28] =	ssyncset.done $0x0  }
0x86: {  	s14 =	simm.s32 @!p1 $0x0;
	[sflag:s28] =	ssyncadd.s32 $0xFFFFD800;
	s13 =	sadd.s32 @!p1 s5, s12  }
0x87: {  	[tilespmem:s14], [sflag:$0x6] =	stream.linear.gather @!p1 [hbm4b:s13+s14], $0x50, $0x38;
	[tilespmem:$0x1DA80] =	vst v63  }
0x88: {  	s13 =	simm.s32 @!p1 $0x6  }
0x89: {  	_ =	swait.ge @!p1 [sflag:s13], $0x50  }
0x8a: {  	[sflag:s13] =	ssyncset.done @!p1 $0x0  }
0x8b: {  	s15 =	simm.s32 @!p1 $0x100;
	s12 =	sadd.s32 @!p1 s6, s12;
	[sflag:s13] =	ssyncadd.s32 @!p1 $0xFFFFFFB0  }
0x8c: {  	[tilespmem:s15], [sflag:$0x6] =	stream.linear.gather @!p1 [hbm4b:s12+s14], $0x50, $0x38;
	[tilespmem:$0x1DA80] =	vst v63  }
0x8d: {  	_ =	swait.ge @!p1 [sflag:s13], $0x50  }
0x8e: {  	s11 =	smul.u32 @!p1 $0x500, s11;
	[sflag:s13] =	ssyncset.done @!p1 $0x0  }
0x8f: {  	s12 =	simm.s32 @!p1 $0x50;
	[sflag:s13] =	ssyncadd.s32 @!p1 $0xFFFFFFB0;
	s13 =	simm.s32 @!p1 $0x200  }
0x90: {  	[tilespmem:s13], [sflag:$0x1] =	stream.indirect.gather @!p1 [hbm4b:s3+s12], $0x80, s14, s12, $0xb8;
	[tilespmem:$0x1DA80] =	vst v63  }
0x91: {  	s11 =	sadd.s32 @!p1 s4, s11;
	s12 =	simm.s32 @!p1 $0x5200  }
0x92: {  	[tilespmem:s12], [sflag:$0x3] =	stream.linear.gather @!p1 [hbm4b:s11+s14], $0x2800, $0x38;
	[tilespmem:$0x1DA80] =	vst v63  }
0x93: {  	p1 =	sgt.u32 s10, $0xF9F  }
.Ltmp5:
0x94: {  	_ = 	snop;
	(pc) =	sbr.rel @p1 .LBB2_8-.Ltmp5, $1  }
0x95: {  	_ =	sdelay $0x3  }
0x96: {  	_ =	swait.ge [sflag:s29], $0x2800  }
0x97: {  	[sflag:s29] =	ssyncset.done $0x0  }
0x98: {  	[sflag:s29] =	ssyncadd.s32 $0xFFFFD800  }
0x99: {  	_ =	swait.ge [sflag:s30], $0x2800  }
0x9a: {  	[sflag:s30] =	ssyncset.done $0x0  }
0x9b: {  	s10 =	simm.s32 $0x0;
	[sflag:s30] =	ssyncadd.s32 $0xFFFFD800  }
0x9c: {  	v6 =	vld [tilespmem:s10+$0x2A00]  }
0x9d: {  	v11 =	vld [tilespmem:s10+$0x2A10]  }
0x9e: {  	v5 =	vld [tilespmem:s10+$0x2A20]  }
0x9f: {  	v4 =	vld [tilespmem:s10+$0x2A30]  }
0xa0: {  	v3 =	vld [tilespmem:s10+$0x2A40]  }
0xa1: {  	v2 =	vld [tilespmem:s10+$0x2A50]  }
0xa2: {  	v1 =	vld [tilespmem:s10+$0x2A60]  }
0xa3: {  	v0 =	vld [tilespmem:s10+$0x2A70]  }
0xa4: {  	v12 =	vld [tilespmem:s10+$0x7A00]  }
0xa5: {  	v13 =	vld [tilespmem:s10+$0x7A10]  }
0xa6: {  	v10 =	vld [tilespmem:s10+$0x7A20]  }
0xa7: {  	v9 =	vld [tilespmem:s10+$0x7A30]  }
0xa8: {  	v8 =	vld [tilespmem:s10+$0x7A40]  }
0xa9: {  	v7 =	vld [tilespmem:s10+$0x7A50];
	v12 =	vadd.f32 v6, v12  }
0xaa: {  	s11 =	simm.s32 $0x200;
	v11 =	vadd.f32 v11, v13;
	v6 =	vld [tilespmem:s10+$0x7A60]  }
.LBB2_6:
0xab: {  	s12 =	sshra.s32 s11, $0x2;
	p1 =	sne.s32 s11, $0x9E00;
	v12 =	vmax.f32 v12, $0.0e+00;
	v5 =	vadd.f32 v5, v10;
	v10 =	vld [tilespmem:s10+$0x7A70]  }
0xac: {  	v13 =	vld [tilespmem:s12+$0x2A00];
	[tilespmem:s10+$0x7A00] =	vst v12;
	v11 =	vmax.f32 v11, $0.0e+00;
	v4 =	vadd.f32 v4, v9  }
0xad: {  	v14 =	vld [tilespmem:s12+$0x2A10];
	[tilespmem:s10+$0x7A10] =	vst v11;
	v9 =	vmax.f32 v5, $0.0e+00;
	v3 =	vadd.f32 v3, v8  }
0xae: {  	v5 =	vld [tilespmem:s12+$0x2A20];
	[tilespmem:s10+$0x7A20] =	vst v9;
	v8 =	vmax.f32 v4, $0.0e+00;
	v2 =	vadd.f32 v2, v7  }
0xaf: {  	v4 =	vld [tilespmem:s12+$0x2A30];
	[tilespmem:s10+$0x7A30] =	vst v8;
	v7 =	vmax.f32 v3, $0.0e+00;
	v1 =	vadd.f32 v1, v6  }
0xb0: {  	v3 =	vld [tilespmem:s12+$0x2A40];
	[tilespmem:s10+$0x7A40] =	vst v7;
	v6 =	vmax.f32 v2, $0.0e+00;
	v0 =	vadd.f32 v0, v10  }
0xb1: {  	v2 =	vld [tilespmem:s12+$0x2A50];
	[tilespmem:s10+$0x7A50] =	vst v6;
	v6 =	vmax.f32 v1, $0.0e+00  }
0xb2: {  	v1 =	vld [tilespmem:s12+$0x2A60];
	[tilespmem:s10+$0x7A60] =	vst v6;
	v6 =	vmax.f32 v0, $0.0e+00  }
0xb3: {  	v0 =	vld [tilespmem:s12+$0x2A70];
	[tilespmem:s10+$0x7A70] =	vst v6;
	s10 =	smov.u32 s12  }
0xb4: {  	v6 =	vld [tilespmem:s10+$0x7A00]  }
0xb5: {  	v11 =	vld [tilespmem:s10+$0x7A10]  }
.Ltmp6:
0xb6: {  	v10 =	vld [tilespmem:s10+$0x7A20];
	(pc) =	sbr.rel @p1 .LBB2_6-.Ltmp6, $4  }
0xb7: {  	v9 =	vld [tilespmem:s10+$0x7A30]  }
0xb8: {  	v8 =	vld [tilespmem:s10+$0x7A40]  }
0xb9: {  	v12 =	vadd.f32 v13, v6;
	v7 =	vld [tilespmem:s10+$0x7A50]  }
0xba: {  	s11 =	sadd.s32 $0x200, s11;
	v11 =	vadd.f32 v14, v11;
	v6 =	vld [tilespmem:s10+$0x7A60]  }
0xbb: {  	v12 =	vmax.f32 v12, $0.0e+00;
	v5 =	vadd.f32 v5, v10;
	v63 =	vld [tilespmem:s10+$0x7A70]  }
0xbc: {  	[tilespmem:s10+$0x7A00] =	vst v12;
	v11 =	vmax.f32 v11, $0.0e+00;
	v4 =	vadd.f32 v4, v9  }
0xbd: {  	[tilespmem:s10+$0x7A10] =	vst v11;
	v5 =	vmax.f32 v5, $0.0e+00;
	v3 =	vadd.f32 v3, v8  }
0xbe: {  	[tilespmem:s10+$0x7A20] =	vst v5;
	v4 =	vmax.f32 v4, $0.0e+00;
	v2 =	vadd.f32 v2, v7  }
0xbf: {  	[tilespmem:s10+$0x7A30] =	vst v4;
	v3 =	vmax.f32 v3, $0.0e+00;
	v1 =	vadd.f32 v1, v6  }
0xc0: {  	[tilespmem:s10+$0x7A40] =	vst v3;
	v2 =	vmax.f32 v2, $0.0e+00;
	v0 =	vadd.f32 v0, v63  }
0xc1: {  	[tilespmem:s10+$0x7A50] =	vst v2;
	v1 =	vmax.f32 v1, $0.0e+00  }
0xc2: {  	[tilespmem:s10+$0x7A60] =	vst v1;
	v0 =	vmax.f32 v0, $0.0e+00  }
.Ltmp7:
0xc3: {  	[tilespmem:s10+$0x7A70] =	vst v0;
	(pc) =	sbr.rel .LBB2_8-.Ltmp7, $4  }
0xc4: {  	[spmem:s1] =	stream.indirect.scatter.add.f32 [tilespmem:s0], [sflag:$0x5], $0x80, s31, s22, $0xb8;
	[tilespmem:$0x1DA80] =	vst v63  }
0xc5: {  	_ =	swait.ge [sflag:s19], $0x2800  }
0xc6: {  	[sflag:s19] =	ssyncset.done $0x0  }
0xc7: {  	[sflag:s19] =	ssyncadd.s32 $0xFFFFD800  }
.LBB2_10:
0xc8: {  	_ =	sfence.sel $0x180000  }
0xc9: {  	[bflag:$0x0] =	sbarrier.arrive $0xFFFF  }
0xca: {  	_ =	strace $0x9000004D  }
0xcb: {  	[bflag:$0x2] =	sbarrier.arrive $0xFFFF  }
0xcc: {  	s0 =	rddreg [dreg:$0x2]  }
0xcd: {  	s0 =	sadd.s32 @!p0 $0x100000, s0  }
0xce: {  	[sflag:s0] =	ssyncadd.tile.s32 @!p0 $0x1;
	_ =	shalt  }
.Lfunc_end2:
_tile_overlayer_lowered:
.L_overlay_start_2:
0xcf: {  	(tag) =	ssettag $0x2  }
0xd0: {  	s0 =	rddreg [dreg:$0x0];
	s2 =	stileid.u32  }
0xd1: {  	s1 =	rddreg [dreg:$0x1];
	p0 =	sne.s32 s2, $0x0  }
0xd2: {  	s3 =	rddreg [dreg:$0x2];
	[bflag:$0x3] =	sbarrier.arrive $0xFFFF;
	s2 =	simm.s32 @!p0 $0x1C05  }
0xd3: {  	[timem:s3], [sflag:s2] =	dma.local @!p0 [hbm:s0], s1  }
0xd4: {  	s0 =	simm.s32 @!p0 $0x5  }
0xd5: {  	_ =	swait.ge @!p0 [sflag:s0], s1  }
0xd6: {  	s1 =	ssub.s32 @!p0 $0x0, s1;
	[sflag:s0] =	ssyncset.done @!p0 $0x0  }
0xd7: {  	[sflag:s0] =	ssyncadd.s32 @!p0 s1  }
0xd8: {  	[bflag:$0x3] =	sbarrier.arrive $0xFFFF  }
0xd9: {  	_ =	shalt  }

// kernel: kernel.20.cloned.1.call-start
scs
__scs_entry_jumppad:
0x0: {  	(pc) =	sbr.rel $0x88, $3  }
0x1: {  	(tag) =	ssettag $0x0;
	lr =	simm.s32 $0x1  }
0x2: {  	[smem:$0x3F98] =	sst lr;
	_ =	strace $0xD0000000  }
0x3: {  	_ = 	snop  }
0x4: {  	_ = 	snop  }
0x5: {  	_ = 	snop  }
0x6: {  	_ = 	snop  }
0x7: {  	_ = 	snop  }
__scs_overlays_trampoline_lowered:
0x8: {  	[smem:$0x3FA7] =	sst s0  }
0x9: {  	[smem:$0x3FA8] =	sst s1  }
0xa: {  	[smem:$0x3FA9] =	sst s2  }
0xb: {  	[smem:$0x3FAA] =	sst s3  }
0xc: {  	[smem:$0x3FAB] =	sst s4  }
0xd: {  	[smem:$0x3FAC] =	sst s5  }
0xe: {  	[smem:$0x3FAD] =	sst s6  }
0xf: {  	[smem:$0x3FAE] =	sst s7  }
0x10: {  	[smem:$0x3FAF] =	sst s8  }
0x11: {  	[smem:$0x3FB0] =	sst s9;
	s0 =	simm.s32 @!p0 $0x0  }
0x12: {  	s1 =	sld [smem:$0x3F96];
	s0 =	simm.s32 @p0 $0x1  }
0x13: {  	[smem:$0x3FB1] =	sst s0;
	s0 =	simm.s32 @!p1 $0x0  }
0x14: {  	s2 =	sld [smem:$0x3F95];
	s0 =	simm.s32 @p1 $0x1  }
0x15: {  	[smem:$0x3FB2] =	sst s0;
	s0 =	simm.s32 @!p2 $0x0  }
0x16: {  	s3 =	sld [smem:$0x3FDB];
	s0 =	simm.s32 @p2 $0x1  }
0x17: {  	s4 =	simm.s32 $0x1BF5;
	[smem:$0x3FB4] =	sst s0  }
0x18: {  	s0 =	sld [smem:$0x3F97];
	_ =	swait.ge [sflag:s4], $0x0  }
0x19: {  	s7 =	sld [smem:$0x3F98]  }
0x1a: {  	s8 =	sadd.s32 $0xFFFFE003, lr  }
0x1b: {  	s9 =	sadd.s32 $0xFFFFFEF7, lr;
	s5 =	simm.s32 $0xFFFFFFFF;
	p2 =	slt.u32 s8, $0xFFFFF086  }
0x1c: {  	p1 =	slt.u32 s9, $0xF7A;
	s5 =	simm.s32 @!p2 $0x0  }
0x1d: {  	s5 =	simm.s32 @p1 $0x1;
	p0 =	seq.s32 s7, s2  }
0x1e: {  	s7 =	smul.u32 @!p0 $0xF7A, s2;
	p2 =	seq.s32 @!p0 s5, $0x0  }
0x1f: {  	s9 =	smul.u32 $0xF7A, s1;
	s8 =	simm.s32 @!p0 $0x1BF5;
	p2 =	por !p2, p0  }
0x20: {  	[sflag:s8] =	ssyncset.s32 @!p0 $0xFFFFF086;
	s6 =	sadd.s32 @!p0 s3, s7;
	s7 =	simm.s32 @!p0 $0x108  }
0x21: {  	s3 =	sadd.s32 s3, s9;
	s6 =	sadd.s32 @!p0 $0x88, s6;
	s7 =	simm.s32 @p2 $0x1082  }
0x22: {  	[simem:s7], [sflag:s8] =	dma.local @!p0 [hbm:s6], $0xF7A  }
0x23: {  	s9 =	sor.u32 $0xD0000000, s2;
	s6 =	simm.s32 $0x108;
	_ =	swait.ge @!p0 [sflag:s8], $0x0  }
0x24: {  	s3 =	sadd.s32 $0x88, s3;
	s6 =	simm.s32 @!p1 $0x1082;
	[sflag:s4] =	ssyncset.s32 $0xFFFFF086  }
0x25: {  	[simem:s6], [sflag:s4] =	dma.local [hbm:s3], $0xF7A  }
0x26: {  	[smem:$0x3F98] =	sst s1;
	(tag) =	ssettag s2;
	_ =	strace s9  }
0x27: {  	s1 =	sld [smem:$0x3FA8]  }
0x28: {  	s2 =	sld [smem:$0x3FA9]  }
0x29: {  	s4 =	sld [smem:$0x3FAB]  }
0x2a: {  	p0 =	seq.s32 s5, $0x0;
	s5 =	sld [smem:$0x3FAC]  }
0x2b: {  	s6 =	sld [smem:$0x3FAD]  }
0x2c: {  	s7 =	sld [smem:$0x3FAE]  }
0x2d: {  	s3 =	simm.s32 $0x108;
	s8 =	sld [smem:$0x3FAF]  }
0x2e: {  	s3 =	simm.s32 @!p0 $0x1082;
	s9 =	sld [smem:$0x3FB0]  }
0x2f: {  	lr =	sadd.s32 s0, s3;
	s0 =	sld [smem:$0x3FA7]  }
0x30: {  	s3 =	sld [smem:$0x3FAA]  }
0x31: {  	[smem:$0x3FB3] =	sst s10  }
0x32: {  	s10 =	sld [smem:$0x3FB1];
	_ =	sdelay $0x3  }
0x33: {  	p0 =	seq.s32 s10, $0x1;
	s10 =	sld [smem:$0x3FB3];
	_ =	sdelay $0x3  }
0x34: {  	[smem:$0x3FB3] =	sst s10  }
0x35: {  	s10 =	sld [smem:$0x3FB2];
	_ =	sdelay $0x3  }
0x36: {  	p1 =	seq.s32 s10, $0x1;
	s10 =	sld [smem:$0x3FB3];
	_ =	sdelay $0x3  }
0x37: {  	[smem:$0x3FB3] =	sst s10  }
0x38: {  	s10 =	sld [smem:$0x3FB4]  }
0x39: {  	_ = 	snop;
	(pc) =	sbr.ind lr, $3  }
0x3a: {  	_ = 	snop  }
0x3b: {  	_ = 	snop  }
0x3c: {  	p2 =	seq.s32 s10, $0x1;
	s10 =	sld [smem:$0x3FB3]  }
0x3d: {  	_ =	shalt  }
0x3e: {  	_ =	shalt  }
0x3f: {  	_ =	shalt  }
0x40: {  	_ =	shalt  }
0x41: {  	_ =	shalt  }
0x42: {  	_ =	shalt  }
0x43: {  	_ =	shalt  }
0x44: {  	_ =	shalt  }
0x45: {  	_ =	shalt  }
0x46: {  	_ =	shalt  }
0x47: {  	_ =	shalt  }
0x48: {  	_ =	shalt  }
0x49: {  	_ =	shalt  }
0x4a: {  	_ =	shalt  }
0x4b: {  	_ =	shalt  }
0x4c: {  	_ =	shalt  }
0x4d: {  	_ =	shalt  }
0x4e: {  	_ =	shalt  }
0x4f: {  	_ =	shalt  }
0x50: {  	_ =	shalt  }
0x51: {  	_ =	shalt  }
0x52: {  	_ =	shalt  }
0x53: {  	_ =	shalt  }
0x54: {  	_ =	shalt  }
0x55: {  	_ =	shalt  }
0x56: {  	_ =	shalt  }
0x57: {  	_ =	shalt  }
0x58: {  	_ =	shalt  }
0x59: {  	_ =	shalt  }
0x5a: {  	_ =	shalt  }
0x5b: {  	_ =	shalt  }
0x5c: {  	_ =	shalt  }
0x5d: {  	_ =	shalt  }
0x5e: {  	_ =	shalt  }
0x5f: {  	_ =	shalt  }
0x60: {  	_ =	shalt  }
0x61: {  	_ =	shalt  }
0x62: {  	_ =	shalt  }
0x63: {  	_ =	shalt  }
0x64: {  	_ =	shalt  }
0x65: {  	_ =	shalt  }
0x66: {  	_ =	shalt  }
0x67: {  	_ =	shalt  }
0x68: {  	_ =	shalt  }
0x69: {  	_ =	shalt  }
0x6a: {  	_ =	shalt  }
0x6b: {  	_ =	shalt  }
0x6c: {  	_ =	shalt  }
0x6d: {  	_ =	shalt  }
0x6e: {  	_ =	shalt  }
0x6f: {  	_ =	shalt  }
0x70: {  	_ =	shalt  }
0x71: {  	_ =	shalt  }
0x72: {  	_ =	shalt  }
0x73: {  	_ =	shalt  }
0x74: {  	_ =	shalt  }
0x75: {  	_ =	shalt  }
0x76: {  	_ =	shalt  }
0x77: {  	_ =	shalt  }
0x78: {  	_ =	shalt  }
0x79: {  	_ =	shalt  }
0x7a: {  	_ =	shalt  }
0x7b: {  	_ =	shalt  }
0x7c: {  	_ =	shalt  }
0x7d: {  	_ =	shalt  }
0x7e: {  	_ =	shalt  }
0x7f: {  	_ =	shalt  }
0x80: {  	_ =	shalt  }
0x81: {  	_ =	shalt  }
0x82: {  	_ =	shalt  }
0x83: {  	_ =	shalt  }
0x84: {  	_ =	shalt  }
0x85: {  	_ =	shalt  }
0x86: {  	_ =	shalt  }
0x87: {  	_ =	shalt  }
.Lfunc_end0:
.L_simem_size_0:
called_computation.3_lowered:
.L_overlay_start_0:
0x88: {  	s2 =	sld [smem:$0x3FD9]  }
0x89: {  	s3 =	sld [smem:$0x3FFE];
	_ =	sdelay $0x1  }
0x8a: {  	s1 =	srdreg.scid  }
0x8b: {  	s0 =	sand.u32 $0x1, s1  }
0x8c: {  	s16 =	sshll.u32 s0, $0xA;
	s2 =	sadd.s32 s3, s2  }
0x8d: {  	s2 =	sadd.s32 s2, s16  }
0x8e: {  	[smem:$0x3FBF] =	sst s2  }
0x8f: {  	_ = 	snop  }
0x90: {  	(tm) =	ssettm $0x1  }
0x91: {  	s17 =	sld [smem:$0x3FFB];
	_ =	sdelay $0x3  }
0x92: {  	_ =	strace s17  }
0x93: {  	s2 =	sld [smem:$0x3FFC];
	_ =	sdelay $0x3  }
0x94: {  	_ =	strace s2  }
0x95: {  	s2 =	sld [smem:$0x3FFD];
	_ =	sdelay $0x3  }
0x96: {  	_ =	strace s2  }
0x97: {  	_ =	strace $0x8FFFFFFF  }
0x98: {  	s18 =	sld [smem:$0x3FDB];
	_ =	sdelay $0x1  }
0x99: {  	s19 =	simm.s32 $_scs_section_size  }
0x9a: {  	s4 =	simm.s32 $_size__tile_overlayer_lowered;
	s5 =	simm.s32 $_tile_overlayer_lowered  }
0x9b: {  	s22 =	simm.s32 $0x1BFF;
	s21 =	sshll.u32 s5, $0x1;
	s2 =	sadd.s32 s19, s18  }
0x9c: {  	s6 =	simm.s32 $0x0;
	s20 =	sshll.u32 s4, $0x1;
	s4 =	sadd.s32 s21, s2  }
0x9d: {  	[timem:s6], [sflag:s22] =	dma.local [hbm:s4], s20  }
0x9e: {  	_ =	swait.ge [sflag:s22], s20  }
0x9f: {  	s3 =	ssub.s32 $0x0, s20;
	[sflag:s22] =	ssyncset.done $0x0  }
0xa0: {  	[sflag:s22] =	ssyncadd.s32 s3;
	_ =	sdelay $0x1  }
0xa1: {  	s23 =	simm.s32 $0x1B8B  }
0xa2: {  	_ =	swait.ge [sflag:s23], $0x1  }
0xa3: {  	[sflag:s23] =	ssyncset.done $0x0  }
0xa4: {  	s25 =	simm.s32 $0x1B8E;
	s24 =	sld [smem:$0x3FFE];
	[sflag:s23] =	ssyncadd.s32 $0xFFFFFFFF  }
0xa5: {  	s26 =	simm.s32 $execute0_lowered;
	[smem:$0x3FD2] =	sst s25  }
0xa6: {  	s4 =	sshll.u32 s26, $0x1;
	_ =	strace $0x8000004F;
	[dreg:$0x1] =	wrdreg $0xFFFFFFFF  }
0xa7: {  	s28 =	simm.s32 $_size_execute0_lowered;
	s2 =	sadd.s32 s2, s4;
	[dreg:$0x0] =	wrdreg $0x0  }
0xa8: {  	s4 =	sshll.u32 s28, $0x1;
	[dreg:$0x2] =	wrdreg s2  }
0xa9: {  	[dreg:$0x3] =	wrdreg s4  }
0xaa: {  	[dreg:$0x4] =	wrdreg $0xC0  }
0xab: {  	_ =	task [dreg:s6], $0x5FFFF  }
0xac: {  	[dreg:$0x1] =	wrdreg $0xFFFFFFFF  }
0xad: {  	[dreg:$0x0] =	wrdreg $0x60  }
0xae: {  	[dreg:$0x2] =	wrdreg s24  }
0xaf: {  	[dreg:$0x3] =	wrdreg $0xA2000  }
0xb0: {  	[dreg:$0x4] =	wrdreg $0x9  }
0xb1: {  	_ =	task.clear_ibuf [dreg:s6], $0x5FFFF;
	_ =	strace $0x9000004F  }
0xb2: {  	s29 =	simm.s32 $0x9;
	_ =	strace $0x80000051  }
0xb3: {  	_ =	swait.ge [sflag:s29], $0x1  }
0xb4: {  	[sflag:s29] =	ssyncadd.s32 $0xFFFFFFFF  }
0xb5: {  	_ =	strace $0x90000051  }
0xb6: {  	_ =	sfence  }
0xb7: {  	s30 =	sld [smem:$0x0];
	_ =	sdelay $0x2  }
0xb8: {  	s31 =	sshll.u32 s1, $0xD;
	s1 =	sshrl.u32 s1, $0x2  }
0xb9: {  	s3 =	sand.u32 $0x4000, s31;
	s1 =	sadd.s32 s1, s30  }
0xba: {  	s0 =	sor.u32 s3, s0;
	s1 =	sshll.u32 s1, $0x11  }
0xbb: {  	s0 =	sor.u32 s1, s0  }
0xbc: {  	s0 =	sadd.s32 $0x8F2B, s0  }
0xbd: {  	[sflag:s0] =	ssyncadd.remote.s32 $0x1  }
0xbe: {  	_ =	sfence.sel $0xFFFF  }
0xbf: {  	[dreg:$0x0] =	wrdreg $0xFFFFFFFF;
	(pc) =	sbr.abs _section_cstart, $3  }
0xc0: {  	[dreg:$0x1] =	wrdreg $0xFFFFFFFF  }
0xc1: {  	_ =	task.clear_ibuf [dreg:s6], $0x2FFFF;
	_ =	strace $0x9FFFFFFF  }
0xc2: {  	(tm) =	ssettm $0x7FFFFFFF  }
0xc3: {  	_ =	shalt  }
tec
execute0_lowered:
.L_overlay_start_1:
0x0: {  	(tag) =	ssettag $0x1  }
0x1: {  	s0 =	rddreg [dreg:$0x0]  }
0x2: {  	s1 =	rddreg [dreg:$0x1];
	s2 =	simm.s32 $0x0;
	s8 =	stileid.u32  }
0x3: {  	s7 =	srdreg.scid;
	s19 =	simm.s32 $0x5;
	s28 =	simm.s32 $0x6  }
0x4: {  	s29 =	simm.s32 $0x2;
	s30 =	simm.s32 $0x4;
	s31 =	simm.s32 $0x180  }
0x5: {  	[smem:$0x7FF] =	sst s2;
	s3 =	sadd.s32 $0x2B200, s0;
	s4 =	sadd.s32 $0xEBDC00, s0  }
0x6: {  	s10 =	smul.u32 $0x13800, s8;
	s5 =	sadd.s32 $0x4E6000, s0;
	s6 =	sadd.s32 $0x4EFE00, s0  }
0x7: {  	s11 =	sand.u32 $0x1, s7;
	s12 =	smul.u32 $0x4E000, s8;
	s14 =	sadd.s32 $0xC7E00, s0  }
0x8: {  	s15 =	sshll.u32 s8, $0x1;
	s20 =	sshll.u32 s8, $0x6;
	p0 =	sne.s32 s8, $0x0  }
0x9: {  	_ =	strace $0x80000050;
	s7 =	ssub.s32 $0x2, s11;
	s9 =	sshrl.u32 s10, $0x3  }
0xa: {  	s13 =	sshrl.u32 s7, $0x1;
	s12 =	sshrl.u32 s12, $0x2;
	s9 =	sadd.s32 s9, s0  }
0xb: {  	s16 =	ssub.s32 s7, s13;
	s7 =	sor.u32 s11, s15;
	s11 =	smul.u32 $0x138800, s11  }
0xc: {  	s12 =	sadd.s32 s12, s1;
	s0 =	sadd.s32 $0x2B000, s0;
	s15 =	smul.u32 $0xA, s7  }
0xd: {  	s9 =	sadd.s32 $0x4000, s9;
	[dreg:$0x4] =	wrdreg s0;
	s22 =	smul.u32 $0x500, s7  }
0xe: {  	s26 =	smax.u32 s16, $0x1;
	s17 =	sor.u32 $0x20, s7;
	s18 =	sshrl.u32 s12, $0x3  }
0xf: {  	[dreg:$0x3] =	wrdreg s9;
	s9 =	sor.u32 $0x1C05, s20;
	s20 =	sadd.s32 $0x138000, s1  }
0x10: {  	s10 =	sadd.s32 s10, s11;
	s11 =	sshrl.u32 s11, $0x3;
	[dreg:$0xa] =	wrdreg s26  }
0x11: {  	s26 =	simm.s32 $0x3;
	s21 =	sadd.s32 s5, s15;
	s23 =	sadd.s32 s6, s15  }
0x12: {  	s10 =	sshrl.u32 s10, $0x3;
	s11 =	sadd.s32 s14, s11;
	[dreg:$0x5] =	wrdreg s21  }
.Ltmp0:
0x13: {  	s0 =	sadd.s32 s4, s22;
	[dreg:$0x6] =	wrdreg s23;
	(pc) =	sbr.rel .LBB2_1-.Ltmp0, $4  }
0x14: {  	s20 =	sshrl.u32 @!p0 s20, $0x3;
	s22 =	simm.s32 $0x50;
	[dreg:$0x7] =	wrdreg s0  }
0x15: {  	s24 =	sadd.s32 s14, s10;
	s25 =	sadd.s32 $0x27000, s11;
	s21 =	simm.s32 $0x100  }
0x16: {  	s0 =	simm.s32 $0x7A00;
	s23 =	simm.s32 $0x0;
	[dreg:$0x8] =	wrdreg s24  }
0x17: {  	[dreg:$0x9] =	wrdreg s25;
	s24 =	simm.s32 $0x5200;
	s25 =	simm.s32 $0x1  }
.LBB2_9:
0x18: {  	[bflag:$0x0] =	sbarrier.arrive $0xFFFF  }
0x19: {  	s8 =	rddreg [dreg:$0x8]  }
0x1a: {  	[hbm:s8], [sflag:s9] =	dma.local [spmem:s18], $0x2700  }
0x1b: {  	_ =	swait.ge [sflag:s19], $0x2700  }
0x1c: {  	[sflag:s19] =	ssyncset.done $0x0  }
0x1d: {  	s8 =	rddreg [dreg:$0x9];
	[sflag:s19] =	ssyncadd.s32 $0xFFFFD900  }
0x1e: {  	[hbm:s8], [sflag:s9] =	dma.local @!p0 [spmem:s20], $0x100  }
0x1f: {  	s8 =	simm.s32 @!p0 $0x5  }
0x20: {  	_ =	swait.ge @!p0 [sflag:s8], $0x100  }
0x21: {  	s23 =	sadd.s32 $0x1, s23;
	s10 =	rddreg [dreg:$0xa]  }
0x22: {  	p1 =	sne.s32 s23, s10  }
.Ltmp1:
0x23: {  	_ = 	snop;
	(pc) =	sbr.rel @!p1 .LBB2_10-.Ltmp1, $3  }
0x24: {  	_ =	sdelay $0x1  }
0x25: {  	[sflag:s8] =	ssyncset.done @!p0 $0x0  }
0x26: {  	[sflag:s8] =	ssyncadd.s32 @!p0 $0xFFFFFF00  }
.LBB2_1:
0x27: {  	s8 =	rddreg [dreg:$0x3]  }
0x28: {  	[spmem:s18], [sflag:s9] =	dma.local [hbm:s8], $0x2700  }
0x29: {  	_ =	swait.ge [sflag:s19], $0x2700  }
0x2a: {  	[sflag:s19] =	ssyncset.done $0x0  }
0x2b: {  	s8 =	rddreg [dreg:$0x4];
	[sflag:s19] =	ssyncadd.s32 $0xFFFFD900  }
0x2c: {  	[spmem:s20], [sflag:s9] =	dma.local @!p0 [hbm:s8], $0x100  }
0x2d: {  	s8 =	simm.s32 @!p0 $0x5  }
0x2e: {  	_ =	swait.ge @!p0 [sflag:s8], $0x100  }
0x2f: {  	[sflag:s8] =	ssyncset.done @!p0 $0x0  }
0x30: {  	s13 =	rddreg [dreg:$0x5];
	[sflag:s8] =	ssyncadd.s32 @!p0 $0xFFFFFF00  }
0x31: {  	[tilespmem:s2], [sflag:$0x5] =	stream.linear.gather [hbm4b:s13+s2], $0x50, $0x38;
	[tilespmem:$0x1DA80] =	vst v63  }
0x32: {  	_ =	swait.ge [sflag:s19], $0x50  }
0x33: {  	[sflag:s19] =	ssyncset.done $0x0  }
0x34: {  	s14 =	rddreg [dreg:$0x6];
	[sflag:s19] =	ssyncadd.s32 $0xFFFFFFB0  }
0x35: {  	[tilespmem:s21], [sflag:$0x5] =	stream.linear.gather [hbm4b:s14+s2], $0x50, $0x38;
	[tilespmem:$0x1DA80] =	vst v63  }
0x36: {  	_ =	swait.ge [sflag:s19], $0x50  }
0x37: {  	[sflag:s19] =	ssyncset.done $0x0  }
0x38: {  	s15 =	simm.s32 $0x200;
	[sflag:s19] =	ssyncadd.s32 $0xFFFFFFB0  }
0x39: {  	[tilespmem:s15], [sflag:$0x1] =	stream.indirect.gather [hbm4b:s3+s22], $0x80, s2, s22, $0xb8;
	[tilespmem:$0x1DA80] =	vst v63  }
.Ltmp2:
0x3a: {  	_ = 	snop;
	(pc) =	sbr.rel .LBB2_2-.Ltmp2, $4  }
0x3b: {  	s16 =	rddreg [dreg:$0x7]  }
0x3c: {  	[tilespmem:s24], [sflag:$0x3] =	stream.linear.gather [hbm4b:s16+s2], $0x2800, $0x38;
	[tilespmem:$0x1DA80] =	vst v63  }
0x3d: {  	[bflag:$0x0] =	sbarrier.arrive $0xFFFF  }
0x3e: {  	s8 =	simm.s32 $0x0  }
.LBB2_8:
0x3f: {  	s8 =	sadd.s32 $0x1, s8  }
0x40: {  	p1 =	sne.s32 s8, $0x3F  }
.Ltmp3:
0x41: {  	_ = 	snop;
	(pc) =	sbr.rel @!p1 .LBB2_9-.Ltmp3, $1  }
0x42: {  	_ =	sdelay $0x3  }
.LBB2_2:
0x43: {  	s10 =	sshll.u32 s8, $0x6  }
0x44: {  	s11 =	sor.u32 s17, s10  }
0x45: {  	p1 =	sgt.u32 s11, $0xF9F  }
0x46: {  	s12 =	smul.u32 @!p1 $0xA, s11;
	_ =	sdelay $0x1  }
0x47: {  	s14 =	simm.s32 @!p1 $0x0;
	s15 =	simm.s32 @!p1 $0x80;
	s13 =	sadd.s32 @!p1 s5, s12  }
0x48: {  	[tilespmem:s15], [sflag:$0x6] =	stream.linear.gather @!p1 [hbm4b:s13+s14], $0x50, $0x38;
	[tilespmem:$0x1DA80] =	vst v63  }
0x49: {  	s13 =	simm.s32 @!p1 $0x6  }
0x4a: {  	_ =	swait.ge @!p1 [sflag:s13], $0x50  }
0x4b: {  	[sflag:s13] =	ssyncset.done @!p1 $0x0  }
0x4c: {  	s16 =	simm.s32 @!p1 $0x180;
	s12 =	sadd.s32 @!p1 s6, s12;
	[sflag:s13] =	ssyncadd.s32 @!p1 $0xFFFFFFB0  }
0x4d: {  	[tilespmem:s16], [sflag:$0x6] =	stream.linear.gather @!p1 [hbm4b:s12+s14], $0x50, $0x38;
	[tilespmem:$0x1DA80] =	vst v63  }
0x4e: {  	_ =	swait.ge @!p1 [sflag:s13], $0x50  }
0x4f: {  	s11 =	smul.u32 @!p1 $0x500, s11;
	[sflag:s13] =	ssyncset.done @!p1 $0x0  }
0x50: {  	s12 =	simm.s32 @!p1 $0x50;
	[sflag:s13] =	ssyncadd.s32 @!p1 $0xFFFFFFB0;
	s13 =	simm.s32 @!p1 $0x2A00  }
0x51: {  	[tilespmem:s13], [sflag:$0x2] =	stream.indirect.gather @!p1 [hbm4b:s3+s12], $0x80, s15, s12, $0xb8;
	[tilespmem:$0x1DA80] =	vst v63  }
0x52: {  	s11 =	sadd.s32 @!p1 s4, s11;
	s12 =	simm.s32 @!p1 $0x7A00  }
0x53: {  	[tilespmem:s12], [sflag:$0x4] =	stream.linear.gather @!p1 [hbm4b:s11+s14], $0x2800, $0x38;
	[tilespmem:$0x1DA80] =	vst v63  }
0x54: {  	_ =	swait.ge [sflag:s25], $0x2800  }
0x55: {  	[sflag:s25] =	ssyncset.done $0x0  }
0x56: {  	[sflag:s25] =	ssyncadd.s32 $0xFFFFD800  }
0x57: {  	_ =	swait.ge [sflag:s26], $0x2800  }
0x58: {  	[sflag:s26] =	ssyncset.done $0x0  }
0x59: {  	s11 =	simm.s32 $0x0;
	[sflag:s26] =	ssyncadd.s32 $0xFFFFD800  }
0x5a: {  	v6 =	vld [tilespmem:s11+$0x200]  }
0x5b: {  	v11 =	vld [tilespmem:s11+$0x210]  }
0x5c: {  	v5 =	vld [tilespmem:s11+$0x220]  }
0x5d: {  	v4 =	vld [tilespmem:s11+$0x230]  }
0x5e: {  	v3 =	vld [tilespmem:s11+$0x240]  }
0x5f: {  	v2 =	vld [tilespmem:s11+$0x250]  }
0x60: {  	v1 =	vld [tilespmem:s11+$0x260]  }
0x61: {  	v0 =	vld [tilespmem:s11+$0x270]  }
0x62: {  	v12 =	vld [tilespmem:s11+$0x5200]  }
0x63: {  	v13 =	vld [tilespmem:s11+$0x5210]  }
0x64: {  	v10 =	vld [tilespmem:s11+$0x5220]  }
0x65: {  	v9 =	vld [tilespmem:s11+$0x5230]  }
0x66: {  	v8 =	vld [tilespmem:s11+$0x5240]  }
0x67: {  	v7 =	vld [tilespmem:s11+$0x5250];
	v12 =	vadd.f32 v6, v12  }
0x68: {  	s12 =	simm.s32 $0x200;
	v11 =	vadd.f32 v11, v13;
	v6 =	vld [tilespmem:s11+$0x5260]  }
.LBB2_3:
0x69: {  	s13 =	sshra.s32 s12, $0x2;
	p1 =	sne.s32 s12, $0x9E00;
	v12 =	vmax.f32 v12, $0.0e+00;
	v5 =	vadd.f32 v5, v10;
	v10 =	vld [tilespmem:s11+$0x5270]  }
0x6a: {  	v13 =	vld [tilespmem:s13+$0x200];
	[tilespmem:s11+$0x5200] =	vst v12;
	v11 =	vmax.f32 v11, $0.0e+00;
	v4 =	vadd.f32 v4, v9  }
0x6b: {  	v14 =	vld [tilespmem:s13+$0x210];
	[tilespmem:s11+$0x5210] =	vst v11;
	v9 =	vmax.f32 v5, $0.0e+00;
	v3 =	vadd.f32 v3, v8  }
0x6c: {  	v5 =	vld [tilespmem:s13+$0x220];
	[tilespmem:s11+$0x5220] =	vst v9;
	v8 =	vmax.f32 v4, $0.0e+00;
	v2 =	vadd.f32 v2, v7  }
0x6d: {  	v4 =	vld [tilespmem:s13+$0x230];
	[tilespmem:s11+$0x5230] =	vst v8;
	v7 =	vmax.f32 v3, $0.0e+00;
	v1 =	vadd.f32 v1, v6  }
0x6e: {  	v3 =	vld [tilespmem:s13+$0x240];
	[tilespmem:s11+$0x5240] =	vst v7;
	v6 =	vmax.f32 v2, $0.0e+00;
	v0 =	vadd.f32 v0, v10  }
0x6f: {  	v2 =	vld [tilespmem:s13+$0x250];
	[tilespmem:s11+$0x5250] =	vst v6;
	v6 =	vmax.f32 v1, $0.0e+00  }
0x70: {  	v1 =	vld [tilespmem:s13+$0x260];
	[tilespmem:s11+$0x5260] =	vst v6;
	v6 =	vmax.f32 v0, $0.0e+00  }
0x71: {  	v0 =	vld [tilespmem:s13+$0x270];
	[tilespmem:s11+$0x5270] =	vst v6;
	s11 =	smov.u32 s13  }
0x72: {  	v6 =	vld [tilespmem:s11+$0x5200]  }
0x73: {  	v11 =	vld [tilespmem:s11+$0x5210]  }
.Ltmp4:
0x74: {  	v10 =	vld [tilespmem:s11+$0x5220];
	(pc) =	sbr.rel @p1 .LBB2_3-.Ltmp4, $4  }
0x75: {  	v9 =	vld [tilespmem:s11+$0x5230]  }
0x76: {  	v8 =	vld [tilespmem:s11+$0x5240]  }
0x77: {  	v12 =	vadd.f32 v13, v6;
	v7 =	vld [tilespmem:s11+$0x5250]  }
0x78: {  	s12 =	sadd.s32 $0x200, s12;
	v11 =	vadd.f32 v14, v11;
	v6 =	vld [tilespmem:s11+$0x5260]  }
0x79: {  	v12 =	vmax.f32 v12, $0.0e+00;
	v5 =	vadd.f32 v5, v10;
	v63 =	vld [tilespmem:s11+$0x5270]  }
0x7a: {  	[tilespmem:s11+$0x5200] =	vst v12;
	v11 =	vmax.f32 v11, $0.0e+00;
	v4 =	vadd.f32 v4, v9  }
0x7b: {  	[tilespmem:s11+$0x5210] =	vst v11;
	v5 =	vmax.f32 v5, $0.0e+00;
	v3 =	vadd.f32 v3, v8  }
0x7c: {  	[tilespmem:s11+$0x5220] =	vst v5;
	v4 =	vmax.f32 v4, $0.0e+00;
	v2 =	vadd.f32 v2, v7  }
0x7d: {  	[tilespmem:s11+$0x5230] =	vst v4;
	v3 =	vmax.f32 v3, $0.0e+00;
	v1 =	vadd.f32 v1, v6  }
0x7e: {  	[tilespmem:s11+$0x5240] =	vst v3;
	v2 =	vmax.f32 v2, $0.0e+00;
	v0 =	vadd.f32 v0, v63  }
0x7f: {  	[tilespmem:s11+$0x5250] =	vst v2;
	v1 =	vmax.f32 v1, $0.0e+00  }
0x80: {  	s10 =	sor.u32 $0x20, s10;
	p1 =	seq.s32 s8, $0x3E;
	[tilespmem:s11+$0x5260] =	vst v1;
	v0 =	vmax.f32 v0, $0.0e+00  }
0x81: {  	[tilespmem:s11+$0x5270] =	vst v0;
	s11 =	sor.u32 @!p1 s7, s10  }
0x82: {  	[spmem:s1] =	stream.indirect.scatter.add.f32 [tilespmem:s24], [sflag:$0x6], $0x80, s21, s22, $0xb8;
	[tilespmem:$0x1DA80] =	vst v63  }
0x83: {  	s11 =	sadd.s32 @!p1 $0x20, s11  }
0x84: {  	_ =	swait.ge [sflag:s28], $0x2800;
	s12 =	smul.u32 @!p1 $0xA, s11  }
0x85: {  	[sflag:s28] =	ssyncset.done $0x0  }
0x86: {  	s14 =	simm.s32 @!p1 $0x0;
	[sflag:s28] =	ssyncadd.s32 $0xFFFFD800;
	s13 =	sadd.s32 @!p1 s5, s12  }
0x87: {  	[tilespmem:s14], [sflag:$0x6] =	stream.linear.gather @!p1 [hbm4b:s13+s14], $0x50, $0x38;
	[tilespmem:$0x1DA80] =	vst v63  }
0x88: {  	s13 =	simm.s32 @!p1 $0x6  }
0x89: {  	_ =	swait.ge @!p1 [sflag:s13], $0x50  }
0x8a: {  	[sflag:s13] =	ssyncset.done @!p1 $0x0  }
0x8b: {  	s15 =	simm.s32 @!p1 $0x100;
	s12 =	sadd.s32 @!p1 s6, s12;
	[sflag:s13] =	ssyncadd.s32 @!p1 $0xFFFFFFB0  }
0x8c: {  	[tilespmem:s15], [sflag:$0x6] =	stream.linear.gather @!p1 [hbm4b:s12+s14], $0x50, $0x38;
	[tilespmem:$0x1DA80] =	vst v63  }
0x8d: {  	_ =	swait.ge @!p1 [sflag:s13], $0x50  }
0x8e: {  	s11 =	smul.u32 @!p1 $0x500, s11;
	[sflag:s13] =	ssyncset.done @!p1 $0x0  }
0x8f: {  	s12 =	simm.s32 @!p1 $0x50;
	[sflag:s13] =	ssyncadd.s32 @!p1 $0xFFFFFFB0;
	s13 =	simm.s32 @!p1 $0x200  }
0x90: {  	[tilespmem:s13], [sflag:$0x1] =	stream.indirect.gather @!p1 [hbm4b:s3+s12], $0x80, s14, s12, $0xb8;
	[tilespmem:$0x1DA80] =	vst v63  }
0x91: {  	s11 =	sadd.s32 @!p1 s4, s11;
	s12 =	simm.s32 @!p1 $0x5200  }
0x92: {  	[tilespmem:s12], [sflag:$0x3] =	stream.linear.gather @!p1 [hbm4b:s11+s14], $0x2800, $0x38;
	[tilespmem:$0x1DA80] =	vst v63  }
0x93: {  	p1 =	sgt.u32 s10, $0xF9F  }
.Ltmp5:
0x94: {  	_ = 	snop;
	(pc) =	sbr.rel @p1 .LBB2_8-.Ltmp5, $1  }
0x95: {  	_ =	sdelay $0x3  }
0x96: {  	_ =	swait.ge [sflag:s29], $0x2800  }
0x97: {  	[sflag:s29] =	ssyncset.done $0x0  }
0x98: {  	[sflag:s29] =	ssyncadd.s32 $0xFFFFD800  }
0x99: {  	_ =	swait.ge [sflag:s30], $0x2800  }
0x9a: {  	[sflag:s30] =	ssyncset.done $0x0  }
0x9b: {  	s10 =	simm.s32 $0x0;
	[sflag:s30] =	ssyncadd.s32 $0xFFFFD800  }
0x9c: {  	v6 =	vld [tilespmem:s10+$0x2A00]  }
0x9d: {  	v11 =	vld [tilespmem:s10+$0x2A10]  }
0x9e: {  	v5 =	vld [tilespmem:s10+$0x2A20]  }
0x9f: {  	v4 =	vld [tilespmem:s10+$0x2A30]  }
0xa0: {  	v3 =	vld [tilespmem:s10+$0x2A40]  }
0xa1: {  	v2 =	vld [tilespmem:s10+$0x2A50]  }
0xa2: {  	v1 =	vld [tilespmem:s10+$0x2A60]  }
0xa3: {  	v0 =	vld [tilespmem:s10+$0x2A70]  }
0xa4: {  	v12 =	vld [tilespmem:s10+$0x7A00]  }
0xa5: {  	v13 =	vld [tilespmem:s10+$0x7A10]  }
0xa6: {  	v10 =	vld [tilespmem:s10+$0x7A20]  }
0xa7: {  	v9 =	vld [tilespmem:s10+$0x7A30]  }
0xa8: {  	v8 =	vld [tilespmem:s10+$0x7A40]  }
0xa9: {  	v7 =	vld [tilespmem:s10+$0x7A50];
	v12 =	vadd.f32 v6, v12  }
0xaa: {  	s11 =	simm.s32 $0x200;
	v11 =	vadd.f32 v11, v13;
	v6 =	vld [tilespmem:s10+$0x7A60]  }
.LBB2_6:
0xab: {  	s12 =	sshra.s32 s11, $0x2;
	p1 =	sne.s32 s11, $0x9E00;
	v12 =	vmax.f32 v12, $0.0e+00;
	v5 =	vadd.f32 v5, v10;
	v10 =	vld [tilespmem:s10+$0x7A70]  }
0xac: {  	v13 =	vld [tilespmem:s12+$0x2A00];
	[tilespmem:s10+$0x7A00] =	vst v12;
	v11 =	vmax.f32 v11, $0.0e+00;
	v4 =	vadd.f32 v4, v9  }
0xad: {  	v14 =	vld [tilespmem:s12+$0x2A10];
	[tilespmem:s10+$0x7A10] =	vst v11;
	v9 =	vmax.f32 v5, $0.0e+00;
	v3 =	vadd.f32 v3, v8  }
0xae: {  	v5 =	vld [tilespmem:s12+$0x2A20];
	[tilespmem:s10+$0x7A20] =	vst v9;
	v8 =	vmax.f32 v4, $0.0e+00;
	v2 =	vadd.f32 v2, v7  }
0xaf: {  	v4 =	vld [tilespmem:s12+$0x2A30];
	[tilespmem:s10+$0x7A30] =	vst v8;
	v7 =	vmax.f32 v3, $0.0e+00;
	v1 =	vadd.f32 v1, v6  }
0xb0: {  	v3 =	vld [tilespmem:s12+$0x2A40];
	[tilespmem:s10+$0x7A40] =	vst v7;
	v6 =	vmax.f32 v2, $0.0e+00;
	v0 =	vadd.f32 v0, v10  }
0xb1: {  	v2 =	vld [tilespmem:s12+$0x2A50];
	[tilespmem:s10+$0x7A50] =	vst v6;
	v6 =	vmax.f32 v1, $0.0e+00  }
0xb2: {  	v1 =	vld [tilespmem:s12+$0x2A60];
	[tilespmem:s10+$0x7A60] =	vst v6;
	v6 =	vmax.f32 v0, $0.0e+00  }
0xb3: {  	v0 =	vld [tilespmem:s12+$0x2A70];
	[tilespmem:s10+$0x7A70] =	vst v6;
	s10 =	smov.u32 s12  }
0xb4: {  	v6 =	vld [tilespmem:s10+$0x7A00]  }
0xb5: {  	v11 =	vld [tilespmem:s10+$0x7A10]  }
.Ltmp6:
0xb6: {  	v10 =	vld [tilespmem:s10+$0x7A20];
	(pc) =	sbr.rel @p1 .LBB2_6-.Ltmp6, $4  }
0xb7: {  	v9 =	vld [tilespmem:s10+$0x7A30]  }
0xb8: {  	v8 =	vld [tilespmem:s10+$0x7A40]  }
0xb9: {  	v12 =	vadd.f32 v13, v6;
	v7 =	vld [tilespmem:s10+$0x7A50]  }
0xba: {  	s11 =	sadd.s32 $0x200, s11;
	v11 =	vadd.f32 v14, v11;
	v6 =	vld [tilespmem:s10+$0x7A60]  }
0xbb: {  	v12 =	vmax.f32 v12, $0.0e+00;
	v5 =	vadd.f32 v5, v10;
	v63 =	vld [tilespmem:s10+$0x7A70]  }
0xbc: {  	[tilespmem:s10+$0x7A00] =	vst v12;
	v11 =	vmax.f32 v11, $0.0e+00;
	v4 =	vadd.f32 v4, v9  }
0xbd: {  	[tilespmem:s10+$0x7A10] =	vst v11;
	v5 =	vmax.f32 v5, $0.0e+00;
	v3 =	vadd.f32 v3, v8  }
0xbe: {  	[tilespmem:s10+$0x7A20] =	vst v5;
	v4 =	vmax.f32 v4, $0.0e+00;
	v2 =	vadd.f32 v2, v7  }
0xbf: {  	[tilespmem:s10+$0x7A30] =	vst v4;
	v3 =	vmax.f32 v3, $0.0e+00;
	v1 =	vadd.f32 v1, v6  }
0xc0: {  	[tilespmem:s10+$0x7A40] =	vst v3;
	v2 =	vmax.f32 v2, $0.0e+00;
	v0 =	vadd.f32 v0, v63  }
0xc1: {  	[tilespmem:s10+$0x7A50] =	vst v2;
	v1 =	vmax.f32 v1, $0.0e+00  }
0xc2: {  	[tilespmem:s10+$0x7A60] =	vst v1;
	v0 =	vmax.f32 v0, $0.0e+00  }
.Ltmp7:
0xc3: {  	[tilespmem:s10+$0x7A70] =	vst v0;
	(pc) =	sbr.rel .LBB2_8-.Ltmp7, $4  }
0xc4: {  	[spmem:s1] =	stream.indirect.scatter.add.f32 [tilespmem:s0], [sflag:$0x5], $0x80, s31, s22, $0xb8;
	[tilespmem:$0x1DA80] =	vst v63  }
0xc5: {  	_ =	swait.ge [sflag:s19], $0x2800  }
0xc6: {  	[sflag:s19] =	ssyncset.done $0x0  }
0xc7: {  	[sflag:s19] =	ssyncadd.s32 $0xFFFFD800  }
.LBB2_10:
0xc8: {  	_ =	sfence.sel $0x180000  }
0xc9: {  	[bflag:$0x0] =	sbarrier.arrive $0xFFFF  }
0xca: {  	_ =	strace $0x90000050  }
0xcb: {  	[bflag:$0x2] =	sbarrier.arrive $0xFFFF  }
0xcc: {  	s0 =	rddreg [dreg:$0x2]  }
0xcd: {  	s0 =	sadd.s32 @!p0 $0x100000, s0  }
0xce: {  	[sflag:s0] =	ssyncadd.tile.s32 @!p0 $0x1;
	_ =	shalt  }
.Lfunc_end2:
_tile_overlayer_lowered:
.L_overlay_start_2:
0xcf: {  	(tag) =	ssettag $0x2  }
0xd0: {  	s0 =	rddreg [dreg:$0x0];
	s2 =	stileid.u32  }
0xd1: {  	s1 =	rddreg [dreg:$0x1];
	p0 =	sne.s32 s2, $0x0  }
0xd2: {  	s3 =	rddreg [dreg:$0x2];
	[bflag:$0x3] =	sbarrier.arrive $0xFFFF;
	s2 =	simm.s32 @!p0 $0x1C05  }
0xd3: {  	[timem:s3], [sflag:s2] =	dma.local @!p0 [hbm:s0], s1  }
0xd4: {  	s0 =	simm.s32 @!p0 $0x5  }
0xd5: {  	_ =	swait.ge @!p0 [sflag:s0], s1  }
0xd6: {  	s1 =	ssub.s32 @!p0 $0x0, s1;
	[sflag:s0] =	ssyncset.done @!p0 $0x0  }
0xd7: {  	[sflag:s0] =	ssyncadd.s32 @!p0 s1  }
0xd8: {  	[bflag:$0x3] =	sbarrier.arrive $0xFFFF  }
0xd9: {  	_ =	shalt  }

// kernel: kernel.23.cloned.1.call-start
scs
__scs_entry_jumppad:
0x0: {  	(pc) =	sbr.rel $0x88, $3  }
0x1: {  	(tag) =	ssettag $0x0;
	lr =	simm.s32 $0x1  }
0x2: {  	[smem:$0x3F98] =	sst lr;
	_ =	strace $0xD0000000  }
0x3: {  	_ = 	snop  }
0x4: {  	_ = 	snop  }
0x5: {  	_ = 	snop  }
0x6: {  	_ = 	snop  }
0x7: {  	_ = 	snop  }
__scs_overlays_trampoline_lowered:
0x8: {  	[smem:$0x3FA7] =	sst s0  }
0x9: {  	[smem:$0x3FA8] =	sst s1  }
0xa: {  	[smem:$0x3FA9] =	sst s2  }
0xb: {  	[smem:$0x3FAA] =	sst s3  }
0xc: {  	[smem:$0x3FAB] =	sst s4  }
0xd: {  	[smem:$0x3FAC] =	sst s5  }
0xe: {  	[smem:$0x3FAD] =	sst s6  }
0xf: {  	[smem:$0x3FAE] =	sst s7  }
0x10: {  	[smem:$0x3FAF] =	sst s8  }
0x11: {  	[smem:$0x3FB0] =	sst s9;
	s0 =	simm.s32 @!p0 $0x0  }
0x12: {  	s1 =	sld [smem:$0x3F96];
	s0 =	simm.s32 @p0 $0x1  }
0x13: {  	[smem:$0x3FB1] =	sst s0;
	s0 =	simm.s32 @!p1 $0x0  }
0x14: {  	s2 =	sld [smem:$0x3F95];
	s0 =	simm.s32 @p1 $0x1  }
0x15: {  	[smem:$0x3FB2] =	sst s0;
	s0 =	simm.s32 @!p2 $0x0  }
0x16: {  	s3 =	sld [smem:$0x3FDB];
	s0 =	simm.s32 @p2 $0x1  }
0x17: {  	s4 =	simm.s32 $0x1BF5;
	[smem:$0x3FB4] =	sst s0  }
0x18: {  	s0 =	sld [smem:$0x3F97];
	_ =	swait.ge [sflag:s4], $0x0  }
0x19: {  	s7 =	sld [smem:$0x3F98]  }
0x1a: {  	s8 =	sadd.s32 $0xFFFFE003, lr  }
0x1b: {  	s9 =	sadd.s32 $0xFFFFFEF7, lr;
	s5 =	simm.s32 $0xFFFFFFFF;
	p2 =	slt.u32 s8, $0xFFFFF086  }
0x1c: {  	p1 =	slt.u32 s9, $0xF7A;
	s5 =	simm.s32 @!p2 $0x0  }
0x1d: {  	s5 =	simm.s32 @p1 $0x1;
	p0 =	seq.s32 s7, s2  }
0x1e: {  	s7 =	smul.u32 @!p0 $0xF7A, s2;
	p2 =	seq.s32 @!p0 s5, $0x0  }
0x1f: {  	s9 =	smul.u32 $0xF7A, s1;
	s8 =	simm.s32 @!p0 $0x1BF5;
	p2 =	por !p2, p0  }
0x20: {  	[sflag:s8] =	ssyncset.s32 @!p0 $0xFFFFF086;
	s6 =	sadd.s32 @!p0 s3, s7;
	s7 =	simm.s32 @!p0 $0x108  }
0x21: {  	s3 =	sadd.s32 s3, s9;
	s6 =	sadd.s32 @!p0 $0x88, s6;
	s7 =	simm.s32 @p2 $0x1082  }
0x22: {  	[simem:s7], [sflag:s8] =	dma.local @!p0 [hbm:s6], $0xF7A  }
0x23: {  	s9 =	sor.u32 $0xD0000000, s2;
	s6 =	simm.s32 $0x108;
	_ =	swait.ge @!p0 [sflag:s8], $0x0  }
0x24: {  	s3 =	sadd.s32 $0x88, s3;
	s6 =	simm.s32 @!p1 $0x1082;
	[sflag:s4] =	ssyncset.s32 $0xFFFFF086  }
0x25: {  	[simem:s6], [sflag:s4] =	dma.local [hbm:s3], $0xF7A  }
0x26: {  	[smem:$0x3F98] =	sst s1;
	(tag) =	ssettag s2;
	_ =	strace s9  }
0x27: {  	s1 =	sld [smem:$0x3FA8]  }
0x28: {  	s2 =	sld [smem:$0x3FA9]  }
0x29: {  	s4 =	sld [smem:$0x3FAB]  }
0x2a: {  	p0 =	seq.s32 s5, $0x0;
	s5 =	sld [smem:$0x3FAC]  }
0x2b: {  	s6 =	sld [smem:$0x3FAD]  }
0x2c: {  	s7 =	sld [smem:$0x3FAE]  }
0x2d: {  	s3 =	simm.s32 $0x108;
	s8 =	sld [smem:$0x3FAF]  }
0x2e: {  	s3 =	simm.s32 @!p0 $0x1082;
	s9 =	sld [smem:$0x3FB0]  }
0x2f: {  	lr =	sadd.s32 s0, s3;
	s0 =	sld [smem:$0x3FA7]  }
0x30: {  	s3 =	sld [smem:$0x3FAA]  }
0x31: {  	[smem:$0x3FB3] =	sst s10  }
0x32: {  	s10 =	sld [smem:$0x3FB1];
	_ =	sdelay $0x3  }
0x33: {  	p0 =	seq.s32 s10, $0x1;
	s10 =	sld [smem:$0x3FB3];
	_ =	sdelay $0x3  }
0x34: {  	[smem:$0x3FB3] =	sst s10  }
0x35: {  	s10 =	sld [smem:$0x3FB2];
	_ =	sdelay $0x3  }
0x36: {  	p1 =	seq.s32 s10, $0x1;
	s10 =	sld [smem:$0x3FB3];
	_ =	sdelay $0x3  }
0x37: {  	[smem:$0x3FB3] =	sst s10  }
0x38: {  	s10 =	sld [smem:$0x3FB4]  }
0x39: {  	_ = 	snop;
	(pc) =	sbr.ind lr, $3  }
0x3a: {  	_ = 	snop  }
0x3b: {  	_ = 	snop  }
0x3c: {  	p2 =	seq.s32 s10, $0x1;
	s10 =	sld [smem:$0x3FB3]  }
0x3d: {  	_ =	shalt  }
0x3e: {  	_ =	shalt  }
0x3f: {  	_ =	shalt  }
0x40: {  	_ =	shalt  }
0x41: {  	_ =	shalt  }
0x42: {  	_ =	shalt  }
0x43: {  	_ =	shalt  }
0x44: {  	_ =	shalt  }
0x45: {  	_ =	shalt  }
0x46: {  	_ =	shalt  }
0x47: {  	_ =	shalt  }
0x48: {  	_ =	shalt  }
0x49: {  	_ =	shalt  }
0x4a: {  	_ =	shalt  }
0x4b: {  	_ =	shalt  }
0x4c: {  	_ =	shalt  }
0x4d: {  	_ =	shalt  }
0x4e: {  	_ =	shalt  }
0x4f: {  	_ =	shalt  }
0x50: {  	_ =	shalt  }
0x51: {  	_ =	shalt  }
0x52: {  	_ =	shalt  }
0x53: {  	_ =	shalt  }
0x54: {  	_ =	shalt  }
0x55: {  	_ =	shalt  }
0x56: {  	_ =	shalt  }
0x57: {  	_ =	shalt  }
0x58: {  	_ =	shalt  }
0x59: {  	_ =	shalt  }
0x5a: {  	_ =	shalt  }
0x5b: {  	_ =	shalt  }
0x5c: {  	_ =	shalt  }
0x5d: {  	_ =	shalt  }
0x5e: {  	_ =	shalt  }
0x5f: {  	_ =	shalt  }
0x60: {  	_ =	shalt  }
0x61: {  	_ =	shalt  }
0x62: {  	_ =	shalt  }
0x63: {  	_ =	shalt  }
0x64: {  	_ =	shalt  }
0x65: {  	_ =	shalt  }
0x66: {  	_ =	shalt  }
0x67: {  	_ =	shalt  }
0x68: {  	_ =	shalt  }
0x69: {  	_ =	shalt  }
0x6a: {  	_ =	shalt  }
0x6b: {  	_ =	shalt  }
0x6c: {  	_ =	shalt  }
0x6d: {  	_ =	shalt  }
0x6e: {  	_ =	shalt  }
0x6f: {  	_ =	shalt  }
0x70: {  	_ =	shalt  }
0x71: {  	_ =	shalt  }
0x72: {  	_ =	shalt  }
0x73: {  	_ =	shalt  }
0x74: {  	_ =	shalt  }
0x75: {  	_ =	shalt  }
0x76: {  	_ =	shalt  }
0x77: {  	_ =	shalt  }
0x78: {  	_ =	shalt  }
0x79: {  	_ =	shalt  }
0x7a: {  	_ =	shalt  }
0x7b: {  	_ =	shalt  }
0x7c: {  	_ =	shalt  }
0x7d: {  	_ =	shalt  }
0x7e: {  	_ =	shalt  }
0x7f: {  	_ =	shalt  }
0x80: {  	_ =	shalt  }
0x81: {  	_ =	shalt  }
0x82: {  	_ =	shalt  }
0x83: {  	_ =	shalt  }
0x84: {  	_ =	shalt  }
0x85: {  	_ =	shalt  }
0x86: {  	_ =	shalt  }
0x87: {  	_ =	shalt  }
.Lfunc_end0:
.L_simem_size_0:
called_computation.4_lowered:
.L_overlay_start_0:
0x88: {  	s2 =	sld [smem:$0x3FD9]  }
0x89: {  	s3 =	sld [smem:$0x3FFE];
	_ =	sdelay $0x1  }
0x8a: {  	s1 =	srdreg.scid  }
0x8b: {  	s0 =	sand.u32 $0x1, s1  }
0x8c: {  	s17 =	sshll.u32 s0, $0xA;
	s2 =	sadd.s32 s3, s2  }
0x8d: {  	s2 =	sadd.s32 s2, s17  }
0x8e: {  	[smem:$0x3FBF] =	sst s2  }
0x8f: {  	_ = 	snop  }
0x90: {  	s2 =	sld [smem:$0x3FC7]  }
0x91: {  	s18 =	sld [smem:$0x3FD0];
	(tm) =	ssettm $0x1  }
0x92: {  	s4 =	sld [smem:$0x3FFB];
	_ =	sdelay $0x3  }
0x93: {  	_ =	strace s4  }
0x94: {  	s4 =	sld [smem:$0x3FFC];
	_ =	sdelay $0x3  }
0x95: {  	_ =	strace s4  }
0x96: {  	s4 =	sld [smem:$0x3FFD];
	_ =	sdelay $0x3  }
0x97: {  	_ =	strace s4  }
0x98: {  	_ =	strace $0x8FFFFFFF  }
0x99: {  	s19 =	sld [smem:$0x3FDB];
	_ =	sdelay $0x1  }
0x9a: {  	s5 =	simm.s32 $_scs_section_size  }
0x9b: {  	s6 =	simm.s32 $_size__tile_overlayer_lowered;
	s7 =	simm.s32 $_tile_overlayer_lowered  }
0x9c: {  	s22 =	simm.s32 $0x1BFF;
	s21 =	sshll.u32 s7, $0x1;
	s4 =	sadd.s32 s5, s19  }
0x9d: {  	s8 =	simm.s32 $0x0;
	s20 =	sshll.u32 s6, $0x1;
	s6 =	sadd.s32 s21, s4  }
0x9e: {  	[timem:s8], [sflag:s22] =	dma.local [hbm:s6], s20  }
0x9f: {  	_ =	swait.ge [sflag:s22], s20  }
0xa0: {  	s5 =	ssub.s32 $0x0, s20;
	[sflag:s22] =	ssyncset.done $0x0  }
0xa1: {  	[sflag:s22] =	ssyncadd.s32 s5;
	_ =	sdelay $0x1  }
0xa2: {  	s23 =	simm.s32 $0x1B8B  }
0xa3: {  	_ =	swait.ge [sflag:s23], $0x1  }
0xa4: {  	[sflag:s23] =	ssyncset.done $0x0  }
0xa5: {  	s25 =	simm.s32 $0x1B8E;
	s24 =	sld [smem:$0x3FFE];
	[sflag:s23] =	ssyncadd.s32 $0xFFFFFFFF  }
0xa6: {  	s26 =	simm.s32 $execute0_lowered;
	[smem:$0x3FD2] =	sst s25  }
0xa7: {  	s6 =	sshll.u32 s26, $0x1;
	_ =	strace $0x80000052;
	[dreg:$0x1] =	wrdreg $0xFFFFFFFF  }
0xa8: {  	s28 =	simm.s32 $_size_execute0_lowered;
	s4 =	sadd.s32 s4, s6;
	[dreg:$0x0] =	wrdreg $0x0  }
0xa9: {  	s6 =	sshll.u32 s28, $0x1;
	[dreg:$0x2] =	wrdreg s4  }
0xaa: {  	[dreg:$0x3] =	wrdreg s6  }
0xab: {  	[dreg:$0x4] =	wrdreg $0xC0  }
0xac: {  	_ =	task [dreg:s8], $0x5FFFF  }
0xad: {  	[dreg:$0x1] =	wrdreg $0xFFFFFFFF  }
0xae: {  	[dreg:$0x0] =	wrdreg $0x60  }
0xaf: {  	[dreg:$0x2] =	wrdreg s24  }
0xb0: {  	[dreg:$0x3] =	wrdreg s2  }
0xb1: {  	[dreg:$0x4] =	wrdreg s18  }
0xb2: {  	[dreg:$0x5] =	wrdreg $0xC8800  }
0xb3: {  	[dreg:$0x6] =	wrdreg $0xD0800  }
0xb4: {  	[dreg:$0x7] =	wrdreg $0x9  }
0xb5: {  	_ =	task.clear_ibuf [dreg:s8], $0x8FFFF;
	_ =	strace $0x90000052  }
0xb6: {  	s29 =	simm.s32 $0x9;
	_ =	strace $0x80000054  }
0xb7: {  	_ =	swait.ge [sflag:s29], $0x1  }
0xb8: {  	[sflag:s29] =	ssyncadd.s32 $0xFFFFFFFF  }
0xb9: {  	_ =	strace $0x90000054  }
0xba: {  	_ =	sfence  }
0xbb: {  	s30 =	sld [smem:$0x0];
	_ =	sdelay $0x2  }
0xbc: {  	s31 =	sshll.u32 s1, $0xD;
	s1 =	sshrl.u32 s1, $0x2  }
0xbd: {  	s3 =	sand.u32 $0x4000, s31;
	s1 =	sadd.s32 s1, s30  }
0xbe: {  	s0 =	sor.u32 s3, s0;
	s1 =	sshll.u32 s1, $0x11  }
0xbf: {  	s0 =	sor.u32 s1, s0  }
0xc0: {  	s0 =	sadd.s32 $0x8F2B, s0  }
0xc1: {  	[sflag:s0] =	ssyncadd.remote.s32 $0x1  }
0xc2: {  	_ =	sfence.sel $0xFFFF  }
0xc3: {  	[dreg:$0x0] =	wrdreg $0xFFFFFFFF;
	(pc) =	sbr.abs _section_cstart, $3  }
0xc4: {  	[dreg:$0x1] =	wrdreg $0xFFFFFFFF  }
0xc5: {  	_ =	task.clear_ibuf [dreg:s8], $0x2FFFF;
	_ =	strace $0x9FFFFFFF  }
0xc6: {  	(tm) =	ssettm $0x7FFFFFFF  }
0xc7: {  	_ =	shalt  }
tec
execute0_lowered:
.L_overlay_start_1:
0x0: {  	(tag) =	ssettag $0x1  }
0x1: {  	s10 =	rddreg [dreg:$0x0]  }
0x2: {  	s1 =	rddreg [dreg:$0x1]  }
0x3: {  	s11 =	rddreg [dreg:$0x2]  }
0x4: {  	s2 =	rddreg [dreg:$0x3]  }
0x5: {  	s3 =	rddreg [dreg:$0x4]  }
0x6: {  	s5 =	simm.s32 $0x0;
	s4 =	srdreg.scid;
	s19 =	simm.s32 $0xA080  }
0x7: {  	s20 =	simm.s32 $0x2;
	s21 =	simm.s32 $0x80;
	s22 =	simm.s32 $0x2880  }
0x8: {  	s23 =	simm.s32 $0x5080;
	s24 =	simm.s32 $0x7880;
	s25 =	simm.s32 $0x50  }
0x9: {  	s26 =	simm.s32 $0x0;
	[smem:$0x7FF] =	sst s5;
	s6 =	sand.u32 $0x1, s4  }
0xa: {  	s4 =	stileid.u32;
	s7 =	sadd.s32 $0xC7E00, s10;
	_ =	strace $0x80000053  }
0xb: {  	s13 =	sshll.u32 s4, $0xB;
	s8 =	sshll.u32 s6, $0xF;
	s12 =	ssub.s32 $0x2, s6  }
0xc: {  	s31 =	sshll.u32 s4, $0x8;
	s16 =	sshll.u32 s4, $0x6;
	s9 =	sor.u32 s13, s8  }
0xd: {  	s8 =	sadd.s32 $0x79C00, s10;
	s15 =	sshrl.u32 s12, $0x1;
	s17 =	sadd.s32 s13, s2  }
.Ltmp0:
0xe: {  	s11 =	sadd.s32 s11, s31;
	s18 =	sadd.s32 s13, s3;
	(pc) =	sbr.rel .LBB2_1-.Ltmp0, $4  }
0xf: {  	s14 =	sshrl.u32 s9, $0x3;
	s9 =	sadd.s32 $0x3400, s10;
	s15 =	ssub.s32 s12, s15  }
0x10: {  	s12 =	sor.u32 $0x1C01, s16;
	s16 =	sshrl.u32 s17, $0x3;
	s17 =	simm.s32 $0x1  }
0x11: {  	s18 =	sshrl.u32 s18, $0x3;
	s14 =	sadd.s32 s14, s10;
	s10 =	sshll.u32 s4, $0x1  }
0x12: {  	s15 =	smax.u32 s15, $0x1;
	s13 =	sadd.s32 $0x3A00, s14;
	s14 =	sadd.s32 $0x5A00, s14  }
.LBB2_7:
0x13: {  	[bflag:$0x0] =	sbarrier.arrive $0xFFFF  }
0x14: {  	[hbm:s13], [sflag:s12] =	dma.local [spmem:s16], $0x100  }
0x15: {  	s26 =	sadd.s32 $0x1, s26;
	_ =	swait.ge [sflag:s17], $0x100  }
0x16: {  	p0 =	sne.s32 s26, s15;
	[sflag:s17] =	ssyncset.done $0x0  }
.Ltmp1:
0x17: {  	[sflag:s17] =	ssyncadd.s32 $0xFFFFFF00;
	(pc) =	sbr.rel @!p0 .LBB2_8-.Ltmp1, $4  }
0x18: {  	[hbm:s14], [sflag:s12] =	dma.local [spmem:s18], $0x100  }
0x19: {  	_ =	swait.ge [sflag:s17], $0x100  }
0x1a: {  	[sflag:s17] =	ssyncset.done $0x0  }
0x1b: {  	[sflag:s17] =	ssyncadd.s32 $0xFFFFFF00  }
.LBB2_1:
0x1c: {  	[spmem:s16], [sflag:s12] =	dma.local [hbm:s11], $0x100  }
0x1d: {  	_ =	swait.ge [sflag:s17], $0x100  }
0x1e: {  	[sflag:s17] =	ssyncset.done $0x0  }
0x1f: {  	[sflag:s17] =	ssyncadd.s32 $0xFFFFFF00  }
0x20: {  	[spmem:s18], [sflag:s12] =	dma.local [hbm:s11], $0x100  }
0x21: {  	_ =	swait.ge [sflag:s17], $0x100  }
0x22: {  	[sflag:s17] =	ssyncset.done $0x0  }
0x23: {  	[sflag:s17] =	ssyncadd.s32 $0xFFFFFF00  }
0x24: {  	[tilespmem:s19], [sflag:$0x1] =	stream.linear.gather [hbm4b:s9+s5], $0x2800, $0x38;
	[tilespmem:$0xD880] =	vst v63  }
.Ltmp2:
0x25: {  	_ =	swait.ge [sflag:s17], $0x2800;
	(pc) =	sbr.rel .LBB2_2-.Ltmp2, $4  }
0x26: {  	[sflag:s17] =	ssyncset.done $0x0  }
0x27: {  	[sflag:s17] =	ssyncadd.s32 $0xFFFFD800  }
0x28: {  	[bflag:$0x0] =	sbarrier.arrive $0xFFFF  }
0x29: {  	s28 =	simm.s32 $0x0  }
.LBB2_6:
0x2a: {  	s28 =	sadd.s32 $0x1, s28  }
0x2b: {  	p0 =	sne.s32 s28, $0x4  }
.Ltmp3:
0x2c: {  	_ = 	snop;
	(pc) =	sbr.rel @!p0 .LBB2_7-.Ltmp3, $1  }
0x2d: {  	_ =	sdelay $0x3  }
.LBB2_2:
0x2e: {  	s29 =	sshll.u32 s28, $0x5  }
0x2f: {  	s29 =	sor.u32 s29, s10  }
0x30: {  	s29 =	sor.u32 s6, s29  }
0x31: {  	p0 =	sgt.u32 s29, $0x7C  }
.Ltmp4:
0x32: {  	_ = 	snop;
	(pc) =	sbr.rel @p0 .LBB2_6-.Ltmp4, $1  }
0x33: {  	_ =	sdelay $0x3  }
0x34: {  	s30 =	smul.u32 $0xA, s29;
	_ =	sdelay $0x1  }
0x35: {  	s31 =	simm.s32 $0x0;
	s29 =	smul.u32 $0x2800, s29;
	s30 =	sadd.s32 s1, s30  }
0x36: {  	[tilespmem:s31], [sflag:$0x2] =	stream.linear.gather [hbm4b:s30+s31], $0x50, $0x38;
	[tilespmem:$0xD880] =	vst v63  }
0x37: {  	_ =	swait.ge [sflag:s20], $0x50  }
0x38: {  	s29 =	sshrl.u32 s29, $0x3;
	[sflag:s20] =	ssyncset.done $0x0  }
0x39: {  	s30 =	sadd.s32 s7, s29;
	[sflag:s20] =	ssyncadd.s32 $0xFFFFFFB0  }
0x3a: {  	[tilespmem:s21], [sflag:$0x2] =	stream.linear.gather [hbm4b:s30+s31], $0x2800, $0x38;
	[tilespmem:$0xD880] =	vst v63  }
0x3b: {  	_ =	swait.ge [sflag:s20], $0x2800  }
0x3c: {  	s30 =	sadd.s32 $0x27100, s29;
	[sflag:s20] =	ssyncset.done $0x0  }
0x3d: {  	s0 =	sadd.s32 s7, s30;
	[sflag:s20] =	ssyncadd.s32 $0xFFFFD800  }
0x3e: {  	[tilespmem:s22], [sflag:$0x2] =	stream.linear.gather [hbm4b:s0+s31], $0x2800, $0x38;
	[tilespmem:$0xD880] =	vst v63  }
0x3f: {  	_ =	swait.ge [sflag:s20], $0x2800  }
0x40: {  	[sflag:s20] =	ssyncset.done $0x0  }
0x41: {  	s0 =	sadd.s32 s8, s29;
	[sflag:s20] =	ssyncadd.s32 $0xFFFFD800  }
0x42: {  	[tilespmem:s23], [sflag:$0x2] =	stream.linear.gather [hbm4b:s0+s31], $0x2800, $0x38;
	[tilespmem:$0xD880] =	vst v63  }
0x43: {  	_ =	swait.ge [sflag:s20], $0x2800  }
0x44: {  	[sflag:s20] =	ssyncset.done $0x0  }
0x45: {  	s0 =	sadd.s32 s8, s30;
	[sflag:s20] =	ssyncadd.s32 $0xFFFFD800  }
0x46: {  	[tilespmem:s24], [sflag:$0x2] =	stream.linear.gather [hbm4b:s0+s31], $0x2800, $0x38;
	[tilespmem:$0xD880] =	vst v63  }
0x47: {  	_ =	swait.ge [sflag:s20], $0x2800  }
0x48: {  	[sflag:s20] =	ssyncset.done $0x0  }
0x49: {  	s30 =	simm.s32 $0x0;
	[sflag:s20] =	ssyncadd.s32 $0xFFFFD800  }
0x4a: {  	v0 =	vld [tilespmem:s30+$0x5080]  }
0x4b: {  	v1 =	vld [tilespmem:s30+$0x7880]  }
0x4c: {  	v2 =	vld [tilespmem:s30+$0x2880]  }
0x4d: {  	v3 =	vld [tilespmem:s30+$0x2890]  }
0x4e: {  	v4 =	vld [tilespmem:s30+$0x28A0]  }
0x4f: {  	v5 =	vld [tilespmem:s30+$0x28B0]  }
0x50: {  	v7 =	vld [tilespmem:s30+$0x28C0];
	v0 =	vadd.f32 v1, v0  }
0x51: {  	v8 =	vld [tilespmem:s30+$0x28D0]  }
0x52: {  	v9 =	vld [tilespmem:s30+$0x28E0];
	v0 =	vmax.f32 v0, $1.000000000e+00  }
0x53: {  	s29 =	simm.s32 $0x80;
	v10 =	vld [tilespmem:s30+$0x28F0];
	(erf) = vrcp.f32 v0  }
0x54: {  	v11 =	vld [tilespmem:s29+$0x5080]  }
0x55: {  	v12 =	vld [tilespmem:s29+$0x7880]  }
0x56: {  	v0 =	vld [tilespmem:s30+$0x80]  }
0x57: {  	v1 =	vld [tilespmem:s30+$0x90]  }
0x58: {  	v13 =	vld [tilespmem:s30+$0xA0]  }
0x59: {  	v14 =	vld [tilespmem:s30+$0xB0]  }
0x5a: {  	v15 =	vld [tilespmem:s30+$0xC0]  }
0x5b: {  	v16 =	vld [tilespmem:s30+$0xD0];
	v0 =	vadd.f32 v2, v0  }
0x5c: {  	v17 =	vld [tilespmem:s30+$0xE0];
	v2 =	vadd.f32 v3, v1;
	v6 =	vpop (erf)  }
0x5d: {  	v18 =	vld [tilespmem:s30+$0xF0];
	v4 =	vadd.f32 v4, v13;
	v3 =	vmul.f32 v6, v0  }
0x5e: {  	v5 =	vadd.f32 v5, v14;
	v1 =	vld [tilespmem:s29+$0x2890];
	v61 =	vmul.f32 v2, v6  }
0x5f: {  	v7 =	vadd.f32 v7, v15;
	v0 =	vld [tilespmem:s29+$0x2880];
	v4 =	vmul.f32 v4, v6;
	[tilespmem:s30+$0x80] =	vst v3  }
0x60: {  	v8 =	vadd.f32 v8, v16;
	v5 =	vmul.f32 v5, v6;
	v2 =	vld [tilespmem:s29+$0x28A0];
	[tilespmem:s30+$0x90] =	vst v61  }
0x61: {  	v63 =	vadd.f32 v9, v17;
	v62 =	vmul.f32 v7, v6;
	v3 =	vld [tilespmem:s29+$0x28B0];
	[tilespmem:s30+$0xA0] =	vst v4  }
0x62: {  	v9 =	vadd.f32 v10, v18;
	v7 =	vadd.f32 v12, v11;
	v8 =	vmul.f32 v8, v6;
	v4 =	vld [tilespmem:s29+$0x28C0];
	[tilespmem:s30+$0xB0] =	vst v5  }
0x63: {  	s31 =	simm.s32 $0x400;
	v10 =	vmul.f32 v63, v6;
	v5 =	vld [tilespmem:s29+$0x28D0];
	[tilespmem:s30+$0xC0] =	vst v62  }
.LBB2_4:
0x64: {  	p0 =	sne.s32 s31, $0x9E00;
	v7 =	vmax.f32 v7, $1.000000000e+00;
	v11 =	vld [tilespmem:s29+$0x28E0];
	[tilespmem:s30+$0xD0] =	vst v8;
	v6 =	vmul.f32 v9, v6  }
0x65: {  	s0 =	sshra.s32 s31, $0x2;
	v9 =	vld [tilespmem:s29+$0x28F0];
	(erf) = vrcp.f32 v7;
	[tilespmem:s30+$0xE0] =	vst v10  }
0x66: {  	v7 =	vld [tilespmem:s0+$0x5080];
	[tilespmem:s30+$0xF0] =	vst v6;
	s30 =	smov.u32 s29;
	s29 =	smov.u32 s0  }
0x67: {  	v8 =	vld [tilespmem:s29+$0x7880]  }
0x68: {  	v6 =	vld [tilespmem:s30+$0x80]  }
0x69: {  	v10 =	vld [tilespmem:s30+$0x90]  }
0x6a: {  	v12 =	vld [tilespmem:s30+$0xA0]  }
0x6b: {  	v13 =	vld [tilespmem:s30+$0xB0]  }
0x6c: {  	v14 =	vld [tilespmem:s30+$0xC0]  }
0x6d: {  	v0 =	vadd.f32 v0, v6;
	v15 =	vld [tilespmem:s30+$0xD0]  }
0x6e: {  	v1 =	vadd.f32 v1, v10;
	v10 =	vld [tilespmem:s30+$0xE0];
	v6 =	vpop (erf)  }
0x6f: {  	v16 =	vmul.f32 v6, v0;
	v2 =	vadd.f32 v2, v12;
	v12 =	vld [tilespmem:s30+$0xF0]  }
0x70: {  	v0 =	vld [tilespmem:s29+$0x2880];
	v17 =	vmul.f32 v1, v6;
	v3 =	vadd.f32 v3, v13  }
.Ltmp5:
0x71: {  	v1 =	vld [tilespmem:s29+$0x2890];
	[tilespmem:s30+$0x80] =	vst v16;
	v13 =	vmul.f32 v2, v6;
	v4 =	vadd.f32 v4, v14;
	(pc) =	sbr.rel @p0 .LBB2_4-.Ltmp5, $4  }
0x72: {  	v2 =	vld [tilespmem:s29+$0x28A0];
	[tilespmem:s30+$0x90] =	vst v17;
	v14 =	vmul.f32 v3, v6;
	v5 =	vadd.f32 v5, v15  }
0x73: {  	v3 =	vld [tilespmem:s29+$0x28B0];
	[tilespmem:s30+$0xA0] =	vst v13;
	v13 =	vmul.f32 v4, v6;
	v10 =	vadd.f32 v11, v10  }
0x74: {  	v7 =	vadd.f32 v8, v7;
	v4 =	vld [tilespmem:s29+$0x28C0];
	[tilespmem:s30+$0xB0] =	vst v14;
	v8 =	vmul.f32 v5, v6;
	v9 =	vadd.f32 v9, v12  }
0x75: {  	s31 =	sadd.s32 $0x200, s31;
	v5 =	vld [tilespmem:s29+$0x28D0];
	[tilespmem:s30+$0xC0] =	vst v13;
	v10 =	vmul.f32 v10, v6  }
0x76: {  	v7 =	vmax.f32 v7, $1.000000000e+00  }
0x77: {  	v11 =	vld [tilespmem:s29+$0x28E0];
	[tilespmem:s30+$0xD0] =	vst v8;
	v6 =	vmul.f32 v9, v6;
	(erf) = vrcp.f32 v7  }
0x78: {  	v8 =	vld [tilespmem:s29+$0x28F0];
	[tilespmem:s30+$0xE0] =	vst v10  }
0x79: {  	[tilespmem:s30+$0xF0] =	vst v6  }
0x7a: {  	v6 =	vld [tilespmem:s29+$0x80]  }
0x7b: {  	v49 =	vld [tilespmem:s29+$0x90]  }
0x7c: {  	v50 =	vld [tilespmem:s29+$0xA0]  }
0x7d: {  	v10 =	vld [tilespmem:s29+$0xB0]  }
0x7e: {  	v12 =	vld [tilespmem:s29+$0xC0]  }
0x7f: {  	v51 =	vld [tilespmem:s29+$0xD0];
	v0 =	vadd.f32 v0, v6  }
0x80: {  	v52 =	vld [tilespmem:s29+$0xE0];
	v1 =	vadd.f32 v1, v49;
	v13 =	vpop (erf)  }
0x81: {  	v53 =	vld [tilespmem:s29+$0xF0];
	v2 =	vadd.f32 v2, v50;
	v0 =	vmul.f32 v13, v0  }
0x82: {  	v3 =	vadd.f32 v3, v10;
	v1 =	vmul.f32 v1, v13  }
0x83: {  	v55 =	vadd.f32 v4, v12;
	v54 =	vmul.f32 v2, v13;
	[tilespmem:s29+$0x80] =	vst v0  }
0x84: {  	v57 =	vadd.f32 v5, v51;
	v56 =	vmul.f32 v3, v13;
	[tilespmem:s29+$0x90] =	vst v1  }
0x85: {  	v59 =	vadd.f32 v11, v52;
	v58 =	vmul.f32 v55, v13;
	[tilespmem:s29+$0xA0] =	vst v54  }
0x86: {  	v61 =	vadd.f32 v8, v53;
	v60 =	vmul.f32 v57, v13;
	[tilespmem:s29+$0xB0] =	vst v56  }
0x87: {  	v62 =	vmul.f32 v59, v13;
	[tilespmem:s29+$0xC0] =	vst v58  }
0x88: {  	v63 =	vmul.f32 v61, v13;
	[tilespmem:s29+$0xD0] =	vst v60  }
0x89: {  	[tilespmem:s29+$0xE0] =	vst v62  }
0x8a: {  	[tilespmem:s29+$0xF0] =	vst v63  }
0x8b: {  	[spmem:s2] =	stream.indirect.scatter.add.f32 [tilespmem:s21], [sflag:$0x2], $0x80, s5, s25, $0xb8;
	[tilespmem:$0xD880] =	vst v63  }
0x8c: {  	_ =	swait.ge [sflag:s20], $0x2800  }
0x8d: {  	[sflag:s20] =	ssyncset.done $0x0  }
.Ltmp6:
0x8e: {  	[sflag:s20] =	ssyncadd.s32 $0xFFFFD800;
	(pc) =	sbr.rel .LBB2_6-.Ltmp6, $4  }
0x8f: {  	[spmem:s3] =	stream.indirect.scatter.add.f32 [tilespmem:s19], [sflag:$0x1], $0x80, s5, s25, $0xb8;
	[tilespmem:$0xD880] =	vst v63  }
0x90: {  	_ =	swait.ge [sflag:s17], $0x2800  }
0x91: {  	[sflag:s17] =	ssyncset.done $0x0  }
0x92: {  	[sflag:s17] =	ssyncadd.s32 $0xFFFFD800  }
.LBB2_8:
0x93: {  	_ =	sfence.sel $0x180000  }
0x94: {  	[bflag:$0x0] =	sbarrier.arrive $0xFFFF  }
0x95: {  	_ =	strace $0x90000053  }
0x96: {  	[bflag:$0x2] =	sbarrier.arrive $0xFFFF  }
0x97: {  	p0 =	sne.s32 s4, $0x0;
	s0 =	rddreg [dreg:$0x5]  }
0x98: {  	s0 =	sadd.s32 @!p0 $0x100000, s0  }
0x99: {  	[sflag:s0] =	ssyncadd.tile.s32 @!p0 $0x1;
	_ =	shalt  }
.Lfunc_end2:
_tile_overlayer_lowered:
.L_overlay_start_2:
0x9a: {  	(tag) =	ssettag $0x2  }
0x9b: {  	s0 =	rddreg [dreg:$0x0];
	s2 =	stileid.u32  }
0x9c: {  	s1 =	rddreg [dreg:$0x1];
	p0 =	sne.s32 s2, $0x0  }
0x9d: {  	s3 =	rddreg [dreg:$0x2];
	[bflag:$0x3] =	sbarrier.arrive $0xFFFF;
	s2 =	simm.s32 @!p0 $0x1C01  }
0x9e: {  	[timem:s3], [sflag:s2] =	dma.local @!p0 [hbm:s0], s1  }
0x9f: {  	s0 =	simm.s32 @!p0 $0x1  }
0xa0: {  	_ =	swait.ge @!p0 [sflag:s0], s1  }
0xa1: {  	s1 =	ssub.s32 @!p0 $0x0, s1;
	[sflag:s0] =	ssyncset.done @!p0 $0x0  }
0xa2: {  	[sflag:s0] =	ssyncadd.s32 @!p0 s1  }
0xa3: {  	[bflag:$0x3] =	sbarrier.arrive $0xFFFF  }
0xa4: {  	_ =	shalt  }

</sc_bundles>
